<compile_context>
chip_gen: v7x
topology: tpu7x:2x2x1
jax: 0.10.2.dev20260603
libtpu: 0.0.44.dev20260713+nightly
codegen_flags: <defaults>
</compile_context>

<pallas_src>
import functools

import jax
import jax.numpy as jnp
from jax import lax
from jax.experimental import pallas as pl
from jax.experimental.pallas import tpu as pltpu
from jax.experimental.pallas import tpu_sc as plsc

_NC = 2
_NS = 16
_NW = _NC * _NS
_C = 128
_BLK = 1024
_G = _BLK // _C


def _gather_fn(table, xflat):
    _, emb = table.shape
    per_w = xflat.shape[1]
    steps = per_w // _BLK
    mesh = plsc.VectorSubcoreMesh(core_axis_name="c", subcore_axis_name="s")

    @functools.partial(
        pl.kernel,
        out_type=jax.ShapeDtypeStruct((_NW, steps, _BLK, emb), table.dtype),
        mesh=mesh,
        compiler_params=pltpu.CompilerParams(use_tc_tiling_on_sc=False),
        scratch_types=[
            pltpu.VMEM((per_w,), jnp.int32),
            pltpu.VMEM((2, _BLK, emb), table.dtype),
            pltpu.SemaphoreType.DMA,
            pltpu.SemaphoreType.DMA,
            pltpu.SemaphoreType.DMA,
        ],
    )
    def gather_kernel(table_hbm, idx_hbm, out_hbm, idx_v, rows_v, g0, g1, wsem):
        wid = lax.axis_index("s") * _NC + lax.axis_index("c")
        pltpu.sync_copy(idx_hbm.at[wid], idx_v)
        gsems = (g0, g1)

        def issue(s, buf):
            for c in range(_G):
                pltpu.async_copy(
                    table_hbm.at[idx_v.at[pl.ds(s * _BLK + c * _C, _C)]],
                    rows_v.at[buf, pl.ds(c * _C, _C)],
                    gsems[buf],
                )

        def drain(buf, sem):
            pltpu.make_async_copy(out_hbm.at[0, 0], rows_v.at[buf], sem).wait()

        issue(0, 0)
        for s in range(steps):
            cur = s % 2
            nxt = 1 - cur
            if s + 1 < steps:
                if s >= 1:
                    drain(nxt, wsem)
                issue(s + 1, nxt)
            drain(cur, gsems[cur])
            pltpu.async_copy(rows_v.at[cur], out_hbm.at[wid, s], wsem)
        drain(0, wsem)
        drain(1, wsem)

    return gather_kernel(table, xflat)


def kernel(x, embedding):
    batch, fields = x.shape
    emb = embedding.shape[1]
    flat = _gather_fn(embedding, x.reshape(_NW, -1))
    return flat.reshape(batch, fields, emb)

# --- scband reference (transcript-rebuilt; emitter-appended) ---
"""Pipeline reference for scband-embedding-36069135352305 (READ-ONLY COPY).

The authoritative reference and input builder live on the scoring server;
editing this copy changes nothing except your own understanding.
"""

import jax, jax.numpy as jnp
import numpy as np

VOCAB = 1000000
EMB = 32
BATCH = 16384
FIELDS = 26

def setup_inputs(seed: int = 0) -> dict:
    key = jax.random.key(seed)
    k_idx, k_tab = jax.random.split(key)
    x = jax.random.randint(k_idx, (BATCH, FIELDS), 0, VOCAB, dtype=jnp.int64 if jax.config.jax_enable_x64 else jnp.int32)
    embedding = jax.random.normal(k_tab, (VOCAB, EMB), dtype=jnp.float32)
    return {"x": x, "embedding": embedding}

def reference(x, embedding):
    # torch.nn.functional.embedding(x, self.embedding) -> table gather along axis 0
    return jnp.take(embedding, x, axis=0)

if __name__ == "__main__":
    import jax
    _d = setup_inputs()
    print(jax.jit(kernel)(*tuple(_d.values())))

</pallas_src>

<mosaic_0001>
#map = affine_map<(d0, d1) -> (0, 0)>
#map1 = affine_map<(d0, d1) -> (0, 0, 0, 0)>
module attributes {stable_mosaic.version = 14 : i64} {
  func.func @gather_kernel(%arg0: i32, %arg1: i32, %arg2: memref<1000000x32xf32, #tpu.memory_space<hbm>>, %arg3: memref<32x13312xi32, #tpu.memory_space<hbm>>, %arg4: memref<32x13x1024x32xf32, #tpu.memory_space<hbm>>, %arg5: memref<13312xi32, #tpu.memory_space<vmem>>, %arg6: memref<2x1024x32xf32, #tpu.memory_space<vmem>>, %arg7: memref<!tpu.dma_semaphore, #tpu.memory_space<semaphore_mem>>, %arg8: memref<!tpu.dma_semaphore, #tpu.memory_space<semaphore_mem>>, %arg9: memref<!tpu.dma_semaphore, #tpu.memory_space<semaphore_mem>>) attributes {dimension_semantics = [#tpu.dimension_semantics<core_parallel>, #tpu.dimension_semantics<subcore_parallel>], iteration_bounds = array<i64: 2, 16>, scalar_prefetch = 0 : i64, scratch_operands = 5 : i64, tpu.core_type = #tpu.core_type<sc_vector_subcore>, window_params = [{transform_indices = #map}, {transform_indices = #map}, {transform_indices = #map1}]} {
    %mul3A = arith.constant 2 : i32
    %mul3A_0 = arith.muli %arg1, %mul3A : i32
    %add3A = arith.addi %mul3A_0, %arg0 : i32
    "tpu.region"() ({
      %run_scoped3A = tpu.sem_alloc : memref<!tpu.dma_semaphore, #tpu.memory_space<semaphore_mem>>
      %dma_start3A_1767 = arith.constant 0 : i32
      %dma_start3A_1768 = tpu.memref_slice %arg3[%add3A, %dma_start3A_1767] : memref<32x13312xi32, #tpu.memory_space<hbm>> -> memref<1x13312xi32, #tpu.memory_space<hbm>>
      %dma_start3A_1769 = tpu.memref_squeeze %dma_start3A_1768 : memref<1x13312xi32, #tpu.memory_space<hbm>> -> memref<13312xi32, #tpu.memory_space<hbm>>
      %dma_start3A_1770 = arith.constant 0 : i32
      %dma_start3A_1771 = tpu.memref_slice %arg3[%add3A, %dma_start3A_1770] : memref<32x13312xi32, #tpu.memory_space<hbm>> -> memref<1x13312xi32, #tpu.memory_space<hbm>>
      %dma_start3A_1772 = tpu.memref_squeeze %dma_start3A_1771 : memref<1x13312xi32, #tpu.memory_space<hbm>> -> memref<13312xi32, #tpu.memory_space<hbm>>
      tpu.enqueue_dma source(%dma_start3A_1772 : memref<13312xi32, #tpu.memory_space<hbm>>) target(%arg5 : memref<13312xi32, #tpu.memory_space<vmem>>) target_semaphore(%run_scoped3A : memref<!tpu.dma_semaphore, #tpu.memory_space<semaphore_mem>>)
      %dma_wait3A_1773 = arith.constant 0 : i32
      %dma_wait3A_1774 = tpu.memref_slice %arg3[%add3A, %dma_wait3A_1773] : memref<32x13312xi32, #tpu.memory_space<hbm>> -> memref<1x13312xi32, #tpu.memory_space<hbm>>
      %dma_wait3A_1775 = tpu.memref_squeeze %dma_wait3A_1774 : memref<1x13312xi32, #tpu.memory_space<hbm>> -> memref<13312xi32, #tpu.memory_space<hbm>>
      %dma_wait3A_1776 = arith.constant 0 : i32
      %dma_wait3A_1777 = tpu.memref_slice %arg3[%add3A, %dma_wait3A_1776] : memref<32x13312xi32, #tpu.memory_space<hbm>> -> memref<1x13312xi32, #tpu.memory_space<hbm>>
      %dma_wait3A_1778 = tpu.memref_squeeze %dma_wait3A_1777 : memref<1x13312xi32, #tpu.memory_space<hbm>> -> memref<13312xi32, #tpu.memory_space<hbm>>
      tpu.wait_dma2 semaphore(%run_scoped3A : memref<!tpu.dma_semaphore, #tpu.memory_space<semaphore_mem>>) src(%dma_wait3A_1778 : memref<13312xi32, #tpu.memory_space<hbm>>) dst(%arg5 : memref<13312xi32, #tpu.memory_space<vmem>>)
      tpu.yield
    }) : () -> ()
    %dma_start3A = arith.constant 0 : i32
    %dma_start3A_1 = arith.constant 0 : i32
    %dma_start3A_2 = arith.constant 0 : i32
    %dma_start3A_3 = tpu.memref_slice %arg6[%dma_start3A, %dma_start3A_1, %dma_start3A_2] : memref<2x1024x32xf32, #tpu.memory_space<vmem>> -> memref<1x128x32xf32, #tpu.memory_space<vmem>>
    %dma_start3A_4 = tpu.memref_squeeze %dma_start3A_3 : memref<1x128x32xf32, #tpu.memory_space<vmem>> -> memref<128x32xf32, #tpu.memory_space<vmem>>
    %dma_start3A_5 = arith.constant 0 : i32
    %dma_start3A_6 = tpu.memref_slice %arg5[%dma_start3A_5] : memref<13312xi32, #tpu.memory_space<vmem>> -> memref<128xi32, #tpu.memory_space<vmem>>
    %dma_start3A_7 = arith.constant 0 : i32
    %dma_start3A_8 = arith.constant 0 : i32
    %dma_start3A_9 = tpu.memref_slice %arg2[%dma_start3A_7, %dma_start3A_8] : memref<1000000x32xf32, #tpu.memory_space<hbm>> -> memref<1000000x32xf32, #tpu.memory_space<hbm>>
    tpu.enqueue_indirect_dma source(%dma_start3A_9 : memref<1000000x32xf32, #tpu.memory_space<hbm>>) target(%dma_start3A_4 : memref<128x32xf32, #tpu.memory_space<vmem>>) offsets(%dma_start3A_6 : memref<128xi32, #tpu.memory_space<vmem>>) semaphore(%arg7 : memref<!tpu.dma_semaphore, #tpu.memory_space<semaphore_mem>>)
    %dma_start3A_10 = arith.constant 0 : i32
    %dma_start3A_11 = arith.constant 128 : i32
    %dma_start3A_12 = arith.constant 0 : i32
    %dma_start3A_13 = tpu.memref_slice %arg6[%dma_start3A_10, %dma_start3A_11, %dma_start3A_12] : memref<2x1024x32xf32, #tpu.memory_space<vmem>> -> memref<1x128x32xf32, #tpu.memory_space<vmem>>
    %dma_start3A_14 = tpu.memref_squeeze %dma_start3A_13 : memref<1x128x32xf32, #tpu.memory_space<vmem>> -> memref<128x32xf32, #tpu.memory_space<vmem>>
    %dma_start3A_15 = arith.constant 128 : i32
    %dma_start3A_16 = tpu.memref_slice %arg5[%dma_start3A_15] : memref<13312xi32, #tpu.memory_space<vmem>> -> memref<128xi32, #tpu.memory_space<vmem>>
    %dma_start3A_17 = arith.constant 0 : i32
    %dma_start3A_18 = arith.constant 0 : i32
    %dma_start3A_19 = tpu.memref_slice %arg2[%dma_start3A_17, %dma_start3A_18] : memref<1000000x32xf32, #tpu.memory_space<hbm>> -> memref<1000000x32xf32, #tpu.memory_space<hbm>>
    tpu.enqueue_indirect_dma source(%dma_start3A_19 : memref<1000000x32xf32, #tpu.memory_space<hbm>>) target(%dma_start3A_14 : memref<128x32xf32, #tpu.memory_space<vmem>>) offsets(%dma_start3A_16 : memref<128xi32, #tpu.memory_space<vmem>>) semaphore(%arg7 : memref<!tpu.dma_semaphore, #tpu.memory_space<semaphore_mem>>)
    %dma_start3A_20 = arith.constant 0 : i32
    %dma_start3A_21 = arith.constant 256 : i32
    %dma_start3A_22 = arith.constant 0 : i32
    %dma_start3A_23 = tpu.memref_slice %arg6[%dma_start3A_20, %dma_start3A_21, %dma_start3A_22] : memref<2x1024x32xf32, #tpu.memory_space<vmem>> -> memref<1x128x32xf32, #tpu.memory_space<vmem>>
    %dma_start3A_24 = tpu.memref_squeeze %dma_start3A_23 : memref<1x128x32xf32, #tpu.memory_space<vmem>> -> memref<128x32xf32, #tpu.memory_space<vmem>>
    %dma_start3A_25 = arith.constant 256 : i32
    %dma_start3A_26 = tpu.memref_slice %arg5[%dma_start3A_25] : memref<13312xi32, #tpu.memory_space<vmem>> -> memref<128xi32, #tpu.memory_space<vmem>>
    %dma_start3A_27 = arith.constant 0 : i32
    %dma_start3A_28 = arith.constant 0 : i32
    %dma_start3A_29 = tpu.memref_slice %arg2[%dma_start3A_27, %dma_start3A_28] : memref<1000000x32xf32, #tpu.memory_space<hbm>> -> memref<1000000x32xf32, #tpu.memory_space<hbm>>
    tpu.enqueue_indirect_dma source(%dma_start3A_29 : memref<1000000x32xf32, #tpu.memory_space<hbm>>) target(%dma_start3A_24 : memref<128x32xf32, #tpu.memory_space<vmem>>) offsets(%dma_start3A_26 : memref<128xi32, #tpu.memory_space<vmem>>) semaphore(%arg7 : memref<!tpu.dma_semaphore, #tpu.memory_space<semaphore_mem>>)
    %dma_start3A_30 = arith.constant 0 : i32
    %dma_start3A_31 = arith.constant 384 : i32
    %dma_start3A_32 = arith.constant 0 : i32
    %dma_start3A_33 = tpu.memref_slice %arg6[%dma_start3A_30, %dma_start3A_31, %dma_start3A_32] : memref<2x1024x32xf32, #tpu.memory_space<vmem>> -> memref<1x128x32xf32, #tpu.memory_space<vmem>>
    %dma_start3A_34 = tpu.memref_squeeze %dma_start3A_33 : memref<1x128x32xf32, #tpu.memory_space<vmem>> -> memref<128x32xf32, #tpu.memory_space<vmem>>
    %dma_start3A_35 = arith.constant 384 : i32
    %dma_start3A_36 = tpu.memref_slice %arg5[%dma_start3A_35] : memref<13312xi32, #tpu.memory_space<vmem>> -> memref<128xi32, #tpu.memory_space<vmem>>
    %dma_start3A_37 = arith.constant 0 : i32
    %dma_start3A_38 = arith.constant 0 : i32
    %dma_start3A_39 = tpu.memref_slice %arg2[%dma_start3A_37, %dma_start3A_38] : memref<1000000x32xf32, #tpu.memory_space<hbm>> -> memref<1000000x32xf32, #tpu.memory_space<hbm>>
    tpu.enqueue_indirect_dma source(%dma_start3A_39 : memref<1000000x32xf32, #tpu.memory_space<hbm>>) target(%dma_start3A_34 : memref<128x32xf32, #tpu.memory_space<vmem>>) offsets(%dma_start3A_36 : memref<128xi32, #tpu.memory_space<vmem>>) semaphore(%arg7 : memref<!tpu.dma_semaphore, #tpu.memory_space<semaphore_mem>>)
    %dma_start3A_40 = arith.constant 0 : i32
    %dma_start3A_41 = arith.constant 512 : i32
    %dma_start3A_42 = arith.constant 0 : i32
    %dma_start3A_43 = tpu.memref_slice %arg6[%dma_start3A_40, %dma_start3A_41, %dma_start3A_42] : memref<2x1024x32xf32, #tpu.memory_space<vmem>> -> memref<1x128x32xf32, #tpu.memory_space<vmem>>
    %dma_start3A_44 = tpu.memref_squeeze %dma_start3A_43 : memref<1x128x32xf32, #tpu.memory_space<vmem>> -> memref<128x32xf32, #tpu.memory_space<vmem>>
    %dma_start3A_45 = arith.constant 512 : i32
    %dma_start3A_46 = tpu.memref_slice %arg5[%dma_start3A_45] : memref<13312xi32, #tpu.memory_space<vmem>> -> memref<128xi32, #tpu.memory_space<vmem>>
    %dma_start3A_47 = arith.constant 0 : i32
    %dma_start3A_48 = arith.constant 0 : i32
    %dma_start3A_49 = tpu.memref_slice %arg2[%dma_start3A_47, %dma_start3A_48] : memref<1000000x32xf32, #tpu.memory_space<hbm>> -> memref<1000000x32xf32, #tpu.memory_space<hbm>>
    tpu.enqueue_indirect_dma source(%dma_start3A_49 : memref<1000000x32xf32, #tpu.memory_space<hbm>>) target(%dma_start3A_44 : memref<128x32xf32, #tpu.memory_space<vmem>>) offsets(%dma_start3A_46 : memref<128xi32, #tpu.memory_space<vmem>>) semaphore(%arg7 : memref<!tpu.dma_semaphore, #tpu.memory_space<semaphore_mem>>)
    %dma_start3A_50 = arith.constant 0 : i32
    %dma_start3A_51 = arith.constant 640 : i32
    %dma_start3A_52 = arith.constant 0 : i32
    %dma_start3A_53 = tpu.memref_slice %arg6[%dma_start3A_50, %dma_start3A_51, %dma_start3A_52] : memref<2x1024x32xf32, #tpu.memory_space<vmem>> -> memref<1x128x32xf32, #tpu.memory_space<vmem>>
    %dma_start3A_54 = tpu.memref_squeeze %dma_start3A_53 : memref<1x128x32xf32, #tpu.memory_space<vmem>> -> memref<128x32xf32, #tpu.memory_space<vmem>>
    %dma_start3A_55 = arith.constant 640 : i32
    %dma_start3A_56 = tpu.memref_slice %arg5[%dma_start3A_55] : memref<13312xi32, #tpu.memory_space<vmem>> -> memref<128xi32, #tpu.memory_space<vmem>>
    %dma_start3A_57 = arith.constant 0 : i32
    %dma_start3A_58 = arith.constant 0 : i32
    %dma_start3A_59 = tpu.memref_slice %arg2[%dma_start3A_57, %dma_start3A_58] : memref<1000000x32xf32, #tpu.memory_space<hbm>> -> memref<1000000x32xf32, #tpu.memory_space<hbm>>
    tpu.enqueue_indirect_dma source(%dma_start3A_59 : memref<1000000x32xf32, #tpu.memory_space<hbm>>) target(%dma_start3A_54 : memref<128x32xf32, #tpu.memory_space<vmem>>) offsets(%dma_start3A_56 : memref<128xi32, #tpu.memory_space<vmem>>) semaphore(%arg7 : memref<!tpu.dma_semaphore, #tpu.memory_space<semaphore_mem>>)
    %dma_start3A_60 = arith.constant 0 : i32
    %dma_start3A_61 = arith.constant 768 : i32
    %dma_start3A_62 = arith.constant 0 : i32
    %dma_start3A_63 = tpu.memref_slice %arg6[%dma_start3A_60, %dma_start3A_61, %dma_start3A_62] : memref<2x1024x32xf32, #tpu.memory_space<vmem>> -> memref<1x128x32xf32, #tpu.memory_space<vmem>>
    %dma_start3A_64 = tpu.memref_squeeze %dma_start3A_63 : memref<1x128x32xf32, #tpu.memory_space<vmem>> -> memref<128x32xf32, #tpu.memory_space<vmem>>
    %dma_start3A_65 = arith.constant 768 : i32
    %dma_start3A_66 = tpu.memref_slice %arg5[%dma_start3A_65] : memref<13312xi32, #tpu.memory_space<vmem>> -> memref<128xi32, #tpu.memory_space<vmem>>
    %dma_start3A_67 = arith.constant 0 : i32
    %dma_start3A_68 = arith.constant 0 : i32
    %dma_start3A_69 = tpu.memref_slice %arg2[%dma_start3A_67, %dma_start3A_68] : memref<1000000x32xf32, #tpu.memory_space<hbm>> -> memref<1000000x32xf32, #tpu.memory_space<hbm>>
    tpu.enqueue_indirect_dma source(%dma_start3A_69 : memref<1000000x32xf32, #tpu.memory_space<hbm>>) target(%dma_start3A_64 : memref<128x32xf32, #tpu.memory_space<vmem>>) offsets(%dma_start3A_66 : memref<128xi32, #tpu.memory_space<vmem>>) semaphore(%arg7 : memref<!tpu.dma_semaphore, #tpu.memory_space<semaphore_mem>>)
    %dma_start3A_70 = arith.constant 0 : i32
    %dma_start3A_71 = arith.constant 896 : i32
    %dma_start3A_72 = arith.constant 0 : i32
    %dma_start3A_73 = tpu.memref_slice %arg6[%dma_start3A_70, %dma_start3A_71, %dma_start3A_72] : memref<2x1024x32xf32, #tpu.memory_space<vmem>> -> memref<1x128x32xf32, #tpu.memory_space<vmem>>
    %dma_start3A_74 = tpu.memref_squeeze %dma_start3A_73 : memref<1x128x32xf32, #tpu.memory_space<vmem>> -> memref<128x32xf32, #tpu.memory_space<vmem>>
    %dma_start3A_75 = arith.constant 896 : i32
    %dma_start3A_76 = tpu.memref_slice %arg5[%dma_start3A_75] : memref<13312xi32, #tpu.memory_space<vmem>> -> memref<128xi32, #tpu.memory_space<vmem>>
    %dma_start3A_77 = arith.constant 0 : i32
    %dma_start3A_78 = arith.constant 0 : i32
    %dma_start3A_79 = tpu.memref_slice %arg2[%dma_start3A_77, %dma_start3A_78] : memref<1000000x32xf32, #tpu.memory_space<hbm>> -> memref<1000000x32xf32, #tpu.memory_space<hbm>>
    tpu.enqueue_indirect_dma source(%dma_start3A_79 : memref<1000000x32xf32, #tpu.memory_space<hbm>>) target(%dma_start3A_74 : memref<128x32xf32, #tpu.memory_space<vmem>>) offsets(%dma_start3A_76 : memref<128xi32, #tpu.memory_space<vmem>>) semaphore(%arg7 : memref<!tpu.dma_semaphore, #tpu.memory_space<semaphore_mem>>)
    %dma_start3A_80 = arith.constant 1 : i32
    %dma_start3A_81 = arith.constant 0 : i32
    %dma_start3A_82 = arith.constant 0 : i32
    %dma_start3A_83 = tpu.memref_slice %arg6[%dma_start3A_80, %dma_start3A_81, %dma_start3A_82] : memref<2x1024x32xf32, #tpu.memory_space<vmem>> -> memref<1x128x32xf32, #tpu.memory_space<vmem>>
    %dma_start3A_84 = tpu.memref_squeeze %dma_start3A_83 : memref<1x128x32xf32, #tpu.memory_space<vmem>> -> memref<128x32xf32, #tpu.memory_space<vmem>>
    %dma_start3A_85 = arith.constant 1024 : i32
    %dma_start3A_86 = tpu.memref_slice %arg5[%dma_start3A_85] : memref<13312xi32, #tpu.memory_space<vmem>> -> memref<128xi32, #tpu.memory_space<vmem>>
    %dma_start3A_87 = arith.constant 0 : i32
    %dma_start3A_88 = arith.constant 0 : i32
    %dma_start3A_89 = tpu.memref_slice %arg2[%dma_start3A_87, %dma_start3A_88] : memref<1000000x32xf32, #tpu.memory_space<hbm>> -> memref<1000000x32xf32, #tpu.memory_space<hbm>>
    tpu.enqueue_indirect_dma source(%dma_start3A_89 : memref<1000000x32xf32, #tpu.memory_space<hbm>>) target(%dma_start3A_84 : memref<128x32xf32, #tpu.memory_space<vmem>>) offsets(%dma_start3A_86 : memref<128xi32, #tpu.memory_space<vmem>>) semaphore(%arg8 : memref<!tpu.dma_semaphore, #tpu.memory_space<semaphore_mem>>)
    %dma_start3A_90 = arith.constant 1 : i32
    %dma_start3A_91 = arith.constant 128 : i32
    %dma_start3A_92 = arith.constant 0 : i32
    %dma_start3A_93 = tpu.memref_slice %arg6[%dma_start3A_90, %dma_start3A_91, %dma_start3A_92] : memref<2x1024x32xf32, #tpu.memory_space<vmem>> -> memref<1x128x32xf32, #tpu.memory_space<vmem>>
    %dma_start3A_94 = tpu.memref_squeeze %dma_start3A_93 : memref<1x128x32xf32, #tpu.memory_space<vmem>> -> memref<128x32xf32, #tpu.memory_space<vmem>>
    %dma_start3A_95 = arith.constant 1152 : i32
    %dma_start3A_96 = tpu.memref_slice %arg5[%dma_start3A_95] : memref<13312xi32, #tpu.memory_space<vmem>> -> memref<128xi32, #tpu.memory_space<vmem>>
    %dma_start3A_97 = arith.constant 0 : i32
    %dma_start3A_98 = arith.constant 0 : i32
    %dma_start3A_99 = tpu.memref_slice %arg2[%dma_start3A_97, %dma_start3A_98] : memref<1000000x32xf32, #tpu.memory_space<hbm>> -> memref<1000000x32xf32, #tpu.memory_space<hbm>>
    tpu.enqueue_indirect_dma source(%dma_start3A_99 : memref<1000000x32xf32, #tpu.memory_space<hbm>>) target(%dma_start3A_94 : memref<128x32xf32, #tpu.memory_space<vmem>>) offsets(%dma_start3A_96 : memref<128xi32, #tpu.memory_space<vmem>>) semaphore(%arg8 : memref<!tpu.dma_semaphore, #tpu.memory_space<semaphore_mem>>)
    %dma_start3A_100 = arith.constant 1 : i32
    %dma_start3A_101 = arith.constant 256 : i32
    %dma_start3A_102 = arith.constant 0 : i32
    %dma_start3A_103 = tpu.memref_slice %arg6[%dma_start3A_100, %dma_start3A_101, %dma_start3A_102] : memref<2x1024x32xf32, #tpu.memory_space<vmem>> -> memref<1x128x32xf32, #tpu.memory_space<vmem>>
    %dma_start3A_104 = tpu.memref_squeeze %dma_start3A_103 : memref<1x128x32xf32, #tpu.memory_space<vmem>> -> memref<128x32xf32, #tpu.memory_space<vmem>>
    %dma_start3A_105 = arith.constant 1280 : i32
    %dma_start3A_106 = tpu.memref_slice %arg5[%dma_start3A_105] : memref<13312xi32, #tpu.memory_space<vmem>> -> memref<128xi32, #tpu.memory_space<vmem>>
    %dma_start3A_107 = arith.constant 0 : i32
    %dma_start3A_108 = arith.constant 0 : i32
    %dma_start3A_109 = tpu.memref_slice %arg2[%dma_start3A_107, %dma_start3A_108] : memref<1000000x32xf32, #tpu.memory_space<hbm>> -> memref<1000000x32xf32, #tpu.memory_space<hbm>>
    tpu.enqueue_indirect_dma source(%dma_start3A_109 : memref<1000000x32xf32, #tpu.memory_space<hbm>>) target(%dma_start3A_104 : memref<128x32xf32, #tpu.memory_space<vmem>>) offsets(%dma_start3A_106 : memref<128xi32, #tpu.memory_space<vmem>>) semaphore(%arg8 : memref<!tpu.dma_semaphore, #tpu.memory_space<semaphore_mem>>)
    %dma_start3A_110 = arith.constant 1 : i32
    %dma_start3A_111 = arith.constant 384 : i32
    %dma_start3A_112 = arith.constant 0 : i32
    %dma_start3A_113 = tpu.memref_slice %arg6[%dma_start3A_110, %dma_start3A_111, %dma_start3A_112] : memref<2x1024x32xf32, #tpu.memory_space<vmem>> -> memref<1x128x32xf32, #tpu.memory_space<vmem>>
    %dma_start3A_114 = tpu.memref_squeeze %dma_start3A_113 : memref<1x128x32xf32, #tpu.memory_space<vmem>> -> memref<128x32xf32, #tpu.memory_space<vmem>>
    %dma_start3A_115 = arith.constant 1408 : i32
    %dma_start3A_116 = tpu.memref_slice %arg5[%dma_start3A_115] : memref<13312xi32, #tpu.memory_space<vmem>> -> memref<128xi32, #tpu.memory_space<vmem>>
    %dma_start3A_117 = arith.constant 0 : i32
    %dma_start3A_118 = arith.constant 0 : i32
    %dma_start3A_119 = tpu.memref_slice %arg2[%dma_start3A_117, %dma_start3A_118] : memref<1000000x32xf32, #tpu.memory_space<hbm>> -> memref<1000000x32xf32, #tpu.memory_space<hbm>>
    tpu.enqueue_indirect_dma source(%dma_start3A_119 : memref<1000000x32xf32, #tpu.memory_space<hbm>>) target(%dma_start3A_114 : memref<128x32xf32, #tpu.memory_space<vmem>>) offsets(%dma_start3A_116 : memref<128xi32, #tpu.memory_space<vmem>>) semaphore(%arg8 : memref<!tpu.dma_semaphore, #tpu.memory_space<semaphore_mem>>)
    %dma_start3A_120 = arith.constant 1 : i32
    %dma_start3A_121 = arith.constant 512 : i32
    %dma_start3A_122 = arith.constant 0 : i32
    %dma_start3A_123 = tpu.memref_slice %arg6[%dma_start3A_120, %dma_start3A_121, %dma_start3A_122] : memref<2x1024x32xf32, #tpu.memory_space<vmem>> -> memref<1x128x32xf32, #tpu.memory_space<vmem>>
    %dma_start3A_124 = tpu.memref_squeeze %dma_start3A_123 : memref<1x128x32xf32, #tpu.memory_space<vmem>> -> memref<128x32xf32, #tpu.memory_space<vmem>>
    %dma_start3A_125 = arith.constant 1536 : i32
    %dma_start3A_126 = tpu.memref_slice %arg5[%dma_start3A_125] : memref<13312xi32, #tpu.memory_space<vmem>> -> memref<128xi32, #tpu.memory_space<vmem>>
    %dma_start3A_127 = arith.constant 0 : i32
    %dma_start3A_128 = arith.constant 0 : i32
    %dma_start3A_129 = tpu.memref_slice %arg2[%dma_start3A_127, %dma_start3A_128] : memref<1000000x32xf32, #tpu.memory_space<hbm>> -> memref<1000000x32xf32, #tpu.memory_space<hbm>>
    tpu.enqueue_indirect_dma source(%dma_start3A_129 : memref<1000000x32xf32, #tpu.memory_space<hbm>>) target(%dma_start3A_124 : memref<128x32xf32, #tpu.memory_space<vmem>>) offsets(%dma_start3A_126 : memref<128xi32, #tpu.memory_space<vmem>>) semaphore(%arg8 : memref<!tpu.dma_semaphore, #tpu.memory_space<semaphore_mem>>)
    %dma_start3A_130 = arith.constant 1 : i32
    %dma_start3A_131 = arith.constant 640 : i32
    %dma_start3A_132 = arith.constant 0 : i32
    %dma_start3A_133 = tpu.memref_slice %arg6[%dma_start3A_130, %dma_start3A_131, %dma_start3A_132] : memref<2x1024x32xf32, #tpu.memory_space<vmem>> -> memref<1x128x32xf32, #tpu.memory_space<vmem>>
    %dma_start3A_134 = tpu.memref_squeeze %dma_start3A_133 : memref<1x128x32xf32, #tpu.memory_space<vmem>> -> memref<128x32xf32, #tpu.memory_space<vmem>>
    %dma_start3A_135 = arith.constant 1664 : i32
    %dma_start3A_136 = tpu.memref_slice %arg5[%dma_start3A_135] : memref<13312xi32, #tpu.memory_space<vmem>> -> memref<128xi32, #tpu.memory_space<vmem>>
    %dma_start3A_137 = arith.constant 0 : i32
    %dma_start3A_138 = arith.constant 0 : i32
    %dma_start3A_139 = tpu.memref_slice %arg2[%dma_start3A_137, %dma_start3A_138] : memref<1000000x32xf32, #tpu.memory_space<hbm>> -> memref<1000000x32xf32, #tpu.memory_space<hbm>>
    tpu.enqueue_indirect_dma source(%dma_start3A_139 : memref<1000000x32xf32, #tpu.memory_space<hbm>>) target(%dma_start3A_134 : memref<128x32xf32, #tpu.memory_space<vmem>>) offsets(%dma_start3A_136 : memref<128xi32, #tpu.memory_space<vmem>>) semaphore(%arg8 : memref<!tpu.dma_semaphore, #tpu.memory_space<semaphore_mem>>)
    %dma_start3A_140 = arith.constant 1 : i32
    %dma_start3A_141 = arith.constant 768 : i32
    %dma_start3A_142 = arith.constant 0 : i32
    %dma_start3A_143 = tpu.memref_slice %arg6[%dma_start3A_140, %dma_start3A_141, %dma_start3A_142] : memref<2x1024x32xf32, #tpu.memory_space<vmem>> -> memref<1x128x32xf32, #tpu.memory_space<vmem>>
    %dma_start3A_144 = tpu.memref_squeeze %dma_start3A_143 : memref<1x128x32xf32, #tpu.memory_space<vmem>> -> memref<128x32xf32, #tpu.memory_space<vmem>>
    %dma_start3A_145 = arith.constant 1792 : i32
    %dma_start3A_146 = tpu.memref_slice %arg5[%dma_start3A_145] : memref<13312xi32, #tpu.memory_space<vmem>> -> memref<128xi32, #tpu.memory_space<vmem>>
    %dma_start3A_147 = arith.constant 0 : i32
    %dma_start3A_148 = arith.constant 0 : i32
    %dma_start3A_149 = tpu.memref_slice %arg2[%dma_start3A_147, %dma_start3A_148] : memref<1000000x32xf32, #tpu.memory_space<hbm>> -> memref<1000000x32xf32, #tpu.memory_space<hbm>>
    tpu.enqueue_indirect_dma source(%dma_start3A_149 : memref<1000000x32xf32, #tpu.memory_space<hbm>>) target(%dma_start3A_144 : memref<128x32xf32, #tpu.memory_space<vmem>>) offsets(%dma_start3A_146 : memref<128xi32, #tpu.memory_space<vmem>>) semaphore(%arg8 : memref<!tpu.dma_semaphore, #tpu.memory_space<semaphore_mem>>)
    %dma_start3A_150 = arith.constant 1 : i32
    %dma_start3A_151 = arith.constant 896 : i32
    %dma_start3A_152 = arith.constant 0 : i32
    %dma_start3A_153 = tpu.memref_slice %arg6[%dma_start3A_150, %dma_start3A_151, %dma_start3A_152] : memref<2x1024x32xf32, #tpu.memory_space<vmem>> -> memref<1x128x32xf32, #tpu.memory_space<vmem>>
    %dma_start3A_154 = tpu.memref_squeeze %dma_start3A_153 : memref<1x128x32xf32, #tpu.memory_space<vmem>> -> memref<128x32xf32, #tpu.memory_space<vmem>>
    %dma_start3A_155 = arith.constant 1920 : i32
    %dma_start3A_156 = tpu.memref_slice %arg5[%dma_start3A_155] : memref<13312xi32, #tpu.memory_space<vmem>> -> memref<128xi32, #tpu.memory_space<vmem>>
    %dma_start3A_157 = arith.constant 0 : i32
    %dma_start3A_158 = arith.constant 0 : i32
    %dma_start3A_159 = tpu.memref_slice %arg2[%dma_start3A_157, %dma_start3A_158] : memref<1000000x32xf32, #tpu.memory_space<hbm>> -> memref<1000000x32xf32, #tpu.memory_space<hbm>>
    tpu.enqueue_indirect_dma source(%dma_start3A_159 : memref<1000000x32xf32, #tpu.memory_space<hbm>>) target(%dma_start3A_154 : memref<128x32xf32, #tpu.memory_space<vmem>>) offsets(%dma_start3A_156 : memref<128xi32, #tpu.memory_space<vmem>>) semaphore(%arg8 : memref<!tpu.dma_semaphore, #tpu.memory_space<semaphore_mem>>)
    %dma_wait3A = arith.constant 0 : i32
    %dma_wait3A_160 = arith.constant 0 : i32
    %dma_wait3A_161 = arith.constant 0 : i32
    %dma_wait3A_162 = arith.constant 0 : i32
    %dma_wait3A_163 = arith.constant 0 : i32
    %dma_wait3A_164 = tpu.memref_slice %arg6[%dma_wait3A_161, %dma_wait3A_162, %dma_wait3A_163] : memref<2x1024x32xf32, #tpu.memory_space<vmem>> -> memref<1x1024x32xf32, #tpu.memory_space<vmem>>
    %dma_wait3A_165 = tpu.memref_squeeze %dma_wait3A_164 : memref<1x1024x32xf32, #tpu.memory_space<vmem>> -> memref<1024x32xf32, #tpu.memory_space<vmem>>
    %dma_wait3A_166 = arith.constant 0 : i32
    %dma_wait3A_167 = arith.constant 0 : i32
    %dma_wait3A_168 = tpu.memref_slice %arg4[%dma_wait3A, %dma_wait3A_160, %dma_wait3A_166, %dma_wait3A_167] : memref<32x13x1024x32xf32, #tpu.memory_space<hbm>> -> memref<1x1x1024x32xf32, #tpu.memory_space<hbm>>
    %dma_wait3A_169 = tpu.memref_squeeze %dma_wait3A_168 : memref<1x1x1024x32xf32, #tpu.memory_space<hbm>> -> memref<1024x32xf32, #tpu.memory_space<hbm>>
    %dma_wait3A_170 = arith.constant 0 : i32
    %dma_wait3A_171 = arith.constant 0 : i32
    %dma_wait3A_172 = tpu.memref_slice %arg6[%dma_wait3A_161, %dma_wait3A_170, %dma_wait3A_171] : memref<2x1024x32xf32, #tpu.memory_space<vmem>> -> memref<1x1024x32xf32, #tpu.memory_space<vmem>>
    %dma_wait3A_173 = tpu.memref_squeeze %dma_wait3A_172 : memref<1x1024x32xf32, #tpu.memory_space<vmem>> -> memref<1024x32xf32, #tpu.memory_space<vmem>>
    %dma_wait3A_174 = arith.constant 0 : i32
    %dma_wait3A_175 = arith.constant 0 : i32
    %dma_wait3A_176 = tpu.memref_slice %arg4[%dma_wait3A, %dma_wait3A_160, %dma_wait3A_174, %dma_wait3A_175] : memref<32x13x1024x32xf32, #tpu.memory_space<hbm>> -> memref<1x1x1024x32xf32, #tpu.memory_space<hbm>>
    %dma_wait3A_177 = tpu.memref_squeeze %dma_wait3A_176 : memref<1x1x1024x32xf32, #tpu.memory_space<hbm>> -> memref<1024x32xf32, #tpu.memory_space<hbm>>
    tpu.wait_dma2 semaphore(%arg7 : memref<!tpu.dma_semaphore, #tpu.memory_space<semaphore_mem>>) src(%dma_wait3A_177 : memref<1024x32xf32, #tpu.memory_space<hbm>>) dst(%dma_wait3A_173 : memref<1024x32xf32, #tpu.memory_space<vmem>>)
    %dma_start3A_178 = arith.constant 0 : i32
    %dma_start3A_179 = arith.constant 0 : i32
    %dma_start3A_180 = arith.constant 0 : i32
    %dma_start3A_181 = arith.constant 0 : i32
    %dma_start3A_182 = tpu.memref_slice %arg6[%dma_start3A_178, %dma_start3A_180, %dma_start3A_181] : memref<2x1024x32xf32, #tpu.memory_space<vmem>> -> memref<1x1024x32xf32, #tpu.memory_space<vmem>>
    %dma_start3A_183 = tpu.memref_squeeze %dma_start3A_182 : memref<1x1024x32xf32, #tpu.memory_space<vmem>> -> memref<1024x32xf32, #tpu.memory_space<vmem>>
    %dma_start3A_184 = arith.constant 0 : i32
    %dma_start3A_185 = arith.constant 0 : i32
    %dma_start3A_186 = tpu.memref_slice %arg4[%add3A, %dma_start3A_179, %dma_start3A_184, %dma_start3A_185] : memref<32x13x1024x32xf32, #tpu.memory_space<hbm>> -> memref<1x1x1024x32xf32, #tpu.memory_space<hbm>>
    %dma_start3A_187 = tpu.memref_squeeze %dma_start3A_186 : memref<1x1x1024x32xf32, #tpu.memory_space<hbm>> -> memref<1024x32xf32, #tpu.memory_space<hbm>>
    %dma_start3A_188 = arith.constant 0 : i32
    %dma_start3A_189 = arith.constant 0 : i32
    %dma_start3A_190 = tpu.memref_slice %arg4[%add3A, %dma_start3A_179, %dma_start3A_188, %dma_start3A_189] : memref<32x13x1024x32xf32, #tpu.memory_space<hbm>> -> memref<1x1x1024x32xf32, #tpu.memory_space<hbm>>
    %dma_start3A_191 = tpu.memref_squeeze %dma_start3A_190 : memref<1x1x1024x32xf32, #tpu.memory_space<hbm>> -> memref<1024x32xf32, #tpu.memory_space<hbm>>
    %dma_start3A_192 = arith.constant 0 : i32
    %dma_start3A_193 = arith.constant 0 : i32
    %dma_start3A_194 = tpu.memref_slice %arg6[%dma_start3A_178, %dma_start3A_192, %dma_start3A_193] : memref<2x1024x32xf32, #tpu.memory_space<vmem>> -> memref<1x1024x32xf32, #tpu.memory_space<vmem>>
    %dma_start3A_195 = tpu.memref_squeeze %dma_start3A_194 : memref<1x1024x32xf32, #tpu.memory_space<vmem>> -> memref<1024x32xf32, #tpu.memory_space<vmem>>
    tpu.enqueue_dma source(%dma_start3A_195 : memref<1024x32xf32, #tpu.memory_space<vmem>>) target(%dma_start3A_191 : memref<1024x32xf32, #tpu.memory_space<hbm>>) target_semaphore(%arg9 : memref<!tpu.dma_semaphore, #tpu.memory_space<semaphore_mem>>)
    %dma_wait3A_196 = arith.constant 0 : i32
    %dma_wait3A_197 = arith.constant 0 : i32
    %dma_wait3A_198 = arith.constant 0 : i32
    %dma_wait3A_199 = arith.constant 0 : i32
    %dma_wait3A_200 = arith.constant 0 : i32
    %dma_wait3A_201 = tpu.memref_slice %arg6[%dma_wait3A_198, %dma_wait3A_199, %dma_wait3A_200] : memref<2x1024x32xf32, #tpu.memory_space<vmem>> -> memref<1x1024x32xf32, #tpu.memory_space<vmem>>
    %dma_wait3A_202 = tpu.memref_squeeze %dma_wait3A_201 : memref<1x1024x32xf32, #tpu.memory_space<vmem>> -> memref<1024x32xf32, #tpu.memory_space<vmem>>
    %dma_wait3A_203 = arith.constant 0 : i32
    %dma_wait3A_204 = arith.constant 0 : i32
    %dma_wait3A_205 = tpu.memref_slice %arg4[%dma_wait3A_196, %dma_wait3A_197, %dma_wait3A_203, %dma_wait3A_204] : memref<32x13x1024x32xf32, #tpu.memory_space<hbm>> -> memref<1x1x1024x32xf32, #tpu.memory_space<hbm>>
    %dma_wait3A_206 = tpu.memref_squeeze %dma_wait3A_205 : memref<1x1x1024x32xf32, #tpu.memory_space<hbm>> -> memref<1024x32xf32, #tpu.memory_space<hbm>>
    %dma_wait3A_207 = arith.constant 0 : i32
    %dma_wait3A_208 = arith.constant 0 : i32
    %dma_wait3A_209 = tpu.memref_slice %arg6[%dma_wait3A_198, %dma_wait3A_207, %dma_wait3A_208] : memref<2x1024x32xf32, #tpu.memory_space<vmem>> -> memref<1x1024x32xf32, #tpu.memory_space<vmem>>
    %dma_wait3A_210 = tpu.memref_squeeze %dma_wait3A_209 : memref<1x1024x32xf32, #tpu.memory_space<vmem>> -> memref<1024x32xf32, #tpu.memory_space<vmem>>
    %dma_wait3A_211 = arith.constant 0 : i32
    %dma_wait3A_212 = arith.constant 0 : i32
    %dma_wait3A_213 = tpu.memref_slice %arg4[%dma_wait3A_196, %dma_wait3A_197, %dma_wait3A_211, %dma_wait3A_212] : memref<32x13x1024x32xf32, #tpu.memory_space<hbm>> -> memref<1x1x1024x32xf32, #tpu.memory_space<hbm>>
    %dma_wait3A_214 = tpu.memref_squeeze %dma_wait3A_213 : memref<1x1x1024x32xf32, #tpu.memory_space<hbm>> -> memref<1024x32xf32, #tpu.memory_space<hbm>>
    tpu.wait_dma2 semaphore(%arg9 : memref<!tpu.dma_semaphore, #tpu.memory_space<semaphore_mem>>) src(%dma_wait3A_214 : memref<1024x32xf32, #tpu.memory_space<hbm>>) dst(%dma_wait3A_210 : memref<1024x32xf32, #tpu.memory_space<vmem>>)
    %dma_start3A_215 = arith.constant 0 : i32
    %dma_start3A_216 = arith.constant 0 : i32
    %dma_start3A_217 = arith.constant 0 : i32
    %dma_start3A_218 = tpu.memref_slice %arg6[%dma_start3A_215, %dma_start3A_216, %dma_start3A_217] : memref<2x1024x32xf32, #tpu.memory_space<vmem>> -> memref<1x128x32xf32, #tpu.memory_space<vmem>>
    %dma_start3A_219 = tpu.memref_squeeze %dma_start3A_218 : memref<1x128x32xf32, #tpu.memory_space<vmem>> -> memref<128x32xf32, #tpu.memory_space<vmem>>
    %dma_start3A_220 = arith.constant 2048 : i32
    %dma_start3A_221 = tpu.memref_slice %arg5[%dma_start3A_220] : memref<13312xi32, #tpu.memory_space<vmem>> -> memref<128xi32, #tpu.memory_space<vmem>>
    %dma_start3A_222 = arith.constant 0 : i32
    %dma_start3A_223 = arith.constant 0 : i32
    %dma_start3A_224 = tpu.memref_slice %arg2[%dma_start3A_222, %dma_start3A_223] : memref<1000000x32xf32, #tpu.memory_space<hbm>> -> memref<1000000x32xf32, #tpu.memory_space<hbm>>
    tpu.enqueue_indirect_dma source(%dma_start3A_224 : memref<1000000x32xf32, #tpu.memory_space<hbm>>) target(%dma_start3A_219 : memref<128x32xf32, #tpu.memory_space<vmem>>) offsets(%dma_start3A_221 : memref<128xi32, #tpu.memory_space<vmem>>) semaphore(%arg7 : memref<!tpu.dma_semaphore, #tpu.memory_space<semaphore_mem>>)
    %dma_start3A_225 = arith.constant 0 : i32
    %dma_start3A_226 = arith.constant 128 : i32
    %dma_start3A_227 = arith.constant 0 : i32
    %dma_start3A_228 = tpu.memref_slice %arg6[%dma_start3A_225, %dma_start3A_226, %dma_start3A_227] : memref<2x1024x32xf32, #tpu.memory_space<vmem>> -> memref<1x128x32xf32, #tpu.memory_space<vmem>>
    %dma_start3A_229 = tpu.memref_squeeze %dma_start3A_228 : memref<1x128x32xf32, #tpu.memory_space<vmem>> -> memref<128x32xf32, #tpu.memory_space<vmem>>
    %dma_start3A_230 = arith.constant 2176 : i32
    %dma_start3A_231 = tpu.memref_slice %arg5[%dma_start3A_230] : memref<13312xi32, #tpu.memory_space<vmem>> -> memref<128xi32, #tpu.memory_space<vmem>>
    %dma_start3A_232 = arith.constant 0 : i32
    %dma_start3A_233 = arith.constant 0 : i32
    %dma_start3A_234 = tpu.memref_slice %arg2[%dma_start3A_232, %dma_start3A_233] : memref<1000000x32xf32, #tpu.memory_space<hbm>> -> memref<1000000x32xf32, #tpu.memory_space<hbm>>
    tpu.enqueue_indirect_dma source(%dma_start3A_234 : memref<1000000x32xf32, #tpu.memory_space<hbm>>) target(%dma_start3A_229 : memref<128x32xf32, #tpu.memory_space<vmem>>) offsets(%dma_start3A_231 : memref<128xi32, #tpu.memory_space<vmem>>) semaphore(%arg7 : memref<!tpu.dma_semaphore, #tpu.memory_space<semaphore_mem>>)
    %dma_start3A_235 = arith.constant 0 : i32
    %dma_start3A_236 = arith.constant 256 : i32
    %dma_start3A_237 = arith.constant 0 : i32
    %dma_start3A_238 = tpu.memref_slice %arg6[%dma_start3A_235, %dma_start3A_236, %dma_start3A_237] : memref<2x1024x32xf32, #tpu.memory_space<vmem>> -> memref<1x128x32xf32, #tpu.memory_space<vmem>>
    %dma_start3A_239 = tpu.memref_squeeze %dma_start3A_238 : memref<1x128x32xf32, #tpu.memory_space<vmem>> -> memref<128x32xf32, #tpu.memory_space<vmem>>
    %dma_start3A_240 = arith.constant 2304 : i32
    %dma_start3A_241 = tpu.memref_slice %arg5[%dma_start3A_240] : memref<13312xi32, #tpu.memory_space<vmem>> -> memref<128xi32, #tpu.memory_space<vmem>>
    %dma_start3A_242 = arith.constant 0 : i32
    %dma_start3A_243 = arith.constant 0 : i32
    %dma_start3A_244 = tpu.memref_slice %arg2[%dma_start3A_242, %dma_start3A_243] : memref<1000000x32xf32, #tpu.memory_space<hbm>> -> memref<1000000x32xf32, #tpu.memory_space<hbm>>
    tpu.enqueue_indirect_dma source(%dma_start3A_244 : memref<1000000x32xf32, #tpu.memory_space<hbm>>) target(%dma_start3A_239 : memref<128x32xf32, #tpu.memory_space<vmem>>) offsets(%dma_start3A_241 : memref<128xi32, #tpu.memory_space<vmem>>) semaphore(%arg7 : memref<!tpu.dma_semaphore, #tpu.memory_space<semaphore_mem>>)
    %dma_start3A_245 = arith.constant 0 : i32
    %dma_start3A_246 = arith.constant 384 : i32
    %dma_start3A_247 = arith.constant 0 : i32
    %dma_start3A_248 = tpu.memref_slice %arg6[%dma_start3A_245, %dma_start3A_246, %dma_start3A_247] : memref<2x1024x32xf32, #tpu.memory_space<vmem>> -> memref<1x128x32xf32, #tpu.memory_space<vmem>>
    %dma_start3A_249 = tpu.memref_squeeze %dma_start3A_248 : memref<1x128x32xf32, #tpu.memory_space<vmem>> -> memref<128x32xf32, #tpu.memory_space<vmem>>
    %dma_start3A_250 = arith.constant 2432 : i32
    %dma_start3A_251 = tpu.memref_slice %arg5[%dma_start3A_250] : memref<13312xi32, #tpu.memory_space<vmem>> -> memref<128xi32, #tpu.memory_space<vmem>>
    %dma_start3A_252 = arith.constant 0 : i32
    %dma_start3A_253 = arith.constant 0 : i32
    %dma_start3A_254 = tpu.memref_slice %arg2[%dma_start3A_252, %dma_start3A_253] : memref<1000000x32xf32, #tpu.memory_space<hbm>> -> memref<1000000x32xf32, #tpu.memory_space<hbm>>
    tpu.enqueue_indirect_dma source(%dma_start3A_254 : memref<1000000x32xf32, #tpu.memory_space<hbm>>) target(%dma_start3A_249 : memref<128x32xf32, #tpu.memory_space<vmem>>) offsets(%dma_start3A_251 : memref<128xi32, #tpu.memory_space<vmem>>) semaphore(%arg7 : memref<!tpu.dma_semaphore, #tpu.memory_space<semaphore_mem>>)
    %dma_start3A_255 = arith.constant 0 : i32
    %dma_start3A_256 = arith.constant 512 : i32
    %dma_start3A_257 = arith.constant 0 : i32
    %dma_start3A_258 = tpu.memref_slice %arg6[%dma_start3A_255, %dma_start3A_256, %dma_start3A_257] : memref<2x1024x32xf32, #tpu.memory_space<vmem>> -> memref<1x128x32xf32, #tpu.memory_space<vmem>>
    %dma_start3A_259 = tpu.memref_squeeze %dma_start3A_258 : memref<1x128x32xf32, #tpu.memory_space<vmem>> -> memref<128x32xf32, #tpu.memory_space<vmem>>
    %dma_start3A_260 = arith.constant 2560 : i32
    %dma_start3A_261 = tpu.memref_slice %arg5[%dma_start3A_260] : memref<13312xi32, #tpu.memory_space<vmem>> -> memref<128xi32, #tpu.memory_space<vmem>>
    %dma_start3A_262 = arith.constant 0 : i32
    %dma_start3A_263 = arith.constant 0 : i32
    %dma_start3A_264 = tpu.memref_slice %arg2[%dma_start3A_262, %dma_start3A_263] : memref<1000000x32xf32, #tpu.memory_space<hbm>> -> memref<1000000x32xf32, #tpu.memory_space<hbm>>
    tpu.enqueue_indirect_dma source(%dma_start3A_264 : memref<1000000x32xf32, #tpu.memory_space<hbm>>) target(%dma_start3A_259 : memref<128x32xf32, #tpu.memory_space<vmem>>) offsets(%dma_start3A_261 : memref<128xi32, #tpu.memory_space<vmem>>) semaphore(%arg7 : memref<!tpu.dma_semaphore, #tpu.memory_space<semaphore_mem>>)
    %dma_start3A_265 = arith.constant 0 : i32
    %dma_start3A_266 = arith.constant 640 : i32
    %dma_start3A_267 = arith.constant 0 : i32
    %dma_start3A_268 = tpu.memref_slice %arg6[%dma_start3A_265, %dma_start3A_266, %dma_start3A_267] : memref<2x1024x32xf32, #tpu.memory_space<vmem>> -> memref<1x128x32xf32, #tpu.memory_space<vmem>>
    %dma_start3A_269 = tpu.memref_squeeze %dma_start3A_268 : memref<1x128x32xf32, #tpu.memory_space<vmem>> -> memref<128x32xf32, #tpu.memory_space<vmem>>
    %dma_start3A_270 = arith.constant 2688 : i32
    %dma_start3A_271 = tpu.memref_slice %arg5[%dma_start3A_270] : memref<13312xi32, #tpu.memory_space<vmem>> -> memref<128xi32, #tpu.memory_space<vmem>>
    %dma_start3A_272 = arith.constant 0 : i32
    %dma_start3A_273 = arith.constant 0 : i32
    %dma_start3A_274 = tpu.memref_slice %arg2[%dma_start3A_272, %dma_start3A_273] : memref<1000000x32xf32, #tpu.memory_space<hbm>> -> memref<1000000x32xf32, #tpu.memory_space<hbm>>
    tpu.enqueue_indirect_dma source(%dma_start3A_274 : memref<1000000x32xf32, #tpu.memory_space<hbm>>) target(%dma_start3A_269 : memref<128x32xf32, #tpu.memory_space<vmem>>) offsets(%dma_start3A_271 : memref<128xi32, #tpu.memory_space<vmem>>) semaphore(%arg7 : memref<!tpu.dma_semaphore, #tpu.memory_space<semaphore_mem>>)
    %dma_start3A_275 = arith.constant 0 : i32
    %dma_start3A_276 = arith.constant 768 : i32
    %dma_start3A_277 = arith.constant 0 : i32
    %dma_start3A_278 = tpu.memref_slice %arg6[%dma_start3A_275, %dma_start3A_276, %dma_start3A_277] : memref<2x1024x32xf32, #tpu.memory_space<vmem>> -> memref<1x128x32xf32, #tpu.memory_space<vmem>>
    %dma_start3A_279 = tpu.memref_squeeze %dma_start3A_278 : memref<1x128x32xf32, #tpu.memory_space<vmem>> -> memref<128x32xf32, #tpu.memory_space<vmem>>
    %dma_start3A_280 = arith.constant 2816 : i32
    %dma_start3A_281 = tpu.memref_slice %arg5[%dma_start3A_280] : memref<13312xi32, #tpu.memory_space<vmem>> -> memref<128xi32, #tpu.memory_space<vmem>>
    %dma_start3A_282 = arith.constant 0 : i32
    %dma_start3A_283 = arith.constant 0 : i32
    %dma_start3A_284 = tpu.memref_slice %arg2[%dma_start3A_282, %dma_start3A_283] : memref<1000000x32xf32, #tpu.memory_space<hbm>> -> memref<1000000x32xf32, #tpu.memory_space<hbm>>
    tpu.enqueue_indirect_dma source(%dma_start3A_284 : memref<1000000x32xf32, #tpu.memory_space<hbm>>) target(%dma_start3A_279 : memref<128x32xf32, #tpu.memory_space<vmem>>) offsets(%dma_start3A_281 : memref<128xi32, #tpu.memory_space<vmem>>) semaphore(%arg7 : memref<!tpu.dma_semaphore, #tpu.memory_space<semaphore_mem>>)
    %dma_start3A_285 = arith.constant 0 : i32
    %dma_start3A_286 = arith.constant 896 : i32
    %dma_start3A_287 = arith.constant 0 : i32
    %dma_start3A_288 = tpu.memref_slice %arg6[%dma_start3A_285, %dma_start3A_286, %dma_start3A_287] : memref<2x1024x32xf32, #tpu.memory_space<vmem>> -> memref<1x128x32xf32, #tpu.memory_space<vmem>>
    %dma_start3A_289 = tpu.memref_squeeze %dma_start3A_288 : memref<1x128x32xf32, #tpu.memory_space<vmem>> -> memref<128x32xf32, #tpu.memory_space<vmem>>
    %dma_start3A_290 = arith.constant 2944 : i32
    %dma_start3A_291 = tpu.memref_slice %arg5[%dma_start3A_290] : memref<13312xi32, #tpu.memory_space<vmem>> -> memref<128xi32, #tpu.memory_space<vmem>>
    %dma_start3A_292 = arith.constant 0 : i32
    %dma_start3A_293 = arith.constant 0 : i32
    %dma_start3A_294 = tpu.memref_slice %arg2[%dma_start3A_292, %dma_start3A_293] : memref<1000000x32xf32, #tpu.memory_space<hbm>> -> memref<1000000x32xf32, #tpu.memory_space<hbm>>
    tpu.enqueue_indirect_dma source(%dma_start3A_294 : memref<1000000x32xf32, #tpu.memory_space<hbm>>) target(%dma_start3A_289 : memref<128x32xf32, #tpu.memory_space<vmem>>) offsets(%dma_start3A_291 : memref<128xi32, #tpu.memory_space<vmem>>) semaphore(%arg7 : memref<!tpu.dma_semaphore, #tpu.memory_space<semaphore_mem>>)
    %dma_wait3A_295 = arith.constant 0 : i32
    %dma_wait3A_296 = arith.constant 0 : i32
    %dma_wait3A_297 = arith.constant 1 : i32
    %dma_wait3A_298 = arith.constant 0 : i32
    %dma_wait3A_299 = arith.constant 0 : i32
    %dma_wait3A_300 = tpu.memref_slice %arg6[%dma_wait3A_297, %dma_wait3A_298, %dma_wait3A_299] : memref<2x1024x32xf32, #tpu.memory_space<vmem>> -> memref<1x1024x32xf32, #tpu.memory_space<vmem>>
    %dma_wait3A_301 = tpu.memref_squeeze %dma_wait3A_300 : memref<1x1024x32xf32, #tpu.memory_space<vmem>> -> memref<1024x32xf32, #tpu.memory_space<vmem>>
    %dma_wait3A_302 = arith.constant 0 : i32
    %dma_wait3A_303 = arith.constant 0 : i32
    %dma_wait3A_304 = tpu.memref_slice %arg4[%dma_wait3A_295, %dma_wait3A_296, %dma_wait3A_302, %dma_wait3A_303] : memref<32x13x1024x32xf32, #tpu.memory_space<hbm>> -> memref<1x1x1024x32xf32, #tpu.memory_space<hbm>>
    %dma_wait3A_305 = tpu.memref_squeeze %dma_wait3A_304 : memref<1x1x1024x32xf32, #tpu.memory_space<hbm>> -> memref<1024x32xf32, #tpu.memory_space<hbm>>
    %dma_wait3A_306 = arith.constant 0 : i32
    %dma_wait3A_307 = arith.constant 0 : i32
    %dma_wait3A_308 = tpu.memref_slice %arg6[%dma_wait3A_297, %dma_wait3A_306, %dma_wait3A_307] : memref<2x1024x32xf32, #tpu.memory_space<vmem>> -> memref<1x1024x32xf32, #tpu.memory_space<vmem>>
    %dma_wait3A_309 = tpu.memref_squeeze %dma_wait3A_308 : memref<1x1024x32xf32, #tpu.memory_space<vmem>> -> memref<1024x32xf32, #tpu.memory_space<vmem>>
    %dma_wait3A_310 = arith.constant 0 : i32
    %dma_wait3A_311 = arith.constant 0 : i32
    %dma_wait3A_312 = tpu.memref_slice %arg4[%dma_wait3A_295, %dma_wait3A_296, %dma_wait3A_310, %dma_wait3A_311] : memref<32x13x1024x32xf32, #tpu.memory_space<hbm>> -> memref<1x1x1024x32xf32, #tpu.memory_space<hbm>>
    %dma_wait3A_313 = tpu.memref_squeeze %dma_wait3A_312 : memref<1x1x1024x32xf32, #tpu.memory_space<hbm>> -> memref<1024x32xf32, #tpu.memory_space<hbm>>
    tpu.wait_dma2 semaphore(%arg8 : memref<!tpu.dma_semaphore, #tpu.memory_space<semaphore_mem>>) src(%dma_wait3A_313 : memref<1024x32xf32, #tpu.memory_space<hbm>>) dst(%dma_wait3A_309 : memref<1024x32xf32, #tpu.memory_space<vmem>>)
    %dma_start3A_314 = arith.constant 1 : i32
    %dma_start3A_315 = arith.constant 1 : i32
    %dma_start3A_316 = arith.constant 0 : i32
    %dma_start3A_317 = arith.constant 0 : i32
    %dma_start3A_318 = tpu.memref_slice %arg6[%dma_start3A_314, %dma_start3A_316, %dma_start3A_317] : memref<2x1024x32xf32, #tpu.memory_space<vmem>> -> memref<1x1024x32xf32, #tpu.memory_space<vmem>>
    %dma_start3A_319 = tpu.memref_squeeze %dma_start3A_318 : memref<1x1024x32xf32, #tpu.memory_space<vmem>> -> memref<1024x32xf32, #tpu.memory_space<vmem>>
    %dma_start3A_320 = arith.constant 0 : i32
    %dma_start3A_321 = arith.constant 0 : i32
    %dma_start3A_322 = tpu.memref_slice %arg4[%add3A, %dma_start3A_315, %dma_start3A_320, %dma_start3A_321] : memref<32x13x1024x32xf32, #tpu.memory_space<hbm>> -> memref<1x1x1024x32xf32, #tpu.memory_space<hbm>>
    %dma_start3A_323 = tpu.memref_squeeze %dma_start3A_322 : memref<1x1x1024x32xf32, #tpu.memory_space<hbm>> -> memref<1024x32xf32, #tpu.memory_space<hbm>>
    %dma_start3A_324 = arith.constant 0 : i32
    %dma_start3A_325 = arith.constant 0 : i32
    %dma_start3A_326 = tpu.memref_slice %arg4[%add3A, %dma_start3A_315, %dma_start3A_324, %dma_start3A_325] : memref<32x13x1024x32xf32, #tpu.memory_space<hbm>> -> memref<1x1x1024x32xf32, #tpu.memory_space<hbm>>
    %dma_start3A_327 = tpu.memref_squeeze %dma_start3A_326 : memref<1x1x1024x32xf32, #tpu.memory_space<hbm>> -> memref<1024x32xf32, #tpu.memory_space<hbm>>
    %dma_start3A_328 = arith.constant 0 : i32
    %dma_start3A_329 = arith.constant 0 : i32
    %dma_start3A_330 = tpu.memref_slice %arg6[%dma_start3A_314, %dma_start3A_328, %dma_start3A_329] : memref<2x1024x32xf32, #tpu.memory_space<vmem>> -> memref<1x1024x32xf32, #tpu.memory_space<vmem>>
    %dma_start3A_331 = tpu.memref_squeeze %dma_start3A_330 : memref<1x1024x32xf32, #tpu.memory_space<vmem>> -> memref<1024x32xf32, #tpu.memory_space<vmem>>
    tpu.enqueue_dma source(%dma_start3A_331 : memref<1024x32xf32, #tpu.memory_space<vmem>>) target(%dma_start3A_327 : memref<1024x32xf32, #tpu.memory_space<hbm>>) target_semaphore(%arg9 : memref<!tpu.dma_semaphore, #tpu.memory_space<semaphore_mem>>)
    %dma_wait3A_332 = arith.constant 0 : i32
    %dma_wait3A_333 = arith.constant 0 : i32
    %dma_wait3A_334 = arith.constant 1 : i32
    %dma_wait3A_335 = arith.constant 0 : i32
    %dma_wait3A_336 = arith.constant 0 : i32
    %dma_wait3A_337 = tpu.memref_slice %arg6[%dma_wait3A_334, %dma_wait3A_335, %dma_wait3A_336] : memref<2x1024x32xf32, #tpu.memory_space<vmem>> -> memref<1x1024x32xf32, #tpu.memory_space<vmem>>
    %dma_wait3A_338 = tpu.memref_squeeze %dma_wait3A_337 : memref<1x1024x32xf32, #tpu.memory_space<vmem>> -> memref<1024x32xf32, #tpu.memory_space<vmem>>
    %dma_wait3A_339 = arith.constant 0 : i32
    %dma_wait3A_340 = arith.constant 0 : i32
    %dma_wait3A_341 = tpu.memref_slice %arg4[%dma_wait3A_332, %dma_wait3A_333, %dma_wait3A_339, %dma_wait3A_340] : memref<32x13x1024x32xf32, #tpu.memory_space<hbm>> -> memref<1x1x1024x32xf32, #tpu.memory_space<hbm>>
    %dma_wait3A_342 = tpu.memref_squeeze %dma_wait3A_341 : memref<1x1x1024x32xf32, #tpu.memory_space<hbm>> -> memref<1024x32xf32, #tpu.memory_space<hbm>>
    %dma_wait3A_343 = arith.constant 0 : i32
    %dma_wait3A_344 = arith.constant 0 : i32
    %dma_wait3A_345 = tpu.memref_slice %arg6[%dma_wait3A_334, %dma_wait3A_343, %dma_wait3A_344] : memref<2x1024x32xf32, #tpu.memory_space<vmem>> -> memref<1x1024x32xf32, #tpu.memory_space<vmem>>
    %dma_wait3A_346 = tpu.memref_squeeze %dma_wait3A_345 : memref<1x1024x32xf32, #tpu.memory_space<vmem>> -> memref<1024x32xf32, #tpu.memory_space<vmem>>
    %dma_wait3A_347 = arith.constant 0 : i32
    %dma_wait3A_348 = arith.constant 0 : i32
    %dma_wait3A_349 = tpu.memref_slice %arg4[%dma_wait3A_332, %dma_wait3A_333, %dma_wait3A_347, %dma_wait3A_348] : memref<32x13x1024x32xf32, #tpu.memory_space<hbm>> -> memref<1x1x1024x32xf32, #tpu.memory_space<hbm>>
    %dma_wait3A_350 = tpu.memref_squeeze %dma_wait3A_349 : memref<1x1x1024x32xf32, #tpu.memory_space<hbm>> -> memref<1024x32xf32, #tpu.memory_space<hbm>>
    tpu.wait_dma2 semaphore(%arg9 : memref<!tpu.dma_semaphore, #tpu.memory_space<semaphore_mem>>) src(%dma_wait3A_350 : memref<1024x32xf32, #tpu.memory_space<hbm>>) dst(%dma_wait3A_346 : memref<1024x32xf32, #tpu.memory_space<vmem>>)
    %dma_start3A_351 = arith.constant 1 : i32
    %dma_start3A_352 = arith.constant 0 : i32
    %dma_start3A_353 = arith.constant 0 : i32
    %dma_start3A_354 = tpu.memref_slice %arg6[%dma_start3A_351, %dma_start3A_352, %dma_start3A_353] : memref<2x1024x32xf32, #tpu.memory_space<vmem>> -> memref<1x128x32xf32, #tpu.memory_space<vmem>>
    %dma_start3A_355 = tpu.memref_squeeze %dma_start3A_354 : memref<1x128x32xf32, #tpu.memory_space<vmem>> -> memref<128x32xf32, #tpu.memory_space<vmem>>
    %dma_start3A_356 = arith.constant 3072 : i32
    %dma_start3A_357 = tpu.memref_slice %arg5[%dma_start3A_356] : memref<13312xi32, #tpu.memory_space<vmem>> -> memref<128xi32, #tpu.memory_space<vmem>>
    %dma_start3A_358 = arith.constant 0 : i32
    %dma_start3A_359 = arith.constant 0 : i32
    %dma_start3A_360 = tpu.memref_slice %arg2[%dma_start3A_358, %dma_start3A_359] : memref<1000000x32xf32, #tpu.memory_space<hbm>> -> memref<1000000x32xf32, #tpu.memory_space<hbm>>
    tpu.enqueue_indirect_dma source(%dma_start3A_360 : memref<1000000x32xf32, #tpu.memory_space<hbm>>) target(%dma_start3A_355 : memref<128x32xf32, #tpu.memory_space<vmem>>) offsets(%dma_start3A_357 : memref<128xi32, #tpu.memory_space<vmem>>) semaphore(%arg8 : memref<!tpu.dma_semaphore, #tpu.memory_space<semaphore_mem>>)
    %dma_start3A_361 = arith.constant 1 : i32
    %dma_start3A_362 = arith.constant 128 : i32
    %dma_start3A_363 = arith.constant 0 : i32
    %dma_start3A_364 = tpu.memref_slice %arg6[%dma_start3A_361, %dma_start3A_362, %dma_start3A_363] : memref<2x1024x32xf32, #tpu.memory_space<vmem>> -> memref<1x128x32xf32, #tpu.memory_space<vmem>>
    %dma_start3A_365 = tpu.memref_squeeze %dma_start3A_364 : memref<1x128x32xf32, #tpu.memory_space<vmem>> -> memref<128x32xf32, #tpu.memory_space<vmem>>
    %dma_start3A_366 = arith.constant 3200 : i32
    %dma_start3A_367 = tpu.memref_slice %arg5[%dma_start3A_366] : memref<13312xi32, #tpu.memory_space<vmem>> -> memref<128xi32, #tpu.memory_space<vmem>>
    %dma_start3A_368 = arith.constant 0 : i32
    %dma_start3A_369 = arith.constant 0 : i32
    %dma_start3A_370 = tpu.memref_slice %arg2[%dma_start3A_368, %dma_start3A_369] : memref<1000000x32xf32, #tpu.memory_space<hbm>> -> memref<1000000x32xf32, #tpu.memory_space<hbm>>
    tpu.enqueue_indirect_dma source(%dma_start3A_370 : memref<1000000x32xf32, #tpu.memory_space<hbm>>) target(%dma_start3A_365 : memref<128x32xf32, #tpu.memory_space<vmem>>) offsets(%dma_start3A_367 : memref<128xi32, #tpu.memory_space<vmem>>) semaphore(%arg8 : memref<!tpu.dma_semaphore, #tpu.memory_space<semaphore_mem>>)
    %dma_start3A_371 = arith.constant 1 : i32
    %dma_start3A_372 = arith.constant 256 : i32
    %dma_start3A_373 = arith.constant 0 : i32
    %dma_start3A_374 = tpu.memref_slice %arg6[%dma_start3A_371, %dma_start3A_372, %dma_start3A_373] : memref<2x1024x32xf32, #tpu.memory_space<vmem>> -> memref<1x128x32xf32, #tpu.memory_space<vmem>>
    %dma_start3A_375 = tpu.memref_squeeze %dma_start3A_374 : memref<1x128x32xf32, #tpu.memory_space<vmem>> -> memref<128x32xf32, #tpu.memory_space<vmem>>
    %dma_start3A_376 = arith.constant 3328 : i32
    %dma_start3A_377 = tpu.memref_slice %arg5[%dma_start3A_376] : memref<13312xi32, #tpu.memory_space<vmem>> -> memref<128xi32, #tpu.memory_space<vmem>>
    %dma_start3A_378 = arith.constant 0 : i32
    %dma_start3A_379 = arith.constant 0 : i32
    %dma_start3A_380 = tpu.memref_slice %arg2[%dma_start3A_378, %dma_start3A_379] : memref<1000000x32xf32, #tpu.memory_space<hbm>> -> memref<1000000x32xf32, #tpu.memory_space<hbm>>
    tpu.enqueue_indirect_dma source(%dma_start3A_380 : memref<1000000x32xf32, #tpu.memory_space<hbm>>) target(%dma_start3A_375 : memref<128x32xf32, #tpu.memory_space<vmem>>) offsets(%dma_start3A_377 : memref<128xi32, #tpu.memory_space<vmem>>) semaphore(%arg8 : memref<!tpu.dma_semaphore, #tpu.memory_space<semaphore_mem>>)
    %dma_start3A_381 = arith.constant 1 : i32
    %dma_start3A_382 = arith.constant 384 : i32
    %dma_start3A_383 = arith.constant 0 : i32
    %dma_start3A_384 = tpu.memref_slice %arg6[%dma_start3A_381, %dma_start3A_382, %dma_start3A_383] : memref<2x1024x32xf32, #tpu.memory_space<vmem>> -> memref<1x128x32xf32, #tpu.memory_space<vmem>>
    %dma_start3A_385 = tpu.memref_squeeze %dma_start3A_384 : memref<1x128x32xf32, #tpu.memory_space<vmem>> -> memref<128x32xf32, #tpu.memory_space<vmem>>
    %dma_start3A_386 = arith.constant 3456 : i32
    %dma_start3A_387 = tpu.memref_slice %arg5[%dma_start3A_386] : memref<13312xi32, #tpu.memory_space<vmem>> -> memref<128xi32, #tpu.memory_space<vmem>>
    %dma_start3A_388 = arith.constant 0 : i32
    %dma_start3A_389 = arith.constant 0 : i32
    %dma_start3A_390 = tpu.memref_slice %arg2[%dma_start3A_388, %dma_start3A_389] : memref<1000000x32xf32, #tpu.memory_space<hbm>> -> memref<1000000x32xf32, #tpu.memory_space<hbm>>
    tpu.enqueue_indirect_dma source(%dma_start3A_390 : memref<1000000x32xf32, #tpu.memory_space<hbm>>) target(%dma_start3A_385 : memref<128x32xf32, #tpu.memory_space<vmem>>) offsets(%dma_start3A_387 : memref<128xi32, #tpu.memory_space<vmem>>) semaphore(%arg8 : memref<!tpu.dma_semaphore, #tpu.memory_space<semaphore_mem>>)
    %dma_start3A_391 = arith.constant 1 : i32
    %dma_start3A_392 = arith.constant 512 : i32
    %dma_start3A_393 = arith.constant 0 : i32
    %dma_start3A_394 = tpu.memref_slice %arg6[%dma_start3A_391, %dma_start3A_392, %dma_start3A_393] : memref<2x1024x32xf32, #tpu.memory_space<vmem>> -> memref<1x128x32xf32, #tpu.memory_space<vmem>>
    %dma_start3A_395 = tpu.memref_squeeze %dma_start3A_394 : memref<1x128x32xf32, #tpu.memory_space<vmem>> -> memref<128x32xf32, #tpu.memory_space<vmem>>
    %dma_start3A_396 = arith.constant 3584 : i32
    %dma_start3A_397 = tpu.memref_slice %arg5[%dma_start3A_396] : memref<13312xi32, #tpu.memory_space<vmem>> -> memref<128xi32, #tpu.memory_space<vmem>>
    %dma_start3A_398 = arith.constant 0 : i32
    %dma_start3A_399 = arith.constant 0 : i32
    %dma_start3A_400 = tpu.memref_slice %arg2[%dma_start3A_398, %dma_start3A_399] : memref<1000000x32xf32, #tpu.memory_space<hbm>> -> memref<1000000x32xf32, #tpu.memory_space<hbm>>
    tpu.enqueue_indirect_dma source(%dma_start3A_400 : memref<1000000x32xf32, #tpu.memory_space<hbm>>) target(%dma_start3A_395 : memref<128x32xf32, #tpu.memory_space<vmem>>) offsets(%dma_start3A_397 : memref<128xi32, #tpu.memory_space<vmem>>) semaphore(%arg8 : memref<!tpu.dma_semaphore, #tpu.memory_space<semaphore_mem>>)
    %dma_start3A_401 = arith.constant 1 : i32
    %dma_start3A_402 = arith.constant 640 : i32
    %dma_start3A_403 = arith.constant 0 : i32
    %dma_start3A_404 = tpu.memref_slice %arg6[%dma_start3A_401, %dma_start3A_402, %dma_start3A_403] : memref<2x1024x32xf32, #tpu.memory_space<vmem>> -> memref<1x128x32xf32, #tpu.memory_space<vmem>>
    %dma_start3A_405 = tpu.memref_squeeze %dma_start3A_404 : memref<1x128x32xf32, #tpu.memory_space<vmem>> -> memref<128x32xf32, #tpu.memory_space<vmem>>
    %dma_start3A_406 = arith.constant 3712 : i32
    %dma_start3A_407 = tpu.memref_slice %arg5[%dma_start3A_406] : memref<13312xi32, #tpu.memory_space<vmem>> -> memref<128xi32, #tpu.memory_space<vmem>>
    %dma_start3A_408 = arith.constant 0 : i32
    %dma_start3A_409 = arith.constant 0 : i32
    %dma_start3A_410 = tpu.memref_slice %arg2[%dma_start3A_408, %dma_start3A_409] : memref<1000000x32xf32, #tpu.memory_space<hbm>> -> memref<1000000x32xf32, #tpu.memory_space<hbm>>
    tpu.enqueue_indirect_dma source(%dma_start3A_410 : memref<1000000x32xf32, #tpu.memory_space<hbm>>) target(%dma_start3A_405 : memref<128x32xf32, #tpu.memory_space<vmem>>) offsets(%dma_start3A_407 : memref<128xi32, #tpu.memory_space<vmem>>) semaphore(%arg8 : memref<!tpu.dma_semaphore, #tpu.memory_space<semaphore_mem>>)
    %dma_start3A_411 = arith.constant 1 : i32
    %dma_start3A_412 = arith.constant 768 : i32
    %dma_start3A_413 = arith.constant 0 : i32
    %dma_start3A_414 = tpu.memref_slice %arg6[%dma_start3A_411, %dma_start3A_412, %dma_start3A_413] : memref<2x1024x32xf32, #tpu.memory_space<vmem>> -> memref<1x128x32xf32, #tpu.memory_space<vmem>>
    %dma_start3A_415 = tpu.memref_squeeze %dma_start3A_414 : memref<1x128x32xf32, #tpu.memory_space<vmem>> -> memref<128x32xf32, #tpu.memory_space<vmem>>
    %dma_start3A_416 = arith.constant 3840 : i32
    %dma_start3A_417 = tpu.memref_slice %arg5[%dma_start3A_416] : memref<13312xi32, #tpu.memory_space<vmem>> -> memref<128xi32, #tpu.memory_space<vmem>>
    %dma_start3A_418 = arith.constant 0 : i32
    %dma_start3A_419 = arith.constant 0 : i32
    %dma_start3A_420 = tpu.memref_slice %arg2[%dma_start3A_418, %dma_start3A_419] : memref<1000000x32xf32, #tpu.memory_space<hbm>> -> memref<1000000x32xf32, #tpu.memory_space<hbm>>
    tpu.enqueue_indirect_dma source(%dma_start3A_420 : memref<1000000x32xf32, #tpu.memory_space<hbm>>) target(%dma_start3A_415 : memref<128x32xf32, #tpu.memory_space<vmem>>) offsets(%dma_start3A_417 : memref<128xi32, #tpu.memory_space<vmem>>) semaphore(%arg8 : memref<!tpu.dma_semaphore, #tpu.memory_space<semaphore_mem>>)
    %dma_start3A_421 = arith.constant 1 : i32
    %dma_start3A_422 = arith.constant 896 : i32
    %dma_start3A_423 = arith.constant 0 : i32
    %dma_start3A_424 = tpu.memref_slice %arg6[%dma_start3A_421, %dma_start3A_422, %dma_start3A_423] : memref<2x1024x32xf32, #tpu.memory_space<vmem>> -> memref<1x128x32xf32, #tpu.memory_space<vmem>>
    %dma_start3A_425 = tpu.memref_squeeze %dma_start3A_424 : memref<1x128x32xf32, #tpu.memory_space<vmem>> -> memref<128x32xf32, #tpu.memory_space<vmem>>
    %dma_start3A_426 = arith.constant 3968 : i32
    %dma_start3A_427 = tpu.memref_slice %arg5[%dma_start3A_426] : memref<13312xi32, #tpu.memory_space<vmem>> -> memref<128xi32, #tpu.memory_space<vmem>>
    %dma_start3A_428 = arith.constant 0 : i32
    %dma_start3A_429 = arith.constant 0 : i32
    %dma_start3A_430 = tpu.memref_slice %arg2[%dma_start3A_428, %dma_start3A_429] : memref<1000000x32xf32, #tpu.memory_space<hbm>> -> memref<1000000x32xf32, #tpu.memory_space<hbm>>
    tpu.enqueue_indirect_dma source(%dma_start3A_430 : memref<1000000x32xf32, #tpu.memory_space<hbm>>) target(%dma_start3A_425 : memref<128x32xf32, #tpu.memory_space<vmem>>) offsets(%dma_start3A_427 : memref<128xi32, #tpu.memory_space<vmem>>) semaphore(%arg8 : memref<!tpu.dma_semaphore, #tpu.memory_space<semaphore_mem>>)
    %dma_wait3A_431 = arith.constant 0 : i32
    %dma_wait3A_432 = arith.constant 0 : i32
    %dma_wait3A_433 = arith.constant 0 : i32
    %dma_wait3A_434 = arith.constant 0 : i32
    %dma_wait3A_435 = arith.constant 0 : i32
    %dma_wait3A_436 = tpu.memref_slice %arg6[%dma_wait3A_433, %dma_wait3A_434, %dma_wait3A_435] : memref<2x1024x32xf32, #tpu.memory_space<vmem>> -> memref<1x1024x32xf32, #tpu.memory_space<vmem>>
    %dma_wait3A_437 = tpu.memref_squeeze %dma_wait3A_436 : memref<1x1024x32xf32, #tpu.memory_space<vmem>> -> memref<1024x32xf32, #tpu.memory_space<vmem>>
    %dma_wait3A_438 = arith.constant 0 : i32
    %dma_wait3A_439 = arith.constant 0 : i32
    %dma_wait3A_440 = tpu.memref_slice %arg4[%dma_wait3A_431, %dma_wait3A_432, %dma_wait3A_438, %dma_wait3A_439] : memref<32x13x1024x32xf32, #tpu.memory_space<hbm>> -> memref<1x1x1024x32xf32, #tpu.memory_space<hbm>>
    %dma_wait3A_441 = tpu.memref_squeeze %dma_wait3A_440 : memref<1x1x1024x32xf32, #tpu.memory_space<hbm>> -> memref<1024x32xf32, #tpu.memory_space<hbm>>
    %dma_wait3A_442 = arith.constant 0 : i32
    %dma_wait3A_443 = arith.constant 0 : i32
    %dma_wait3A_444 = tpu.memref_slice %arg6[%dma_wait3A_433, %dma_wait3A_442, %dma_wait3A_443] : memref<2x1024x32xf32, #tpu.memory_space<vmem>> -> memref<1x1024x32xf32, #tpu.memory_space<vmem>>
    %dma_wait3A_445 = tpu.memref_squeeze %dma_wait3A_444 : memref<1x1024x32xf32, #tpu.memory_space<vmem>> -> memref<1024x32xf32, #tpu.memory_space<vmem>>
    %dma_wait3A_446 = arith.constant 0 : i32
    %dma_wait3A_447 = arith.constant 0 : i32
    %dma_wait3A_448 = tpu.memref_slice %arg4[%dma_wait3A_431, %dma_wait3A_432, %dma_wait3A_446, %dma_wait3A_447] : memref<32x13x1024x32xf32, #tpu.memory_space<hbm>> -> memref<1x1x1024x32xf32, #tpu.memory_space<hbm>>
    %dma_wait3A_449 = tpu.memref_squeeze %dma_wait3A_448 : memref<1x1x1024x32xf32, #tpu.memory_space<hbm>> -> memref<1024x32xf32, #tpu.memory_space<hbm>>
    tpu.wait_dma2 semaphore(%arg7 : memref<!tpu.dma_semaphore, #tpu.memory_space<semaphore_mem>>) src(%dma_wait3A_449 : memref<1024x32xf32, #tpu.memory_space<hbm>>) dst(%dma_wait3A_445 : memref<1024x32xf32, #tpu.memory_space<vmem>>)
    %dma_start3A_450 = arith.constant 0 : i32
    %dma_start3A_451 = arith.constant 2 : i32
    %dma_start3A_452 = arith.constant 0 : i32
    %dma_start3A_453 = arith.constant 0 : i32
    %dma_start3A_454 = tpu.memref_slice %arg6[%dma_start3A_450, %dma_start3A_452, %dma_start3A_453] : memref<2x1024x32xf32, #tpu.memory_space<vmem>> -> memref<1x1024x32xf32, #tpu.memory_space<vmem>>
    %dma_start3A_455 = tpu.memref_squeeze %dma_start3A_454 : memref<1x1024x32xf32, #tpu.memory_space<vmem>> -> memref<1024x32xf32, #tpu.memory_space<vmem>>
    %dma_start3A_456 = arith.constant 0 : i32
    %dma_start3A_457 = arith.constant 0 : i32
    %dma_start3A_458 = tpu.memref_slice %arg4[%add3A, %dma_start3A_451, %dma_start3A_456, %dma_start3A_457] : memref<32x13x1024x32xf32, #tpu.memory_space<hbm>> -> memref<1x1x1024x32xf32, #tpu.memory_space<hbm>>
    %dma_start3A_459 = tpu.memref_squeeze %dma_start3A_458 : memref<1x1x1024x32xf32, #tpu.memory_space<hbm>> -> memref<1024x32xf32, #tpu.memory_space<hbm>>
    %dma_start3A_460 = arith.constant 0 : i32
    %dma_start3A_461 = arith.constant 0 : i32
    %dma_start3A_462 = tpu.memref_slice %arg4[%add3A, %dma_start3A_451, %dma_start3A_460, %dma_start3A_461] : memref<32x13x1024x32xf32, #tpu.memory_space<hbm>> -> memref<1x1x1024x32xf32, #tpu.memory_space<hbm>>
    %dma_start3A_463 = tpu.memref_squeeze %dma_start3A_462 : memref<1x1x1024x32xf32, #tpu.memory_space<hbm>> -> memref<1024x32xf32, #tpu.memory_space<hbm>>
    %dma_start3A_464 = arith.constant 0 : i32
    %dma_start3A_465 = arith.constant 0 : i32
    %dma_start3A_466 = tpu.memref_slice %arg6[%dma_start3A_450, %dma_start3A_464, %dma_start3A_465] : memref<2x1024x32xf32, #tpu.memory_space<vmem>> -> memref<1x1024x32xf32, #tpu.memory_space<vmem>>
    %dma_start3A_467 = tpu.memref_squeeze %dma_start3A_466 : memref<1x1024x32xf32, #tpu.memory_space<vmem>> -> memref<1024x32xf32, #tpu.memory_space<vmem>>
    tpu.enqueue_dma source(%dma_start3A_467 : memref<1024x32xf32, #tpu.memory_space<vmem>>) target(%dma_start3A_463 : memref<1024x32xf32, #tpu.memory_space<hbm>>) target_semaphore(%arg9 : memref<!tpu.dma_semaphore, #tpu.memory_space<semaphore_mem>>)
    %dma_wait3A_468 = arith.constant 0 : i32
    %dma_wait3A_469 = arith.constant 0 : i32
    %dma_wait3A_470 = arith.constant 0 : i32
    %dma_wait3A_471 = arith.constant 0 : i32
    %dma_wait3A_472 = arith.constant 0 : i32
    %dma_wait3A_473 = tpu.memref_slice %arg6[%dma_wait3A_470, %dma_wait3A_471, %dma_wait3A_472] : memref<2x1024x32xf32, #tpu.memory_space<vmem>> -> memref<1x1024x32xf32, #tpu.memory_space<vmem>>
    %dma_wait3A_474 = tpu.memref_squeeze %dma_wait3A_473 : memref<1x1024x32xf32, #tpu.memory_space<vmem>> -> memref<1024x32xf32, #tpu.memory_space<vmem>>
    %dma_wait3A_475 = arith.constant 0 : i32
    %dma_wait3A_476 = arith.constant 0 : i32
    %dma_wait3A_477 = tpu.memref_slice %arg4[%dma_wait3A_468, %dma_wait3A_469, %dma_wait3A_475, %dma_wait3A_476] : memref<32x13x1024x32xf32, #tpu.memory_space<hbm>> -> memref<1x1x1024x32xf32, #tpu.memory_space<hbm>>
    %dma_wait3A_478 = tpu.memref_squeeze %dma_wait3A_477 : memref<1x1x1024x32xf32, #tpu.memory_space<hbm>> -> memref<1024x32xf32, #tpu.memory_space<hbm>>
    %dma_wait3A_479 = arith.constant 0 : i32
    %dma_wait3A_480 = arith.constant 0 : i32
    %dma_wait3A_481 = tpu.memref_slice %arg6[%dma_wait3A_470, %dma_wait3A_479, %dma_wait3A_480] : memref<2x1024x32xf32, #tpu.memory_space<vmem>> -> memref<1x1024x32xf32, #tpu.memory_space<vmem>>
    %dma_wait3A_482 = tpu.memref_squeeze %dma_wait3A_481 : memref<1x1024x32xf32, #tpu.memory_space<vmem>> -> memref<1024x32xf32, #tpu.memory_space<vmem>>
    %dma_wait3A_483 = arith.constant 0 : i32
    %dma_wait3A_484 = arith.constant 0 : i32
    %dma_wait3A_485 = tpu.memref_slice %arg4[%dma_wait3A_468, %dma_wait3A_469, %dma_wait3A_483, %dma_wait3A_484] : memref<32x13x1024x32xf32, #tpu.memory_space<hbm>> -> memref<1x1x1024x32xf32, #tpu.memory_space<hbm>>
    %dma_wait3A_486 = tpu.memref_squeeze %dma_wait3A_485 : memref<1x1x1024x32xf32, #tpu.memory_space<hbm>> -> memref<1024x32xf32, #tpu.memory_space<hbm>>
    tpu.wait_dma2 semaphore(%arg9 : memref<!tpu.dma_semaphore, #tpu.memory_space<semaphore_mem>>) src(%dma_wait3A_486 : memref<1024x32xf32, #tpu.memory_space<hbm>>) dst(%dma_wait3A_482 : memref<1024x32xf32, #tpu.memory_space<vmem>>)
    %dma_start3A_487 = arith.constant 0 : i32
    %dma_start3A_488 = arith.constant 0 : i32
    %dma_start3A_489 = arith.constant 0 : i32
    %dma_start3A_490 = tpu.memref_slice %arg6[%dma_start3A_487, %dma_start3A_488, %dma_start3A_489] : memref<2x1024x32xf32, #tpu.memory_space<vmem>> -> memref<1x128x32xf32, #tpu.memory_space<vmem>>
    %dma_start3A_491 = tpu.memref_squeeze %dma_start3A_490 : memref<1x128x32xf32, #tpu.memory_space<vmem>> -> memref<128x32xf32, #tpu.memory_space<vmem>>
    %dma_start3A_492 = arith.constant 4096 : i32
    %dma_start3A_493 = tpu.memref_slice %arg5[%dma_start3A_492] : memref<13312xi32, #tpu.memory_space<vmem>> -> memref<128xi32, #tpu.memory_space<vmem>>
    %dma_start3A_494 = arith.constant 0 : i32
    %dma_start3A_495 = arith.constant 0 : i32
    %dma_start3A_496 = tpu.memref_slice %arg2[%dma_start3A_494, %dma_start3A_495] : memref<1000000x32xf32, #tpu.memory_space<hbm>> -> memref<1000000x32xf32, #tpu.memory_space<hbm>>
    tpu.enqueue_indirect_dma source(%dma_start3A_496 : memref<1000000x32xf32, #tpu.memory_space<hbm>>) target(%dma_start3A_491 : memref<128x32xf32, #tpu.memory_space<vmem>>) offsets(%dma_start3A_493 : memref<128xi32, #tpu.memory_space<vmem>>) semaphore(%arg7 : memref<!tpu.dma_semaphore, #tpu.memory_space<semaphore_mem>>)
    %dma_start3A_497 = arith.constant 0 : i32
    %dma_start3A_498 = arith.constant 128 : i32
    %dma_start3A_499 = arith.constant 0 : i32
    %dma_start3A_500 = tpu.memref_slice %arg6[%dma_start3A_497, %dma_start3A_498, %dma_start3A_499] : memref<2x1024x32xf32, #tpu.memory_space<vmem>> -> memref<1x128x32xf32, #tpu.memory_space<vmem>>
    %dma_start3A_501 = tpu.memref_squeeze %dma_start3A_500 : memref<1x128x32xf32, #tpu.memory_space<vmem>> -> memref<128x32xf32, #tpu.memory_space<vmem>>
    %dma_start3A_502 = arith.constant 4224 : i32
    %dma_start3A_503 = tpu.memref_slice %arg5[%dma_start3A_502] : memref<13312xi32, #tpu.memory_space<vmem>> -> memref<128xi32, #tpu.memory_space<vmem>>
    %dma_start3A_504 = arith.constant 0 : i32
    %dma_start3A_505 = arith.constant 0 : i32
    %dma_start3A_506 = tpu.memref_slice %arg2[%dma_start3A_504, %dma_start3A_505] : memref<1000000x32xf32, #tpu.memory_space<hbm>> -> memref<1000000x32xf32, #tpu.memory_space<hbm>>
    tpu.enqueue_indirect_dma source(%dma_start3A_506 : memref<1000000x32xf32, #tpu.memory_space<hbm>>) target(%dma_start3A_501 : memref<128x32xf32, #tpu.memory_space<vmem>>) offsets(%dma_start3A_503 : memref<128xi32, #tpu.memory_space<vmem>>) semaphore(%arg7 : memref<!tpu.dma_semaphore, #tpu.memory_space<semaphore_mem>>)
    %dma_start3A_507 = arith.constant 0 : i32
    %dma_start3A_508 = arith.constant 256 : i32
    %dma_start3A_509 = arith.constant 0 : i32
    %dma_start3A_510 = tpu.memref_slice %arg6[%dma_start3A_507, %dma_start3A_508, %dma_start3A_509] : memref<2x1024x32xf32, #tpu.memory_space<vmem>> -> memref<1x128x32xf32, #tpu.memory_space<vmem>>
    %dma_start3A_511 = tpu.memref_squeeze %dma_start3A_510 : memref<1x128x32xf32, #tpu.memory_space<vmem>> -> memref<128x32xf32, #tpu.memory_space<vmem>>
    %dma_start3A_512 = arith.constant 4352 : i32
    %dma_start3A_513 = tpu.memref_slice %arg5[%dma_start3A_512] : memref<13312xi32, #tpu.memory_space<vmem>> -> memref<128xi32, #tpu.memory_space<vmem>>
    %dma_start3A_514 = arith.constant 0 : i32
    %dma_start3A_515 = arith.constant 0 : i32
    %dma_start3A_516 = tpu.memref_slice %arg2[%dma_start3A_514, %dma_start3A_515] : memref<1000000x32xf32, #tpu.memory_space<hbm>> -> memref<1000000x32xf32, #tpu.memory_space<hbm>>
    tpu.enqueue_indirect_dma source(%dma_start3A_516 : memref<1000000x32xf32, #tpu.memory_space<hbm>>) target(%dma_start3A_511 : memref<128x32xf32, #tpu.memory_space<vmem>>) offsets(%dma_start3A_513 : memref<128xi32, #tpu.memory_space<vmem>>) semaphore(%arg7 : memref<!tpu.dma_semaphore, #tpu.memory_space<semaphore_mem>>)
    %dma_start3A_517 = arith.constant 0 : i32
    %dma_start3A_518 = arith.constant 384 : i32
    %dma_start3A_519 = arith.constant 0 : i32
    %dma_start3A_520 = tpu.memref_slice %arg6[%dma_start3A_517, %dma_start3A_518, %dma_start3A_519] : memref<2x1024x32xf32, #tpu.memory_space<vmem>> -> memref<1x128x32xf32, #tpu.memory_space<vmem>>
    %dma_start3A_521 = tpu.memref_squeeze %dma_start3A_520 : memref<1x128x32xf32, #tpu.memory_space<vmem>> -> memref<128x32xf32, #tpu.memory_space<vmem>>
    %dma_start3A_522 = arith.constant 4480 : i32
    %dma_start3A_523 = tpu.memref_slice %arg5[%dma_start3A_522] : memref<13312xi32, #tpu.memory_space<vmem>> -> memref<128xi32, #tpu.memory_space<vmem>>
    %dma_start3A_524 = arith.constant 0 : i32
    %dma_start3A_525 = arith.constant 0 : i32
    %dma_start3A_526 = tpu.memref_slice %arg2[%dma_start3A_524, %dma_start3A_525] : memref<1000000x32xf32, #tpu.memory_space<hbm>> -> memref<1000000x32xf32, #tpu.memory_space<hbm>>
    tpu.enqueue_indirect_dma source(%dma_start3A_526 : memref<1000000x32xf32, #tpu.memory_space<hbm>>) target(%dma_start3A_521 : memref<128x32xf32, #tpu.memory_space<vmem>>) offsets(%dma_start3A_523 : memref<128xi32, #tpu.memory_space<vmem>>) semaphore(%arg7 : memref<!tpu.dma_semaphore, #tpu.memory_space<semaphore_mem>>)
    %dma_start3A_527 = arith.constant 0 : i32
    %dma_start3A_528 = arith.constant 512 : i32
    %dma_start3A_529 = arith.constant 0 : i32
    %dma_start3A_530 = tpu.memref_slice %arg6[%dma_start3A_527, %dma_start3A_528, %dma_start3A_529] : memref<2x1024x32xf32, #tpu.memory_space<vmem>> -> memref<1x128x32xf32, #tpu.memory_space<vmem>>
    %dma_start3A_531 = tpu.memref_squeeze %dma_start3A_530 : memref<1x128x32xf32, #tpu.memory_space<vmem>> -> memref<128x32xf32, #tpu.memory_space<vmem>>
    %dma_start3A_532 = arith.constant 4608 : i32
    %dma_start3A_533 = tpu.memref_slice %arg5[%dma_start3A_532] : memref<13312xi32, #tpu.memory_space<vmem>> -> memref<128xi32, #tpu.memory_space<vmem>>
    %dma_start3A_534 = arith.constant 0 : i32
    %dma_start3A_535 = arith.constant 0 : i32
    %dma_start3A_536 = tpu.memref_slice %arg2[%dma_start3A_534, %dma_start3A_535] : memref<1000000x32xf32, #tpu.memory_space<hbm>> -> memref<1000000x32xf32, #tpu.memory_space<hbm>>
    tpu.enqueue_indirect_dma source(%dma_start3A_536 : memref<1000000x32xf32, #tpu.memory_space<hbm>>) target(%dma_start3A_531 : memref<128x32xf32, #tpu.memory_space<vmem>>) offsets(%dma_start3A_533 : memref<128xi32, #tpu.memory_space<vmem>>) semaphore(%arg7 : memref<!tpu.dma_semaphore, #tpu.memory_space<semaphore_mem>>)
    %dma_start3A_537 = arith.constant 0 : i32
    %dma_start3A_538 = arith.constant 640 : i32
    %dma_start3A_539 = arith.constant 0 : i32
    %dma_start3A_540 = tpu.memref_slice %arg6[%dma_start3A_537, %dma_start3A_538, %dma_start3A_539] : memref<2x1024x32xf32, #tpu.memory_space<vmem>> -> memref<1x128x32xf32, #tpu.memory_space<vmem>>
    %dma_start3A_541 = tpu.memref_squeeze %dma_start3A_540 : memref<1x128x32xf32, #tpu.memory_space<vmem>> -> memref<128x32xf32, #tpu.memory_space<vmem>>
    %dma_start3A_542 = arith.constant 4736 : i32
    %dma_start3A_543 = tpu.memref_slice %arg5[%dma_start3A_542] : memref<13312xi32, #tpu.memory_space<vmem>> -> memref<128xi32, #tpu.memory_space<vmem>>
    %dma_start3A_544 = arith.constant 0 : i32
    %dma_start3A_545 = arith.constant 0 : i32
    %dma_start3A_546 = tpu.memref_slice %arg2[%dma_start3A_544, %dma_start3A_545] : memref<1000000x32xf32, #tpu.memory_space<hbm>> -> memref<1000000x32xf32, #tpu.memory_space<hbm>>
    tpu.enqueue_indirect_dma source(%dma_start3A_546 : memref<1000000x32xf32, #tpu.memory_space<hbm>>) target(%dma_start3A_541 : memref<128x32xf32, #tpu.memory_space<vmem>>) offsets(%dma_start3A_543 : memref<128xi32, #tpu.memory_space<vmem>>) semaphore(%arg7 : memref<!tpu.dma_semaphore, #tpu.memory_space<semaphore_mem>>)
    %dma_start3A_547 = arith.constant 0 : i32
    %dma_start3A_548 = arith.constant 768 : i32
    %dma_start3A_549 = arith.constant 0 : i32
    %dma_start3A_550 = tpu.memref_slice %arg6[%dma_start3A_547, %dma_start3A_548, %dma_start3A_549] : memref<2x1024x32xf32, #tpu.memory_space<vmem>> -> memref<1x128x32xf32, #tpu.memory_space<vmem>>
    %dma_start3A_551 = tpu.memref_squeeze %dma_start3A_550 : memref<1x128x32xf32, #tpu.memory_space<vmem>> -> memref<128x32xf32, #tpu.memory_space<vmem>>
    %dma_start3A_552 = arith.constant 4864 : i32
    %dma_start3A_553 = tpu.memref_slice %arg5[%dma_start3A_552] : memref<13312xi32, #tpu.memory_space<vmem>> -> memref<128xi32, #tpu.memory_space<vmem>>
    %dma_start3A_554 = arith.constant 0 : i32
    %dma_start3A_555 = arith.constant 0 : i32
    %dma_start3A_556 = tpu.memref_slice %arg2[%dma_start3A_554, %dma_start3A_555] : memref<1000000x32xf32, #tpu.memory_space<hbm>> -> memref<1000000x32xf32, #tpu.memory_space<hbm>>
    tpu.enqueue_indirect_dma source(%dma_start3A_556 : memref<1000000x32xf32, #tpu.memory_space<hbm>>) target(%dma_start3A_551 : memref<128x32xf32, #tpu.memory_space<vmem>>) offsets(%dma_start3A_553 : memref<128xi32, #tpu.memory_space<vmem>>) semaphore(%arg7 : memref<!tpu.dma_semaphore, #tpu.memory_space<semaphore_mem>>)
    %dma_start3A_557 = arith.constant 0 : i32
    %dma_start3A_558 = arith.constant 896 : i32
    %dma_start3A_559 = arith.constant 0 : i32
    %dma_start3A_560 = tpu.memref_slice %arg6[%dma_start3A_557, %dma_start3A_558, %dma_start3A_559] : memref<2x1024x32xf32, #tpu.memory_space<vmem>> -> memref<1x128x32xf32, #tpu.memory_space<vmem>>
    %dma_start3A_561 = tpu.memref_squeeze %dma_start3A_560 : memref<1x128x32xf32, #tpu.memory_space<vmem>> -> memref<128x32xf32, #tpu.memory_space<vmem>>
    %dma_start3A_562 = arith.constant 4992 : i32
    %dma_start3A_563 = tpu.memref_slice %arg5[%dma_start3A_562] : memref<13312xi32, #tpu.memory_space<vmem>> -> memref<128xi32, #tpu.memory_space<vmem>>
    %dma_start3A_564 = arith.constant 0 : i32
    %dma_start3A_565 = arith.constant 0 : i32
    %dma_start3A_566 = tpu.memref_slice %arg2[%dma_start3A_564, %dma_start3A_565] : memref<1000000x32xf32, #tpu.memory_space<hbm>> -> memref<1000000x32xf32, #tpu.memory_space<hbm>>
    tpu.enqueue_indirect_dma source(%dma_start3A_566 : memref<1000000x32xf32, #tpu.memory_space<hbm>>) target(%dma_start3A_561 : memref<128x32xf32, #tpu.memory_space<vmem>>) offsets(%dma_start3A_563 : memref<128xi32, #tpu.memory_space<vmem>>) semaphore(%arg7 : memref<!tpu.dma_semaphore, #tpu.memory_space<semaphore_mem>>)
    %dma_wait3A_567 = arith.constant 0 : i32
    %dma_wait3A_568 = arith.constant 0 : i32
    %dma_wait3A_569 = arith.constant 1 : i32
    %dma_wait3A_570 = arith.constant 0 : i32
    %dma_wait3A_571 = arith.constant 0 : i32
    %dma_wait3A_572 = tpu.memref_slice %arg6[%dma_wait3A_569, %dma_wait3A_570, %dma_wait3A_571] : memref<2x1024x32xf32, #tpu.memory_space<vmem>> -> memref<1x1024x32xf32, #tpu.memory_space<vmem>>
    %dma_wait3A_573 = tpu.memref_squeeze %dma_wait3A_572 : memref<1x1024x32xf32, #tpu.memory_space<vmem>> -> memref<1024x32xf32, #tpu.memory_space<vmem>>
    %dma_wait3A_574 = arith.constant 0 : i32
    %dma_wait3A_575 = arith.constant 0 : i32
    %dma_wait3A_576 = tpu.memref_slice %arg4[%dma_wait3A_567, %dma_wait3A_568, %dma_wait3A_574, %dma_wait3A_575] : memref<32x13x1024x32xf32, #tpu.memory_space<hbm>> -> memref<1x1x1024x32xf32, #tpu.memory_space<hbm>>
    %dma_wait3A_577 = tpu.memref_squeeze %dma_wait3A_576 : memref<1x1x1024x32xf32, #tpu.memory_space<hbm>> -> memref<1024x32xf32, #tpu.memory_space<hbm>>
    %dma_wait3A_578 = arith.constant 0 : i32
    %dma_wait3A_579 = arith.constant 0 : i32
    %dma_wait3A_580 = tpu.memref_slice %arg6[%dma_wait3A_569, %dma_wait3A_578, %dma_wait3A_579] : memref<2x1024x32xf32, #tpu.memory_space<vmem>> -> memref<1x1024x32xf32, #tpu.memory_space<vmem>>
    %dma_wait3A_581 = tpu.memref_squeeze %dma_wait3A_580 : memref<1x1024x32xf32, #tpu.memory_space<vmem>> -> memref<1024x32xf32, #tpu.memory_space<vmem>>
    %dma_wait3A_582 = arith.constant 0 : i32
    %dma_wait3A_583 = arith.constant 0 : i32
    %dma_wait3A_584 = tpu.memref_slice %arg4[%dma_wait3A_567, %dma_wait3A_568, %dma_wait3A_582, %dma_wait3A_583] : memref<32x13x1024x32xf32, #tpu.memory_space<hbm>> -> memref<1x1x1024x32xf32, #tpu.memory_space<hbm>>
    %dma_wait3A_585 = tpu.memref_squeeze %dma_wait3A_584 : memref<1x1x1024x32xf32, #tpu.memory_space<hbm>> -> memref<1024x32xf32, #tpu.memory_space<hbm>>
    tpu.wait_dma2 semaphore(%arg8 : memref<!tpu.dma_semaphore, #tpu.memory_space<semaphore_mem>>) src(%dma_wait3A_585 : memref<1024x32xf32, #tpu.memory_space<hbm>>) dst(%dma_wait3A_581 : memref<1024x32xf32, #tpu.memory_space<vmem>>)
    %dma_start3A_586 = arith.constant 1 : i32
    %dma_start3A_587 = arith.constant 3 : i32
    %dma_start3A_588 = arith.constant 0 : i32
    %dma_start3A_589 = arith.constant 0 : i32
    %dma_start3A_590 = tpu.memref_slice %arg6[%dma_start3A_586, %dma_start3A_588, %dma_start3A_589] : memref<2x1024x32xf32, #tpu.memory_space<vmem>> -> memref<1x1024x32xf32, #tpu.memory_space<vmem>>
    %dma_start3A_591 = tpu.memref_squeeze %dma_start3A_590 : memref<1x1024x32xf32, #tpu.memory_space<vmem>> -> memref<1024x32xf32, #tpu.memory_space<vmem>>
    %dma_start3A_592 = arith.constant 0 : i32
    %dma_start3A_593 = arith.constant 0 : i32
    %dma_start3A_594 = tpu.memref_slice %arg4[%add3A, %dma_start3A_587, %dma_start3A_592, %dma_start3A_593] : memref<32x13x1024x32xf32, #tpu.memory_space<hbm>> -> memref<1x1x1024x32xf32, #tpu.memory_space<hbm>>
    %dma_start3A_595 = tpu.memref_squeeze %dma_start3A_594 : memref<1x1x1024x32xf32, #tpu.memory_space<hbm>> -> memref<1024x32xf32, #tpu.memory_space<hbm>>
    %dma_start3A_596 = arith.constant 0 : i32
    %dma_start3A_597 = arith.constant 0 : i32
    %dma_start3A_598 = tpu.memref_slice %arg4[%add3A, %dma_start3A_587, %dma_start3A_596, %dma_start3A_597] : memref<32x13x1024x32xf32, #tpu.memory_space<hbm>> -> memref<1x1x1024x32xf32, #tpu.memory_space<hbm>>
    %dma_start3A_599 = tpu.memref_squeeze %dma_start3A_598 : memref<1x1x1024x32xf32, #tpu.memory_space<hbm>> -> memref<1024x32xf32, #tpu.memory_space<hbm>>
    %dma_start3A_600 = arith.constant 0 : i32
    %dma_start3A_601 = arith.constant 0 : i32
    %dma_start3A_602 = tpu.memref_slice %arg6[%dma_start3A_586, %dma_start3A_600, %dma_start3A_601] : memref<2x1024x32xf32, #tpu.memory_space<vmem>> -> memref<1x1024x32xf32, #tpu.memory_space<vmem>>
    %dma_start3A_603 = tpu.memref_squeeze %dma_start3A_602 : memref<1x1024x32xf32, #tpu.memory_space<vmem>> -> memref<1024x32xf32, #tpu.memory_space<vmem>>
    tpu.enqueue_dma source(%dma_start3A_603 : memref<1024x32xf32, #tpu.memory_space<vmem>>) target(%dma_start3A_599 : memref<1024x32xf32, #tpu.memory_space<hbm>>) target_semaphore(%arg9 : memref<!tpu.dma_semaphore, #tpu.memory_space<semaphore_mem>>)
    %dma_wait3A_604 = arith.constant 0 : i32
    %dma_wait3A_605 = arith.constant 0 : i32
    %dma_wait3A_606 = arith.constant 1 : i32
    %dma_wait3A_607 = arith.constant 0 : i32
    %dma_wait3A_608 = arith.constant 0 : i32
    %dma_wait3A_609 = tpu.memref_slice %arg6[%dma_wait3A_606, %dma_wait3A_607, %dma_wait3A_608] : memref<2x1024x32xf32, #tpu.memory_space<vmem>> -> memref<1x1024x32xf32, #tpu.memory_space<vmem>>
    %dma_wait3A_610 = tpu.memref_squeeze %dma_wait3A_609 : memref<1x1024x32xf32, #tpu.memory_space<vmem>> -> memref<1024x32xf32, #tpu.memory_space<vmem>>
    %dma_wait3A_611 = arith.constant 0 : i32
    %dma_wait3A_612 = arith.constant 0 : i32
    %dma_wait3A_613 = tpu.memref_slice %arg4[%dma_wait3A_604, %dma_wait3A_605, %dma_wait3A_611, %dma_wait3A_612] : memref<32x13x1024x32xf32, #tpu.memory_space<hbm>> -> memref<1x1x1024x32xf32, #tpu.memory_space<hbm>>
    %dma_wait3A_614 = tpu.memref_squeeze %dma_wait3A_613 : memref<1x1x1024x32xf32, #tpu.memory_space<hbm>> -> memref<1024x32xf32, #tpu.memory_space<hbm>>
    %dma_wait3A_615 = arith.constant 0 : i32
    %dma_wait3A_616 = arith.constant 0 : i32
    %dma_wait3A_617 = tpu.memref_slice %arg6[%dma_wait3A_606, %dma_wait3A_615, %dma_wait3A_616] : memref<2x1024x32xf32, #tpu.memory_space<vmem>> -> memref<1x1024x32xf32, #tpu.memory_space<vmem>>
    %dma_wait3A_618 = tpu.memref_squeeze %dma_wait3A_617 : memref<1x1024x32xf32, #tpu.memory_space<vmem>> -> memref<1024x32xf32, #tpu.memory_space<vmem>>
    %dma_wait3A_619 = arith.constant 0 : i32
    %dma_wait3A_620 = arith.constant 0 : i32
    %dma_wait3A_621 = tpu.memref_slice %arg4[%dma_wait3A_604, %dma_wait3A_605, %dma_wait3A_619, %dma_wait3A_620] : memref<32x13x1024x32xf32, #tpu.memory_space<hbm>> -> memref<1x1x1024x32xf32, #tpu.memory_space<hbm>>
    %dma_wait3A_622 = tpu.memref_squeeze %dma_wait3A_621 : memref<1x1x1024x32xf32, #tpu.memory_space<hbm>> -> memref<1024x32xf32, #tpu.memory_space<hbm>>
    tpu.wait_dma2 semaphore(%arg9 : memref<!tpu.dma_semaphore, #tpu.memory_space<semaphore_mem>>) src(%dma_wait3A_622 : memref<1024x32xf32, #tpu.memory_space<hbm>>) dst(%dma_wait3A_618 : memref<1024x32xf32, #tpu.memory_space<vmem>>)
    %dma_start3A_623 = arith.constant 1 : i32
    %dma_start3A_624 = arith.constant 0 : i32
    %dma_start3A_625 = arith.constant 0 : i32
    %dma_start3A_626 = tpu.memref_slice %arg6[%dma_start3A_623, %dma_start3A_624, %dma_start3A_625] : memref<2x1024x32xf32, #tpu.memory_space<vmem>> -> memref<1x128x32xf32, #tpu.memory_space<vmem>>
    %dma_start3A_627 = tpu.memref_squeeze %dma_start3A_626 : memref<1x128x32xf32, #tpu.memory_space<vmem>> -> memref<128x32xf32, #tpu.memory_space<vmem>>
    %dma_start3A_628 = arith.constant 5120 : i32
    %dma_start3A_629 = tpu.memref_slice %arg5[%dma_start3A_628] : memref<13312xi32, #tpu.memory_space<vmem>> -> memref<128xi32, #tpu.memory_space<vmem>>
    %dma_start3A_630 = arith.constant 0 : i32
    %dma_start3A_631 = arith.constant 0 : i32
    %dma_start3A_632 = tpu.memref_slice %arg2[%dma_start3A_630, %dma_start3A_631] : memref<1000000x32xf32, #tpu.memory_space<hbm>> -> memref<1000000x32xf32, #tpu.memory_space<hbm>>
    tpu.enqueue_indirect_dma source(%dma_start3A_632 : memref<1000000x32xf32, #tpu.memory_space<hbm>>) target(%dma_start3A_627 : memref<128x32xf32, #tpu.memory_space<vmem>>) offsets(%dma_start3A_629 : memref<128xi32, #tpu.memory_space<vmem>>) semaphore(%arg8 : memref<!tpu.dma_semaphore, #tpu.memory_space<semaphore_mem>>)
    %dma_start3A_633 = arith.constant 1 : i32
    %dma_start3A_634 = arith.constant 128 : i32
    %dma_start3A_635 = arith.constant 0 : i32
    %dma_start3A_636 = tpu.memref_slice %arg6[%dma_start3A_633, %dma_start3A_634, %dma_start3A_635] : memref<2x1024x32xf32, #tpu.memory_space<vmem>> -> memref<1x128x32xf32, #tpu.memory_space<vmem>>
    %dma_start3A_637 = tpu.memref_squeeze %dma_start3A_636 : memref<1x128x32xf32, #tpu.memory_space<vmem>> -> memref<128x32xf32, #tpu.memory_space<vmem>>
    %dma_start3A_638 = arith.constant 5248 : i32
    %dma_start3A_639 = tpu.memref_slice %arg5[%dma_start3A_638] : memref<13312xi32, #tpu.memory_space<vmem>> -> memref<128xi32, #tpu.memory_space<vmem>>
    %dma_start3A_640 = arith.constant 0 : i32
    %dma_start3A_641 = arith.constant 0 : i32
    %dma_start3A_642 = tpu.memref_slice %arg2[%dma_start3A_640, %dma_start3A_641] : memref<1000000x32xf32, #tpu.memory_space<hbm>> -> memref<1000000x32xf32, #tpu.memory_space<hbm>>
    tpu.enqueue_indirect_dma source(%dma_start3A_642 : memref<1000000x32xf32, #tpu.memory_space<hbm>>) target(%dma_start3A_637 : memref<128x32xf32, #tpu.memory_space<vmem>>) offsets(%dma_start3A_639 : memref<128xi32, #tpu.memory_space<vmem>>) semaphore(%arg8 : memref<!tpu.dma_semaphore, #tpu.memory_space<semaphore_mem>>)
    %dma_start3A_643 = arith.constant 1 : i32
    %dma_start3A_644 = arith.constant 256 : i32
    %dma_start3A_645 = arith.constant 0 : i32
    %dma_start3A_646 = tpu.memref_slice %arg6[%dma_start3A_643, %dma_start3A_644, %dma_start3A_645] : memref<2x1024x32xf32, #tpu.memory_space<vmem>> -> memref<1x128x32xf32, #tpu.memory_space<vmem>>
    %dma_start3A_647 = tpu.memref_squeeze %dma_start3A_646 : memref<1x128x32xf32, #tpu.memory_space<vmem>> -> memref<128x32xf32, #tpu.memory_space<vmem>>
    %dma_start3A_648 = arith.constant 5376 : i32
    %dma_start3A_649 = tpu.memref_slice %arg5[%dma_start3A_648] : memref<13312xi32, #tpu.memory_space<vmem>> -> memref<128xi32, #tpu.memory_space<vmem>>
    %dma_start3A_650 = arith.constant 0 : i32
    %dma_start3A_651 = arith.constant 0 : i32
    %dma_start3A_652 = tpu.memref_slice %arg2[%dma_start3A_650, %dma_start3A_651] : memref<1000000x32xf32, #tpu.memory_space<hbm>> -> memref<1000000x32xf32, #tpu.memory_space<hbm>>
    tpu.enqueue_indirect_dma source(%dma_start3A_652 : memref<1000000x32xf32, #tpu.memory_space<hbm>>) target(%dma_start3A_647 : memref<128x32xf32, #tpu.memory_space<vmem>>) offsets(%dma_start3A_649 : memref<128xi32, #tpu.memory_space<vmem>>) semaphore(%arg8 : memref<!tpu.dma_semaphore, #tpu.memory_space<semaphore_mem>>)
    %dma_start3A_653 = arith.constant 1 : i32
    %dma_start3A_654 = arith.constant 384 : i32
    %dma_start3A_655 = arith.constant 0 : i32
    %dma_start3A_656 = tpu.memref_slice %arg6[%dma_start3A_653, %dma_start3A_654, %dma_start3A_655] : memref<2x1024x32xf32, #tpu.memory_space<vmem>> -> memref<1x128x32xf32, #tpu.memory_space<vmem>>
    %dma_start3A_657 = tpu.memref_squeeze %dma_start3A_656 : memref<1x128x32xf32, #tpu.memory_space<vmem>> -> memref<128x32xf32, #tpu.memory_space<vmem>>
    %dma_start3A_658 = arith.constant 5504 : i32
    %dma_start3A_659 = tpu.memref_slice %arg5[%dma_start3A_658] : memref<13312xi32, #tpu.memory_space<vmem>> -> memref<128xi32, #tpu.memory_space<vmem>>
    %dma_start3A_660 = arith.constant 0 : i32
    %dma_start3A_661 = arith.constant 0 : i32
    %dma_start3A_662 = tpu.memref_slice %arg2[%dma_start3A_660, %dma_start3A_661] : memref<1000000x32xf32, #tpu.memory_space<hbm>> -> memref<1000000x32xf32, #tpu.memory_space<hbm>>
    tpu.enqueue_indirect_dma source(%dma_start3A_662 : memref<1000000x32xf32, #tpu.memory_space<hbm>>) target(%dma_start3A_657 : memref<128x32xf32, #tpu.memory_space<vmem>>) offsets(%dma_start3A_659 : memref<128xi32, #tpu.memory_space<vmem>>) semaphore(%arg8 : memref<!tpu.dma_semaphore, #tpu.memory_space<semaphore_mem>>)
    %dma_start3A_663 = arith.constant 1 : i32
    %dma_start3A_664 = arith.constant 512 : i32
    %dma_start3A_665 = arith.constant 0 : i32
    %dma_start3A_666 = tpu.memref_slice %arg6[%dma_start3A_663, %dma_start3A_664, %dma_start3A_665] : memref<2x1024x32xf32, #tpu.memory_space<vmem>> -> memref<1x128x32xf32, #tpu.memory_space<vmem>>
    %dma_start3A_667 = tpu.memref_squeeze %dma_start3A_666 : memref<1x128x32xf32, #tpu.memory_space<vmem>> -> memref<128x32xf32, #tpu.memory_space<vmem>>
    %dma_start3A_668 = arith.constant 5632 : i32
    %dma_start3A_669 = tpu.memref_slice %arg5[%dma_start3A_668] : memref<13312xi32, #tpu.memory_space<vmem>> -> memref<128xi32, #tpu.memory_space<vmem>>
    %dma_start3A_670 = arith.constant 0 : i32
    %dma_start3A_671 = arith.constant 0 : i32
    %dma_start3A_672 = tpu.memref_slice %arg2[%dma_start3A_670, %dma_start3A_671] : memref<1000000x32xf32, #tpu.memory_space<hbm>> -> memref<1000000x32xf32, #tpu.memory_space<hbm>>
    tpu.enqueue_indirect_dma source(%dma_start3A_672 : memref<1000000x32xf32, #tpu.memory_space<hbm>>) target(%dma_start3A_667 : memref<128x32xf32, #tpu.memory_space<vmem>>) offsets(%dma_start3A_669 : memref<128xi32, #tpu.memory_space<vmem>>) semaphore(%arg8 : memref<!tpu.dma_semaphore, #tpu.memory_space<semaphore_mem>>)
    %dma_start3A_673 = arith.constant 1 : i32
    %dma_start3A_674 = arith.constant 640 : i32
    %dma_start3A_675 = arith.constant 0 : i32
    %dma_start3A_676 = tpu.memref_slice %arg6[%dma_start3A_673, %dma_start3A_674, %dma_start3A_675] : memref<2x1024x32xf32, #tpu.memory_space<vmem>> -> memref<1x128x32xf32, #tpu.memory_space<vmem>>
    %dma_start3A_677 = tpu.memref_squeeze %dma_start3A_676 : memref<1x128x32xf32, #tpu.memory_space<vmem>> -> memref<128x32xf32, #tpu.memory_space<vmem>>
    %dma_start3A_678 = arith.constant 5760 : i32
    %dma_start3A_679 = tpu.memref_slice %arg5[%dma_start3A_678] : memref<13312xi32, #tpu.memory_space<vmem>> -> memref<128xi32, #tpu.memory_space<vmem>>
    %dma_start3A_680 = arith.constant 0 : i32
    %dma_start3A_681 = arith.constant 0 : i32
    %dma_start3A_682 = tpu.memref_slice %arg2[%dma_start3A_680, %dma_start3A_681] : memref<1000000x32xf32, #tpu.memory_space<hbm>> -> memref<1000000x32xf32, #tpu.memory_space<hbm>>
    tpu.enqueue_indirect_dma source(%dma_start3A_682 : memref<1000000x32xf32, #tpu.memory_space<hbm>>) target(%dma_start3A_677 : memref<128x32xf32, #tpu.memory_space<vmem>>) offsets(%dma_start3A_679 : memref<128xi32, #tpu.memory_space<vmem>>) semaphore(%arg8 : memref<!tpu.dma_semaphore, #tpu.memory_space<semaphore_mem>>)
    %dma_start3A_683 = arith.constant 1 : i32
    %dma_start3A_684 = arith.constant 768 : i32
    %dma_start3A_685 = arith.constant 0 : i32
    %dma_start3A_686 = tpu.memref_slice %arg6[%dma_start3A_683, %dma_start3A_684, %dma_start3A_685] : memref<2x1024x32xf32, #tpu.memory_space<vmem>> -> memref<1x128x32xf32, #tpu.memory_space<vmem>>
    %dma_start3A_687 = tpu.memref_squeeze %dma_start3A_686 : memref<1x128x32xf32, #tpu.memory_space<vmem>> -> memref<128x32xf32, #tpu.memory_space<vmem>>
    %dma_start3A_688 = arith.constant 5888 : i32
    %dma_start3A_689 = tpu.memref_slice %arg5[%dma_start3A_688] : memref<13312xi32, #tpu.memory_space<vmem>> -> memref<128xi32, #tpu.memory_space<vmem>>
    %dma_start3A_690 = arith.constant 0 : i32
    %dma_start3A_691 = arith.constant 0 : i32
    %dma_start3A_692 = tpu.memref_slice %arg2[%dma_start3A_690, %dma_start3A_691] : memref<1000000x32xf32, #tpu.memory_space<hbm>> -> memref<1000000x32xf32, #tpu.memory_space<hbm>>
    tpu.enqueue_indirect_dma source(%dma_start3A_692 : memref<1000000x32xf32, #tpu.memory_space<hbm>>) target(%dma_start3A_687 : memref<128x32xf32, #tpu.memory_space<vmem>>) offsets(%dma_start3A_689 : memref<128xi32, #tpu.memory_space<vmem>>) semaphore(%arg8 : memref<!tpu.dma_semaphore, #tpu.memory_space<semaphore_mem>>)
    %dma_start3A_693 = arith.constant 1 : i32
    %dma_start3A_694 = arith.constant 896 : i32
    %dma_start3A_695 = arith.constant 0 : i32
    %dma_start3A_696 = tpu.memref_slice %arg6[%dma_start3A_693, %dma_start3A_694, %dma_start3A_695] : memref<2x1024x32xf32, #tpu.memory_space<vmem>> -> memref<1x128x32xf32, #tpu.memory_space<vmem>>
    %dma_start3A_697 = tpu.memref_squeeze %dma_start3A_696 : memref<1x128x32xf32, #tpu.memory_space<vmem>> -> memref<128x32xf32, #tpu.memory_space<vmem>>
    %dma_start3A_698 = arith.constant 6016 : i32
    %dma_start3A_699 = tpu.memref_slice %arg5[%dma_start3A_698] : memref<13312xi32, #tpu.memory_space<vmem>> -> memref<128xi32, #tpu.memory_space<vmem>>
    %dma_start3A_700 = arith.constant 0 : i32
    %dma_start3A_701 = arith.constant 0 : i32
    %dma_start3A_702 = tpu.memref_slice %arg2[%dma_start3A_700, %dma_start3A_701] : memref<1000000x32xf32, #tpu.memory_space<hbm>> -> memref<1000000x32xf32, #tpu.memory_space<hbm>>
    tpu.enqueue_indirect_dma source(%dma_start3A_702 : memref<1000000x32xf32, #tpu.memory_space<hbm>>) target(%dma_start3A_697 : memref<128x32xf32, #tpu.memory_space<vmem>>) offsets(%dma_start3A_699 : memref<128xi32, #tpu.memory_space<vmem>>) semaphore(%arg8 : memref<!tpu.dma_semaphore, #tpu.memory_space<semaphore_mem>>)
    %dma_wait3A_703 = arith.constant 0 : i32
    %dma_wait3A_704 = arith.constant 0 : i32
    %dma_wait3A_705 = arith.constant 0 : i32
    %dma_wait3A_706 = arith.constant 0 : i32
    %dma_wait3A_707 = arith.constant 0 : i32
    %dma_wait3A_708 = tpu.memref_slice %arg6[%dma_wait3A_705, %dma_wait3A_706, %dma_wait3A_707] : memref<2x1024x32xf32, #tpu.memory_space<vmem>> -> memref<1x1024x32xf32, #tpu.memory_space<vmem>>
    %dma_wait3A_709 = tpu.memref_squeeze %dma_wait3A_708 : memref<1x1024x32xf32, #tpu.memory_space<vmem>> -> memref<1024x32xf32, #tpu.memory_space<vmem>>
    %dma_wait3A_710 = arith.constant 0 : i32
    %dma_wait3A_711 = arith.constant 0 : i32
    %dma_wait3A_712 = tpu.memref_slice %arg4[%dma_wait3A_703, %dma_wait3A_704, %dma_wait3A_710, %dma_wait3A_711] : memref<32x13x1024x32xf32, #tpu.memory_space<hbm>> -> memref<1x1x1024x32xf32, #tpu.memory_space<hbm>>
    %dma_wait3A_713 = tpu.memref_squeeze %dma_wait3A_712 : memref<1x1x1024x32xf32, #tpu.memory_space<hbm>> -> memref<1024x32xf32, #tpu.memory_space<hbm>>
    %dma_wait3A_714 = arith.constant 0 : i32
    %dma_wait3A_715 = arith.constant 0 : i32
    %dma_wait3A_716 = tpu.memref_slice %arg6[%dma_wait3A_705, %dma_wait3A_714, %dma_wait3A_715] : memref<2x1024x32xf32, #tpu.memory_space<vmem>> -> memref<1x1024x32xf32, #tpu.memory_space<vmem>>
    %dma_wait3A_717 = tpu.memref_squeeze %dma_wait3A_716 : memref<1x1024x32xf32, #tpu.memory_space<vmem>> -> memref<1024x32xf32, #tpu.memory_space<vmem>>
    %dma_wait3A_718 = arith.constant 0 : i32
    %dma_wait3A_719 = arith.constant 0 : i32
    %dma_wait3A_720 = tpu.memref_slice %arg4[%dma_wait3A_703, %dma_wait3A_704, %dma_wait3A_718, %dma_wait3A_719] : memref<32x13x1024x32xf32, #tpu.memory_space<hbm>> -> memref<1x1x1024x32xf32, #tpu.memory_space<hbm>>
    %dma_wait3A_721 = tpu.memref_squeeze %dma_wait3A_720 : memref<1x1x1024x32xf32, #tpu.memory_space<hbm>> -> memref<1024x32xf32, #tpu.memory_space<hbm>>
    tpu.wait_dma2 semaphore(%arg7 : memref<!tpu.dma_semaphore, #tpu.memory_space<semaphore_mem>>) src(%dma_wait3A_721 : memref<1024x32xf32, #tpu.memory_space<hbm>>) dst(%dma_wait3A_717 : memref<1024x32xf32, #tpu.memory_space<vmem>>)
    %dma_start3A_722 = arith.constant 0 : i32
    %dma_start3A_723 = arith.constant 4 : i32
    %dma_start3A_724 = arith.constant 0 : i32
    %dma_start3A_725 = arith.constant 0 : i32
    %dma_start3A_726 = tpu.memref_slice %arg6[%dma_start3A_722, %dma_start3A_724, %dma_start3A_725] : memref<2x1024x32xf32, #tpu.memory_space<vmem>> -> memref<1x1024x32xf32, #tpu.memory_space<vmem>>
    %dma_start3A_727 = tpu.memref_squeeze %dma_start3A_726 : memref<1x1024x32xf32, #tpu.memory_space<vmem>> -> memref<1024x32xf32, #tpu.memory_space<vmem>>
    %dma_start3A_728 = arith.constant 0 : i32
    %dma_start3A_729 = arith.constant 0 : i32
    %dma_start3A_730 = tpu.memref_slice %arg4[%add3A, %dma_start3A_723, %dma_start3A_728, %dma_start3A_729] : memref<32x13x1024x32xf32, #tpu.memory_space<hbm>> -> memref<1x1x1024x32xf32, #tpu.memory_space<hbm>>
    %dma_start3A_731 = tpu.memref_squeeze %dma_start3A_730 : memref<1x1x1024x32xf32, #tpu.memory_space<hbm>> -> memref<1024x32xf32, #tpu.memory_space<hbm>>
    %dma_start3A_732 = arith.constant 0 : i32
    %dma_start3A_733 = arith.constant 0 : i32
    %dma_start3A_734 = tpu.memref_slice %arg4[%add3A, %dma_start3A_723, %dma_start3A_732, %dma_start3A_733] : memref<32x13x1024x32xf32, #tpu.memory_space<hbm>> -> memref<1x1x1024x32xf32, #tpu.memory_space<hbm>>
    %dma_start3A_735 = tpu.memref_squeeze %dma_start3A_734 : memref<1x1x1024x32xf32, #tpu.memory_space<hbm>> -> memref<1024x32xf32, #tpu.memory_space<hbm>>
    %dma_start3A_736 = arith.constant 0 : i32
    %dma_start3A_737 = arith.constant 0 : i32
    %dma_start3A_738 = tpu.memref_slice %arg6[%dma_start3A_722, %dma_start3A_736, %dma_start3A_737] : memref<2x1024x32xf32, #tpu.memory_space<vmem>> -> memref<1x1024x32xf32, #tpu.memory_space<vmem>>
    %dma_start3A_739 = tpu.memref_squeeze %dma_start3A_738 : memref<1x1024x32xf32, #tpu.memory_space<vmem>> -> memref<1024x32xf32, #tpu.memory_space<vmem>>
    tpu.enqueue_dma source(%dma_start3A_739 : memref<1024x32xf32, #tpu.memory_space<vmem>>) target(%dma_start3A_735 : memref<1024x32xf32, #tpu.memory_space<hbm>>) target_semaphore(%arg9 : memref<!tpu.dma_semaphore, #tpu.memory_space<semaphore_mem>>)
    %dma_wait3A_740 = arith.constant 0 : i32
    %dma_wait3A_741 = arith.constant 0 : i32
    %dma_wait3A_742 = arith.constant 0 : i32
    %dma_wait3A_743 = arith.constant 0 : i32
    %dma_wait3A_744 = arith.constant 0 : i32
    %dma_wait3A_745 = tpu.memref_slice %arg6[%dma_wait3A_742, %dma_wait3A_743, %dma_wait3A_744] : memref<2x1024x32xf32, #tpu.memory_space<vmem>> -> memref<1x1024x32xf32, #tpu.memory_space<vmem>>
    %dma_wait3A_746 = tpu.memref_squeeze %dma_wait3A_745 : memref<1x1024x32xf32, #tpu.memory_space<vmem>> -> memref<1024x32xf32, #tpu.memory_space<vmem>>
    %dma_wait3A_747 = arith.constant 0 : i32
    %dma_wait3A_748 = arith.constant 0 : i32
    %dma_wait3A_749 = tpu.memref_slice %arg4[%dma_wait3A_740, %dma_wait3A_741, %dma_wait3A_747, %dma_wait3A_748] : memref<32x13x1024x32xf32, #tpu.memory_space<hbm>> -> memref<1x1x1024x32xf32, #tpu.memory_space<hbm>>
    %dma_wait3A_750 = tpu.memref_squeeze %dma_wait3A_749 : memref<1x1x1024x32xf32, #tpu.memory_space<hbm>> -> memref<1024x32xf32, #tpu.memory_space<hbm>>
    %dma_wait3A_751 = arith.constant 0 : i32
    %dma_wait3A_752 = arith.constant 0 : i32
    %dma_wait3A_753 = tpu.memref_slice %arg6[%dma_wait3A_742, %dma_wait3A_751, %dma_wait3A_752] : memref<2x1024x32xf32, #tpu.memory_space<vmem>> -> memref<1x1024x32xf32, #tpu.memory_space<vmem>>
    %dma_wait3A_754 = tpu.memref_squeeze %dma_wait3A_753 : memref<1x1024x32xf32, #tpu.memory_space<vmem>> -> memref<1024x32xf32, #tpu.memory_space<vmem>>
    %dma_wait3A_755 = arith.constant 0 : i32
    %dma_wait3A_756 = arith.constant 0 : i32
    %dma_wait3A_757 = tpu.memref_slice %arg4[%dma_wait3A_740, %dma_wait3A_741, %dma_wait3A_755, %dma_wait3A_756] : memref<32x13x1024x32xf32, #tpu.memory_space<hbm>> -> memref<1x1x1024x32xf32, #tpu.memory_space<hbm>>
    %dma_wait3A_758 = tpu.memref_squeeze %dma_wait3A_757 : memref<1x1x1024x32xf32, #tpu.memory_space<hbm>> -> memref<1024x32xf32, #tpu.memory_space<hbm>>
    tpu.wait_dma2 semaphore(%arg9 : memref<!tpu.dma_semaphore, #tpu.memory_space<semaphore_mem>>) src(%dma_wait3A_758 : memref<1024x32xf32, #tpu.memory_space<hbm>>) dst(%dma_wait3A_754 : memref<1024x32xf32, #tpu.memory_space<vmem>>)
    %dma_start3A_759 = arith.constant 0 : i32
    %dma_start3A_760 = arith.constant 0 : i32
    %dma_start3A_761 = arith.constant 0 : i32
    %dma_start3A_762 = tpu.memref_slice %arg6[%dma_start3A_759, %dma_start3A_760, %dma_start3A_761] : memref<2x1024x32xf32, #tpu.memory_space<vmem>> -> memref<1x128x32xf32, #tpu.memory_space<vmem>>
    %dma_start3A_763 = tpu.memref_squeeze %dma_start3A_762 : memref<1x128x32xf32, #tpu.memory_space<vmem>> -> memref<128x32xf32, #tpu.memory_space<vmem>>
    %dma_start3A_764 = arith.constant 6144 : i32
    %dma_start3A_765 = tpu.memref_slice %arg5[%dma_start3A_764] : memref<13312xi32, #tpu.memory_space<vmem>> -> memref<128xi32, #tpu.memory_space<vmem>>
    %dma_start3A_766 = arith.constant 0 : i32
    %dma_start3A_767 = arith.constant 0 : i32
    %dma_start3A_768 = tpu.memref_slice %arg2[%dma_start3A_766, %dma_start3A_767] : memref<1000000x32xf32, #tpu.memory_space<hbm>> -> memref<1000000x32xf32, #tpu.memory_space<hbm>>
    tpu.enqueue_indirect_dma source(%dma_start3A_768 : memref<1000000x32xf32, #tpu.memory_space<hbm>>) target(%dma_start3A_763 : memref<128x32xf32, #tpu.memory_space<vmem>>) offsets(%dma_start3A_765 : memref<128xi32, #tpu.memory_space<vmem>>) semaphore(%arg7 : memref<!tpu.dma_semaphore, #tpu.memory_space<semaphore_mem>>)
    %dma_start3A_769 = arith.constant 0 : i32
    %dma_start3A_770 = arith.constant 128 : i32
    %dma_start3A_771 = arith.constant 0 : i32
    %dma_start3A_772 = tpu.memref_slice %arg6[%dma_start3A_769, %dma_start3A_770, %dma_start3A_771] : memref<2x1024x32xf32, #tpu.memory_space<vmem>> -> memref<1x128x32xf32, #tpu.memory_space<vmem>>
    %dma_start3A_773 = tpu.memref_squeeze %dma_start3A_772 : memref<1x128x32xf32, #tpu.memory_space<vmem>> -> memref<128x32xf32, #tpu.memory_space<vmem>>
    %dma_start3A_774 = arith.constant 6272 : i32
    %dma_start3A_775 = tpu.memref_slice %arg5[%dma_start3A_774] : memref<13312xi32, #tpu.memory_space<vmem>> -> memref<128xi32, #tpu.memory_space<vmem>>
    %dma_start3A_776 = arith.constant 0 : i32
    %dma_start3A_777 = arith.constant 0 : i32
    %dma_start3A_778 = tpu.memref_slice %arg2[%dma_start3A_776, %dma_start3A_777] : memref<1000000x32xf32, #tpu.memory_space<hbm>> -> memref<1000000x32xf32, #tpu.memory_space<hbm>>
    tpu.enqueue_indirect_dma source(%dma_start3A_778 : memref<1000000x32xf32, #tpu.memory_space<hbm>>) target(%dma_start3A_773 : memref<128x32xf32, #tpu.memory_space<vmem>>) offsets(%dma_start3A_775 : memref<128xi32, #tpu.memory_space<vmem>>) semaphore(%arg7 : memref<!tpu.dma_semaphore, #tpu.memory_space<semaphore_mem>>)
    %dma_start3A_779 = arith.constant 0 : i32
    %dma_start3A_780 = arith.constant 256 : i32
    %dma_start3A_781 = arith.constant 0 : i32
    %dma_start3A_782 = tpu.memref_slice %arg6[%dma_start3A_779, %dma_start3A_780, %dma_start3A_781] : memref<2x1024x32xf32, #tpu.memory_space<vmem>> -> memref<1x128x32xf32, #tpu.memory_space<vmem>>
    %dma_start3A_783 = tpu.memref_squeeze %dma_start3A_782 : memref<1x128x32xf32, #tpu.memory_space<vmem>> -> memref<128x32xf32, #tpu.memory_space<vmem>>
    %dma_start3A_784 = arith.constant 6400 : i32
    %dma_start3A_785 = tpu.memref_slice %arg5[%dma_start3A_784] : memref<13312xi32, #tpu.memory_space<vmem>> -> memref<128xi32, #tpu.memory_space<vmem>>
    %dma_start3A_786 = arith.constant 0 : i32
    %dma_start3A_787 = arith.constant 0 : i32
    %dma_start3A_788 = tpu.memref_slice %arg2[%dma_start3A_786, %dma_start3A_787] : memref<1000000x32xf32, #tpu.memory_space<hbm>> -> memref<1000000x32xf32, #tpu.memory_space<hbm>>
    tpu.enqueue_indirect_dma source(%dma_start3A_788 : memref<1000000x32xf32, #tpu.memory_space<hbm>>) target(%dma_start3A_783 : memref<128x32xf32, #tpu.memory_space<vmem>>) offsets(%dma_start3A_785 : memref<128xi32, #tpu.memory_space<vmem>>) semaphore(%arg7 : memref<!tpu.dma_semaphore, #tpu.memory_space<semaphore_mem>>)
    %dma_start3A_789 = arith.constant 0 : i32
    %dma_start3A_790 = arith.constant 384 : i32
    %dma_start3A_791 = arith.constant 0 : i32
    %dma_start3A_792 = tpu.memref_slice %arg6[%dma_start3A_789, %dma_start3A_790, %dma_start3A_791] : memref<2x1024x32xf32, #tpu.memory_space<vmem>> -> memref<1x128x32xf32, #tpu.memory_space<vmem>>
    %dma_start3A_793 = tpu.memref_squeeze %dma_start3A_792 : memref<1x128x32xf32, #tpu.memory_space<vmem>> -> memref<128x32xf32, #tpu.memory_space<vmem>>
    %dma_start3A_794 = arith.constant 6528 : i32
    %dma_start3A_795 = tpu.memref_slice %arg5[%dma_start3A_794] : memref<13312xi32, #tpu.memory_space<vmem>> -> memref<128xi32, #tpu.memory_space<vmem>>
    %dma_start3A_796 = arith.constant 0 : i32
    %dma_start3A_797 = arith.constant 0 : i32
    %dma_start3A_798 = tpu.memref_slice %arg2[%dma_start3A_796, %dma_start3A_797] : memref<1000000x32xf32, #tpu.memory_space<hbm>> -> memref<1000000x32xf32, #tpu.memory_space<hbm>>
    tpu.enqueue_indirect_dma source(%dma_start3A_798 : memref<1000000x32xf32, #tpu.memory_space<hbm>>) target(%dma_start3A_793 : memref<128x32xf32, #tpu.memory_space<vmem>>) offsets(%dma_start3A_795 : memref<128xi32, #tpu.memory_space<vmem>>) semaphore(%arg7 : memref<!tpu.dma_semaphore, #tpu.memory_space<semaphore_mem>>)
    %dma_start3A_799 = arith.constant 0 : i32
    %dma_start3A_800 = arith.constant 512 : i32
    %dma_start3A_801 = arith.constant 0 : i32
    %dma_start3A_802 = tpu.memref_slice %arg6[%dma_start3A_799, %dma_start3A_800, %dma_start3A_801] : memref<2x1024x32xf32, #tpu.memory_space<vmem>> -> memref<1x128x32xf32, #tpu.memory_space<vmem>>
    %dma_start3A_803 = tpu.memref_squeeze %dma_start3A_802 : memref<1x128x32xf32, #tpu.memory_space<vmem>> -> memref<128x32xf32, #tpu.memory_space<vmem>>
    %dma_start3A_804 = arith.constant 6656 : i32
    %dma_start3A_805 = tpu.memref_slice %arg5[%dma_start3A_804] : memref<13312xi32, #tpu.memory_space<vmem>> -> memref<128xi32, #tpu.memory_space<vmem>>
    %dma_start3A_806 = arith.constant 0 : i32
    %dma_start3A_807 = arith.constant 0 : i32
    %dma_start3A_808 = tpu.memref_slice %arg2[%dma_start3A_806, %dma_start3A_807] : memref<1000000x32xf32, #tpu.memory_space<hbm>> -> memref<1000000x32xf32, #tpu.memory_space<hbm>>
    tpu.enqueue_indirect_dma source(%dma_start3A_808 : memref<1000000x32xf32, #tpu.memory_space<hbm>>) target(%dma_start3A_803 : memref<128x32xf32, #tpu.memory_space<vmem>>) offsets(%dma_start3A_805 : memref<128xi32, #tpu.memory_space<vmem>>) semaphore(%arg7 : memref<!tpu.dma_semaphore, #tpu.memory_space<semaphore_mem>>)
    %dma_start3A_809 = arith.constant 0 : i32
    %dma_start3A_810 = arith.constant 640 : i32
    %dma_start3A_811 = arith.constant 0 : i32
    %dma_start3A_812 = tpu.memref_slice %arg6[%dma_start3A_809, %dma_start3A_810, %dma_start3A_811] : memref<2x1024x32xf32, #tpu.memory_space<vmem>> -> memref<1x128x32xf32, #tpu.memory_space<vmem>>
    %dma_start3A_813 = tpu.memref_squeeze %dma_start3A_812 : memref<1x128x32xf32, #tpu.memory_space<vmem>> -> memref<128x32xf32, #tpu.memory_space<vmem>>
    %dma_start3A_814 = arith.constant 6784 : i32
    %dma_start3A_815 = tpu.memref_slice %arg5[%dma_start3A_814] : memref<13312xi32, #tpu.memory_space<vmem>> -> memref<128xi32, #tpu.memory_space<vmem>>
    %dma_start3A_816 = arith.constant 0 : i32
    %dma_start3A_817 = arith.constant 0 : i32
    %dma_start3A_818 = tpu.memref_slice %arg2[%dma_start3A_816, %dma_start3A_817] : memref<1000000x32xf32, #tpu.memory_space<hbm>> -> memref<1000000x32xf32, #tpu.memory_space<hbm>>
    tpu.enqueue_indirect_dma source(%dma_start3A_818 : memref<1000000x32xf32, #tpu.memory_space<hbm>>) target(%dma_start3A_813 : memref<128x32xf32, #tpu.memory_space<vmem>>) offsets(%dma_start3A_815 : memref<128xi32, #tpu.memory_space<vmem>>) semaphore(%arg7 : memref<!tpu.dma_semaphore, #tpu.memory_space<semaphore_mem>>)
    %dma_start3A_819 = arith.constant 0 : i32
    %dma_start3A_820 = arith.constant 768 : i32
    %dma_start3A_821 = arith.constant 0 : i32
    %dma_start3A_822 = tpu.memref_slice %arg6[%dma_start3A_819, %dma_start3A_820, %dma_start3A_821] : memref<2x1024x32xf32, #tpu.memory_space<vmem>> -> memref<1x128x32xf32, #tpu.memory_space<vmem>>
    %dma_start3A_823 = tpu.memref_squeeze %dma_start3A_822 : memref<1x128x32xf32, #tpu.memory_space<vmem>> -> memref<128x32xf32, #tpu.memory_space<vmem>>
    %dma_start3A_824 = arith.constant 6912 : i32
    %dma_start3A_825 = tpu.memref_slice %arg5[%dma_start3A_824] : memref<13312xi32, #tpu.memory_space<vmem>> -> memref<128xi32, #tpu.memory_space<vmem>>
    %dma_start3A_826 = arith.constant 0 : i32
    %dma_start3A_827 = arith.constant 0 : i32
    %dma_start3A_828 = tpu.memref_slice %arg2[%dma_start3A_826, %dma_start3A_827] : memref<1000000x32xf32, #tpu.memory_space<hbm>> -> memref<1000000x32xf32, #tpu.memory_space<hbm>>
    tpu.enqueue_indirect_dma source(%dma_start3A_828 : memref<1000000x32xf32, #tpu.memory_space<hbm>>) target(%dma_start3A_823 : memref<128x32xf32, #tpu.memory_space<vmem>>) offsets(%dma_start3A_825 : memref<128xi32, #tpu.memory_space<vmem>>) semaphore(%arg7 : memref<!tpu.dma_semaphore, #tpu.memory_space<semaphore_mem>>)
    %dma_start3A_829 = arith.constant 0 : i32
    %dma_start3A_830 = arith.constant 896 : i32
    %dma_start3A_831 = arith.constant 0 : i32
    %dma_start3A_832 = tpu.memref_slice %arg6[%dma_start3A_829, %dma_start3A_830, %dma_start3A_831] : memref<2x1024x32xf32, #tpu.memory_space<vmem>> -> memref<1x128x32xf32, #tpu.memory_space<vmem>>
    %dma_start3A_833 = tpu.memref_squeeze %dma_start3A_832 : memref<1x128x32xf32, #tpu.memory_space<vmem>> -> memref<128x32xf32, #tpu.memory_space<vmem>>
    %dma_start3A_834 = arith.constant 7040 : i32
    %dma_start3A_835 = tpu.memref_slice %arg5[%dma_start3A_834] : memref<13312xi32, #tpu.memory_space<vmem>> -> memref<128xi32, #tpu.memory_space<vmem>>
    %dma_start3A_836 = arith.constant 0 : i32
    %dma_start3A_837 = arith.constant 0 : i32
    %dma_start3A_838 = tpu.memref_slice %arg2[%dma_start3A_836, %dma_start3A_837] : memref<1000000x32xf32, #tpu.memory_space<hbm>> -> memref<1000000x32xf32, #tpu.memory_space<hbm>>
    tpu.enqueue_indirect_dma source(%dma_start3A_838 : memref<1000000x32xf32, #tpu.memory_space<hbm>>) target(%dma_start3A_833 : memref<128x32xf32, #tpu.memory_space<vmem>>) offsets(%dma_start3A_835 : memref<128xi32, #tpu.memory_space<vmem>>) semaphore(%arg7 : memref<!tpu.dma_semaphore, #tpu.memory_space<semaphore_mem>>)
    %dma_wait3A_839 = arith.constant 0 : i32
    %dma_wait3A_840 = arith.constant 0 : i32
    %dma_wait3A_841 = arith.constant 1 : i32
    %dma_wait3A_842 = arith.constant 0 : i32
    %dma_wait3A_843 = arith.constant 0 : i32
    %dma_wait3A_844 = tpu.memref_slice %arg6[%dma_wait3A_841, %dma_wait3A_842, %dma_wait3A_843] : memref<2x1024x32xf32, #tpu.memory_space<vmem>> -> memref<1x1024x32xf32, #tpu.memory_space<vmem>>
    %dma_wait3A_845 = tpu.memref_squeeze %dma_wait3A_844 : memref<1x1024x32xf32, #tpu.memory_space<vmem>> -> memref<1024x32xf32, #tpu.memory_space<vmem>>
    %dma_wait3A_846 = arith.constant 0 : i32
    %dma_wait3A_847 = arith.constant 0 : i32
    %dma_wait3A_848 = tpu.memref_slice %arg4[%dma_wait3A_839, %dma_wait3A_840, %dma_wait3A_846, %dma_wait3A_847] : memref<32x13x1024x32xf32, #tpu.memory_space<hbm>> -> memref<1x1x1024x32xf32, #tpu.memory_space<hbm>>
    %dma_wait3A_849 = tpu.memref_squeeze %dma_wait3A_848 : memref<1x1x1024x32xf32, #tpu.memory_space<hbm>> -> memref<1024x32xf32, #tpu.memory_space<hbm>>
    %dma_wait3A_850 = arith.constant 0 : i32
    %dma_wait3A_851 = arith.constant 0 : i32
    %dma_wait3A_852 = tpu.memref_slice %arg6[%dma_wait3A_841, %dma_wait3A_850, %dma_wait3A_851] : memref<2x1024x32xf32, #tpu.memory_space<vmem>> -> memref<1x1024x32xf32, #tpu.memory_space<vmem>>
    %dma_wait3A_853 = tpu.memref_squeeze %dma_wait3A_852 : memref<1x1024x32xf32, #tpu.memory_space<vmem>> -> memref<1024x32xf32, #tpu.memory_space<vmem>>
    %dma_wait3A_854 = arith.constant 0 : i32
    %dma_wait3A_855 = arith.constant 0 : i32
    %dma_wait3A_856 = tpu.memref_slice %arg4[%dma_wait3A_839, %dma_wait3A_840, %dma_wait3A_854, %dma_wait3A_855] : memref<32x13x1024x32xf32, #tpu.memory_space<hbm>> -> memref<1x1x1024x32xf32, #tpu.memory_space<hbm>>
    %dma_wait3A_857 = tpu.memref_squeeze %dma_wait3A_856 : memref<1x1x1024x32xf32, #tpu.memory_space<hbm>> -> memref<1024x32xf32, #tpu.memory_space<hbm>>
    tpu.wait_dma2 semaphore(%arg8 : memref<!tpu.dma_semaphore, #tpu.memory_space<semaphore_mem>>) src(%dma_wait3A_857 : memref<1024x32xf32, #tpu.memory_space<hbm>>) dst(%dma_wait3A_853 : memref<1024x32xf32, #tpu.memory_space<vmem>>)
    %dma_start3A_858 = arith.constant 1 : i32
    %dma_start3A_859 = arith.constant 5 : i32
    %dma_start3A_860 = arith.constant 0 : i32
    %dma_start3A_861 = arith.constant 0 : i32
    %dma_start3A_862 = tpu.memref_slice %arg6[%dma_start3A_858, %dma_start3A_860, %dma_start3A_861] : memref<2x1024x32xf32, #tpu.memory_space<vmem>> -> memref<1x1024x32xf32, #tpu.memory_space<vmem>>
    %dma_start3A_863 = tpu.memref_squeeze %dma_start3A_862 : memref<1x1024x32xf32, #tpu.memory_space<vmem>> -> memref<1024x32xf32, #tpu.memory_space<vmem>>
    %dma_start3A_864 = arith.constant 0 : i32
    %dma_start3A_865 = arith.constant 0 : i32
    %dma_start3A_866 = tpu.memref_slice %arg4[%add3A, %dma_start3A_859, %dma_start3A_864, %dma_start3A_865] : memref<32x13x1024x32xf32, #tpu.memory_space<hbm>> -> memref<1x1x1024x32xf32, #tpu.memory_space<hbm>>
    %dma_start3A_867 = tpu.memref_squeeze %dma_start3A_866 : memref<1x1x1024x32xf32, #tpu.memory_space<hbm>> -> memref<1024x32xf32, #tpu.memory_space<hbm>>
    %dma_start3A_868 = arith.constant 0 : i32
    %dma_start3A_869 = arith.constant 0 : i32
    %dma_start3A_870 = tpu.memref_slice %arg4[%add3A, %dma_start3A_859, %dma_start3A_868, %dma_start3A_869] : memref<32x13x1024x32xf32, #tpu.memory_space<hbm>> -> memref<1x1x1024x32xf32, #tpu.memory_space<hbm>>
    %dma_start3A_871 = tpu.memref_squeeze %dma_start3A_870 : memref<1x1x1024x32xf32, #tpu.memory_space<hbm>> -> memref<1024x32xf32, #tpu.memory_space<hbm>>
    %dma_start3A_872 = arith.constant 0 : i32
    %dma_start3A_873 = arith.constant 0 : i32
    %dma_start3A_874 = tpu.memref_slice %arg6[%dma_start3A_858, %dma_start3A_872, %dma_start3A_873] : memref<2x1024x32xf32, #tpu.memory_space<vmem>> -> memref<1x1024x32xf32, #tpu.memory_space<vmem>>
    %dma_start3A_875 = tpu.memref_squeeze %dma_start3A_874 : memref<1x1024x32xf32, #tpu.memory_space<vmem>> -> memref<1024x32xf32, #tpu.memory_space<vmem>>
    tpu.enqueue_dma source(%dma_start3A_875 : memref<1024x32xf32, #tpu.memory_space<vmem>>) target(%dma_start3A_871 : memref<1024x32xf32, #tpu.memory_space<hbm>>) target_semaphore(%arg9 : memref<!tpu.dma_semaphore, #tpu.memory_space<semaphore_mem>>)
    %dma_wait3A_876 = arith.constant 0 : i32
    %dma_wait3A_877 = arith.constant 0 : i32
    %dma_wait3A_878 = arith.constant 1 : i32
    %dma_wait3A_879 = arith.constant 0 : i32
    %dma_wait3A_880 = arith.constant 0 : i32
    %dma_wait3A_881 = tpu.memref_slice %arg6[%dma_wait3A_878, %dma_wait3A_879, %dma_wait3A_880] : memref<2x1024x32xf32, #tpu.memory_space<vmem>> -> memref<1x1024x32xf32, #tpu.memory_space<vmem>>
    %dma_wait3A_882 = tpu.memref_squeeze %dma_wait3A_881 : memref<1x1024x32xf32, #tpu.memory_space<vmem>> -> memref<1024x32xf32, #tpu.memory_space<vmem>>
    %dma_wait3A_883 = arith.constant 0 : i32
    %dma_wait3A_884 = arith.constant 0 : i32
    %dma_wait3A_885 = tpu.memref_slice %arg4[%dma_wait3A_876, %dma_wait3A_877, %dma_wait3A_883, %dma_wait3A_884] : memref<32x13x1024x32xf32, #tpu.memory_space<hbm>> -> memref<1x1x1024x32xf32, #tpu.memory_space<hbm>>
    %dma_wait3A_886 = tpu.memref_squeeze %dma_wait3A_885 : memref<1x1x1024x32xf32, #tpu.memory_space<hbm>> -> memref<1024x32xf32, #tpu.memory_space<hbm>>
    %dma_wait3A_887 = arith.constant 0 : i32
    %dma_wait3A_888 = arith.constant 0 : i32
    %dma_wait3A_889 = tpu.memref_slice %arg6[%dma_wait3A_878, %dma_wait3A_887, %dma_wait3A_888] : memref<2x1024x32xf32, #tpu.memory_space<vmem>> -> memref<1x1024x32xf32, #tpu.memory_space<vmem>>
    %dma_wait3A_890 = tpu.memref_squeeze %dma_wait3A_889 : memref<1x1024x32xf32, #tpu.memory_space<vmem>> -> memref<1024x32xf32, #tpu.memory_space<vmem>>
    %dma_wait3A_891 = arith.constant 0 : i32
    %dma_wait3A_892 = arith.constant 0 : i32
    %dma_wait3A_893 = tpu.memref_slice %arg4[%dma_wait3A_876, %dma_wait3A_877, %dma_wait3A_891, %dma_wait3A_892] : memref<32x13x1024x32xf32, #tpu.memory_space<hbm>> -> memref<1x1x1024x32xf32, #tpu.memory_space<hbm>>
    %dma_wait3A_894 = tpu.memref_squeeze %dma_wait3A_893 : memref<1x1x1024x32xf32, #tpu.memory_space<hbm>> -> memref<1024x32xf32, #tpu.memory_space<hbm>>
    tpu.wait_dma2 semaphore(%arg9 : memref<!tpu.dma_semaphore, #tpu.memory_space<semaphore_mem>>) src(%dma_wait3A_894 : memref<1024x32xf32, #tpu.memory_space<hbm>>) dst(%dma_wait3A_890 : memref<1024x32xf32, #tpu.memory_space<vmem>>)
    %dma_start3A_895 = arith.constant 1 : i32
    %dma_start3A_896 = arith.constant 0 : i32
    %dma_start3A_897 = arith.constant 0 : i32
    %dma_start3A_898 = tpu.memref_slice %arg6[%dma_start3A_895, %dma_start3A_896, %dma_start3A_897] : memref<2x1024x32xf32, #tpu.memory_space<vmem>> -> memref<1x128x32xf32, #tpu.memory_space<vmem>>
    %dma_start3A_899 = tpu.memref_squeeze %dma_start3A_898 : memref<1x128x32xf32, #tpu.memory_space<vmem>> -> memref<128x32xf32, #tpu.memory_space<vmem>>
    %dma_start3A_900 = arith.constant 7168 : i32
    %dma_start3A_901 = tpu.memref_slice %arg5[%dma_start3A_900] : memref<13312xi32, #tpu.memory_space<vmem>> -> memref<128xi32, #tpu.memory_space<vmem>>
    %dma_start3A_902 = arith.constant 0 : i32
    %dma_start3A_903 = arith.constant 0 : i32
    %dma_start3A_904 = tpu.memref_slice %arg2[%dma_start3A_902, %dma_start3A_903] : memref<1000000x32xf32, #tpu.memory_space<hbm>> -> memref<1000000x32xf32, #tpu.memory_space<hbm>>
    tpu.enqueue_indirect_dma source(%dma_start3A_904 : memref<1000000x32xf32, #tpu.memory_space<hbm>>) target(%dma_start3A_899 : memref<128x32xf32, #tpu.memory_space<vmem>>) offsets(%dma_start3A_901 : memref<128xi32, #tpu.memory_space<vmem>>) semaphore(%arg8 : memref<!tpu.dma_semaphore, #tpu.memory_space<semaphore_mem>>)
    %dma_start3A_905 = arith.constant 1 : i32
    %dma_start3A_906 = arith.constant 128 : i32
    %dma_start3A_907 = arith.constant 0 : i32
    %dma_start3A_908 = tpu.memref_slice %arg6[%dma_start3A_905, %dma_start3A_906, %dma_start3A_907] : memref<2x1024x32xf32, #tpu.memory_space<vmem>> -> memref<1x128x32xf32, #tpu.memory_space<vmem>>
    %dma_start3A_909 = tpu.memref_squeeze %dma_start3A_908 : memref<1x128x32xf32, #tpu.memory_space<vmem>> -> memref<128x32xf32, #tpu.memory_space<vmem>>
    %dma_start3A_910 = arith.constant 7296 : i32
    %dma_start3A_911 = tpu.memref_slice %arg5[%dma_start3A_910] : memref<13312xi32, #tpu.memory_space<vmem>> -> memref<128xi32, #tpu.memory_space<vmem>>
    %dma_start3A_912 = arith.constant 0 : i32
    %dma_start3A_913 = arith.constant 0 : i32
    %dma_start3A_914 = tpu.memref_slice %arg2[%dma_start3A_912, %dma_start3A_913] : memref<1000000x32xf32, #tpu.memory_space<hbm>> -> memref<1000000x32xf32, #tpu.memory_space<hbm>>
    tpu.enqueue_indirect_dma source(%dma_start3A_914 : memref<1000000x32xf32, #tpu.memory_space<hbm>>) target(%dma_start3A_909 : memref<128x32xf32, #tpu.memory_space<vmem>>) offsets(%dma_start3A_911 : memref<128xi32, #tpu.memory_space<vmem>>) semaphore(%arg8 : memref<!tpu.dma_semaphore, #tpu.memory_space<semaphore_mem>>)
    %dma_start3A_915 = arith.constant 1 : i32
    %dma_start3A_916 = arith.constant 256 : i32
    %dma_start3A_917 = arith.constant 0 : i32
    %dma_start3A_918 = tpu.memref_slice %arg6[%dma_start3A_915, %dma_start3A_916, %dma_start3A_917] : memref<2x1024x32xf32, #tpu.memory_space<vmem>> -> memref<1x128x32xf32, #tpu.memory_space<vmem>>
    %dma_start3A_919 = tpu.memref_squeeze %dma_start3A_918 : memref<1x128x32xf32, #tpu.memory_space<vmem>> -> memref<128x32xf32, #tpu.memory_space<vmem>>
    %dma_start3A_920 = arith.constant 7424 : i32
    %dma_start3A_921 = tpu.memref_slice %arg5[%dma_start3A_920] : memref<13312xi32, #tpu.memory_space<vmem>> -> memref<128xi32, #tpu.memory_space<vmem>>
    %dma_start3A_922 = arith.constant 0 : i32
    %dma_start3A_923 = arith.constant 0 : i32
    %dma_start3A_924 = tpu.memref_slice %arg2[%dma_start3A_922, %dma_start3A_923] : memref<1000000x32xf32, #tpu.memory_space<hbm>> -> memref<1000000x32xf32, #tpu.memory_space<hbm>>
    tpu.enqueue_indirect_dma source(%dma_start3A_924 : memref<1000000x32xf32, #tpu.memory_space<hbm>>) target(%dma_start3A_919 : memref<128x32xf32, #tpu.memory_space<vmem>>) offsets(%dma_start3A_921 : memref<128xi32, #tpu.memory_space<vmem>>) semaphore(%arg8 : memref<!tpu.dma_semaphore, #tpu.memory_space<semaphore_mem>>)
    %dma_start3A_925 = arith.constant 1 : i32
    %dma_start3A_926 = arith.constant 384 : i32
    %dma_start3A_927 = arith.constant 0 : i32
    %dma_start3A_928 = tpu.memref_slice %arg6[%dma_start3A_925, %dma_start3A_926, %dma_start3A_927] : memref<2x1024x32xf32, #tpu.memory_space<vmem>> -> memref<1x128x32xf32, #tpu.memory_space<vmem>>
    %dma_start3A_929 = tpu.memref_squeeze %dma_start3A_928 : memref<1x128x32xf32, #tpu.memory_space<vmem>> -> memref<128x32xf32, #tpu.memory_space<vmem>>
    %dma_start3A_930 = arith.constant 7552 : i32
    %dma_start3A_931 = tpu.memref_slice %arg5[%dma_start3A_930] : memref<13312xi32, #tpu.memory_space<vmem>> -> memref<128xi32, #tpu.memory_space<vmem>>
    %dma_start3A_932 = arith.constant 0 : i32
    %dma_start3A_933 = arith.constant 0 : i32
    %dma_start3A_934 = tpu.memref_slice %arg2[%dma_start3A_932, %dma_start3A_933] : memref<1000000x32xf32, #tpu.memory_space<hbm>> -> memref<1000000x32xf32, #tpu.memory_space<hbm>>
    tpu.enqueue_indirect_dma source(%dma_start3A_934 : memref<1000000x32xf32, #tpu.memory_space<hbm>>) target(%dma_start3A_929 : memref<128x32xf32, #tpu.memory_space<vmem>>) offsets(%dma_start3A_931 : memref<128xi32, #tpu.memory_space<vmem>>) semaphore(%arg8 : memref<!tpu.dma_semaphore, #tpu.memory_space<semaphore_mem>>)
    %dma_start3A_935 = arith.constant 1 : i32
    %dma_start3A_936 = arith.constant 512 : i32
    %dma_start3A_937 = arith.constant 0 : i32
    %dma_start3A_938 = tpu.memref_slice %arg6[%dma_start3A_935, %dma_start3A_936, %dma_start3A_937] : memref<2x1024x32xf32, #tpu.memory_space<vmem>> -> memref<1x128x32xf32, #tpu.memory_space<vmem>>
    %dma_start3A_939 = tpu.memref_squeeze %dma_start3A_938 : memref<1x128x32xf32, #tpu.memory_space<vmem>> -> memref<128x32xf32, #tpu.memory_space<vmem>>
    %dma_start3A_940 = arith.constant 7680 : i32
    %dma_start3A_941 = tpu.memref_slice %arg5[%dma_start3A_940] : memref<13312xi32, #tpu.memory_space<vmem>> -> memref<128xi32, #tpu.memory_space<vmem>>
    %dma_start3A_942 = arith.constant 0 : i32
    %dma_start3A_943 = arith.constant 0 : i32
    %dma_start3A_944 = tpu.memref_slice %arg2[%dma_start3A_942, %dma_start3A_943] : memref<1000000x32xf32, #tpu.memory_space<hbm>> -> memref<1000000x32xf32, #tpu.memory_space<hbm>>
    tpu.enqueue_indirect_dma source(%dma_start3A_944 : memref<1000000x32xf32, #tpu.memory_space<hbm>>) target(%dma_start3A_939 : memref<128x32xf32, #tpu.memory_space<vmem>>) offsets(%dma_start3A_941 : memref<128xi32, #tpu.memory_space<vmem>>) semaphore(%arg8 : memref<!tpu.dma_semaphore, #tpu.memory_space<semaphore_mem>>)
    %dma_start3A_945 = arith.constant 1 : i32
    %dma_start3A_946 = arith.constant 640 : i32
    %dma_start3A_947 = arith.constant 0 : i32
    %dma_start3A_948 = tpu.memref_slice %arg6[%dma_start3A_945, %dma_start3A_946, %dma_start3A_947] : memref<2x1024x32xf32, #tpu.memory_space<vmem>> -> memref<1x128x32xf32, #tpu.memory_space<vmem>>
    %dma_start3A_949 = tpu.memref_squeeze %dma_start3A_948 : memref<1x128x32xf32, #tpu.memory_space<vmem>> -> memref<128x32xf32, #tpu.memory_space<vmem>>
    %dma_start3A_950 = arith.constant 7808 : i32
    %dma_start3A_951 = tpu.memref_slice %arg5[%dma_start3A_950] : memref<13312xi32, #tpu.memory_space<vmem>> -> memref<128xi32, #tpu.memory_space<vmem>>
    %dma_start3A_952 = arith.constant 0 : i32
    %dma_start3A_953 = arith.constant 0 : i32
    %dma_start3A_954 = tpu.memref_slice %arg2[%dma_start3A_952, %dma_start3A_953] : memref<1000000x32xf32, #tpu.memory_space<hbm>> -> memref<1000000x32xf32, #tpu.memory_space<hbm>>
    tpu.enqueue_indirect_dma source(%dma_start3A_954 : memref<1000000x32xf32, #tpu.memory_space<hbm>>) target(%dma_start3A_949 : memref<128x32xf32, #tpu.memory_space<vmem>>) offsets(%dma_start3A_951 : memref<128xi32, #tpu.memory_space<vmem>>) semaphore(%arg8 : memref<!tpu.dma_semaphore, #tpu.memory_space<semaphore_mem>>)
    %dma_start3A_955 = arith.constant 1 : i32
    %dma_start3A_956 = arith.constant 768 : i32
    %dma_start3A_957 = arith.constant 0 : i32
    %dma_start3A_958 = tpu.memref_slice %arg6[%dma_start3A_955, %dma_start3A_956, %dma_start3A_957] : memref<2x1024x32xf32, #tpu.memory_space<vmem>> -> memref<1x128x32xf32, #tpu.memory_space<vmem>>
    %dma_start3A_959 = tpu.memref_squeeze %dma_start3A_958 : memref<1x128x32xf32, #tpu.memory_space<vmem>> -> memref<128x32xf32, #tpu.memory_space<vmem>>
    %dma_start3A_960 = arith.constant 7936 : i32
    %dma_start3A_961 = tpu.memref_slice %arg5[%dma_start3A_960] : memref<13312xi32, #tpu.memory_space<vmem>> -> memref<128xi32, #tpu.memory_space<vmem>>
    %dma_start3A_962 = arith.constant 0 : i32
    %dma_start3A_963 = arith.constant 0 : i32
    %dma_start3A_964 = tpu.memref_slice %arg2[%dma_start3A_962, %dma_start3A_963] : memref<1000000x32xf32, #tpu.memory_space<hbm>> -> memref<1000000x32xf32, #tpu.memory_space<hbm>>
    tpu.enqueue_indirect_dma source(%dma_start3A_964 : memref<1000000x32xf32, #tpu.memory_space<hbm>>) target(%dma_start3A_959 : memref<128x32xf32, #tpu.memory_space<vmem>>) offsets(%dma_start3A_961 : memref<128xi32, #tpu.memory_space<vmem>>) semaphore(%arg8 : memref<!tpu.dma_semaphore, #tpu.memory_space<semaphore_mem>>)
    %dma_start3A_965 = arith.constant 1 : i32
    %dma_start3A_966 = arith.constant 896 : i32
    %dma_start3A_967 = arith.constant 0 : i32
    %dma_start3A_968 = tpu.memref_slice %arg6[%dma_start3A_965, %dma_start3A_966, %dma_start3A_967] : memref<2x1024x32xf32, #tpu.memory_space<vmem>> -> memref<1x128x32xf32, #tpu.memory_space<vmem>>
    %dma_start3A_969 = tpu.memref_squeeze %dma_start3A_968 : memref<1x128x32xf32, #tpu.memory_space<vmem>> -> memref<128x32xf32, #tpu.memory_space<vmem>>
    %dma_start3A_970 = arith.constant 8064 : i32
    %dma_start3A_971 = tpu.memref_slice %arg5[%dma_start3A_970] : memref<13312xi32, #tpu.memory_space<vmem>> -> memref<128xi32, #tpu.memory_space<vmem>>
    %dma_start3A_972 = arith.constant 0 : i32
    %dma_start3A_973 = arith.constant 0 : i32
    %dma_start3A_974 = tpu.memref_slice %arg2[%dma_start3A_972, %dma_start3A_973] : memref<1000000x32xf32, #tpu.memory_space<hbm>> -> memref<1000000x32xf32, #tpu.memory_space<hbm>>
    tpu.enqueue_indirect_dma source(%dma_start3A_974 : memref<1000000x32xf32, #tpu.memory_space<hbm>>) target(%dma_start3A_969 : memref<128x32xf32, #tpu.memory_space<vmem>>) offsets(%dma_start3A_971 : memref<128xi32, #tpu.memory_space<vmem>>) semaphore(%arg8 : memref<!tpu.dma_semaphore, #tpu.memory_space<semaphore_mem>>)
    %dma_wait3A_975 = arith.constant 0 : i32
    %dma_wait3A_976 = arith.constant 0 : i32
    %dma_wait3A_977 = arith.constant 0 : i32
    %dma_wait3A_978 = arith.constant 0 : i32
    %dma_wait3A_979 = arith.constant 0 : i32
    %dma_wait3A_980 = tpu.memref_slice %arg6[%dma_wait3A_977, %dma_wait3A_978, %dma_wait3A_979] : memref<2x1024x32xf32, #tpu.memory_space<vmem>> -> memref<1x1024x32xf32, #tpu.memory_space<vmem>>
    %dma_wait3A_981 = tpu.memref_squeeze %dma_wait3A_980 : memref<1x1024x32xf32, #tpu.memory_space<vmem>> -> memref<1024x32xf32, #tpu.memory_space<vmem>>
    %dma_wait3A_982 = arith.constant 0 : i32
    %dma_wait3A_983 = arith.constant 0 : i32
    %dma_wait3A_984 = tpu.memref_slice %arg4[%dma_wait3A_975, %dma_wait3A_976, %dma_wait3A_982, %dma_wait3A_983] : memref<32x13x1024x32xf32, #tpu.memory_space<hbm>> -> memref<1x1x1024x32xf32, #tpu.memory_space<hbm>>
    %dma_wait3A_985 = tpu.memref_squeeze %dma_wait3A_984 : memref<1x1x1024x32xf32, #tpu.memory_space<hbm>> -> memref<1024x32xf32, #tpu.memory_space<hbm>>
    %dma_wait3A_986 = arith.constant 0 : i32
    %dma_wait3A_987 = arith.constant 0 : i32
    %dma_wait3A_988 = tpu.memref_slice %arg6[%dma_wait3A_977, %dma_wait3A_986, %dma_wait3A_987] : memref<2x1024x32xf32, #tpu.memory_space<vmem>> -> memref<1x1024x32xf32, #tpu.memory_space<vmem>>
    %dma_wait3A_989 = tpu.memref_squeeze %dma_wait3A_988 : memref<1x1024x32xf32, #tpu.memory_space<vmem>> -> memref<1024x32xf32, #tpu.memory_space<vmem>>
    %dma_wait3A_990 = arith.constant 0 : i32
    %dma_wait3A_991 = arith.constant 0 : i32
    %dma_wait3A_992 = tpu.memref_slice %arg4[%dma_wait3A_975, %dma_wait3A_976, %dma_wait3A_990, %dma_wait3A_991] : memref<32x13x1024x32xf32, #tpu.memory_space<hbm>> -> memref<1x1x1024x32xf32, #tpu.memory_space<hbm>>
    %dma_wait3A_993 = tpu.memref_squeeze %dma_wait3A_992 : memref<1x1x1024x32xf32, #tpu.memory_space<hbm>> -> memref<1024x32xf32, #tpu.memory_space<hbm>>
    tpu.wait_dma2 semaphore(%arg7 : memref<!tpu.dma_semaphore, #tpu.memory_space<semaphore_mem>>) src(%dma_wait3A_993 : memref<1024x32xf32, #tpu.memory_space<hbm>>) dst(%dma_wait3A_989 : memref<1024x32xf32, #tpu.memory_space<vmem>>)
    %dma_start3A_994 = arith.constant 0 : i32
    %dma_start3A_995 = arith.constant 6 : i32
    %dma_start3A_996 = arith.constant 0 : i32
    %dma_start3A_997 = arith.constant 0 : i32
    %dma_start3A_998 = tpu.memref_slice %arg6[%dma_start3A_994, %dma_start3A_996, %dma_start3A_997] : memref<2x1024x32xf32, #tpu.memory_space<vmem>> -> memref<1x1024x32xf32, #tpu.memory_space<vmem>>
    %dma_start3A_999 = tpu.memref_squeeze %dma_start3A_998 : memref<1x1024x32xf32, #tpu.memory_space<vmem>> -> memref<1024x32xf32, #tpu.memory_space<vmem>>
    %dma_start3A_1000 = arith.constant 0 : i32
    %dma_start3A_1001 = arith.constant 0 : i32
    %dma_start3A_1002 = tpu.memref_slice %arg4[%add3A, %dma_start3A_995, %dma_start3A_1000, %dma_start3A_1001] : memref<32x13x1024x32xf32, #tpu.memory_space<hbm>> -> memref<1x1x1024x32xf32, #tpu.memory_space<hbm>>
    %dma_start3A_1003 = tpu.memref_squeeze %dma_start3A_1002 : memref<1x1x1024x32xf32, #tpu.memory_space<hbm>> -> memref<1024x32xf32, #tpu.memory_space<hbm>>
    %dma_start3A_1004 = arith.constant 0 : i32
    %dma_start3A_1005 = arith.constant 0 : i32
    %dma_start3A_1006 = tpu.memref_slice %arg4[%add3A, %dma_start3A_995, %dma_start3A_1004, %dma_start3A_1005] : memref<32x13x1024x32xf32, #tpu.memory_space<hbm>> -> memref<1x1x1024x32xf32, #tpu.memory_space<hbm>>
    %dma_start3A_1007 = tpu.memref_squeeze %dma_start3A_1006 : memref<1x1x1024x32xf32, #tpu.memory_space<hbm>> -> memref<1024x32xf32, #tpu.memory_space<hbm>>
    %dma_start3A_1008 = arith.constant 0 : i32
    %dma_start3A_1009 = arith.constant 0 : i32
    %dma_start3A_1010 = tpu.memref_slice %arg6[%dma_start3A_994, %dma_start3A_1008, %dma_start3A_1009] : memref<2x1024x32xf32, #tpu.memory_space<vmem>> -> memref<1x1024x32xf32, #tpu.memory_space<vmem>>
    %dma_start3A_1011 = tpu.memref_squeeze %dma_start3A_1010 : memref<1x1024x32xf32, #tpu.memory_space<vmem>> -> memref<1024x32xf32, #tpu.memory_space<vmem>>
    tpu.enqueue_dma source(%dma_start3A_1011 : memref<1024x32xf32, #tpu.memory_space<vmem>>) target(%dma_start3A_1007 : memref<1024x32xf32, #tpu.memory_space<hbm>>) target_semaphore(%arg9 : memref<!tpu.dma_semaphore, #tpu.memory_space<semaphore_mem>>)
    %dma_wait3A_1012 = arith.constant 0 : i32
    %dma_wait3A_1013 = arith.constant 0 : i32
    %dma_wait3A_1014 = arith.constant 0 : i32
    %dma_wait3A_1015 = arith.constant 0 : i32
    %dma_wait3A_1016 = arith.constant 0 : i32
    %dma_wait3A_1017 = tpu.memref_slice %arg6[%dma_wait3A_1014, %dma_wait3A_1015, %dma_wait3A_1016] : memref<2x1024x32xf32, #tpu.memory_space<vmem>> -> memref<1x1024x32xf32, #tpu.memory_space<vmem>>
    %dma_wait3A_1018 = tpu.memref_squeeze %dma_wait3A_1017 : memref<1x1024x32xf32, #tpu.memory_space<vmem>> -> memref<1024x32xf32, #tpu.memory_space<vmem>>
    %dma_wait3A_1019 = arith.constant 0 : i32
    %dma_wait3A_1020 = arith.constant 0 : i32
    %dma_wait3A_1021 = tpu.memref_slice %arg4[%dma_wait3A_1012, %dma_wait3A_1013, %dma_wait3A_1019, %dma_wait3A_1020] : memref<32x13x1024x32xf32, #tpu.memory_space<hbm>> -> memref<1x1x1024x32xf32, #tpu.memory_space<hbm>>
    %dma_wait3A_1022 = tpu.memref_squeeze %dma_wait3A_1021 : memref<1x1x1024x32xf32, #tpu.memory_space<hbm>> -> memref<1024x32xf32, #tpu.memory_space<hbm>>
    %dma_wait3A_1023 = arith.constant 0 : i32
    %dma_wait3A_1024 = arith.constant 0 : i32
    %dma_wait3A_1025 = tpu.memref_slice %arg6[%dma_wait3A_1014, %dma_wait3A_1023, %dma_wait3A_1024] : memref<2x1024x32xf32, #tpu.memory_space<vmem>> -> memref<1x1024x32xf32, #tpu.memory_space<vmem>>
    %dma_wait3A_1026 = tpu.memref_squeeze %dma_wait3A_1025 : memref<1x1024x32xf32, #tpu.memory_space<vmem>> -> memref<1024x32xf32, #tpu.memory_space<vmem>>
    %dma_wait3A_1027 = arith.constant 0 : i32
    %dma_wait3A_1028 = arith.constant 0 : i32
    %dma_wait3A_1029 = tpu.memref_slice %arg4[%dma_wait3A_1012, %dma_wait3A_1013, %dma_wait3A_1027, %dma_wait3A_1028] : memref<32x13x1024x32xf32, #tpu.memory_space<hbm>> -> memref<1x1x1024x32xf32, #tpu.memory_space<hbm>>
    %dma_wait3A_1030 = tpu.memref_squeeze %dma_wait3A_1029 : memref<1x1x1024x32xf32, #tpu.memory_space<hbm>> -> memref<1024x32xf32, #tpu.memory_space<hbm>>
    tpu.wait_dma2 semaphore(%arg9 : memref<!tpu.dma_semaphore, #tpu.memory_space<semaphore_mem>>) src(%dma_wait3A_1030 : memref<1024x32xf32, #tpu.memory_space<hbm>>) dst(%dma_wait3A_1026 : memref<1024x32xf32, #tpu.memory_space<vmem>>)
    %dma_start3A_1031 = arith.constant 0 : i32
    %dma_start3A_1032 = arith.constant 0 : i32
    %dma_start3A_1033 = arith.constant 0 : i32
    %dma_start3A_1034 = tpu.memref_slice %arg6[%dma_start3A_1031, %dma_start3A_1032, %dma_start3A_1033] : memref<2x1024x32xf32, #tpu.memory_space<vmem>> -> memref<1x128x32xf32, #tpu.memory_space<vmem>>
    %dma_start3A_1035 = tpu.memref_squeeze %dma_start3A_1034 : memref<1x128x32xf32, #tpu.memory_space<vmem>> -> memref<128x32xf32, #tpu.memory_space<vmem>>
    %dma_start3A_1036 = arith.constant 8192 : i32
    %dma_start3A_1037 = tpu.memref_slice %arg5[%dma_start3A_1036] : memref<13312xi32, #tpu.memory_space<vmem>> -> memref<128xi32, #tpu.memory_space<vmem>>
    %dma_start3A_1038 = arith.constant 0 : i32
    %dma_start3A_1039 = arith.constant 0 : i32
    %dma_start3A_1040 = tpu.memref_slice %arg2[%dma_start3A_1038, %dma_start3A_1039] : memref<1000000x32xf32, #tpu.memory_space<hbm>> -> memref<1000000x32xf32, #tpu.memory_space<hbm>>
    tpu.enqueue_indirect_dma source(%dma_start3A_1040 : memref<1000000x32xf32, #tpu.memory_space<hbm>>) target(%dma_start3A_1035 : memref<128x32xf32, #tpu.memory_space<vmem>>) offsets(%dma_start3A_1037 : memref<128xi32, #tpu.memory_space<vmem>>) semaphore(%arg7 : memref<!tpu.dma_semaphore, #tpu.memory_space<semaphore_mem>>)
    %dma_start3A_1041 = arith.constant 0 : i32
    %dma_start3A_1042 = arith.constant 128 : i32
    %dma_start3A_1043 = arith.constant 0 : i32
    %dma_start3A_1044 = tpu.memref_slice %arg6[%dma_start3A_1041, %dma_start3A_1042, %dma_start3A_1043] : memref<2x1024x32xf32, #tpu.memory_space<vmem>> -> memref<1x128x32xf32, #tpu.memory_space<vmem>>
    %dma_start3A_1045 = tpu.memref_squeeze %dma_start3A_1044 : memref<1x128x32xf32, #tpu.memory_space<vmem>> -> memref<128x32xf32, #tpu.memory_space<vmem>>
    %dma_start3A_1046 = arith.constant 8320 : i32
    %dma_start3A_1047 = tpu.memref_slice %arg5[%dma_start3A_1046] : memref<13312xi32, #tpu.memory_space<vmem>> -> memref<128xi32, #tpu.memory_space<vmem>>
    %dma_start3A_1048 = arith.constant 0 : i32
    %dma_start3A_1049 = arith.constant 0 : i32
    %dma_start3A_1050 = tpu.memref_slice %arg2[%dma_start3A_1048, %dma_start3A_1049] : memref<1000000x32xf32, #tpu.memory_space<hbm>> -> memref<1000000x32xf32, #tpu.memory_space<hbm>>
    tpu.enqueue_indirect_dma source(%dma_start3A_1050 : memref<1000000x32xf32, #tpu.memory_space<hbm>>) target(%dma_start3A_1045 : memref<128x32xf32, #tpu.memory_space<vmem>>) offsets(%dma_start3A_1047 : memref<128xi32, #tpu.memory_space<vmem>>) semaphore(%arg7 : memref<!tpu.dma_semaphore, #tpu.memory_space<semaphore_mem>>)
    %dma_start3A_1051 = arith.constant 0 : i32
    %dma_start3A_1052 = arith.constant 256 : i32
    %dma_start3A_1053 = arith.constant 0 : i32
    %dma_start3A_1054 = tpu.memref_slice %arg6[%dma_start3A_1051, %dma_start3A_1052, %dma_start3A_1053] : memref<2x1024x32xf32, #tpu.memory_space<vmem>> -> memref<1x128x32xf32, #tpu.memory_space<vmem>>
    %dma_start3A_1055 = tpu.memref_squeeze %dma_start3A_1054 : memref<1x128x32xf32, #tpu.memory_space<vmem>> -> memref<128x32xf32, #tpu.memory_space<vmem>>
    %dma_start3A_1056 = arith.constant 8448 : i32
    %dma_start3A_1057 = tpu.memref_slice %arg5[%dma_start3A_1056] : memref<13312xi32, #tpu.memory_space<vmem>> -> memref<128xi32, #tpu.memory_space<vmem>>
    %dma_start3A_1058 = arith.constant 0 : i32
    %dma_start3A_1059 = arith.constant 0 : i32
    %dma_start3A_1060 = tpu.memref_slice %arg2[%dma_start3A_1058, %dma_start3A_1059] : memref<1000000x32xf32, #tpu.memory_space<hbm>> -> memref<1000000x32xf32, #tpu.memory_space<hbm>>
    tpu.enqueue_indirect_dma source(%dma_start3A_1060 : memref<1000000x32xf32, #tpu.memory_space<hbm>>) target(%dma_start3A_1055 : memref<128x32xf32, #tpu.memory_space<vmem>>) offsets(%dma_start3A_1057 : memref<128xi32, #tpu.memory_space<vmem>>) semaphore(%arg7 : memref<!tpu.dma_semaphore, #tpu.memory_space<semaphore_mem>>)
    %dma_start3A_1061 = arith.constant 0 : i32
    %dma_start3A_1062 = arith.constant 384 : i32
    %dma_start3A_1063 = arith.constant 0 : i32
    %dma_start3A_1064 = tpu.memref_slice %arg6[%dma_start3A_1061, %dma_start3A_1062, %dma_start3A_1063] : memref<2x1024x32xf32, #tpu.memory_space<vmem>> -> memref<1x128x32xf32, #tpu.memory_space<vmem>>
    %dma_start3A_1065 = tpu.memref_squeeze %dma_start3A_1064 : memref<1x128x32xf32, #tpu.memory_space<vmem>> -> memref<128x32xf32, #tpu.memory_space<vmem>>
    %dma_start3A_1066 = arith.constant 8576 : i32
    %dma_start3A_1067 = tpu.memref_slice %arg5[%dma_start3A_1066] : memref<13312xi32, #tpu.memory_space<vmem>> -> memref<128xi32, #tpu.memory_space<vmem>>
    %dma_start3A_1068 = arith.constant 0 : i32
    %dma_start3A_1069 = arith.constant 0 : i32
    %dma_start3A_1070 = tpu.memref_slice %arg2[%dma_start3A_1068, %dma_start3A_1069] : memref<1000000x32xf32, #tpu.memory_space<hbm>> -> memref<1000000x32xf32, #tpu.memory_space<hbm>>
    tpu.enqueue_indirect_dma source(%dma_start3A_1070 : memref<1000000x32xf32, #tpu.memory_space<hbm>>) target(%dma_start3A_1065 : memref<128x32xf32, #tpu.memory_space<vmem>>) offsets(%dma_start3A_1067 : memref<128xi32, #tpu.memory_space<vmem>>) semaphore(%arg7 : memref<!tpu.dma_semaphore, #tpu.memory_space<semaphore_mem>>)
    %dma_start3A_1071 = arith.constant 0 : i32
    %dma_start3A_1072 = arith.constant 512 : i32
    %dma_start3A_1073 = arith.constant 0 : i32
    %dma_start3A_1074 = tpu.memref_slice %arg6[%dma_start3A_1071, %dma_start3A_1072, %dma_start3A_1073] : memref<2x1024x32xf32, #tpu.memory_space<vmem>> -> memref<1x128x32xf32, #tpu.memory_space<vmem>>
    %dma_start3A_1075 = tpu.memref_squeeze %dma_start3A_1074 : memref<1x128x32xf32, #tpu.memory_space<vmem>> -> memref<128x32xf32, #tpu.memory_space<vmem>>
    %dma_start3A_1076 = arith.constant 8704 : i32
    %dma_start3A_1077 = tpu.memref_slice %arg5[%dma_start3A_1076] : memref<13312xi32, #tpu.memory_space<vmem>> -> memref<128xi32, #tpu.memory_space<vmem>>
    %dma_start3A_1078 = arith.constant 0 : i32
    %dma_start3A_1079 = arith.constant 0 : i32
    %dma_start3A_1080 = tpu.memref_slice %arg2[%dma_start3A_1078, %dma_start3A_1079] : memref<1000000x32xf32, #tpu.memory_space<hbm>> -> memref<1000000x32xf32, #tpu.memory_space<hbm>>
    tpu.enqueue_indirect_dma source(%dma_start3A_1080 : memref<1000000x32xf32, #tpu.memory_space<hbm>>) target(%dma_start3A_1075 : memref<128x32xf32, #tpu.memory_space<vmem>>) offsets(%dma_start3A_1077 : memref<128xi32, #tpu.memory_space<vmem>>) semaphore(%arg7 : memref<!tpu.dma_semaphore, #tpu.memory_space<semaphore_mem>>)
    %dma_start3A_1081 = arith.constant 0 : i32
    %dma_start3A_1082 = arith.constant 640 : i32
    %dma_start3A_1083 = arith.constant 0 : i32
    %dma_start3A_1084 = tpu.memref_slice %arg6[%dma_start3A_1081, %dma_start3A_1082, %dma_start3A_1083] : memref<2x1024x32xf32, #tpu.memory_space<vmem>> -> memref<1x128x32xf32, #tpu.memory_space<vmem>>
    %dma_start3A_1085 = tpu.memref_squeeze %dma_start3A_1084 : memref<1x128x32xf32, #tpu.memory_space<vmem>> -> memref<128x32xf32, #tpu.memory_space<vmem>>
    %dma_start3A_1086 = arith.constant 8832 : i32
    %dma_start3A_1087 = tpu.memref_slice %arg5[%dma_start3A_1086] : memref<13312xi32, #tpu.memory_space<vmem>> -> memref<128xi32, #tpu.memory_space<vmem>>
    %dma_start3A_1088 = arith.constant 0 : i32
    %dma_start3A_1089 = arith.constant 0 : i32
    %dma_start3A_1090 = tpu.memref_slice %arg2[%dma_start3A_1088, %dma_start3A_1089] : memref<1000000x32xf32, #tpu.memory_space<hbm>> -> memref<1000000x32xf32, #tpu.memory_space<hbm>>
    tpu.enqueue_indirect_dma source(%dma_start3A_1090 : memref<1000000x32xf32, #tpu.memory_space<hbm>>) target(%dma_start3A_1085 : memref<128x32xf32, #tpu.memory_space<vmem>>) offsets(%dma_start3A_1087 : memref<128xi32, #tpu.memory_space<vmem>>) semaphore(%arg7 : memref<!tpu.dma_semaphore, #tpu.memory_space<semaphore_mem>>)
    %dma_start3A_1091 = arith.constant 0 : i32
    %dma_start3A_1092 = arith.constant 768 : i32
    %dma_start3A_1093 = arith.constant 0 : i32
    %dma_start3A_1094 = tpu.memref_slice %arg6[%dma_start3A_1091, %dma_start3A_1092, %dma_start3A_1093] : memref<2x1024x32xf32, #tpu.memory_space<vmem>> -> memref<1x128x32xf32, #tpu.memory_space<vmem>>
    %dma_start3A_1095 = tpu.memref_squeeze %dma_start3A_1094 : memref<1x128x32xf32, #tpu.memory_space<vmem>> -> memref<128x32xf32, #tpu.memory_space<vmem>>
    %dma_start3A_1096 = arith.constant 8960 : i32
    %dma_start3A_1097 = tpu.memref_slice %arg5[%dma_start3A_1096] : memref<13312xi32, #tpu.memory_space<vmem>> -> memref<128xi32, #tpu.memory_space<vmem>>
    %dma_start3A_1098 = arith.constant 0 : i32
    %dma_start3A_1099 = arith.constant 0 : i32
    %dma_start3A_1100 = tpu.memref_slice %arg2[%dma_start3A_1098, %dma_start3A_1099] : memref<1000000x32xf32, #tpu.memory_space<hbm>> -> memref<1000000x32xf32, #tpu.memory_space<hbm>>
    tpu.enqueue_indirect_dma source(%dma_start3A_1100 : memref<1000000x32xf32, #tpu.memory_space<hbm>>) target(%dma_start3A_1095 : memref<128x32xf32, #tpu.memory_space<vmem>>) offsets(%dma_start3A_1097 : memref<128xi32, #tpu.memory_space<vmem>>) semaphore(%arg7 : memref<!tpu.dma_semaphore, #tpu.memory_space<semaphore_mem>>)
    %dma_start3A_1101 = arith.constant 0 : i32
    %dma_start3A_1102 = arith.constant 896 : i32
    %dma_start3A_1103 = arith.constant 0 : i32
    %dma_start3A_1104 = tpu.memref_slice %arg6[%dma_start3A_1101, %dma_start3A_1102, %dma_start3A_1103] : memref<2x1024x32xf32, #tpu.memory_space<vmem>> -> memref<1x128x32xf32, #tpu.memory_space<vmem>>
    %dma_start3A_1105 = tpu.memref_squeeze %dma_start3A_1104 : memref<1x128x32xf32, #tpu.memory_space<vmem>> -> memref<128x32xf32, #tpu.memory_space<vmem>>
    %dma_start3A_1106 = arith.constant 9088 : i32
    %dma_start3A_1107 = tpu.memref_slice %arg5[%dma_start3A_1106] : memref<13312xi32, #tpu.memory_space<vmem>> -> memref<128xi32, #tpu.memory_space<vmem>>
    %dma_start3A_1108 = arith.constant 0 : i32
    %dma_start3A_1109 = arith.constant 0 : i32
    %dma_start3A_1110 = tpu.memref_slice %arg2[%dma_start3A_1108, %dma_start3A_1109] : memref<1000000x32xf32, #tpu.memory_space<hbm>> -> memref<1000000x32xf32, #tpu.memory_space<hbm>>
    tpu.enqueue_indirect_dma source(%dma_start3A_1110 : memref<1000000x32xf32, #tpu.memory_space<hbm>>) target(%dma_start3A_1105 : memref<128x32xf32, #tpu.memory_space<vmem>>) offsets(%dma_start3A_1107 : memref<128xi32, #tpu.memory_space<vmem>>) semaphore(%arg7 : memref<!tpu.dma_semaphore, #tpu.memory_space<semaphore_mem>>)
    %dma_wait3A_1111 = arith.constant 0 : i32
    %dma_wait3A_1112 = arith.constant 0 : i32
    %dma_wait3A_1113 = arith.constant 1 : i32
    %dma_wait3A_1114 = arith.constant 0 : i32
    %dma_wait3A_1115 = arith.constant 0 : i32
    %dma_wait3A_1116 = tpu.memref_slice %arg6[%dma_wait3A_1113, %dma_wait3A_1114, %dma_wait3A_1115] : memref<2x1024x32xf32, #tpu.memory_space<vmem>> -> memref<1x1024x32xf32, #tpu.memory_space<vmem>>
    %dma_wait3A_1117 = tpu.memref_squeeze %dma_wait3A_1116 : memref<1x1024x32xf32, #tpu.memory_space<vmem>> -> memref<1024x32xf32, #tpu.memory_space<vmem>>
    %dma_wait3A_1118 = arith.constant 0 : i32
    %dma_wait3A_1119 = arith.constant 0 : i32
    %dma_wait3A_1120 = tpu.memref_slice %arg4[%dma_wait3A_1111, %dma_wait3A_1112, %dma_wait3A_1118, %dma_wait3A_1119] : memref<32x13x1024x32xf32, #tpu.memory_space<hbm>> -> memref<1x1x1024x32xf32, #tpu.memory_space<hbm>>
    %dma_wait3A_1121 = tpu.memref_squeeze %dma_wait3A_1120 : memref<1x1x1024x32xf32, #tpu.memory_space<hbm>> -> memref<1024x32xf32, #tpu.memory_space<hbm>>
    %dma_wait3A_1122 = arith.constant 0 : i32
    %dma_wait3A_1123 = arith.constant 0 : i32
    %dma_wait3A_1124 = tpu.memref_slice %arg6[%dma_wait3A_1113, %dma_wait3A_1122, %dma_wait3A_1123] : memref<2x1024x32xf32, #tpu.memory_space<vmem>> -> memref<1x1024x32xf32, #tpu.memory_space<vmem>>
    %dma_wait3A_1125 = tpu.memref_squeeze %dma_wait3A_1124 : memref<1x1024x32xf32, #tpu.memory_space<vmem>> -> memref<1024x32xf32, #tpu.memory_space<vmem>>
    %dma_wait3A_1126 = arith.constant 0 : i32
    %dma_wait3A_1127 = arith.constant 0 : i32
    %dma_wait3A_1128 = tpu.memref_slice %arg4[%dma_wait3A_1111, %dma_wait3A_1112, %dma_wait3A_1126, %dma_wait3A_1127] : memref<32x13x1024x32xf32, #tpu.memory_space<hbm>> -> memref<1x1x1024x32xf32, #tpu.memory_space<hbm>>
    %dma_wait3A_1129 = tpu.memref_squeeze %dma_wait3A_1128 : memref<1x1x1024x32xf32, #tpu.memory_space<hbm>> -> memref<1024x32xf32, #tpu.memory_space<hbm>>
    tpu.wait_dma2 semaphore(%arg8 : memref<!tpu.dma_semaphore, #tpu.memory_space<semaphore_mem>>) src(%dma_wait3A_1129 : memref<1024x32xf32, #tpu.memory_space<hbm>>) dst(%dma_wait3A_1125 : memref<1024x32xf32, #tpu.memory_space<vmem>>)
    %dma_start3A_1130 = arith.constant 1 : i32
    %dma_start3A_1131 = arith.constant 7 : i32
    %dma_start3A_1132 = arith.constant 0 : i32
    %dma_start3A_1133 = arith.constant 0 : i32
    %dma_start3A_1134 = tpu.memref_slice %arg6[%dma_start3A_1130, %dma_start3A_1132, %dma_start3A_1133] : memref<2x1024x32xf32, #tpu.memory_space<vmem>> -> memref<1x1024x32xf32, #tpu.memory_space<vmem>>
    %dma_start3A_1135 = tpu.memref_squeeze %dma_start3A_1134 : memref<1x1024x32xf32, #tpu.memory_space<vmem>> -> memref<1024x32xf32, #tpu.memory_space<vmem>>
    %dma_start3A_1136 = arith.constant 0 : i32
    %dma_start3A_1137 = arith.constant 0 : i32
    %dma_start3A_1138 = tpu.memref_slice %arg4[%add3A, %dma_start3A_1131, %dma_start3A_1136, %dma_start3A_1137] : memref<32x13x1024x32xf32, #tpu.memory_space<hbm>> -> memref<1x1x1024x32xf32, #tpu.memory_space<hbm>>
    %dma_start3A_1139 = tpu.memref_squeeze %dma_start3A_1138 : memref<1x1x1024x32xf32, #tpu.memory_space<hbm>> -> memref<1024x32xf32, #tpu.memory_space<hbm>>
    %dma_start3A_1140 = arith.constant 0 : i32
    %dma_start3A_1141 = arith.constant 0 : i32
    %dma_start3A_1142 = tpu.memref_slice %arg4[%add3A, %dma_start3A_1131, %dma_start3A_1140, %dma_start3A_1141] : memref<32x13x1024x32xf32, #tpu.memory_space<hbm>> -> memref<1x1x1024x32xf32, #tpu.memory_space<hbm>>
    %dma_start3A_1143 = tpu.memref_squeeze %dma_start3A_1142 : memref<1x1x1024x32xf32, #tpu.memory_space<hbm>> -> memref<1024x32xf32, #tpu.memory_space<hbm>>
    %dma_start3A_1144 = arith.constant 0 : i32
    %dma_start3A_1145 = arith.constant 0 : i32
    %dma_start3A_1146 = tpu.memref_slice %arg6[%dma_start3A_1130, %dma_start3A_1144, %dma_start3A_1145] : memref<2x1024x32xf32, #tpu.memory_space<vmem>> -> memref<1x1024x32xf32, #tpu.memory_space<vmem>>
    %dma_start3A_1147 = tpu.memref_squeeze %dma_start3A_1146 : memref<1x1024x32xf32, #tpu.memory_space<vmem>> -> memref<1024x32xf32, #tpu.memory_space<vmem>>
    tpu.enqueue_dma source(%dma_start3A_1147 : memref<1024x32xf32, #tpu.memory_space<vmem>>) target(%dma_start3A_1143 : memref<1024x32xf32, #tpu.memory_space<hbm>>) target_semaphore(%arg9 : memref<!tpu.dma_semaphore, #tpu.memory_space<semaphore_mem>>)
    %dma_wait3A_1148 = arith.constant 0 : i32
    %dma_wait3A_1149 = arith.constant 0 : i32
    %dma_wait3A_1150 = arith.constant 1 : i32
    %dma_wait3A_1151 = arith.constant 0 : i32
    %dma_wait3A_1152 = arith.constant 0 : i32
    %dma_wait3A_1153 = tpu.memref_slice %arg6[%dma_wait3A_1150, %dma_wait3A_1151, %dma_wait3A_1152] : memref<2x1024x32xf32, #tpu.memory_space<vmem>> -> memref<1x1024x32xf32, #tpu.memory_space<vmem>>
    %dma_wait3A_1154 = tpu.memref_squeeze %dma_wait3A_1153 : memref<1x1024x32xf32, #tpu.memory_space<vmem>> -> memref<1024x32xf32, #tpu.memory_space<vmem>>
    %dma_wait3A_1155 = arith.constant 0 : i32
    %dma_wait3A_1156 = arith.constant 0 : i32
    %dma_wait3A_1157 = tpu.memref_slice %arg4[%dma_wait3A_1148, %dma_wait3A_1149, %dma_wait3A_1155, %dma_wait3A_1156] : memref<32x13x1024x32xf32, #tpu.memory_space<hbm>> -> memref<1x1x1024x32xf32, #tpu.memory_space<hbm>>
    %dma_wait3A_1158 = tpu.memref_squeeze %dma_wait3A_1157 : memref<1x1x1024x32xf32, #tpu.memory_space<hbm>> -> memref<1024x32xf32, #tpu.memory_space<hbm>>
    %dma_wait3A_1159 = arith.constant 0 : i32
    %dma_wait3A_1160 = arith.constant 0 : i32
    %dma_wait3A_1161 = tpu.memref_slice %arg6[%dma_wait3A_1150, %dma_wait3A_1159, %dma_wait3A_1160] : memref<2x1024x32xf32, #tpu.memory_space<vmem>> -> memref<1x1024x32xf32, #tpu.memory_space<vmem>>
    %dma_wait3A_1162 = tpu.memref_squeeze %dma_wait3A_1161 : memref<1x1024x32xf32, #tpu.memory_space<vmem>> -> memref<1024x32xf32, #tpu.memory_space<vmem>>
    %dma_wait3A_1163 = arith.constant 0 : i32
    %dma_wait3A_1164 = arith.constant 0 : i32
    %dma_wait3A_1165 = tpu.memref_slice %arg4[%dma_wait3A_1148, %dma_wait3A_1149, %dma_wait3A_1163, %dma_wait3A_1164] : memref<32x13x1024x32xf32, #tpu.memory_space<hbm>> -> memref<1x1x1024x32xf32, #tpu.memory_space<hbm>>
    %dma_wait3A_1166 = tpu.memref_squeeze %dma_wait3A_1165 : memref<1x1x1024x32xf32, #tpu.memory_space<hbm>> -> memref<1024x32xf32, #tpu.memory_space<hbm>>
    tpu.wait_dma2 semaphore(%arg9 : memref<!tpu.dma_semaphore, #tpu.memory_space<semaphore_mem>>) src(%dma_wait3A_1166 : memref<1024x32xf32, #tpu.memory_space<hbm>>) dst(%dma_wait3A_1162 : memref<1024x32xf32, #tpu.memory_space<vmem>>)
    %dma_start3A_1167 = arith.constant 1 : i32
    %dma_start3A_1168 = arith.constant 0 : i32
    %dma_start3A_1169 = arith.constant 0 : i32
    %dma_start3A_1170 = tpu.memref_slice %arg6[%dma_start3A_1167, %dma_start3A_1168, %dma_start3A_1169] : memref<2x1024x32xf32, #tpu.memory_space<vmem>> -> memref<1x128x32xf32, #tpu.memory_space<vmem>>
    %dma_start3A_1171 = tpu.memref_squeeze %dma_start3A_1170 : memref<1x128x32xf32, #tpu.memory_space<vmem>> -> memref<128x32xf32, #tpu.memory_space<vmem>>
    %dma_start3A_1172 = arith.constant 9216 : i32
    %dma_start3A_1173 = tpu.memref_slice %arg5[%dma_start3A_1172] : memref<13312xi32, #tpu.memory_space<vmem>> -> memref<128xi32, #tpu.memory_space<vmem>>
    %dma_start3A_1174 = arith.constant 0 : i32
    %dma_start3A_1175 = arith.constant 0 : i32
    %dma_start3A_1176 = tpu.memref_slice %arg2[%dma_start3A_1174, %dma_start3A_1175] : memref<1000000x32xf32, #tpu.memory_space<hbm>> -> memref<1000000x32xf32, #tpu.memory_space<hbm>>
    tpu.enqueue_indirect_dma source(%dma_start3A_1176 : memref<1000000x32xf32, #tpu.memory_space<hbm>>) target(%dma_start3A_1171 : memref<128x32xf32, #tpu.memory_space<vmem>>) offsets(%dma_start3A_1173 : memref<128xi32, #tpu.memory_space<vmem>>) semaphore(%arg8 : memref<!tpu.dma_semaphore, #tpu.memory_space<semaphore_mem>>)
    %dma_start3A_1177 = arith.constant 1 : i32
    %dma_start3A_1178 = arith.constant 128 : i32
    %dma_start3A_1179 = arith.constant 0 : i32
    %dma_start3A_1180 = tpu.memref_slice %arg6[%dma_start3A_1177, %dma_start3A_1178, %dma_start3A_1179] : memref<2x1024x32xf32, #tpu.memory_space<vmem>> -> memref<1x128x32xf32, #tpu.memory_space<vmem>>
    %dma_start3A_1181 = tpu.memref_squeeze %dma_start3A_1180 : memref<1x128x32xf32, #tpu.memory_space<vmem>> -> memref<128x32xf32, #tpu.memory_space<vmem>>
    %dma_start3A_1182 = arith.constant 9344 : i32
    %dma_start3A_1183 = tpu.memref_slice %arg5[%dma_start3A_1182] : memref<13312xi32, #tpu.memory_space<vmem>> -> memref<128xi32, #tpu.memory_space<vmem>>
    %dma_start3A_1184 = arith.constant 0 : i32
    %dma_start3A_1185 = arith.constant 0 : i32
    %dma_start3A_1186 = tpu.memref_slice %arg2[%dma_start3A_1184, %dma_start3A_1185] : memref<1000000x32xf32, #tpu.memory_space<hbm>> -> memref<1000000x32xf32, #tpu.memory_space<hbm>>
    tpu.enqueue_indirect_dma source(%dma_start3A_1186 : memref<1000000x32xf32, #tpu.memory_space<hbm>>) target(%dma_start3A_1181 : memref<128x32xf32, #tpu.memory_space<vmem>>) offsets(%dma_start3A_1183 : memref<128xi32, #tpu.memory_space<vmem>>) semaphore(%arg8 : memref<!tpu.dma_semaphore, #tpu.memory_space<semaphore_mem>>)
    %dma_start3A_1187 = arith.constant 1 : i32
    %dma_start3A_1188 = arith.constant 256 : i32
    %dma_start3A_1189 = arith.constant 0 : i32
    %dma_start3A_1190 = tpu.memref_slice %arg6[%dma_start3A_1187, %dma_start3A_1188, %dma_start3A_1189] : memref<2x1024x32xf32, #tpu.memory_space<vmem>> -> memref<1x128x32xf32, #tpu.memory_space<vmem>>
    %dma_start3A_1191 = tpu.memref_squeeze %dma_start3A_1190 : memref<1x128x32xf32, #tpu.memory_space<vmem>> -> memref<128x32xf32, #tpu.memory_space<vmem>>
    %dma_start3A_1192 = arith.constant 9472 : i32
    %dma_start3A_1193 = tpu.memref_slice %arg5[%dma_start3A_1192] : memref<13312xi32, #tpu.memory_space<vmem>> -> memref<128xi32, #tpu.memory_space<vmem>>
    %dma_start3A_1194 = arith.constant 0 : i32
    %dma_start3A_1195 = arith.constant 0 : i32
    %dma_start3A_1196 = tpu.memref_slice %arg2[%dma_start3A_1194, %dma_start3A_1195] : memref<1000000x32xf32, #tpu.memory_space<hbm>> -> memref<1000000x32xf32, #tpu.memory_space<hbm>>
    tpu.enqueue_indirect_dma source(%dma_start3A_1196 : memref<1000000x32xf32, #tpu.memory_space<hbm>>) target(%dma_start3A_1191 : memref<128x32xf32, #tpu.memory_space<vmem>>) offsets(%dma_start3A_1193 : memref<128xi32, #tpu.memory_space<vmem>>) semaphore(%arg8 : memref<!tpu.dma_semaphore, #tpu.memory_space<semaphore_mem>>)
    %dma_start3A_1197 = arith.constant 1 : i32
    %dma_start3A_1198 = arith.constant 384 : i32
    %dma_start3A_1199 = arith.constant 0 : i32
    %dma_start3A_1200 = tpu.memref_slice %arg6[%dma_start3A_1197, %dma_start3A_1198, %dma_start3A_1199] : memref<2x1024x32xf32, #tpu.memory_space<vmem>> -> memref<1x128x32xf32, #tpu.memory_space<vmem>>
    %dma_start3A_1201 = tpu.memref_squeeze %dma_start3A_1200 : memref<1x128x32xf32, #tpu.memory_space<vmem>> -> memref<128x32xf32, #tpu.memory_space<vmem>>
    %dma_start3A_1202 = arith.constant 9600 : i32
    %dma_start3A_1203 = tpu.memref_slice %arg5[%dma_start3A_1202] : memref<13312xi32, #tpu.memory_space<vmem>> -> memref<128xi32, #tpu.memory_space<vmem>>
    %dma_start3A_1204 = arith.constant 0 : i32
    %dma_start3A_1205 = arith.constant 0 : i32
    %dma_start3A_1206 = tpu.memref_slice %arg2[%dma_start3A_1204, %dma_start3A_1205] : memref<1000000x32xf32, #tpu.memory_space<hbm>> -> memref<1000000x32xf32, #tpu.memory_space<hbm>>
    tpu.enqueue_indirect_dma source(%dma_start3A_1206 : memref<1000000x32xf32, #tpu.memory_space<hbm>>) target(%dma_start3A_1201 : memref<128x32xf32, #tpu.memory_space<vmem>>) offsets(%dma_start3A_1203 : memref<128xi32, #tpu.memory_space<vmem>>) semaphore(%arg8 : memref<!tpu.dma_semaphore, #tpu.memory_space<semaphore_mem>>)
    %dma_start3A_1207 = arith.constant 1 : i32
    %dma_start3A_1208 = arith.constant 512 : i32
    %dma_start3A_1209 = arith.constant 0 : i32
    %dma_start3A_1210 = tpu.memref_slice %arg6[%dma_start3A_1207, %dma_start3A_1208, %dma_start3A_1209] : memref<2x1024x32xf32, #tpu.memory_space<vmem>> -> memref<1x128x32xf32, #tpu.memory_space<vmem>>
    %dma_start3A_1211 = tpu.memref_squeeze %dma_start3A_1210 : memref<1x128x32xf32, #tpu.memory_space<vmem>> -> memref<128x32xf32, #tpu.memory_space<vmem>>
    %dma_start3A_1212 = arith.constant 9728 : i32
    %dma_start3A_1213 = tpu.memref_slice %arg5[%dma_start3A_1212] : memref<13312xi32, #tpu.memory_space<vmem>> -> memref<128xi32, #tpu.memory_space<vmem>>
    %dma_start3A_1214 = arith.constant 0 : i32
    %dma_start3A_1215 = arith.constant 0 : i32
    %dma_start3A_1216 = tpu.memref_slice %arg2[%dma_start3A_1214, %dma_start3A_1215] : memref<1000000x32xf32, #tpu.memory_space<hbm>> -> memref<1000000x32xf32, #tpu.memory_space<hbm>>
    tpu.enqueue_indirect_dma source(%dma_start3A_1216 : memref<1000000x32xf32, #tpu.memory_space<hbm>>) target(%dma_start3A_1211 : memref<128x32xf32, #tpu.memory_space<vmem>>) offsets(%dma_start3A_1213 : memref<128xi32, #tpu.memory_space<vmem>>) semaphore(%arg8 : memref<!tpu.dma_semaphore, #tpu.memory_space<semaphore_mem>>)
    %dma_start3A_1217 = arith.constant 1 : i32
    %dma_start3A_1218 = arith.constant 640 : i32
    %dma_start3A_1219 = arith.constant 0 : i32
    %dma_start3A_1220 = tpu.memref_slice %arg6[%dma_start3A_1217, %dma_start3A_1218, %dma_start3A_1219] : memref<2x1024x32xf32, #tpu.memory_space<vmem>> -> memref<1x128x32xf32, #tpu.memory_space<vmem>>
    %dma_start3A_1221 = tpu.memref_squeeze %dma_start3A_1220 : memref<1x128x32xf32, #tpu.memory_space<vmem>> -> memref<128x32xf32, #tpu.memory_space<vmem>>
    %dma_start3A_1222 = arith.constant 9856 : i32
    %dma_start3A_1223 = tpu.memref_slice %arg5[%dma_start3A_1222] : memref<13312xi32, #tpu.memory_space<vmem>> -> memref<128xi32, #tpu.memory_space<vmem>>
    %dma_start3A_1224 = arith.constant 0 : i32
    %dma_start3A_1225 = arith.constant 0 : i32
    %dma_start3A_1226 = tpu.memref_slice %arg2[%dma_start3A_1224, %dma_start3A_1225] : memref<1000000x32xf32, #tpu.memory_space<hbm>> -> memref<1000000x32xf32, #tpu.memory_space<hbm>>
    tpu.enqueue_indirect_dma source(%dma_start3A_1226 : memref<1000000x32xf32, #tpu.memory_space<hbm>>) target(%dma_start3A_1221 : memref<128x32xf32, #tpu.memory_space<vmem>>) offsets(%dma_start3A_1223 : memref<128xi32, #tpu.memory_space<vmem>>) semaphore(%arg8 : memref<!tpu.dma_semaphore, #tpu.memory_space<semaphore_mem>>)
    %dma_start3A_1227 = arith.constant 1 : i32
    %dma_start3A_1228 = arith.constant 768 : i32
    %dma_start3A_1229 = arith.constant 0 : i32
    %dma_start3A_1230 = tpu.memref_slice %arg6[%dma_start3A_1227, %dma_start3A_1228, %dma_start3A_1229] : memref<2x1024x32xf32, #tpu.memory_space<vmem>> -> memref<1x128x32xf32, #tpu.memory_space<vmem>>
    %dma_start3A_1231 = tpu.memref_squeeze %dma_start3A_1230 : memref<1x128x32xf32, #tpu.memory_space<vmem>> -> memref<128x32xf32, #tpu.memory_space<vmem>>
    %dma_start3A_1232 = arith.constant 9984 : i32
    %dma_start3A_1233 = tpu.memref_slice %arg5[%dma_start3A_1232] : memref<13312xi32, #tpu.memory_space<vmem>> -> memref<128xi32, #tpu.memory_space<vmem>>
    %dma_start3A_1234 = arith.constant 0 : i32
    %dma_start3A_1235 = arith.constant 0 : i32
    %dma_start3A_1236 = tpu.memref_slice %arg2[%dma_start3A_1234, %dma_start3A_1235] : memref<1000000x32xf32, #tpu.memory_space<hbm>> -> memref<1000000x32xf32, #tpu.memory_space<hbm>>
    tpu.enqueue_indirect_dma source(%dma_start3A_1236 : memref<1000000x32xf32, #tpu.memory_space<hbm>>) target(%dma_start3A_1231 : memref<128x32xf32, #tpu.memory_space<vmem>>) offsets(%dma_start3A_1233 : memref<128xi32, #tpu.memory_space<vmem>>) semaphore(%arg8 : memref<!tpu.dma_semaphore, #tpu.memory_space<semaphore_mem>>)
    %dma_start3A_1237 = arith.constant 1 : i32
    %dma_start3A_1238 = arith.constant 896 : i32
    %dma_start3A_1239 = arith.constant 0 : i32
    %dma_start3A_1240 = tpu.memref_slice %arg6[%dma_start3A_1237, %dma_start3A_1238, %dma_start3A_1239] : memref<2x1024x32xf32, #tpu.memory_space<vmem>> -> memref<1x128x32xf32, #tpu.memory_space<vmem>>
    %dma_start3A_1241 = tpu.memref_squeeze %dma_start3A_1240 : memref<1x128x32xf32, #tpu.memory_space<vmem>> -> memref<128x32xf32, #tpu.memory_space<vmem>>
    %dma_start3A_1242 = arith.constant 10112 : i32
    %dma_start3A_1243 = tpu.memref_slice %arg5[%dma_start3A_1242] : memref<13312xi32, #tpu.memory_space<vmem>> -> memref<128xi32, #tpu.memory_space<vmem>>
    %dma_start3A_1244 = arith.constant 0 : i32
    %dma_start3A_1245 = arith.constant 0 : i32
    %dma_start3A_1246 = tpu.memref_slice %arg2[%dma_start3A_1244, %dma_start3A_1245] : memref<1000000x32xf32, #tpu.memory_space<hbm>> -> memref<1000000x32xf32, #tpu.memory_space<hbm>>
    tpu.enqueue_indirect_dma source(%dma_start3A_1246 : memref<1000000x32xf32, #tpu.memory_space<hbm>>) target(%dma_start3A_1241 : memref<128x32xf32, #tpu.memory_space<vmem>>) offsets(%dma_start3A_1243 : memref<128xi32, #tpu.memory_space<vmem>>) semaphore(%arg8 : memref<!tpu.dma_semaphore, #tpu.memory_space<semaphore_mem>>)
    %dma_wait3A_1247 = arith.constant 0 : i32
    %dma_wait3A_1248 = arith.constant 0 : i32
    %dma_wait3A_1249 = arith.constant 0 : i32
    %dma_wait3A_1250 = arith.constant 0 : i32
    %dma_wait3A_1251 = arith.constant 0 : i32
    %dma_wait3A_1252 = tpu.memref_slice %arg6[%dma_wait3A_1249, %dma_wait3A_1250, %dma_wait3A_1251] : memref<2x1024x32xf32, #tpu.memory_space<vmem>> -> memref<1x1024x32xf32, #tpu.memory_space<vmem>>
    %dma_wait3A_1253 = tpu.memref_squeeze %dma_wait3A_1252 : memref<1x1024x32xf32, #tpu.memory_space<vmem>> -> memref<1024x32xf32, #tpu.memory_space<vmem>>
    %dma_wait3A_1254 = arith.constant 0 : i32
    %dma_wait3A_1255 = arith.constant 0 : i32
    %dma_wait3A_1256 = tpu.memref_slice %arg4[%dma_wait3A_1247, %dma_wait3A_1248, %dma_wait3A_1254, %dma_wait3A_1255] : memref<32x13x1024x32xf32, #tpu.memory_space<hbm>> -> memref<1x1x1024x32xf32, #tpu.memory_space<hbm>>
    %dma_wait3A_1257 = tpu.memref_squeeze %dma_wait3A_1256 : memref<1x1x1024x32xf32, #tpu.memory_space<hbm>> -> memref<1024x32xf32, #tpu.memory_space<hbm>>
    %dma_wait3A_1258 = arith.constant 0 : i32
    %dma_wait3A_1259 = arith.constant 0 : i32
    %dma_wait3A_1260 = tpu.memref_slice %arg6[%dma_wait3A_1249, %dma_wait3A_1258, %dma_wait3A_1259] : memref<2x1024x32xf32, #tpu.memory_space<vmem>> -> memref<1x1024x32xf32, #tpu.memory_space<vmem>>
    %dma_wait3A_1261 = tpu.memref_squeeze %dma_wait3A_1260 : memref<1x1024x32xf32, #tpu.memory_space<vmem>> -> memref<1024x32xf32, #tpu.memory_space<vmem>>
    %dma_wait3A_1262 = arith.constant 0 : i32
    %dma_wait3A_1263 = arith.constant 0 : i32
    %dma_wait3A_1264 = tpu.memref_slice %arg4[%dma_wait3A_1247, %dma_wait3A_1248, %dma_wait3A_1262, %dma_wait3A_1263] : memref<32x13x1024x32xf32, #tpu.memory_space<hbm>> -> memref<1x1x1024x32xf32, #tpu.memory_space<hbm>>
    %dma_wait3A_1265 = tpu.memref_squeeze %dma_wait3A_1264 : memref<1x1x1024x32xf32, #tpu.memory_space<hbm>> -> memref<1024x32xf32, #tpu.memory_space<hbm>>
    tpu.wait_dma2 semaphore(%arg7 : memref<!tpu.dma_semaphore, #tpu.memory_space<semaphore_mem>>) src(%dma_wait3A_1265 : memref<1024x32xf32, #tpu.memory_space<hbm>>) dst(%dma_wait3A_1261 : memref<1024x32xf32, #tpu.memory_space<vmem>>)
    %dma_start3A_1266 = arith.constant 0 : i32
    %dma_start3A_1267 = arith.constant 8 : i32
    %dma_start3A_1268 = arith.constant 0 : i32
    %dma_start3A_1269 = arith.constant 0 : i32
    %dma_start3A_1270 = tpu.memref_slice %arg6[%dma_start3A_1266, %dma_start3A_1268, %dma_start3A_1269] : memref<2x1024x32xf32, #tpu.memory_space<vmem>> -> memref<1x1024x32xf32, #tpu.memory_space<vmem>>
    %dma_start3A_1271 = tpu.memref_squeeze %dma_start3A_1270 : memref<1x1024x32xf32, #tpu.memory_space<vmem>> -> memref<1024x32xf32, #tpu.memory_space<vmem>>
    %dma_start3A_1272 = arith.constant 0 : i32
    %dma_start3A_1273 = arith.constant 0 : i32
    %dma_start3A_1274 = tpu.memref_slice %arg4[%add3A, %dma_start3A_1267, %dma_start3A_1272, %dma_start3A_1273] : memref<32x13x1024x32xf32, #tpu.memory_space<hbm>> -> memref<1x1x1024x32xf32, #tpu.memory_space<hbm>>
    %dma_start3A_1275 = tpu.memref_squeeze %dma_start3A_1274 : memref<1x1x1024x32xf32, #tpu.memory_space<hbm>> -> memref<1024x32xf32, #tpu.memory_space<hbm>>
    %dma_start3A_1276 = arith.constant 0 : i32
    %dma_start3A_1277 = arith.constant 0 : i32
    %dma_start3A_1278 = tpu.memref_slice %arg4[%add3A, %dma_start3A_1267, %dma_start3A_1276, %dma_start3A_1277] : memref<32x13x1024x32xf32, #tpu.memory_space<hbm>> -> memref<1x1x1024x32xf32, #tpu.memory_space<hbm>>
    %dma_start3A_1279 = tpu.memref_squeeze %dma_start3A_1278 : memref<1x1x1024x32xf32, #tpu.memory_space<hbm>> -> memref<1024x32xf32, #tpu.memory_space<hbm>>
    %dma_start3A_1280 = arith.constant 0 : i32
    %dma_start3A_1281 = arith.constant 0 : i32
    %dma_start3A_1282 = tpu.memref_slice %arg6[%dma_start3A_1266, %dma_start3A_1280, %dma_start3A_1281] : memref<2x1024x32xf32, #tpu.memory_space<vmem>> -> memref<1x1024x32xf32, #tpu.memory_space<vmem>>
    %dma_start3A_1283 = tpu.memref_squeeze %dma_start3A_1282 : memref<1x1024x32xf32, #tpu.memory_space<vmem>> -> memref<1024x32xf32, #tpu.memory_space<vmem>>
    tpu.enqueue_dma source(%dma_start3A_1283 : memref<1024x32xf32, #tpu.memory_space<vmem>>) target(%dma_start3A_1279 : memref<1024x32xf32, #tpu.memory_space<hbm>>) target_semaphore(%arg9 : memref<!tpu.dma_semaphore, #tpu.memory_space<semaphore_mem>>)
    %dma_wait3A_1284 = arith.constant 0 : i32
    %dma_wait3A_1285 = arith.constant 0 : i32
    %dma_wait3A_1286 = arith.constant 0 : i32
    %dma_wait3A_1287 = arith.constant 0 : i32
    %dma_wait3A_1288 = arith.constant 0 : i32
    %dma_wait3A_1289 = tpu.memref_slice %arg6[%dma_wait3A_1286, %dma_wait3A_1287, %dma_wait3A_1288] : memref<2x1024x32xf32, #tpu.memory_space<vmem>> -> memref<1x1024x32xf32, #tpu.memory_space<vmem>>
    %dma_wait3A_1290 = tpu.memref_squeeze %dma_wait3A_1289 : memref<1x1024x32xf32, #tpu.memory_space<vmem>> -> memref<1024x32xf32, #tpu.memory_space<vmem>>
    %dma_wait3A_1291 = arith.constant 0 : i32
    %dma_wait3A_1292 = arith.constant 0 : i32
    %dma_wait3A_1293 = tpu.memref_slice %arg4[%dma_wait3A_1284, %dma_wait3A_1285, %dma_wait3A_1291, %dma_wait3A_1292] : memref<32x13x1024x32xf32, #tpu.memory_space<hbm>> -> memref<1x1x1024x32xf32, #tpu.memory_space<hbm>>
    %dma_wait3A_1294 = tpu.memref_squeeze %dma_wait3A_1293 : memref<1x1x1024x32xf32, #tpu.memory_space<hbm>> -> memref<1024x32xf32, #tpu.memory_space<hbm>>
    %dma_wait3A_1295 = arith.constant 0 : i32
    %dma_wait3A_1296 = arith.constant 0 : i32
    %dma_wait3A_1297 = tpu.memref_slice %arg6[%dma_wait3A_1286, %dma_wait3A_1295, %dma_wait3A_1296] : memref<2x1024x32xf32, #tpu.memory_space<vmem>> -> memref<1x1024x32xf32, #tpu.memory_space<vmem>>
    %dma_wait3A_1298 = tpu.memref_squeeze %dma_wait3A_1297 : memref<1x1024x32xf32, #tpu.memory_space<vmem>> -> memref<1024x32xf32, #tpu.memory_space<vmem>>
    %dma_wait3A_1299 = arith.constant 0 : i32
    %dma_wait3A_1300 = arith.constant 0 : i32
    %dma_wait3A_1301 = tpu.memref_slice %arg4[%dma_wait3A_1284, %dma_wait3A_1285, %dma_wait3A_1299, %dma_wait3A_1300] : memref<32x13x1024x32xf32, #tpu.memory_space<hbm>> -> memref<1x1x1024x32xf32, #tpu.memory_space<hbm>>
    %dma_wait3A_1302 = tpu.memref_squeeze %dma_wait3A_1301 : memref<1x1x1024x32xf32, #tpu.memory_space<hbm>> -> memref<1024x32xf32, #tpu.memory_space<hbm>>
    tpu.wait_dma2 semaphore(%arg9 : memref<!tpu.dma_semaphore, #tpu.memory_space<semaphore_mem>>) src(%dma_wait3A_1302 : memref<1024x32xf32, #tpu.memory_space<hbm>>) dst(%dma_wait3A_1298 : memref<1024x32xf32, #tpu.memory_space<vmem>>)
    %dma_start3A_1303 = arith.constant 0 : i32
    %dma_start3A_1304 = arith.constant 0 : i32
    %dma_start3A_1305 = arith.constant 0 : i32
    %dma_start3A_1306 = tpu.memref_slice %arg6[%dma_start3A_1303, %dma_start3A_1304, %dma_start3A_1305] : memref<2x1024x32xf32, #tpu.memory_space<vmem>> -> memref<1x128x32xf32, #tpu.memory_space<vmem>>
    %dma_start3A_1307 = tpu.memref_squeeze %dma_start3A_1306 : memref<1x128x32xf32, #tpu.memory_space<vmem>> -> memref<128x32xf32, #tpu.memory_space<vmem>>
    %dma_start3A_1308 = arith.constant 10240 : i32
    %dma_start3A_1309 = tpu.memref_slice %arg5[%dma_start3A_1308] : memref<13312xi32, #tpu.memory_space<vmem>> -> memref<128xi32, #tpu.memory_space<vmem>>
    %dma_start3A_1310 = arith.constant 0 : i32
    %dma_start3A_1311 = arith.constant 0 : i32
    %dma_start3A_1312 = tpu.memref_slice %arg2[%dma_start3A_1310, %dma_start3A_1311] : memref<1000000x32xf32, #tpu.memory_space<hbm>> -> memref<1000000x32xf32, #tpu.memory_space<hbm>>
    tpu.enqueue_indirect_dma source(%dma_start3A_1312 : memref<1000000x32xf32, #tpu.memory_space<hbm>>) target(%dma_start3A_1307 : memref<128x32xf32, #tpu.memory_space<vmem>>) offsets(%dma_start3A_1309 : memref<128xi32, #tpu.memory_space<vmem>>) semaphore(%arg7 : memref<!tpu.dma_semaphore, #tpu.memory_space<semaphore_mem>>)
    %dma_start3A_1313 = arith.constant 0 : i32
    %dma_start3A_1314 = arith.constant 128 : i32
    %dma_start3A_1315 = arith.constant 0 : i32
    %dma_start3A_1316 = tpu.memref_slice %arg6[%dma_start3A_1313, %dma_start3A_1314, %dma_start3A_1315] : memref<2x1024x32xf32, #tpu.memory_space<vmem>> -> memref<1x128x32xf32, #tpu.memory_space<vmem>>
    %dma_start3A_1317 = tpu.memref_squeeze %dma_start3A_1316 : memref<1x128x32xf32, #tpu.memory_space<vmem>> -> memref<128x32xf32, #tpu.memory_space<vmem>>
    %dma_start3A_1318 = arith.constant 10368 : i32
    %dma_start3A_1319 = tpu.memref_slice %arg5[%dma_start3A_1318] : memref<13312xi32, #tpu.memory_space<vmem>> -> memref<128xi32, #tpu.memory_space<vmem>>
    %dma_start3A_1320 = arith.constant 0 : i32
    %dma_start3A_1321 = arith.constant 0 : i32
    %dma_start3A_1322 = tpu.memref_slice %arg2[%dma_start3A_1320, %dma_start3A_1321] : memref<1000000x32xf32, #tpu.memory_space<hbm>> -> memref<1000000x32xf32, #tpu.memory_space<hbm>>
    tpu.enqueue_indirect_dma source(%dma_start3A_1322 : memref<1000000x32xf32, #tpu.memory_space<hbm>>) target(%dma_start3A_1317 : memref<128x32xf32, #tpu.memory_space<vmem>>) offsets(%dma_start3A_1319 : memref<128xi32, #tpu.memory_space<vmem>>) semaphore(%arg7 : memref<!tpu.dma_semaphore, #tpu.memory_space<semaphore_mem>>)
    %dma_start3A_1323 = arith.constant 0 : i32
    %dma_start3A_1324 = arith.constant 256 : i32
    %dma_start3A_1325 = arith.constant 0 : i32
    %dma_start3A_1326 = tpu.memref_slice %arg6[%dma_start3A_1323, %dma_start3A_1324, %dma_start3A_1325] : memref<2x1024x32xf32, #tpu.memory_space<vmem>> -> memref<1x128x32xf32, #tpu.memory_space<vmem>>
    %dma_start3A_1327 = tpu.memref_squeeze %dma_start3A_1326 : memref<1x128x32xf32, #tpu.memory_space<vmem>> -> memref<128x32xf32, #tpu.memory_space<vmem>>
    %dma_start3A_1328 = arith.constant 10496 : i32
    %dma_start3A_1329 = tpu.memref_slice %arg5[%dma_start3A_1328] : memref<13312xi32, #tpu.memory_space<vmem>> -> memref<128xi32, #tpu.memory_space<vmem>>
    %dma_start3A_1330 = arith.constant 0 : i32
    %dma_start3A_1331 = arith.constant 0 : i32
    %dma_start3A_1332 = tpu.memref_slice %arg2[%dma_start3A_1330, %dma_start3A_1331] : memref<1000000x32xf32, #tpu.memory_space<hbm>> -> memref<1000000x32xf32, #tpu.memory_space<hbm>>
    tpu.enqueue_indirect_dma source(%dma_start3A_1332 : memref<1000000x32xf32, #tpu.memory_space<hbm>>) target(%dma_start3A_1327 : memref<128x32xf32, #tpu.memory_space<vmem>>) offsets(%dma_start3A_1329 : memref<128xi32, #tpu.memory_space<vmem>>) semaphore(%arg7 : memref<!tpu.dma_semaphore, #tpu.memory_space<semaphore_mem>>)
    %dma_start3A_1333 = arith.constant 0 : i32
    %dma_start3A_1334 = arith.constant 384 : i32
    %dma_start3A_1335 = arith.constant 0 : i32
    %dma_start3A_1336 = tpu.memref_slice %arg6[%dma_start3A_1333, %dma_start3A_1334, %dma_start3A_1335] : memref<2x1024x32xf32, #tpu.memory_space<vmem>> -> memref<1x128x32xf32, #tpu.memory_space<vmem>>
    %dma_start3A_1337 = tpu.memref_squeeze %dma_start3A_1336 : memref<1x128x32xf32, #tpu.memory_space<vmem>> -> memref<128x32xf32, #tpu.memory_space<vmem>>
    %dma_start3A_1338 = arith.constant 10624 : i32
    %dma_start3A_1339 = tpu.memref_slice %arg5[%dma_start3A_1338] : memref<13312xi32, #tpu.memory_space<vmem>> -> memref<128xi32, #tpu.memory_space<vmem>>
    %dma_start3A_1340 = arith.constant 0 : i32
    %dma_start3A_1341 = arith.constant 0 : i32
    %dma_start3A_1342 = tpu.memref_slice %arg2[%dma_start3A_1340, %dma_start3A_1341] : memref<1000000x32xf32, #tpu.memory_space<hbm>> -> memref<1000000x32xf32, #tpu.memory_space<hbm>>
    tpu.enqueue_indirect_dma source(%dma_start3A_1342 : memref<1000000x32xf32, #tpu.memory_space<hbm>>) target(%dma_start3A_1337 : memref<128x32xf32, #tpu.memory_space<vmem>>) offsets(%dma_start3A_1339 : memref<128xi32, #tpu.memory_space<vmem>>) semaphore(%arg7 : memref<!tpu.dma_semaphore, #tpu.memory_space<semaphore_mem>>)
    %dma_start3A_1343 = arith.constant 0 : i32
    %dma_start3A_1344 = arith.constant 512 : i32
    %dma_start3A_1345 = arith.constant 0 : i32
    %dma_start3A_1346 = tpu.memref_slice %arg6[%dma_start3A_1343, %dma_start3A_1344, %dma_start3A_1345] : memref<2x1024x32xf32, #tpu.memory_space<vmem>> -> memref<1x128x32xf32, #tpu.memory_space<vmem>>
    %dma_start3A_1347 = tpu.memref_squeeze %dma_start3A_1346 : memref<1x128x32xf32, #tpu.memory_space<vmem>> -> memref<128x32xf32, #tpu.memory_space<vmem>>
    %dma_start3A_1348 = arith.constant 10752 : i32
    %dma_start3A_1349 = tpu.memref_slice %arg5[%dma_start3A_1348] : memref<13312xi32, #tpu.memory_space<vmem>> -> memref<128xi32, #tpu.memory_space<vmem>>
    %dma_start3A_1350 = arith.constant 0 : i32
    %dma_start3A_1351 = arith.constant 0 : i32
    %dma_start3A_1352 = tpu.memref_slice %arg2[%dma_start3A_1350, %dma_start3A_1351] : memref<1000000x32xf32, #tpu.memory_space<hbm>> -> memref<1000000x32xf32, #tpu.memory_space<hbm>>
    tpu.enqueue_indirect_dma source(%dma_start3A_1352 : memref<1000000x32xf32, #tpu.memory_space<hbm>>) target(%dma_start3A_1347 : memref<128x32xf32, #tpu.memory_space<vmem>>) offsets(%dma_start3A_1349 : memref<128xi32, #tpu.memory_space<vmem>>) semaphore(%arg7 : memref<!tpu.dma_semaphore, #tpu.memory_space<semaphore_mem>>)
    %dma_start3A_1353 = arith.constant 0 : i32
    %dma_start3A_1354 = arith.constant 640 : i32
    %dma_start3A_1355 = arith.constant 0 : i32
    %dma_start3A_1356 = tpu.memref_slice %arg6[%dma_start3A_1353, %dma_start3A_1354, %dma_start3A_1355] : memref<2x1024x32xf32, #tpu.memory_space<vmem>> -> memref<1x128x32xf32, #tpu.memory_space<vmem>>
    %dma_start3A_1357 = tpu.memref_squeeze %dma_start3A_1356 : memref<1x128x32xf32, #tpu.memory_space<vmem>> -> memref<128x32xf32, #tpu.memory_space<vmem>>
    %dma_start3A_1358 = arith.constant 10880 : i32
    %dma_start3A_1359 = tpu.memref_slice %arg5[%dma_start3A_1358] : memref<13312xi32, #tpu.memory_space<vmem>> -> memref<128xi32, #tpu.memory_space<vmem>>
    %dma_start3A_1360 = arith.constant 0 : i32
    %dma_start3A_1361 = arith.constant 0 : i32
    %dma_start3A_1362 = tpu.memref_slice %arg2[%dma_start3A_1360, %dma_start3A_1361] : memref<1000000x32xf32, #tpu.memory_space<hbm>> -> memref<1000000x32xf32, #tpu.memory_space<hbm>>
    tpu.enqueue_indirect_dma source(%dma_start3A_1362 : memref<1000000x32xf32, #tpu.memory_space<hbm>>) target(%dma_start3A_1357 : memref<128x32xf32, #tpu.memory_space<vmem>>) offsets(%dma_start3A_1359 : memref<128xi32, #tpu.memory_space<vmem>>) semaphore(%arg7 : memref<!tpu.dma_semaphore, #tpu.memory_space<semaphore_mem>>)
    %dma_start3A_1363 = arith.constant 0 : i32
    %dma_start3A_1364 = arith.constant 768 : i32
    %dma_start3A_1365 = arith.constant 0 : i32
    %dma_start3A_1366 = tpu.memref_slice %arg6[%dma_start3A_1363, %dma_start3A_1364, %dma_start3A_1365] : memref<2x1024x32xf32, #tpu.memory_space<vmem>> -> memref<1x128x32xf32, #tpu.memory_space<vmem>>
    %dma_start3A_1367 = tpu.memref_squeeze %dma_start3A_1366 : memref<1x128x32xf32, #tpu.memory_space<vmem>> -> memref<128x32xf32, #tpu.memory_space<vmem>>
    %dma_start3A_1368 = arith.constant 11008 : i32
    %dma_start3A_1369 = tpu.memref_slice %arg5[%dma_start3A_1368] : memref<13312xi32, #tpu.memory_space<vmem>> -> memref<128xi32, #tpu.memory_space<vmem>>
    %dma_start3A_1370 = arith.constant 0 : i32
    %dma_start3A_1371 = arith.constant 0 : i32
    %dma_start3A_1372 = tpu.memref_slice %arg2[%dma_start3A_1370, %dma_start3A_1371] : memref<1000000x32xf32, #tpu.memory_space<hbm>> -> memref<1000000x32xf32, #tpu.memory_space<hbm>>
    tpu.enqueue_indirect_dma source(%dma_start3A_1372 : memref<1000000x32xf32, #tpu.memory_space<hbm>>) target(%dma_start3A_1367 : memref<128x32xf32, #tpu.memory_space<vmem>>) offsets(%dma_start3A_1369 : memref<128xi32, #tpu.memory_space<vmem>>) semaphore(%arg7 : memref<!tpu.dma_semaphore, #tpu.memory_space<semaphore_mem>>)
    %dma_start3A_1373 = arith.constant 0 : i32
    %dma_start3A_1374 = arith.constant 896 : i32
    %dma_start3A_1375 = arith.constant 0 : i32
    %dma_start3A_1376 = tpu.memref_slice %arg6[%dma_start3A_1373, %dma_start3A_1374, %dma_start3A_1375] : memref<2x1024x32xf32, #tpu.memory_space<vmem>> -> memref<1x128x32xf32, #tpu.memory_space<vmem>>
    %dma_start3A_1377 = tpu.memref_squeeze %dma_start3A_1376 : memref<1x128x32xf32, #tpu.memory_space<vmem>> -> memref<128x32xf32, #tpu.memory_space<vmem>>
    %dma_start3A_1378 = arith.constant 11136 : i32
    %dma_start3A_1379 = tpu.memref_slice %arg5[%dma_start3A_1378] : memref<13312xi32, #tpu.memory_space<vmem>> -> memref<128xi32, #tpu.memory_space<vmem>>
    %dma_start3A_1380 = arith.constant 0 : i32
    %dma_start3A_1381 = arith.constant 0 : i32
    %dma_start3A_1382 = tpu.memref_slice %arg2[%dma_start3A_1380, %dma_start3A_1381] : memref<1000000x32xf32, #tpu.memory_space<hbm>> -> memref<1000000x32xf32, #tpu.memory_space<hbm>>
    tpu.enqueue_indirect_dma source(%dma_start3A_1382 : memref<1000000x32xf32, #tpu.memory_space<hbm>>) target(%dma_start3A_1377 : memref<128x32xf32, #tpu.memory_space<vmem>>) offsets(%dma_start3A_1379 : memref<128xi32, #tpu.memory_space<vmem>>) semaphore(%arg7 : memref<!tpu.dma_semaphore, #tpu.memory_space<semaphore_mem>>)
    %dma_wait3A_1383 = arith.constant 0 : i32
    %dma_wait3A_1384 = arith.constant 0 : i32
    %dma_wait3A_1385 = arith.constant 1 : i32
    %dma_wait3A_1386 = arith.constant 0 : i32
    %dma_wait3A_1387 = arith.constant 0 : i32
    %dma_wait3A_1388 = tpu.memref_slice %arg6[%dma_wait3A_1385, %dma_wait3A_1386, %dma_wait3A_1387] : memref<2x1024x32xf32, #tpu.memory_space<vmem>> -> memref<1x1024x32xf32, #tpu.memory_space<vmem>>
    %dma_wait3A_1389 = tpu.memref_squeeze %dma_wait3A_1388 : memref<1x1024x32xf32, #tpu.memory_space<vmem>> -> memref<1024x32xf32, #tpu.memory_space<vmem>>
    %dma_wait3A_1390 = arith.constant 0 : i32
    %dma_wait3A_1391 = arith.constant 0 : i32
    %dma_wait3A_1392 = tpu.memref_slice %arg4[%dma_wait3A_1383, %dma_wait3A_1384, %dma_wait3A_1390, %dma_wait3A_1391] : memref<32x13x1024x32xf32, #tpu.memory_space<hbm>> -> memref<1x1x1024x32xf32, #tpu.memory_space<hbm>>
    %dma_wait3A_1393 = tpu.memref_squeeze %dma_wait3A_1392 : memref<1x1x1024x32xf32, #tpu.memory_space<hbm>> -> memref<1024x32xf32, #tpu.memory_space<hbm>>
    %dma_wait3A_1394 = arith.constant 0 : i32
    %dma_wait3A_1395 = arith.constant 0 : i32
    %dma_wait3A_1396 = tpu.memref_slice %arg6[%dma_wait3A_1385, %dma_wait3A_1394, %dma_wait3A_1395] : memref<2x1024x32xf32, #tpu.memory_space<vmem>> -> memref<1x1024x32xf32, #tpu.memory_space<vmem>>
    %dma_wait3A_1397 = tpu.memref_squeeze %dma_wait3A_1396 : memref<1x1024x32xf32, #tpu.memory_space<vmem>> -> memref<1024x32xf32, #tpu.memory_space<vmem>>
    %dma_wait3A_1398 = arith.constant 0 : i32
    %dma_wait3A_1399 = arith.constant 0 : i32
    %dma_wait3A_1400 = tpu.memref_slice %arg4[%dma_wait3A_1383, %dma_wait3A_1384, %dma_wait3A_1398, %dma_wait3A_1399] : memref<32x13x1024x32xf32, #tpu.memory_space<hbm>> -> memref<1x1x1024x32xf32, #tpu.memory_space<hbm>>
    %dma_wait3A_1401 = tpu.memref_squeeze %dma_wait3A_1400 : memref<1x1x1024x32xf32, #tpu.memory_space<hbm>> -> memref<1024x32xf32, #tpu.memory_space<hbm>>
    tpu.wait_dma2 semaphore(%arg8 : memref<!tpu.dma_semaphore, #tpu.memory_space<semaphore_mem>>) src(%dma_wait3A_1401 : memref<1024x32xf32, #tpu.memory_space<hbm>>) dst(%dma_wait3A_1397 : memref<1024x32xf32, #tpu.memory_space<vmem>>)
    %dma_start3A_1402 = arith.constant 1 : i32
    %dma_start3A_1403 = arith.constant 9 : i32
    %dma_start3A_1404 = arith.constant 0 : i32
    %dma_start3A_1405 = arith.constant 0 : i32
    %dma_start3A_1406 = tpu.memref_slice %arg6[%dma_start3A_1402, %dma_start3A_1404, %dma_start3A_1405] : memref<2x1024x32xf32, #tpu.memory_space<vmem>> -> memref<1x1024x32xf32, #tpu.memory_space<vmem>>
    %dma_start3A_1407 = tpu.memref_squeeze %dma_start3A_1406 : memref<1x1024x32xf32, #tpu.memory_space<vmem>> -> memref<1024x32xf32, #tpu.memory_space<vmem>>
    %dma_start3A_1408 = arith.constant 0 : i32
    %dma_start3A_1409 = arith.constant 0 : i32
    %dma_start3A_1410 = tpu.memref_slice %arg4[%add3A, %dma_start3A_1403, %dma_start3A_1408, %dma_start3A_1409] : memref<32x13x1024x32xf32, #tpu.memory_space<hbm>> -> memref<1x1x1024x32xf32, #tpu.memory_space<hbm>>
    %dma_start3A_1411 = tpu.memref_squeeze %dma_start3A_1410 : memref<1x1x1024x32xf32, #tpu.memory_space<hbm>> -> memref<1024x32xf32, #tpu.memory_space<hbm>>
    %dma_start3A_1412 = arith.constant 0 : i32
    %dma_start3A_1413 = arith.constant 0 : i32
    %dma_start3A_1414 = tpu.memref_slice %arg4[%add3A, %dma_start3A_1403, %dma_start3A_1412, %dma_start3A_1413] : memref<32x13x1024x32xf32, #tpu.memory_space<hbm>> -> memref<1x1x1024x32xf32, #tpu.memory_space<hbm>>
    %dma_start3A_1415 = tpu.memref_squeeze %dma_start3A_1414 : memref<1x1x1024x32xf32, #tpu.memory_space<hbm>> -> memref<1024x32xf32, #tpu.memory_space<hbm>>
    %dma_start3A_1416 = arith.constant 0 : i32
    %dma_start3A_1417 = arith.constant 0 : i32
    %dma_start3A_1418 = tpu.memref_slice %arg6[%dma_start3A_1402, %dma_start3A_1416, %dma_start3A_1417] : memref<2x1024x32xf32, #tpu.memory_space<vmem>> -> memref<1x1024x32xf32, #tpu.memory_space<vmem>>
    %dma_start3A_1419 = tpu.memref_squeeze %dma_start3A_1418 : memref<1x1024x32xf32, #tpu.memory_space<vmem>> -> memref<1024x32xf32, #tpu.memory_space<vmem>>
    tpu.enqueue_dma source(%dma_start3A_1419 : memref<1024x32xf32, #tpu.memory_space<vmem>>) target(%dma_start3A_1415 : memref<1024x32xf32, #tpu.memory_space<hbm>>) target_semaphore(%arg9 : memref<!tpu.dma_semaphore, #tpu.memory_space<semaphore_mem>>)
    %dma_wait3A_1420 = arith.constant 0 : i32
    %dma_wait3A_1421 = arith.constant 0 : i32
    %dma_wait3A_1422 = arith.constant 1 : i32
    %dma_wait3A_1423 = arith.constant 0 : i32
    %dma_wait3A_1424 = arith.constant 0 : i32
    %dma_wait3A_1425 = tpu.memref_slice %arg6[%dma_wait3A_1422, %dma_wait3A_1423, %dma_wait3A_1424] : memref<2x1024x32xf32, #tpu.memory_space<vmem>> -> memref<1x1024x32xf32, #tpu.memory_space<vmem>>
    %dma_wait3A_1426 = tpu.memref_squeeze %dma_wait3A_1425 : memref<1x1024x32xf32, #tpu.memory_space<vmem>> -> memref<1024x32xf32, #tpu.memory_space<vmem>>
    %dma_wait3A_1427 = arith.constant 0 : i32
    %dma_wait3A_1428 = arith.constant 0 : i32
    %dma_wait3A_1429 = tpu.memref_slice %arg4[%dma_wait3A_1420, %dma_wait3A_1421, %dma_wait3A_1427, %dma_wait3A_1428] : memref<32x13x1024x32xf32, #tpu.memory_space<hbm>> -> memref<1x1x1024x32xf32, #tpu.memory_space<hbm>>
    %dma_wait3A_1430 = tpu.memref_squeeze %dma_wait3A_1429 : memref<1x1x1024x32xf32, #tpu.memory_space<hbm>> -> memref<1024x32xf32, #tpu.memory_space<hbm>>
    %dma_wait3A_1431 = arith.constant 0 : i32
    %dma_wait3A_1432 = arith.constant 0 : i32
    %dma_wait3A_1433 = tpu.memref_slice %arg6[%dma_wait3A_1422, %dma_wait3A_1431, %dma_wait3A_1432] : memref<2x1024x32xf32, #tpu.memory_space<vmem>> -> memref<1x1024x32xf32, #tpu.memory_space<vmem>>
    %dma_wait3A_1434 = tpu.memref_squeeze %dma_wait3A_1433 : memref<1x1024x32xf32, #tpu.memory_space<vmem>> -> memref<1024x32xf32, #tpu.memory_space<vmem>>
    %dma_wait3A_1435 = arith.constant 0 : i32
    %dma_wait3A_1436 = arith.constant 0 : i32
    %dma_wait3A_1437 = tpu.memref_slice %arg4[%dma_wait3A_1420, %dma_wait3A_1421, %dma_wait3A_1435, %dma_wait3A_1436] : memref<32x13x1024x32xf32, #tpu.memory_space<hbm>> -> memref<1x1x1024x32xf32, #tpu.memory_space<hbm>>
    %dma_wait3A_1438 = tpu.memref_squeeze %dma_wait3A_1437 : memref<1x1x1024x32xf32, #tpu.memory_space<hbm>> -> memref<1024x32xf32, #tpu.memory_space<hbm>>
    tpu.wait_dma2 semaphore(%arg9 : memref<!tpu.dma_semaphore, #tpu.memory_space<semaphore_mem>>) src(%dma_wait3A_1438 : memref<1024x32xf32, #tpu.memory_space<hbm>>) dst(%dma_wait3A_1434 : memref<1024x32xf32, #tpu.memory_space<vmem>>)
    %dma_start3A_1439 = arith.constant 1 : i32
    %dma_start3A_1440 = arith.constant 0 : i32
    %dma_start3A_1441 = arith.constant 0 : i32
    %dma_start3A_1442 = tpu.memref_slice %arg6[%dma_start3A_1439, %dma_start3A_1440, %dma_start3A_1441] : memref<2x1024x32xf32, #tpu.memory_space<vmem>> -> memref<1x128x32xf32, #tpu.memory_space<vmem>>
    %dma_start3A_1443 = tpu.memref_squeeze %dma_start3A_1442 : memref<1x128x32xf32, #tpu.memory_space<vmem>> -> memref<128x32xf32, #tpu.memory_space<vmem>>
    %dma_start3A_1444 = arith.constant 11264 : i32
    %dma_start3A_1445 = tpu.memref_slice %arg5[%dma_start3A_1444] : memref<13312xi32, #tpu.memory_space<vmem>> -> memref<128xi32, #tpu.memory_space<vmem>>
    %dma_start3A_1446 = arith.constant 0 : i32
    %dma_start3A_1447 = arith.constant 0 : i32
    %dma_start3A_1448 = tpu.memref_slice %arg2[%dma_start3A_1446, %dma_start3A_1447] : memref<1000000x32xf32, #tpu.memory_space<hbm>> -> memref<1000000x32xf32, #tpu.memory_space<hbm>>
    tpu.enqueue_indirect_dma source(%dma_start3A_1448 : memref<1000000x32xf32, #tpu.memory_space<hbm>>) target(%dma_start3A_1443 : memref<128x32xf32, #tpu.memory_space<vmem>>) offsets(%dma_start3A_1445 : memref<128xi32, #tpu.memory_space<vmem>>) semaphore(%arg8 : memref<!tpu.dma_semaphore, #tpu.memory_space<semaphore_mem>>)
    %dma_start3A_1449 = arith.constant 1 : i32
    %dma_start3A_1450 = arith.constant 128 : i32
    %dma_start3A_1451 = arith.constant 0 : i32
    %dma_start3A_1452 = tpu.memref_slice %arg6[%dma_start3A_1449, %dma_start3A_1450, %dma_start3A_1451] : memref<2x1024x32xf32, #tpu.memory_space<vmem>> -> memref<1x128x32xf32, #tpu.memory_space<vmem>>
    %dma_start3A_1453 = tpu.memref_squeeze %dma_start3A_1452 : memref<1x128x32xf32, #tpu.memory_space<vmem>> -> memref<128x32xf32, #tpu.memory_space<vmem>>
    %dma_start3A_1454 = arith.constant 11392 : i32
    %dma_start3A_1455 = tpu.memref_slice %arg5[%dma_start3A_1454] : memref<13312xi32, #tpu.memory_space<vmem>> -> memref<128xi32, #tpu.memory_space<vmem>>
    %dma_start3A_1456 = arith.constant 0 : i32
    %dma_start3A_1457 = arith.constant 0 : i32
    %dma_start3A_1458 = tpu.memref_slice %arg2[%dma_start3A_1456, %dma_start3A_1457] : memref<1000000x32xf32, #tpu.memory_space<hbm>> -> memref<1000000x32xf32, #tpu.memory_space<hbm>>
    tpu.enqueue_indirect_dma source(%dma_start3A_1458 : memref<1000000x32xf32, #tpu.memory_space<hbm>>) target(%dma_start3A_1453 : memref<128x32xf32, #tpu.memory_space<vmem>>) offsets(%dma_start3A_1455 : memref<128xi32, #tpu.memory_space<vmem>>) semaphore(%arg8 : memref<!tpu.dma_semaphore, #tpu.memory_space<semaphore_mem>>)
    %dma_start3A_1459 = arith.constant 1 : i32
    %dma_start3A_1460 = arith.constant 256 : i32
    %dma_start3A_1461 = arith.constant 0 : i32
    %dma_start3A_1462 = tpu.memref_slice %arg6[%dma_start3A_1459, %dma_start3A_1460, %dma_start3A_1461] : memref<2x1024x32xf32, #tpu.memory_space<vmem>> -> memref<1x128x32xf32, #tpu.memory_space<vmem>>
    %dma_start3A_1463 = tpu.memref_squeeze %dma_start3A_1462 : memref<1x128x32xf32, #tpu.memory_space<vmem>> -> memref<128x32xf32, #tpu.memory_space<vmem>>
    %dma_start3A_1464 = arith.constant 11520 : i32
    %dma_start3A_1465 = tpu.memref_slice %arg5[%dma_start3A_1464] : memref<13312xi32, #tpu.memory_space<vmem>> -> memref<128xi32, #tpu.memory_space<vmem>>
    %dma_start3A_1466 = arith.constant 0 : i32
    %dma_start3A_1467 = arith.constant 0 : i32
    %dma_start3A_1468 = tpu.memref_slice %arg2[%dma_start3A_1466, %dma_start3A_1467] : memref<1000000x32xf32, #tpu.memory_space<hbm>> -> memref<1000000x32xf32, #tpu.memory_space<hbm>>
    tpu.enqueue_indirect_dma source(%dma_start3A_1468 : memref<1000000x32xf32, #tpu.memory_space<hbm>>) target(%dma_start3A_1463 : memref<128x32xf32, #tpu.memory_space<vmem>>) offsets(%dma_start3A_1465 : memref<128xi32, #tpu.memory_space<vmem>>) semaphore(%arg8 : memref<!tpu.dma_semaphore, #tpu.memory_space<semaphore_mem>>)
    %dma_start3A_1469 = arith.constant 1 : i32
    %dma_start3A_1470 = arith.constant 384 : i32
    %dma_start3A_1471 = arith.constant 0 : i32
    %dma_start3A_1472 = tpu.memref_slice %arg6[%dma_start3A_1469, %dma_start3A_1470, %dma_start3A_1471] : memref<2x1024x32xf32, #tpu.memory_space<vmem>> -> memref<1x128x32xf32, #tpu.memory_space<vmem>>
    %dma_start3A_1473 = tpu.memref_squeeze %dma_start3A_1472 : memref<1x128x32xf32, #tpu.memory_space<vmem>> -> memref<128x32xf32, #tpu.memory_space<vmem>>
    %dma_start3A_1474 = arith.constant 11648 : i32
    %dma_start3A_1475 = tpu.memref_slice %arg5[%dma_start3A_1474] : memref<13312xi32, #tpu.memory_space<vmem>> -> memref<128xi32, #tpu.memory_space<vmem>>
    %dma_start3A_1476 = arith.constant 0 : i32
    %dma_start3A_1477 = arith.constant 0 : i32
    %dma_start3A_1478 = tpu.memref_slice %arg2[%dma_start3A_1476, %dma_start3A_1477] : memref<1000000x32xf32, #tpu.memory_space<hbm>> -> memref<1000000x32xf32, #tpu.memory_space<hbm>>
    tpu.enqueue_indirect_dma source(%dma_start3A_1478 : memref<1000000x32xf32, #tpu.memory_space<hbm>>) target(%dma_start3A_1473 : memref<128x32xf32, #tpu.memory_space<vmem>>) offsets(%dma_start3A_1475 : memref<128xi32, #tpu.memory_space<vmem>>) semaphore(%arg8 : memref<!tpu.dma_semaphore, #tpu.memory_space<semaphore_mem>>)
    %dma_start3A_1479 = arith.constant 1 : i32
    %dma_start3A_1480 = arith.constant 512 : i32
    %dma_start3A_1481 = arith.constant 0 : i32
    %dma_start3A_1482 = tpu.memref_slice %arg6[%dma_start3A_1479, %dma_start3A_1480, %dma_start3A_1481] : memref<2x1024x32xf32, #tpu.memory_space<vmem>> -> memref<1x128x32xf32, #tpu.memory_space<vmem>>
    %dma_start3A_1483 = tpu.memref_squeeze %dma_start3A_1482 : memref<1x128x32xf32, #tpu.memory_space<vmem>> -> memref<128x32xf32, #tpu.memory_space<vmem>>
    %dma_start3A_1484 = arith.constant 11776 : i32
    %dma_start3A_1485 = tpu.memref_slice %arg5[%dma_start3A_1484] : memref<13312xi32, #tpu.memory_space<vmem>> -> memref<128xi32, #tpu.memory_space<vmem>>
    %dma_start3A_1486 = arith.constant 0 : i32
    %dma_start3A_1487 = arith.constant 0 : i32
    %dma_start3A_1488 = tpu.memref_slice %arg2[%dma_start3A_1486, %dma_start3A_1487] : memref<1000000x32xf32, #tpu.memory_space<hbm>> -> memref<1000000x32xf32, #tpu.memory_space<hbm>>
    tpu.enqueue_indirect_dma source(%dma_start3A_1488 : memref<1000000x32xf32, #tpu.memory_space<hbm>>) target(%dma_start3A_1483 : memref<128x32xf32, #tpu.memory_space<vmem>>) offsets(%dma_start3A_1485 : memref<128xi32, #tpu.memory_space<vmem>>) semaphore(%arg8 : memref<!tpu.dma_semaphore, #tpu.memory_space<semaphore_mem>>)
    %dma_start3A_1489 = arith.constant 1 : i32
    %dma_start3A_1490 = arith.constant 640 : i32
    %dma_start3A_1491 = arith.constant 0 : i32
    %dma_start3A_1492 = tpu.memref_slice %arg6[%dma_start3A_1489, %dma_start3A_1490, %dma_start3A_1491] : memref<2x1024x32xf32, #tpu.memory_space<vmem>> -> memref<1x128x32xf32, #tpu.memory_space<vmem>>
    %dma_start3A_1493 = tpu.memref_squeeze %dma_start3A_1492 : memref<1x128x32xf32, #tpu.memory_space<vmem>> -> memref<128x32xf32, #tpu.memory_space<vmem>>
    %dma_start3A_1494 = arith.constant 11904 : i32
    %dma_start3A_1495 = tpu.memref_slice %arg5[%dma_start3A_1494] : memref<13312xi32, #tpu.memory_space<vmem>> -> memref<128xi32, #tpu.memory_space<vmem>>
    %dma_start3A_1496 = arith.constant 0 : i32
    %dma_start3A_1497 = arith.constant 0 : i32
    %dma_start3A_1498 = tpu.memref_slice %arg2[%dma_start3A_1496, %dma_start3A_1497] : memref<1000000x32xf32, #tpu.memory_space<hbm>> -> memref<1000000x32xf32, #tpu.memory_space<hbm>>
    tpu.enqueue_indirect_dma source(%dma_start3A_1498 : memref<1000000x32xf32, #tpu.memory_space<hbm>>) target(%dma_start3A_1493 : memref<128x32xf32, #tpu.memory_space<vmem>>) offsets(%dma_start3A_1495 : memref<128xi32, #tpu.memory_space<vmem>>) semaphore(%arg8 : memref<!tpu.dma_semaphore, #tpu.memory_space<semaphore_mem>>)
    %dma_start3A_1499 = arith.constant 1 : i32
    %dma_start3A_1500 = arith.constant 768 : i32
    %dma_start3A_1501 = arith.constant 0 : i32
    %dma_start3A_1502 = tpu.memref_slice %arg6[%dma_start3A_1499, %dma_start3A_1500, %dma_start3A_1501] : memref<2x1024x32xf32, #tpu.memory_space<vmem>> -> memref<1x128x32xf32, #tpu.memory_space<vmem>>
    %dma_start3A_1503 = tpu.memref_squeeze %dma_start3A_1502 : memref<1x128x32xf32, #tpu.memory_space<vmem>> -> memref<128x32xf32, #tpu.memory_space<vmem>>
    %dma_start3A_1504 = arith.constant 12032 : i32
    %dma_start3A_1505 = tpu.memref_slice %arg5[%dma_start3A_1504] : memref<13312xi32, #tpu.memory_space<vmem>> -> memref<128xi32, #tpu.memory_space<vmem>>
    %dma_start3A_1506 = arith.constant 0 : i32
    %dma_start3A_1507 = arith.constant 0 : i32
    %dma_start3A_1508 = tpu.memref_slice %arg2[%dma_start3A_1506, %dma_start3A_1507] : memref<1000000x32xf32, #tpu.memory_space<hbm>> -> memref<1000000x32xf32, #tpu.memory_space<hbm>>
    tpu.enqueue_indirect_dma source(%dma_start3A_1508 : memref<1000000x32xf32, #tpu.memory_space<hbm>>) target(%dma_start3A_1503 : memref<128x32xf32, #tpu.memory_space<vmem>>) offsets(%dma_start3A_1505 : memref<128xi32, #tpu.memory_space<vmem>>) semaphore(%arg8 : memref<!tpu.dma_semaphore, #tpu.memory_space<semaphore_mem>>)
    %dma_start3A_1509 = arith.constant 1 : i32
    %dma_start3A_1510 = arith.constant 896 : i32
    %dma_start3A_1511 = arith.constant 0 : i32
    %dma_start3A_1512 = tpu.memref_slice %arg6[%dma_start3A_1509, %dma_start3A_1510, %dma_start3A_1511] : memref<2x1024x32xf32, #tpu.memory_space<vmem>> -> memref<1x128x32xf32, #tpu.memory_space<vmem>>
    %dma_start3A_1513 = tpu.memref_squeeze %dma_start3A_1512 : memref<1x128x32xf32, #tpu.memory_space<vmem>> -> memref<128x32xf32, #tpu.memory_space<vmem>>
    %dma_start3A_1514 = arith.constant 12160 : i32
    %dma_start3A_1515 = tpu.memref_slice %arg5[%dma_start3A_1514] : memref<13312xi32, #tpu.memory_space<vmem>> -> memref<128xi32, #tpu.memory_space<vmem>>
    %dma_start3A_1516 = arith.constant 0 : i32
    %dma_start3A_1517 = arith.constant 0 : i32
    %dma_start3A_1518 = tpu.memref_slice %arg2[%dma_start3A_1516, %dma_start3A_1517] : memref<1000000x32xf32, #tpu.memory_space<hbm>> -> memref<1000000x32xf32, #tpu.memory_space<hbm>>
    tpu.enqueue_indirect_dma source(%dma_start3A_1518 : memref<1000000x32xf32, #tpu.memory_space<hbm>>) target(%dma_start3A_1513 : memref<128x32xf32, #tpu.memory_space<vmem>>) offsets(%dma_start3A_1515 : memref<128xi32, #tpu.memory_space<vmem>>) semaphore(%arg8 : memref<!tpu.dma_semaphore, #tpu.memory_space<semaphore_mem>>)
    %dma_wait3A_1519 = arith.constant 0 : i32
    %dma_wait3A_1520 = arith.constant 0 : i32
    %dma_wait3A_1521 = arith.constant 0 : i32
    %dma_wait3A_1522 = arith.constant 0 : i32
    %dma_wait3A_1523 = arith.constant 0 : i32
    %dma_wait3A_1524 = tpu.memref_slice %arg6[%dma_wait3A_1521, %dma_wait3A_1522, %dma_wait3A_1523] : memref<2x1024x32xf32, #tpu.memory_space<vmem>> -> memref<1x1024x32xf32, #tpu.memory_space<vmem>>
    %dma_wait3A_1525 = tpu.memref_squeeze %dma_wait3A_1524 : memref<1x1024x32xf32, #tpu.memory_space<vmem>> -> memref<1024x32xf32, #tpu.memory_space<vmem>>
    %dma_wait3A_1526 = arith.constant 0 : i32
    %dma_wait3A_1527 = arith.constant 0 : i32
    %dma_wait3A_1528 = tpu.memref_slice %arg4[%dma_wait3A_1519, %dma_wait3A_1520, %dma_wait3A_1526, %dma_wait3A_1527] : memref<32x13x1024x32xf32, #tpu.memory_space<hbm>> -> memref<1x1x1024x32xf32, #tpu.memory_space<hbm>>
    %dma_wait3A_1529 = tpu.memref_squeeze %dma_wait3A_1528 : memref<1x1x1024x32xf32, #tpu.memory_space<hbm>> -> memref<1024x32xf32, #tpu.memory_space<hbm>>
    %dma_wait3A_1530 = arith.constant 0 : i32
    %dma_wait3A_1531 = arith.constant 0 : i32
    %dma_wait3A_1532 = tpu.memref_slice %arg6[%dma_wait3A_1521, %dma_wait3A_1530, %dma_wait3A_1531] : memref<2x1024x32xf32, #tpu.memory_space<vmem>> -> memref<1x1024x32xf32, #tpu.memory_space<vmem>>
    %dma_wait3A_1533 = tpu.memref_squeeze %dma_wait3A_1532 : memref<1x1024x32xf32, #tpu.memory_space<vmem>> -> memref<1024x32xf32, #tpu.memory_space<vmem>>
    %dma_wait3A_1534 = arith.constant 0 : i32
    %dma_wait3A_1535 = arith.constant 0 : i32
    %dma_wait3A_1536 = tpu.memref_slice %arg4[%dma_wait3A_1519, %dma_wait3A_1520, %dma_wait3A_1534, %dma_wait3A_1535] : memref<32x13x1024x32xf32, #tpu.memory_space<hbm>> -> memref<1x1x1024x32xf32, #tpu.memory_space<hbm>>
    %dma_wait3A_1537 = tpu.memref_squeeze %dma_wait3A_1536 : memref<1x1x1024x32xf32, #tpu.memory_space<hbm>> -> memref<1024x32xf32, #tpu.memory_space<hbm>>
    tpu.wait_dma2 semaphore(%arg7 : memref<!tpu.dma_semaphore, #tpu.memory_space<semaphore_mem>>) src(%dma_wait3A_1537 : memref<1024x32xf32, #tpu.memory_space<hbm>>) dst(%dma_wait3A_1533 : memref<1024x32xf32, #tpu.memory_space<vmem>>)
    %dma_start3A_1538 = arith.constant 0 : i32
    %dma_start3A_1539 = arith.constant 10 : i32
    %dma_start3A_1540 = arith.constant 0 : i32
    %dma_start3A_1541 = arith.constant 0 : i32
    %dma_start3A_1542 = tpu.memref_slice %arg6[%dma_start3A_1538, %dma_start3A_1540, %dma_start3A_1541] : memref<2x1024x32xf32, #tpu.memory_space<vmem>> -> memref<1x1024x32xf32, #tpu.memory_space<vmem>>
    %dma_start3A_1543 = tpu.memref_squeeze %dma_start3A_1542 : memref<1x1024x32xf32, #tpu.memory_space<vmem>> -> memref<1024x32xf32, #tpu.memory_space<vmem>>
    %dma_start3A_1544 = arith.constant 0 : i32
    %dma_start3A_1545 = arith.constant 0 : i32
    %dma_start3A_1546 = tpu.memref_slice %arg4[%add3A, %dma_start3A_1539, %dma_start3A_1544, %dma_start3A_1545] : memref<32x13x1024x32xf32, #tpu.memory_space<hbm>> -> memref<1x1x1024x32xf32, #tpu.memory_space<hbm>>
    %dma_start3A_1547 = tpu.memref_squeeze %dma_start3A_1546 : memref<1x1x1024x32xf32, #tpu.memory_space<hbm>> -> memref<1024x32xf32, #tpu.memory_space<hbm>>
    %dma_start3A_1548 = arith.constant 0 : i32
    %dma_start3A_1549 = arith.constant 0 : i32
    %dma_start3A_1550 = tpu.memref_slice %arg4[%add3A, %dma_start3A_1539, %dma_start3A_1548, %dma_start3A_1549] : memref<32x13x1024x32xf32, #tpu.memory_space<hbm>> -> memref<1x1x1024x32xf32, #tpu.memory_space<hbm>>
    %dma_start3A_1551 = tpu.memref_squeeze %dma_start3A_1550 : memref<1x1x1024x32xf32, #tpu.memory_space<hbm>> -> memref<1024x32xf32, #tpu.memory_space<hbm>>
    %dma_start3A_1552 = arith.constant 0 : i32
    %dma_start3A_1553 = arith.constant 0 : i32
    %dma_start3A_1554 = tpu.memref_slice %arg6[%dma_start3A_1538, %dma_start3A_1552, %dma_start3A_1553] : memref<2x1024x32xf32, #tpu.memory_space<vmem>> -> memref<1x1024x32xf32, #tpu.memory_space<vmem>>
    %dma_start3A_1555 = tpu.memref_squeeze %dma_start3A_1554 : memref<1x1024x32xf32, #tpu.memory_space<vmem>> -> memref<1024x32xf32, #tpu.memory_space<vmem>>
    tpu.enqueue_dma source(%dma_start3A_1555 : memref<1024x32xf32, #tpu.memory_space<vmem>>) target(%dma_start3A_1551 : memref<1024x32xf32, #tpu.memory_space<hbm>>) target_semaphore(%arg9 : memref<!tpu.dma_semaphore, #tpu.memory_space<semaphore_mem>>)
    %dma_wait3A_1556 = arith.constant 0 : i32
    %dma_wait3A_1557 = arith.constant 0 : i32
    %dma_wait3A_1558 = arith.constant 0 : i32
    %dma_wait3A_1559 = arith.constant 0 : i32
    %dma_wait3A_1560 = arith.constant 0 : i32
    %dma_wait3A_1561 = tpu.memref_slice %arg6[%dma_wait3A_1558, %dma_wait3A_1559, %dma_wait3A_1560] : memref<2x1024x32xf32, #tpu.memory_space<vmem>> -> memref<1x1024x32xf32, #tpu.memory_space<vmem>>
    %dma_wait3A_1562 = tpu.memref_squeeze %dma_wait3A_1561 : memref<1x1024x32xf32, #tpu.memory_space<vmem>> -> memref<1024x32xf32, #tpu.memory_space<vmem>>
    %dma_wait3A_1563 = arith.constant 0 : i32
    %dma_wait3A_1564 = arith.constant 0 : i32
    %dma_wait3A_1565 = tpu.memref_slice %arg4[%dma_wait3A_1556, %dma_wait3A_1557, %dma_wait3A_1563, %dma_wait3A_1564] : memref<32x13x1024x32xf32, #tpu.memory_space<hbm>> -> memref<1x1x1024x32xf32, #tpu.memory_space<hbm>>
    %dma_wait3A_1566 = tpu.memref_squeeze %dma_wait3A_1565 : memref<1x1x1024x32xf32, #tpu.memory_space<hbm>> -> memref<1024x32xf32, #tpu.memory_space<hbm>>
    %dma_wait3A_1567 = arith.constant 0 : i32
    %dma_wait3A_1568 = arith.constant 0 : i32
    %dma_wait3A_1569 = tpu.memref_slice %arg6[%dma_wait3A_1558, %dma_wait3A_1567, %dma_wait3A_1568] : memref<2x1024x32xf32, #tpu.memory_space<vmem>> -> memref<1x1024x32xf32, #tpu.memory_space<vmem>>
    %dma_wait3A_1570 = tpu.memref_squeeze %dma_wait3A_1569 : memref<1x1024x32xf32, #tpu.memory_space<vmem>> -> memref<1024x32xf32, #tpu.memory_space<vmem>>
    %dma_wait3A_1571 = arith.constant 0 : i32
    %dma_wait3A_1572 = arith.constant 0 : i32
    %dma_wait3A_1573 = tpu.memref_slice %arg4[%dma_wait3A_1556, %dma_wait3A_1557, %dma_wait3A_1571, %dma_wait3A_1572] : memref<32x13x1024x32xf32, #tpu.memory_space<hbm>> -> memref<1x1x1024x32xf32, #tpu.memory_space<hbm>>
    %dma_wait3A_1574 = tpu.memref_squeeze %dma_wait3A_1573 : memref<1x1x1024x32xf32, #tpu.memory_space<hbm>> -> memref<1024x32xf32, #tpu.memory_space<hbm>>
    tpu.wait_dma2 semaphore(%arg9 : memref<!tpu.dma_semaphore, #tpu.memory_space<semaphore_mem>>) src(%dma_wait3A_1574 : memref<1024x32xf32, #tpu.memory_space<hbm>>) dst(%dma_wait3A_1570 : memref<1024x32xf32, #tpu.memory_space<vmem>>)
    %dma_start3A_1575 = arith.constant 0 : i32
    %dma_start3A_1576 = arith.constant 0 : i32
    %dma_start3A_1577 = arith.constant 0 : i32
    %dma_start3A_1578 = tpu.memref_slice %arg6[%dma_start3A_1575, %dma_start3A_1576, %dma_start3A_1577] : memref<2x1024x32xf32, #tpu.memory_space<vmem>> -> memref<1x128x32xf32, #tpu.memory_space<vmem>>
    %dma_start3A_1579 = tpu.memref_squeeze %dma_start3A_1578 : memref<1x128x32xf32, #tpu.memory_space<vmem>> -> memref<128x32xf32, #tpu.memory_space<vmem>>
    %dma_start3A_1580 = arith.constant 12288 : i32
    %dma_start3A_1581 = tpu.memref_slice %arg5[%dma_start3A_1580] : memref<13312xi32, #tpu.memory_space<vmem>> -> memref<128xi32, #tpu.memory_space<vmem>>
    %dma_start3A_1582 = arith.constant 0 : i32
    %dma_start3A_1583 = arith.constant 0 : i32
    %dma_start3A_1584 = tpu.memref_slice %arg2[%dma_start3A_1582, %dma_start3A_1583] : memref<1000000x32xf32, #tpu.memory_space<hbm>> -> memref<1000000x32xf32, #tpu.memory_space<hbm>>
    tpu.enqueue_indirect_dma source(%dma_start3A_1584 : memref<1000000x32xf32, #tpu.memory_space<hbm>>) target(%dma_start3A_1579 : memref<128x32xf32, #tpu.memory_space<vmem>>) offsets(%dma_start3A_1581 : memref<128xi32, #tpu.memory_space<vmem>>) semaphore(%arg7 : memref<!tpu.dma_semaphore, #tpu.memory_space<semaphore_mem>>)
    %dma_start3A_1585 = arith.constant 0 : i32
    %dma_start3A_1586 = arith.constant 128 : i32
    %dma_start3A_1587 = arith.constant 0 : i32
    %dma_start3A_1588 = tpu.memref_slice %arg6[%dma_start3A_1585, %dma_start3A_1586, %dma_start3A_1587] : memref<2x1024x32xf32, #tpu.memory_space<vmem>> -> memref<1x128x32xf32, #tpu.memory_space<vmem>>
    %dma_start3A_1589 = tpu.memref_squeeze %dma_start3A_1588 : memref<1x128x32xf32, #tpu.memory_space<vmem>> -> memref<128x32xf32, #tpu.memory_space<vmem>>
    %dma_start3A_1590 = arith.constant 12416 : i32
    %dma_start3A_1591 = tpu.memref_slice %arg5[%dma_start3A_1590] : memref<13312xi32, #tpu.memory_space<vmem>> -> memref<128xi32, #tpu.memory_space<vmem>>
    %dma_start3A_1592 = arith.constant 0 : i32
    %dma_start3A_1593 = arith.constant 0 : i32
    %dma_start3A_1594 = tpu.memref_slice %arg2[%dma_start3A_1592, %dma_start3A_1593] : memref<1000000x32xf32, #tpu.memory_space<hbm>> -> memref<1000000x32xf32, #tpu.memory_space<hbm>>
    tpu.enqueue_indirect_dma source(%dma_start3A_1594 : memref<1000000x32xf32, #tpu.memory_space<hbm>>) target(%dma_start3A_1589 : memref<128x32xf32, #tpu.memory_space<vmem>>) offsets(%dma_start3A_1591 : memref<128xi32, #tpu.memory_space<vmem>>) semaphore(%arg7 : memref<!tpu.dma_semaphore, #tpu.memory_space<semaphore_mem>>)
    %dma_start3A_1595 = arith.constant 0 : i32
    %dma_start3A_1596 = arith.constant 256 : i32
    %dma_start3A_1597 = arith.constant 0 : i32
    %dma_start3A_1598 = tpu.memref_slice %arg6[%dma_start3A_1595, %dma_start3A_1596, %dma_start3A_1597] : memref<2x1024x32xf32, #tpu.memory_space<vmem>> -> memref<1x128x32xf32, #tpu.memory_space<vmem>>
    %dma_start3A_1599 = tpu.memref_squeeze %dma_start3A_1598 : memref<1x128x32xf32, #tpu.memory_space<vmem>> -> memref<128x32xf32, #tpu.memory_space<vmem>>
    %dma_start3A_1600 = arith.constant 12544 : i32
    %dma_start3A_1601 = tpu.memref_slice %arg5[%dma_start3A_1600] : memref<13312xi32, #tpu.memory_space<vmem>> -> memref<128xi32, #tpu.memory_space<vmem>>
    %dma_start3A_1602 = arith.constant 0 : i32
    %dma_start3A_1603 = arith.constant 0 : i32
    %dma_start3A_1604 = tpu.memref_slice %arg2[%dma_start3A_1602, %dma_start3A_1603] : memref<1000000x32xf32, #tpu.memory_space<hbm>> -> memref<1000000x32xf32, #tpu.memory_space<hbm>>
    tpu.enqueue_indirect_dma source(%dma_start3A_1604 : memref<1000000x32xf32, #tpu.memory_space<hbm>>) target(%dma_start3A_1599 : memref<128x32xf32, #tpu.memory_space<vmem>>) offsets(%dma_start3A_1601 : memref<128xi32, #tpu.memory_space<vmem>>) semaphore(%arg7 : memref<!tpu.dma_semaphore, #tpu.memory_space<semaphore_mem>>)
    %dma_start3A_1605 = arith.constant 0 : i32
    %dma_start3A_1606 = arith.constant 384 : i32
    %dma_start3A_1607 = arith.constant 0 : i32
    %dma_start3A_1608 = tpu.memref_slice %arg6[%dma_start3A_1605, %dma_start3A_1606, %dma_start3A_1607] : memref<2x1024x32xf32, #tpu.memory_space<vmem>> -> memref<1x128x32xf32, #tpu.memory_space<vmem>>
    %dma_start3A_1609 = tpu.memref_squeeze %dma_start3A_1608 : memref<1x128x32xf32, #tpu.memory_space<vmem>> -> memref<128x32xf32, #tpu.memory_space<vmem>>
    %dma_start3A_1610 = arith.constant 12672 : i32
    %dma_start3A_1611 = tpu.memref_slice %arg5[%dma_start3A_1610] : memref<13312xi32, #tpu.memory_space<vmem>> -> memref<128xi32, #tpu.memory_space<vmem>>
    %dma_start3A_1612 = arith.constant 0 : i32
    %dma_start3A_1613 = arith.constant 0 : i32
    %dma_start3A_1614 = tpu.memref_slice %arg2[%dma_start3A_1612, %dma_start3A_1613] : memref<1000000x32xf32, #tpu.memory_space<hbm>> -> memref<1000000x32xf32, #tpu.memory_space<hbm>>
    tpu.enqueue_indirect_dma source(%dma_start3A_1614 : memref<1000000x32xf32, #tpu.memory_space<hbm>>) target(%dma_start3A_1609 : memref<128x32xf32, #tpu.memory_space<vmem>>) offsets(%dma_start3A_1611 : memref<128xi32, #tpu.memory_space<vmem>>) semaphore(%arg7 : memref<!tpu.dma_semaphore, #tpu.memory_space<semaphore_mem>>)
    %dma_start3A_1615 = arith.constant 0 : i32
    %dma_start3A_1616 = arith.constant 512 : i32
    %dma_start3A_1617 = arith.constant 0 : i32
    %dma_start3A_1618 = tpu.memref_slice %arg6[%dma_start3A_1615, %dma_start3A_1616, %dma_start3A_1617] : memref<2x1024x32xf32, #tpu.memory_space<vmem>> -> memref<1x128x32xf32, #tpu.memory_space<vmem>>
    %dma_start3A_1619 = tpu.memref_squeeze %dma_start3A_1618 : memref<1x128x32xf32, #tpu.memory_space<vmem>> -> memref<128x32xf32, #tpu.memory_space<vmem>>
    %dma_start3A_1620 = arith.constant 12800 : i32
    %dma_start3A_1621 = tpu.memref_slice %arg5[%dma_start3A_1620] : memref<13312xi32, #tpu.memory_space<vmem>> -> memref<128xi32, #tpu.memory_space<vmem>>
    %dma_start3A_1622 = arith.constant 0 : i32
    %dma_start3A_1623 = arith.constant 0 : i32
    %dma_start3A_1624 = tpu.memref_slice %arg2[%dma_start3A_1622, %dma_start3A_1623] : memref<1000000x32xf32, #tpu.memory_space<hbm>> -> memref<1000000x32xf32, #tpu.memory_space<hbm>>
    tpu.enqueue_indirect_dma source(%dma_start3A_1624 : memref<1000000x32xf32, #tpu.memory_space<hbm>>) target(%dma_start3A_1619 : memref<128x32xf32, #tpu.memory_space<vmem>>) offsets(%dma_start3A_1621 : memref<128xi32, #tpu.memory_space<vmem>>) semaphore(%arg7 : memref<!tpu.dma_semaphore, #tpu.memory_space<semaphore_mem>>)
    %dma_start3A_1625 = arith.constant 0 : i32
    %dma_start3A_1626 = arith.constant 640 : i32
    %dma_start3A_1627 = arith.constant 0 : i32
    %dma_start3A_1628 = tpu.memref_slice %arg6[%dma_start3A_1625, %dma_start3A_1626, %dma_start3A_1627] : memref<2x1024x32xf32, #tpu.memory_space<vmem>> -> memref<1x128x32xf32, #tpu.memory_space<vmem>>
    %dma_start3A_1629 = tpu.memref_squeeze %dma_start3A_1628 : memref<1x128x32xf32, #tpu.memory_space<vmem>> -> memref<128x32xf32, #tpu.memory_space<vmem>>
    %dma_start3A_1630 = arith.constant 12928 : i32
    %dma_start3A_1631 = tpu.memref_slice %arg5[%dma_start3A_1630] : memref<13312xi32, #tpu.memory_space<vmem>> -> memref<128xi32, #tpu.memory_space<vmem>>
    %dma_start3A_1632 = arith.constant 0 : i32
    %dma_start3A_1633 = arith.constant 0 : i32
    %dma_start3A_1634 = tpu.memref_slice %arg2[%dma_start3A_1632, %dma_start3A_1633] : memref<1000000x32xf32, #tpu.memory_space<hbm>> -> memref<1000000x32xf32, #tpu.memory_space<hbm>>
    tpu.enqueue_indirect_dma source(%dma_start3A_1634 : memref<1000000x32xf32, #tpu.memory_space<hbm>>) target(%dma_start3A_1629 : memref<128x32xf32, #tpu.memory_space<vmem>>) offsets(%dma_start3A_1631 : memref<128xi32, #tpu.memory_space<vmem>>) semaphore(%arg7 : memref<!tpu.dma_semaphore, #tpu.memory_space<semaphore_mem>>)
    %dma_start3A_1635 = arith.constant 0 : i32
    %dma_start3A_1636 = arith.constant 768 : i32
    %dma_start3A_1637 = arith.constant 0 : i32
    %dma_start3A_1638 = tpu.memref_slice %arg6[%dma_start3A_1635, %dma_start3A_1636, %dma_start3A_1637] : memref<2x1024x32xf32, #tpu.memory_space<vmem>> -> memref<1x128x32xf32, #tpu.memory_space<vmem>>
    %dma_start3A_1639 = tpu.memref_squeeze %dma_start3A_1638 : memref<1x128x32xf32, #tpu.memory_space<vmem>> -> memref<128x32xf32, #tpu.memory_space<vmem>>
    %dma_start3A_1640 = arith.constant 13056 : i32
    %dma_start3A_1641 = tpu.memref_slice %arg5[%dma_start3A_1640] : memref<13312xi32, #tpu.memory_space<vmem>> -> memref<128xi32, #tpu.memory_space<vmem>>
    %dma_start3A_1642 = arith.constant 0 : i32
    %dma_start3A_1643 = arith.constant 0 : i32
    %dma_start3A_1644 = tpu.memref_slice %arg2[%dma_start3A_1642, %dma_start3A_1643] : memref<1000000x32xf32, #tpu.memory_space<hbm>> -> memref<1000000x32xf32, #tpu.memory_space<hbm>>
    tpu.enqueue_indirect_dma source(%dma_start3A_1644 : memref<1000000x32xf32, #tpu.memory_space<hbm>>) target(%dma_start3A_1639 : memref<128x32xf32, #tpu.memory_space<vmem>>) offsets(%dma_start3A_1641 : memref<128xi32, #tpu.memory_space<vmem>>) semaphore(%arg7 : memref<!tpu.dma_semaphore, #tpu.memory_space<semaphore_mem>>)
    %dma_start3A_1645 = arith.constant 0 : i32
    %dma_start3A_1646 = arith.constant 896 : i32
    %dma_start3A_1647 = arith.constant 0 : i32
    %dma_start3A_1648 = tpu.memref_slice %arg6[%dma_start3A_1645, %dma_start3A_1646, %dma_start3A_1647] : memref<2x1024x32xf32, #tpu.memory_space<vmem>> -> memref<1x128x32xf32, #tpu.memory_space<vmem>>
    %dma_start3A_1649 = tpu.memref_squeeze %dma_start3A_1648 : memref<1x128x32xf32, #tpu.memory_space<vmem>> -> memref<128x32xf32, #tpu.memory_space<vmem>>
    %dma_start3A_1650 = arith.constant 13184 : i32
    %dma_start3A_1651 = tpu.memref_slice %arg5[%dma_start3A_1650] : memref<13312xi32, #tpu.memory_space<vmem>> -> memref<128xi32, #tpu.memory_space<vmem>>
    %dma_start3A_1652 = arith.constant 0 : i32
    %dma_start3A_1653 = arith.constant 0 : i32
    %dma_start3A_1654 = tpu.memref_slice %arg2[%dma_start3A_1652, %dma_start3A_1653] : memref<1000000x32xf32, #tpu.memory_space<hbm>> -> memref<1000000x32xf32, #tpu.memory_space<hbm>>
    tpu.enqueue_indirect_dma source(%dma_start3A_1654 : memref<1000000x32xf32, #tpu.memory_space<hbm>>) target(%dma_start3A_1649 : memref<128x32xf32, #tpu.memory_space<vmem>>) offsets(%dma_start3A_1651 : memref<128xi32, #tpu.memory_space<vmem>>) semaphore(%arg7 : memref<!tpu.dma_semaphore, #tpu.memory_space<semaphore_mem>>)
    %dma_wait3A_1655 = arith.constant 0 : i32
    %dma_wait3A_1656 = arith.constant 0 : i32
    %dma_wait3A_1657 = arith.constant 1 : i32
    %dma_wait3A_1658 = arith.constant 0 : i32
    %dma_wait3A_1659 = arith.constant 0 : i32
    %dma_wait3A_1660 = tpu.memref_slice %arg6[%dma_wait3A_1657, %dma_wait3A_1658, %dma_wait3A_1659] : memref<2x1024x32xf32, #tpu.memory_space<vmem>> -> memref<1x1024x32xf32, #tpu.memory_space<vmem>>
    %dma_wait3A_1661 = tpu.memref_squeeze %dma_wait3A_1660 : memref<1x1024x32xf32, #tpu.memory_space<vmem>> -> memref<1024x32xf32, #tpu.memory_space<vmem>>
    %dma_wait3A_1662 = arith.constant 0 : i32
    %dma_wait3A_1663 = arith.constant 0 : i32
    %dma_wait3A_1664 = tpu.memref_slice %arg4[%dma_wait3A_1655, %dma_wait3A_1656, %dma_wait3A_1662, %dma_wait3A_1663] : memref<32x13x1024x32xf32, #tpu.memory_space<hbm>> -> memref<1x1x1024x32xf32, #tpu.memory_space<hbm>>
    %dma_wait3A_1665 = tpu.memref_squeeze %dma_wait3A_1664 : memref<1x1x1024x32xf32, #tpu.memory_space<hbm>> -> memref<1024x32xf32, #tpu.memory_space<hbm>>
    %dma_wait3A_1666 = arith.constant 0 : i32
    %dma_wait3A_1667 = arith.constant 0 : i32
    %dma_wait3A_1668 = tpu.memref_slice %arg6[%dma_wait3A_1657, %dma_wait3A_1666, %dma_wait3A_1667] : memref<2x1024x32xf32, #tpu.memory_space<vmem>> -> memref<1x1024x32xf32, #tpu.memory_space<vmem>>
    %dma_wait3A_1669 = tpu.memref_squeeze %dma_wait3A_1668 : memref<1x1024x32xf32, #tpu.memory_space<vmem>> -> memref<1024x32xf32, #tpu.memory_space<vmem>>
    %dma_wait3A_1670 = arith.constant 0 : i32
    %dma_wait3A_1671 = arith.constant 0 : i32
    %dma_wait3A_1672 = tpu.memref_slice %arg4[%dma_wait3A_1655, %dma_wait3A_1656, %dma_wait3A_1670, %dma_wait3A_1671] : memref<32x13x1024x32xf32, #tpu.memory_space<hbm>> -> memref<1x1x1024x32xf32, #tpu.memory_space<hbm>>
    %dma_wait3A_1673 = tpu.memref_squeeze %dma_wait3A_1672 : memref<1x1x1024x32xf32, #tpu.memory_space<hbm>> -> memref<1024x32xf32, #tpu.memory_space<hbm>>
    tpu.wait_dma2 semaphore(%arg8 : memref<!tpu.dma_semaphore, #tpu.memory_space<semaphore_mem>>) src(%dma_wait3A_1673 : memref<1024x32xf32, #tpu.memory_space<hbm>>) dst(%dma_wait3A_1669 : memref<1024x32xf32, #tpu.memory_space<vmem>>)
    %dma_start3A_1674 = arith.constant 1 : i32
    %dma_start3A_1675 = arith.constant 11 : i32
    %dma_start3A_1676 = arith.constant 0 : i32
    %dma_start3A_1677 = arith.constant 0 : i32
    %dma_start3A_1678 = tpu.memref_slice %arg6[%dma_start3A_1674, %dma_start3A_1676, %dma_start3A_1677] : memref<2x1024x32xf32, #tpu.memory_space<vmem>> -> memref<1x1024x32xf32, #tpu.memory_space<vmem>>
    %dma_start3A_1679 = tpu.memref_squeeze %dma_start3A_1678 : memref<1x1024x32xf32, #tpu.memory_space<vmem>> -> memref<1024x32xf32, #tpu.memory_space<vmem>>
    %dma_start3A_1680 = arith.constant 0 : i32
    %dma_start3A_1681 = arith.constant 0 : i32
    %dma_start3A_1682 = tpu.memref_slice %arg4[%add3A, %dma_start3A_1675, %dma_start3A_1680, %dma_start3A_1681] : memref<32x13x1024x32xf32, #tpu.memory_space<hbm>> -> memref<1x1x1024x32xf32, #tpu.memory_space<hbm>>
    %dma_start3A_1683 = tpu.memref_squeeze %dma_start3A_1682 : memref<1x1x1024x32xf32, #tpu.memory_space<hbm>> -> memref<1024x32xf32, #tpu.memory_space<hbm>>
    %dma_start3A_1684 = arith.constant 0 : i32
    %dma_start3A_1685 = arith.constant 0 : i32
    %dma_start3A_1686 = tpu.memref_slice %arg4[%add3A, %dma_start3A_1675, %dma_start3A_1684, %dma_start3A_1685] : memref<32x13x1024x32xf32, #tpu.memory_space<hbm>> -> memref<1x1x1024x32xf32, #tpu.memory_space<hbm>>
    %dma_start3A_1687 = tpu.memref_squeeze %dma_start3A_1686 : memref<1x1x1024x32xf32, #tpu.memory_space<hbm>> -> memref<1024x32xf32, #tpu.memory_space<hbm>>
    %dma_start3A_1688 = arith.constant 0 : i32
    %dma_start3A_1689 = arith.constant 0 : i32
    %dma_start3A_1690 = tpu.memref_slice %arg6[%dma_start3A_1674, %dma_start3A_1688, %dma_start3A_1689] : memref<2x1024x32xf32, #tpu.memory_space<vmem>> -> memref<1x1024x32xf32, #tpu.memory_space<vmem>>
    %dma_start3A_1691 = tpu.memref_squeeze %dma_start3A_1690 : memref<1x1024x32xf32, #tpu.memory_space<vmem>> -> memref<1024x32xf32, #tpu.memory_space<vmem>>
    tpu.enqueue_dma source(%dma_start3A_1691 : memref<1024x32xf32, #tpu.memory_space<vmem>>) target(%dma_start3A_1687 : memref<1024x32xf32, #tpu.memory_space<hbm>>) target_semaphore(%arg9 : memref<!tpu.dma_semaphore, #tpu.memory_space<semaphore_mem>>)
    %dma_wait3A_1692 = arith.constant 0 : i32
    %dma_wait3A_1693 = arith.constant 0 : i32
    %dma_wait3A_1694 = arith.constant 0 : i32
    %dma_wait3A_1695 = arith.constant 0 : i32
    %dma_wait3A_1696 = arith.constant 0 : i32
    %dma_wait3A_1697 = tpu.memref_slice %arg6[%dma_wait3A_1694, %dma_wait3A_1695, %dma_wait3A_1696] : memref<2x1024x32xf32, #tpu.memory_space<vmem>> -> memref<1x1024x32xf32, #tpu.memory_space<vmem>>
    %dma_wait3A_1698 = tpu.memref_squeeze %dma_wait3A_1697 : memref<1x1024x32xf32, #tpu.memory_space<vmem>> -> memref<1024x32xf32, #tpu.memory_space<vmem>>
    %dma_wait3A_1699 = arith.constant 0 : i32
    %dma_wait3A_1700 = arith.constant 0 : i32
    %dma_wait3A_1701 = tpu.memref_slice %arg4[%dma_wait3A_1692, %dma_wait3A_1693, %dma_wait3A_1699, %dma_wait3A_1700] : memref<32x13x1024x32xf32, #tpu.memory_space<hbm>> -> memref<1x1x1024x32xf32, #tpu.memory_space<hbm>>
    %dma_wait3A_1702 = tpu.memref_squeeze %dma_wait3A_1701 : memref<1x1x1024x32xf32, #tpu.memory_space<hbm>> -> memref<1024x32xf32, #tpu.memory_space<hbm>>
    %dma_wait3A_1703 = arith.constant 0 : i32
    %dma_wait3A_1704 = arith.constant 0 : i32
    %dma_wait3A_1705 = tpu.memref_slice %arg6[%dma_wait3A_1694, %dma_wait3A_1703, %dma_wait3A_1704] : memref<2x1024x32xf32, #tpu.memory_space<vmem>> -> memref<1x1024x32xf32, #tpu.memory_space<vmem>>
    %dma_wait3A_1706 = tpu.memref_squeeze %dma_wait3A_1705 : memref<1x1024x32xf32, #tpu.memory_space<vmem>> -> memref<1024x32xf32, #tpu.memory_space<vmem>>
    %dma_wait3A_1707 = arith.constant 0 : i32
    %dma_wait3A_1708 = arith.constant 0 : i32
    %dma_wait3A_1709 = tpu.memref_slice %arg4[%dma_wait3A_1692, %dma_wait3A_1693, %dma_wait3A_1707, %dma_wait3A_1708] : memref<32x13x1024x32xf32, #tpu.memory_space<hbm>> -> memref<1x1x1024x32xf32, #tpu.memory_space<hbm>>
    %dma_wait3A_1710 = tpu.memref_squeeze %dma_wait3A_1709 : memref<1x1x1024x32xf32, #tpu.memory_space<hbm>> -> memref<1024x32xf32, #tpu.memory_space<hbm>>
    tpu.wait_dma2 semaphore(%arg7 : memref<!tpu.dma_semaphore, #tpu.memory_space<semaphore_mem>>) src(%dma_wait3A_1710 : memref<1024x32xf32, #tpu.memory_space<hbm>>) dst(%dma_wait3A_1706 : memref<1024x32xf32, #tpu.memory_space<vmem>>)
    %dma_start3A_1711 = arith.constant 0 : i32
    %dma_start3A_1712 = arith.constant 12 : i32
    %dma_start3A_1713 = arith.constant 0 : i32
    %dma_start3A_1714 = arith.constant 0 : i32
    %dma_start3A_1715 = tpu.memref_slice %arg6[%dma_start3A_1711, %dma_start3A_1713, %dma_start3A_1714] : memref<2x1024x32xf32, #tpu.memory_space<vmem>> -> memref<1x1024x32xf32, #tpu.memory_space<vmem>>
    %dma_start3A_1716 = tpu.memref_squeeze %dma_start3A_1715 : memref<1x1024x32xf32, #tpu.memory_space<vmem>> -> memref<1024x32xf32, #tpu.memory_space<vmem>>
    %dma_start3A_1717 = arith.constant 0 : i32
    %dma_start3A_1718 = arith.constant 0 : i32
    %dma_start3A_1719 = tpu.memref_slice %arg4[%add3A, %dma_start3A_1712, %dma_start3A_1717, %dma_start3A_1718] : memref<32x13x1024x32xf32, #tpu.memory_space<hbm>> -> memref<1x1x1024x32xf32, #tpu.memory_space<hbm>>
    %dma_start3A_1720 = tpu.memref_squeeze %dma_start3A_1719 : memref<1x1x1024x32xf32, #tpu.memory_space<hbm>> -> memref<1024x32xf32, #tpu.memory_space<hbm>>
    %dma_start3A_1721 = arith.constant 0 : i32
    %dma_start3A_1722 = arith.constant 0 : i32
    %dma_start3A_1723 = tpu.memref_slice %arg4[%add3A, %dma_start3A_1712, %dma_start3A_1721, %dma_start3A_1722] : memref<32x13x1024x32xf32, #tpu.memory_space<hbm>> -> memref<1x1x1024x32xf32, #tpu.memory_space<hbm>>
    %dma_start3A_1724 = tpu.memref_squeeze %dma_start3A_1723 : memref<1x1x1024x32xf32, #tpu.memory_space<hbm>> -> memref<1024x32xf32, #tpu.memory_space<hbm>>
    %dma_start3A_1725 = arith.constant 0 : i32
    %dma_start3A_1726 = arith.constant 0 : i32
    %dma_start3A_1727 = tpu.memref_slice %arg6[%dma_start3A_1711, %dma_start3A_1725, %dma_start3A_1726] : memref<2x1024x32xf32, #tpu.memory_space<vmem>> -> memref<1x1024x32xf32, #tpu.memory_space<vmem>>
    %dma_start3A_1728 = tpu.memref_squeeze %dma_start3A_1727 : memref<1x1024x32xf32, #tpu.memory_space<vmem>> -> memref<1024x32xf32, #tpu.memory_space<vmem>>
    tpu.enqueue_dma source(%dma_start3A_1728 : memref<1024x32xf32, #tpu.memory_space<vmem>>) target(%dma_start3A_1724 : memref<1024x32xf32, #tpu.memory_space<hbm>>) target_semaphore(%arg9 : memref<!tpu.dma_semaphore, #tpu.memory_space<semaphore_mem>>)
    %dma_wait3A_1729 = arith.constant 0 : i32
    %dma_wait3A_1730 = arith.constant 0 : i32
    %dma_wait3A_1731 = arith.constant 0 : i32
    %dma_wait3A_1732 = arith.constant 0 : i32
    %dma_wait3A_1733 = arith.constant 0 : i32
    %dma_wait3A_1734 = tpu.memref_slice %arg6[%dma_wait3A_1731, %dma_wait3A_1732, %dma_wait3A_1733] : memref<2x1024x32xf32, #tpu.memory_space<vmem>> -> memref<1x1024x32xf32, #tpu.memory_space<vmem>>
    %dma_wait3A_1735 = tpu.memref_squeeze %dma_wait3A_1734 : memref<1x1024x32xf32, #tpu.memory_space<vmem>> -> memref<1024x32xf32, #tpu.memory_space<vmem>>
    %dma_wait3A_1736 = arith.constant 0 : i32
    %dma_wait3A_1737 = arith.constant 0 : i32
    %dma_wait3A_1738 = tpu.memref_slice %arg4[%dma_wait3A_1729, %dma_wait3A_1730, %dma_wait3A_1736, %dma_wait3A_1737] : memref<32x13x1024x32xf32, #tpu.memory_space<hbm>> -> memref<1x1x1024x32xf32, #tpu.memory_space<hbm>>
    %dma_wait3A_1739 = tpu.memref_squeeze %dma_wait3A_1738 : memref<1x1x1024x32xf32, #tpu.memory_space<hbm>> -> memref<1024x32xf32, #tpu.memory_space<hbm>>
    %dma_wait3A_1740 = arith.constant 0 : i32
    %dma_wait3A_1741 = arith.constant 0 : i32
    %dma_wait3A_1742 = tpu.memref_slice %arg6[%dma_wait3A_1731, %dma_wait3A_1740, %dma_wait3A_1741] : memref<2x1024x32xf32, #tpu.memory_space<vmem>> -> memref<1x1024x32xf32, #tpu.memory_space<vmem>>
    %dma_wait3A_1743 = tpu.memref_squeeze %dma_wait3A_1742 : memref<1x1024x32xf32, #tpu.memory_space<vmem>> -> memref<1024x32xf32, #tpu.memory_space<vmem>>
    %dma_wait3A_1744 = arith.constant 0 : i32
    %dma_wait3A_1745 = arith.constant 0 : i32
    %dma_wait3A_1746 = tpu.memref_slice %arg4[%dma_wait3A_1729, %dma_wait3A_1730, %dma_wait3A_1744, %dma_wait3A_1745] : memref<32x13x1024x32xf32, #tpu.memory_space<hbm>> -> memref<1x1x1024x32xf32, #tpu.memory_space<hbm>>
    %dma_wait3A_1747 = tpu.memref_squeeze %dma_wait3A_1746 : memref<1x1x1024x32xf32, #tpu.memory_space<hbm>> -> memref<1024x32xf32, #tpu.memory_space<hbm>>
    tpu.wait_dma2 semaphore(%arg9 : memref<!tpu.dma_semaphore, #tpu.memory_space<semaphore_mem>>) src(%dma_wait3A_1747 : memref<1024x32xf32, #tpu.memory_space<hbm>>) dst(%dma_wait3A_1743 : memref<1024x32xf32, #tpu.memory_space<vmem>>)
    %dma_wait3A_1748 = arith.constant 0 : i32
    %dma_wait3A_1749 = arith.constant 0 : i32
    %dma_wait3A_1750 = arith.constant 1 : i32
    %dma_wait3A_1751 = arith.constant 0 : i32
    %dma_wait3A_1752 = arith.constant 0 : i32
    %dma_wait3A_1753 = tpu.memref_slice %arg6[%dma_wait3A_1750, %dma_wait3A_1751, %dma_wait3A_1752] : memref<2x1024x32xf32, #tpu.memory_space<vmem>> -> memref<1x1024x32xf32, #tpu.memory_space<vmem>>
    %dma_wait3A_1754 = tpu.memref_squeeze %dma_wait3A_1753 : memref<1x1024x32xf32, #tpu.memory_space<vmem>> -> memref<1024x32xf32, #tpu.memory_space<vmem>>
    %dma_wait3A_1755 = arith.constant 0 : i32
    %dma_wait3A_1756 = arith.constant 0 : i32
    %dma_wait3A_1757 = tpu.memref_slice %arg4[%dma_wait3A_1748, %dma_wait3A_1749, %dma_wait3A_1755, %dma_wait3A_1756] : memref<32x13x1024x32xf32, #tpu.memory_space<hbm>> -> memref<1x1x1024x32xf32, #tpu.memory_space<hbm>>
    %dma_wait3A_1758 = tpu.memref_squeeze %dma_wait3A_1757 : memref<1x1x1024x32xf32, #tpu.memory_space<hbm>> -> memref<1024x32xf32, #tpu.memory_space<hbm>>
    %dma_wait3A_1759 = arith.constant 0 : i32
    %dma_wait3A_1760 = arith.constant 0 : i32
    %dma_wait3A_1761 = tpu.memref_slice %arg6[%dma_wait3A_1750, %dma_wait3A_1759, %dma_wait3A_1760] : memref<2x1024x32xf32, #tpu.memory_space<vmem>> -> memref<1x1024x32xf32, #tpu.memory_space<vmem>>
    %dma_wait3A_1762 = tpu.memref_squeeze %dma_wait3A_1761 : memref<1x1024x32xf32, #tpu.memory_space<vmem>> -> memref<1024x32xf32, #tpu.memory_space<vmem>>
    %dma_wait3A_1763 = arith.constant 0 : i32
    %dma_wait3A_1764 = arith.constant 0 : i32
    %dma_wait3A_1765 = tpu.memref_slice %arg4[%dma_wait3A_1748, %dma_wait3A_1749, %dma_wait3A_1763, %dma_wait3A_1764] : memref<32x13x1024x32xf32, #tpu.memory_space<hbm>> -> memref<1x1x1024x32xf32, #tpu.memory_space<hbm>>
    %dma_wait3A_1766 = tpu.memref_squeeze %dma_wait3A_1765 : memref<1x1x1024x32xf32, #tpu.memory_space<hbm>> -> memref<1024x32xf32, #tpu.memory_space<hbm>>
    tpu.wait_dma2 semaphore(%arg9 : memref<!tpu.dma_semaphore, #tpu.memory_space<semaphore_mem>>) src(%dma_wait3A_1766 : memref<1024x32xf32, #tpu.memory_space<hbm>>) dst(%dma_wait3A_1762 : memref<1024x32xf32, #tpu.memory_space<vmem>>)
    return
  }
}

</mosaic_0001>

<sc_bundles>
// kernel: kernel.3.cloned.1.call-start
scs
__scs_entry_jumppad:
0x0: {  	(pc) =	sbr.rel $0x88, $3  }
0x1: {  	(tag) =	ssettag $0x0;
	lr =	simm.s32 $0x1  }
0x2: {  	[smem:$0x3F9F] =	sst lr;
	_ =	strace $0xD0000000  }
0x3: {  	_ = 	snop  }
0x4: {  	_ = 	snop  }
0x5: {  	_ = 	snop  }
0x6: {  	_ = 	snop  }
0x7: {  	_ = 	snop  }
__scs_overlays_trampoline_lowered:
0x8: {  	[smem:$0x3FAE] =	sst s0  }
0x9: {  	[smem:$0x3FAF] =	sst s1  }
0xa: {  	[smem:$0x3FB0] =	sst s2  }
0xb: {  	[smem:$0x3FB1] =	sst s3  }
0xc: {  	[smem:$0x3FB2] =	sst s4  }
0xd: {  	[smem:$0x3FB3] =	sst s5  }
0xe: {  	[smem:$0x3FB4] =	sst s6  }
0xf: {  	[smem:$0x3FB5] =	sst s7  }
0x10: {  	[smem:$0x3FB6] =	sst s8  }
0x11: {  	[smem:$0x3FB7] =	sst s9;
	s0 =	simm.s32 @!p0 $0x0  }
0x12: {  	s1 =	sld [smem:$0x3F9D];
	s0 =	simm.s32 @p0 $0x1  }
0x13: {  	[smem:$0x3FB8] =	sst s0;
	s0 =	simm.s32 @!p1 $0x0  }
0x14: {  	s2 =	sld [smem:$0x3F9C];
	s0 =	simm.s32 @p1 $0x1  }
0x15: {  	[smem:$0x3FB9] =	sst s0;
	s0 =	simm.s32 @!p2 $0x0  }
0x16: {  	s3 =	sld [smem:$0x3FDB];
	s0 =	simm.s32 @p2 $0x1  }
0x17: {  	s4 =	simm.s32 $0x1BF5;
	[smem:$0x3FBB] =	sst s0  }
0x18: {  	s0 =	sld [smem:$0x3F9E];
	_ =	swait.ge [sflag:s4], $0x0  }
0x19: {  	s7 =	sld [smem:$0x3F9F]  }
0x1a: {  	s8 =	sadd.s32 $0xFFFFE003, lr  }
0x1b: {  	s9 =	sadd.s32 $0xFFFFFEF7, lr;
	s5 =	simm.s32 $0xFFFFFFFF;
	p2 =	slt.u32 s8, $0xFFFFF086  }
0x1c: {  	p1 =	slt.u32 s9, $0xF7A;
	s5 =	simm.s32 @!p2 $0x0  }
0x1d: {  	s5 =	simm.s32 @p1 $0x1;
	p0 =	seq.s32 s7, s2  }
0x1e: {  	s7 =	smul.u32 @!p0 $0xF7A, s2;
	p2 =	seq.s32 @!p0 s5, $0x0  }
0x1f: {  	s9 =	smul.u32 $0xF7A, s1;
	s8 =	simm.s32 @!p0 $0x1BF5;
	p2 =	por !p2, p0  }
0x20: {  	[sflag:s8] =	ssyncset.s32 @!p0 $0xFFFFF086;
	s6 =	sadd.s32 @!p0 s3, s7;
	s7 =	simm.s32 @!p0 $0x108  }
0x21: {  	s3 =	sadd.s32 s3, s9;
	s6 =	sadd.s32 @!p0 $0x88, s6;
	s7 =	simm.s32 @p2 $0x1082  }
0x22: {  	[simem:s7], [sflag:s8] =	dma.local @!p0 [hbm:s6], $0xF7A  }
0x23: {  	s9 =	sor.u32 $0xD0000000, s2;
	s6 =	simm.s32 $0x108;
	_ =	swait.ge @!p0 [sflag:s8], $0x0  }
0x24: {  	s3 =	sadd.s32 $0x88, s3;
	s6 =	simm.s32 @!p1 $0x1082;
	[sflag:s4] =	ssyncset.s32 $0xFFFFF086  }
0x25: {  	[simem:s6], [sflag:s4] =	dma.local [hbm:s3], $0xF7A  }
0x26: {  	[smem:$0x3F9F] =	sst s1;
	(tag) =	ssettag s2;
	_ =	strace s9  }
0x27: {  	s1 =	sld [smem:$0x3FAF]  }
0x28: {  	s2 =	sld [smem:$0x3FB0]  }
0x29: {  	s4 =	sld [smem:$0x3FB2]  }
0x2a: {  	p0 =	seq.s32 s5, $0x0;
	s5 =	sld [smem:$0x3FB3]  }
0x2b: {  	s6 =	sld [smem:$0x3FB4]  }
0x2c: {  	s7 =	sld [smem:$0x3FB5]  }
0x2d: {  	s3 =	simm.s32 $0x108;
	s8 =	sld [smem:$0x3FB6]  }
0x2e: {  	s3 =	simm.s32 @!p0 $0x1082;
	s9 =	sld [smem:$0x3FB7]  }
0x2f: {  	lr =	sadd.s32 s0, s3;
	s0 =	sld [smem:$0x3FAE]  }
0x30: {  	s3 =	sld [smem:$0x3FB1]  }
0x31: {  	[smem:$0x3FBA] =	sst s10  }
0x32: {  	s10 =	sld [smem:$0x3FB8];
	_ =	sdelay $0x3  }
0x33: {  	p0 =	seq.s32 s10, $0x1;
	s10 =	sld [smem:$0x3FBA];
	_ =	sdelay $0x3  }
0x34: {  	[smem:$0x3FBA] =	sst s10  }
0x35: {  	s10 =	sld [smem:$0x3FB9];
	_ =	sdelay $0x3  }
0x36: {  	p1 =	seq.s32 s10, $0x1;
	s10 =	sld [smem:$0x3FBA];
	_ =	sdelay $0x3  }
0x37: {  	[smem:$0x3FBA] =	sst s10  }
0x38: {  	s10 =	sld [smem:$0x3FBB]  }
0x39: {  	_ = 	snop;
	(pc) =	sbr.ind lr, $3  }
0x3a: {  	_ = 	snop  }
0x3b: {  	_ = 	snop  }
0x3c: {  	p2 =	seq.s32 s10, $0x1;
	s10 =	sld [smem:$0x3FBA]  }
0x3d: {  	_ =	shalt  }
0x3e: {  	_ =	shalt  }
0x3f: {  	_ =	shalt  }
0x40: {  	_ =	shalt  }
0x41: {  	_ =	shalt  }
0x42: {  	_ =	shalt  }
0x43: {  	_ =	shalt  }
0x44: {  	_ =	shalt  }
0x45: {  	_ =	shalt  }
0x46: {  	_ =	shalt  }
0x47: {  	_ =	shalt  }
0x48: {  	_ =	shalt  }
0x49: {  	_ =	shalt  }
0x4a: {  	_ =	shalt  }
0x4b: {  	_ =	shalt  }
0x4c: {  	_ =	shalt  }
0x4d: {  	_ =	shalt  }
0x4e: {  	_ =	shalt  }
0x4f: {  	_ =	shalt  }
0x50: {  	_ =	shalt  }
0x51: {  	_ =	shalt  }
0x52: {  	_ =	shalt  }
0x53: {  	_ =	shalt  }
0x54: {  	_ =	shalt  }
0x55: {  	_ =	shalt  }
0x56: {  	_ =	shalt  }
0x57: {  	_ =	shalt  }
0x58: {  	_ =	shalt  }
0x59: {  	_ =	shalt  }
0x5a: {  	_ =	shalt  }
0x5b: {  	_ =	shalt  }
0x5c: {  	_ =	shalt  }
0x5d: {  	_ =	shalt  }
0x5e: {  	_ =	shalt  }
0x5f: {  	_ =	shalt  }
0x60: {  	_ =	shalt  }
0x61: {  	_ =	shalt  }
0x62: {  	_ =	shalt  }
0x63: {  	_ =	shalt  }
0x64: {  	_ =	shalt  }
0x65: {  	_ =	shalt  }
0x66: {  	_ =	shalt  }
0x67: {  	_ =	shalt  }
0x68: {  	_ =	shalt  }
0x69: {  	_ =	shalt  }
0x6a: {  	_ =	shalt  }
0x6b: {  	_ =	shalt  }
0x6c: {  	_ =	shalt  }
0x6d: {  	_ =	shalt  }
0x6e: {  	_ =	shalt  }
0x6f: {  	_ =	shalt  }
0x70: {  	_ =	shalt  }
0x71: {  	_ =	shalt  }
0x72: {  	_ =	shalt  }
0x73: {  	_ =	shalt  }
0x74: {  	_ =	shalt  }
0x75: {  	_ =	shalt  }
0x76: {  	_ =	shalt  }
0x77: {  	_ =	shalt  }
0x78: {  	_ =	shalt  }
0x79: {  	_ =	shalt  }
0x7a: {  	_ =	shalt  }
0x7b: {  	_ =	shalt  }
0x7c: {  	_ =	shalt  }
0x7d: {  	_ =	shalt  }
0x7e: {  	_ =	shalt  }
0x7f: {  	_ =	shalt  }
0x80: {  	_ =	shalt  }
0x81: {  	_ =	shalt  }
0x82: {  	_ =	shalt  }
0x83: {  	_ =	shalt  }
0x84: {  	_ =	shalt  }
0x85: {  	_ =	shalt  }
0x86: {  	_ =	shalt  }
0x87: {  	_ =	shalt  }
.Lfunc_end0:
.L_simem_size_0:
called_computation.1_lowered:
.L_overlay_start_0:
0x88: {  	s2 =	sld [smem:$0x3FD9]  }
0x89: {  	s3 =	sld [smem:$0x3FFE];
	_ =	sdelay $0x1  }
0x8a: {  	s1 =	srdreg.scid  }
0x8b: {  	s0 =	sand.u32 $0x1, s1  }
0x8c: {  	s17 =	sshll.u32 s0, $0xA;
	s2 =	sadd.s32 s3, s2  }
0x8d: {  	s2 =	sadd.s32 s2, s17  }
0x8e: {  	[smem:$0x3FC6] =	sst s2  }
0x8f: {  	_ = 	snop  }
0x90: {  	s2 =	sld [smem:$0x3FD0];
	(tm) =	ssettm $0x1  }
0x91: {  	s18 =	sld [smem:$0x3FFB];
	_ =	sdelay $0x3  }
0x92: {  	_ =	strace s18  }
0x93: {  	s3 =	sld [smem:$0x3FFC];
	_ =	sdelay $0x3  }
0x94: {  	_ =	strace s3  }
0x95: {  	s3 =	sld [smem:$0x3FFD];
	_ =	sdelay $0x3  }
0x96: {  	_ =	strace s3  }
0x97: {  	_ =	strace $0x8FFFFFFF  }
0x98: {  	s19 =	sld [smem:$0x3FDB];
	_ =	sdelay $0x1  }
0x99: {  	s4 =	simm.s32 $_scs_section_size  }
0x9a: {  	s5 =	simm.s32 $_size__tile_overlayer_lowered;
	s6 =	simm.s32 $_tile_overlayer_lowered  }
0x9b: {  	s22 =	simm.s32 $0x1BFF;
	s21 =	sshll.u32 s6, $0x1;
	s3 =	sadd.s32 s4, s19  }
0x9c: {  	s7 =	simm.s32 $0x0;
	s20 =	sshll.u32 s5, $0x1;
	s5 =	sadd.s32 s21, s3  }
0x9d: {  	[timem:s7], [sflag:s22] =	dma.local [hbm:s5], s20  }
0x9e: {  	_ =	swait.ge [sflag:s22], s20  }
0x9f: {  	s4 =	ssub.s32 $0x0, s20;
	[sflag:s22] =	ssyncset.done $0x0  }
0xa0: {  	[sflag:s22] =	ssyncadd.s32 s4;
	_ =	sdelay $0x1  }
0xa1: {  	s23 =	simm.s32 $0x1B8B  }
0xa2: {  	_ =	swait.ge [sflag:s23], $0x1  }
0xa3: {  	[sflag:s23] =	ssyncset.done $0x0  }
0xa4: {  	s25 =	simm.s32 $0x1B8E;
	s24 =	sld [smem:$0x3FFE];
	[sflag:s23] =	ssyncadd.s32 $0xFFFFFFFF  }
0xa5: {  	s26 =	simm.s32 $execute0_lowered;
	[smem:$0x3FD2] =	sst s25  }
0xa6: {  	s5 =	sshll.u32 s26, $0x1;
	_ =	strace $0x80000046;
	[dreg:$0x1] =	wrdreg $0xFFFFFFFF  }
0xa7: {  	s28 =	simm.s32 $_size_execute0_lowered;
	s3 =	sadd.s32 s3, s5;
	[dreg:$0x0] =	wrdreg $0x0  }
0xa8: {  	s5 =	sshll.u32 s28, $0x1;
	[dreg:$0x2] =	wrdreg s3  }
0xa9: {  	[dreg:$0x3] =	wrdreg s5  }
0xaa: {  	[dreg:$0x4] =	wrdreg $0xC0  }
0xab: {  	_ =	task [dreg:s7], $0x5FFFF  }
0xac: {  	[dreg:$0x1] =	wrdreg $0xFFFFFFFF  }
0xad: {  	[dreg:$0x0] =	wrdreg $0x60  }
0xae: {  	[dreg:$0x2] =	wrdreg s24  }
0xaf: {  	[dreg:$0x3] =	wrdreg s2  }
0xb0: {  	[dreg:$0x4] =	wrdreg $0x9  }
0xb1: {  	_ =	task.clear_ibuf [dreg:s7], $0x5FFFF;
	_ =	strace $0x90000046  }
0xb2: {  	s29 =	simm.s32 $0x9;
	_ =	strace $0x80000048  }
0xb3: {  	_ =	swait.ge [sflag:s29], $0x1  }
0xb4: {  	[sflag:s29] =	ssyncadd.s32 $0xFFFFFFFF  }
0xb5: {  	_ =	strace $0x90000048  }
0xb6: {  	_ =	sfence  }
0xb7: {  	s30 =	sld [smem:$0x0];
	_ =	sdelay $0x2  }
0xb8: {  	s31 =	sshll.u32 s1, $0xD;
	s1 =	sshrl.u32 s1, $0x2  }
0xb9: {  	s3 =	sand.u32 $0x4000, s31;
	s1 =	sadd.s32 s1, s30  }
0xba: {  	s0 =	sor.u32 s3, s0;
	s1 =	sshll.u32 s1, $0x11  }
0xbb: {  	s0 =	sor.u32 s1, s0  }
0xbc: {  	s0 =	sadd.s32 $0x8F2B, s0  }
0xbd: {  	[sflag:s0] =	ssyncadd.remote.s32 $0x1  }
0xbe: {  	_ =	sfence.sel $0xFFFF  }
0xbf: {  	[dreg:$0x0] =	wrdreg $0xFFFFFFFF;
	(pc) =	sbr.abs _section_cstart, $3  }
0xc0: {  	[dreg:$0x1] =	wrdreg $0xFFFFFFFF  }
0xc1: {  	_ =	task.clear_ibuf [dreg:s7], $0x2FFFF;
	_ =	strace $0x9FFFFFFF  }
0xc2: {  	(tm) =	ssettm $0x7FFFFFFF  }
0xc3: {  	_ =	shalt  }
tec
execute0_lowered:
.L_overlay_start_1:
0x0: {  	(tag) =	ssettag $0x1  }
0x1: {  	s3 =	rddreg [dreg:$0x0]  }
0x2: {  	s5 =	rddreg [dreg:$0x1];
	s2 =	simm.s32 $0x0  }
0x3: {  	s24 =	simm.s32 $0x100;
	[smem:$0x7FF] =	sst s2  }
0x4: {  	s25 =	simm.s32 $0x180;
	_ =	strace $0x80000047;
	[dreg:$0x10] =	wrdreg s24  }
0x5: {  	s26 =	simm.s32 $0x200;
	[dreg:$0x11] =	wrdreg s25  }
0x6: {  	s6 =	simm.s32 $0x380;
	[dreg:$0x12] =	wrdreg s26  }
0x7: {  	s0 =	srdreg.scid;
	s7 =	simm.s32 $0x400;
	[dreg:$0x15] =	wrdreg s6  }
0x8: {  	s22 =	stileid.u32;
	s8 =	simm.s32 $0x480;
	[dreg:$0x16] =	wrdreg s7  }
0x9: {  	s9 =	simm.s32 $0x500;
	s10 =	simm.s32 $0x580;
	[dreg:$0x17] =	wrdreg s8  }
0xa: {  	s1 =	sand.u32 $0x1, s0;
	s11 =	sshll.u32 s22, $0x1;
	[dreg:$0x18] =	wrdreg s9  }
0xb: {  	s0 =	sor.u32 s1, s11;
	[dreg:$0x19] =	wrdreg s10;
	s11 =	simm.s32 $0x600  }
0xc: {  	s24 =	simm.s32 $0xC00;
	[dreg:$0x1a] =	wrdreg s11  }
0xd: {  	s25 =	simm.s32 $0xC80;
	[smem:$0x7B3] =	sst s24  }
0xe: {  	s26 =	simm.s32 $0xD00;
	[smem:$0x7B4] =	sst s25  }
0xf: {  	s6 =	simm.s32 $0xE80;
	[smem:$0x7B5] =	sst s26  }
0x10: {  	s7 =	simm.s32 $0xF00;
	[smem:$0x7B8] =	sst s6  }
0x11: {  	s8 =	simm.s32 $0xF80;
	[smem:$0x7B9] =	sst s7  }
0x12: {  	s9 =	simm.s32 $0x1000;
	[smem:$0x7BA] =	sst s8  }
0x13: {  	s10 =	simm.s32 $0x1080;
	[smem:$0x7BB] =	sst s9  }
0x14: {  	[smem:$0x7BC] =	sst s10;
	s11 =	simm.s32 $0x1100  }
0x15: {  	s24 =	simm.s32 $0x1700;
	[smem:$0x7BD] =	sst s11  }
0x16: {  	s25 =	simm.s32 $0x1780;
	[smem:$0x7C9] =	sst s24  }
0x17: {  	s26 =	simm.s32 $0x1800;
	[smem:$0x7CA] =	sst s25  }
0x18: {  	s6 =	simm.s32 $0x1980;
	[smem:$0x7CB] =	sst s26  }
0x19: {  	s7 =	simm.s32 $0x1A00;
	[smem:$0x7CE] =	sst s6  }
0x1a: {  	s8 =	simm.s32 $0x1A80;
	[smem:$0x7CF] =	sst s7  }
0x1b: {  	s9 =	simm.s32 $0x1B00;
	[smem:$0x7D0] =	sst s8  }
0x1c: {  	s10 =	simm.s32 $0x1B80;
	[smem:$0x7D1] =	sst s9  }
0x1d: {  	[smem:$0x7D2] =	sst s10;
	s11 =	simm.s32 $0x1C00  }
0x1e: {  	s24 =	simm.s32 $0x2200;
	[smem:$0x7D3] =	sst s11  }
0x1f: {  	s25 =	simm.s32 $0x2280;
	[smem:$0x7DF] =	sst s24  }
0x20: {  	s26 =	simm.s32 $0x2300;
	[smem:$0x7E0] =	sst s25  }
0x21: {  	s6 =	simm.s32 $0x2480;
	[smem:$0x7E1] =	sst s26  }
0x22: {  	s7 =	simm.s32 $0x2500;
	[smem:$0x7E4] =	sst s6  }
0x23: {  	s8 =	simm.s32 $0x2580;
	[smem:$0x7E5] =	sst s7  }
0x24: {  	s9 =	simm.s32 $0x2600;
	[smem:$0x7E6] =	sst s8  }
0x25: {  	[smem:$0x7E7] =	sst s9;
	s11 =	simm.s32 $0x2680  }
0x26: {  	s4 =	smul.u32 $0x680, s0;
	s24 =	simm.s32 $0x2C80;
	[smem:$0x7E8] =	sst s11  }
0x27: {  	s0 =	smul.u32 $0x68000, s0;
	s25 =	simm.s32 $0x2D00;
	[smem:$0x7F4] =	sst s24  }
0x28: {  	s4 =	sadd.s32 s4, s3;
	s26 =	simm.s32 $0x2D80;
	[smem:$0x7F5] =	sst s25  }
0x29: {  	s0 =	sshrl.u32 s0, $0x3;
	s4 =	sadd.s32 $0xA00, s4;
	[smem:$0x7F6] =	sst s26  }
0x2a: {  	s28 =	sadd.s32 s5, s0;
	s5 =	simm.s32 $0x300;
	[dreg:$0x3] =	wrdreg s4  }
0x2b: {  	s24 =	simm.s32 $0x3000;
	[dreg:$0x14] =	wrdreg s5  }
0x2c: {  	s25 =	simm.s32 $0x3080;
	[smem:$0x7FB] =	sst s24  }
0x2d: {  	s26 =	simm.s32 $0x3100;
	[smem:$0x7FC] =	sst s25  }
0x2e: {  	s0 =	sadd.s32 $0x1000, s28;
	[smem:$0x7FD] =	sst s26  }
0x2f: {  	s12 =	sadd.s32 $0x2000, s28;
	[dreg:$0x4] =	wrdreg s0  }
0x30: {  	s13 =	sadd.s32 $0x3000, s28;
	[dreg:$0x5] =	wrdreg s12  }
0x31: {  	s14 =	sadd.s32 $0x4000, s28;
	[dreg:$0x6] =	wrdreg s13  }
0x32: {  	s15 =	sadd.s32 $0x5000, s28;
	[dreg:$0x7] =	wrdreg s14  }
0x33: {  	s16 =	sadd.s32 $0x6000, s28;
	[dreg:$0x8] =	wrdreg s15  }
0x34: {  	s17 =	sadd.s32 $0x7000, s28;
	[dreg:$0x9] =	wrdreg s16  }
0x35: {  	s18 =	sadd.s32 $0x8000, s28;
	[dreg:$0xa] =	wrdreg s17  }
0x36: {  	s19 =	sadd.s32 $0x9000, s28;
	[dreg:$0xb] =	wrdreg s18  }
0x37: {  	s20 =	sadd.s32 $0xA000, s28;
	[dreg:$0xc] =	wrdreg s19  }
0x38: {  	s21 =	sadd.s32 $0xB000, s28;
	[dreg:$0xd] =	wrdreg s20  }
0x39: {  	s23 =	sadd.s32 $0xC000, s28;
	[dreg:$0xe] =	wrdreg s21  }
0x3a: {  	s4 =	simm.s32 $0x280;
	[dreg:$0xf] =	wrdreg s23  }
0x3b: {  	s5 =	simm.s32 $0xE00;
	[dreg:$0x13] =	wrdreg s4  }
0x3c: {  	[smem:$0x7B7] =	sst s5  }
0x3d: {  	s12 =	simm.s32 $0x680;
	s0 =	rddreg [dreg:$0x3]  }
0x3e: {  	s13 =	simm.s32 $0x700;
	[dreg:$0x1b] =	wrdreg s12  }
0x3f: {  	s14 =	simm.s32 $0x780;
	[dreg:$0x1c] =	wrdreg s13  }
0x40: {  	s15 =	simm.s32 $0x800;
	[dreg:$0x1d] =	wrdreg s14  }
0x41: {  	s16 =	simm.s32 $0x880;
	[dreg:$0x1e] =	wrdreg s15  }
0x42: {  	s17 =	simm.s32 $0x900;
	[dreg:$0x1f] =	wrdreg s16  }
0x43: {  	s18 =	simm.s32 $0x980;
	[smem:$0x7AD] =	sst s17  }
0x44: {  	s19 =	simm.s32 $0xA00;
	[smem:$0x7AE] =	sst s18  }
0x45: {  	s20 =	simm.s32 $0xA80;
	[smem:$0x7AF] =	sst s19  }
0x46: {  	s21 =	simm.s32 $0xB00;
	[smem:$0x7B0] =	sst s20  }
0x47: {  	s23 =	simm.s32 $0xB80;
	[smem:$0x7B1] =	sst s21  }
0x48: {  	s4 =	simm.s32 $0xD80;
	[smem:$0x7B2] =	sst s23  }
0x49: {  	s5 =	simm.s32 $0x1900;
	[smem:$0x7B6] =	sst s4  }
0x4a: {  	s12 =	simm.s32 $0x1180;
	[smem:$0x7CD] =	sst s5  }
0x4b: {  	s13 =	simm.s32 $0x1200;
	[smem:$0x7BE] =	sst s12  }
0x4c: {  	s14 =	simm.s32 $0x1280;
	[smem:$0x7BF] =	sst s13  }
0x4d: {  	s15 =	simm.s32 $0x1300;
	[smem:$0x7C0] =	sst s14  }
0x4e: {  	s16 =	simm.s32 $0x1380;
	[smem:$0x7C1] =	sst s15  }
0x4f: {  	s17 =	simm.s32 $0x1400;
	[smem:$0x7C2] =	sst s16  }
0x50: {  	s18 =	simm.s32 $0x1480;
	[smem:$0x7C3] =	sst s17  }
0x51: {  	s19 =	simm.s32 $0x1500;
	[smem:$0x7C4] =	sst s18  }
0x52: {  	s20 =	simm.s32 $0x1580;
	[smem:$0x7C5] =	sst s19  }
0x53: {  	s21 =	simm.s32 $0x1600;
	[smem:$0x7C6] =	sst s20  }
0x54: {  	s23 =	simm.s32 $0x1680;
	[smem:$0x7C7] =	sst s21  }
0x55: {  	s4 =	simm.s32 $0x1880;
	[smem:$0x7C8] =	sst s23  }
0x56: {  	s5 =	simm.s32 $0x2400;
	[smem:$0x7CC] =	sst s4  }
0x57: {  	s12 =	simm.s32 $0x1C80;
	[smem:$0x7E3] =	sst s5  }
0x58: {  	s31 =	simm.s32 $0x4;
	s13 =	simm.s32 $0x1D00;
	[smem:$0x7D4] =	sst s12  }
0x59: {  	s29 =	simm.s32 $0x11400;
	s14 =	simm.s32 $0x1D80;
	[smem:$0x7D5] =	sst s13  }
0x5a: {  	s30 =	simm.s32 $0x12400;
	s15 =	simm.s32 $0x1E00;
	[smem:$0x7D6] =	sst s14  }
0x5b: {  	p0 =	por $0x0, $0x0;
	s16 =	simm.s32 $0x1E80;
	[smem:$0x7D7] =	sst s15  }
0x5c: {  	s1 =	ssub.s32 $0x2, s1;
	s17 =	simm.s32 $0x1F00;
	[smem:$0x7D8] =	sst s16  }
0x5d: {  	s10 =	sshrl.u32 s1, $0x1;
	s18 =	simm.s32 $0x1F80;
	[smem:$0x7D9] =	sst s17  }
0x5e: {  	s3 =	sadd.s32 $0xF42E00, s3;
	s19 =	simm.s32 $0x2000;
	[smem:$0x7DA] =	sst s18  }
0x5f: {  	s1 =	ssub.s32 s1, s10;
	s20 =	simm.s32 $0x2080;
	[smem:$0x7DB] =	sst s19  }
0x60: {  	s6 =	simm.s32 $0x4400;
	s21 =	simm.s32 $0x2100;
	[smem:$0x7DC] =	sst s20  }
0x61: {  	s7 =	simm.s32 $0x5400;
	s23 =	simm.s32 $0x2180;
	[smem:$0x7DD] =	sst s21  }
0x62: {  	s8 =	simm.s32 $0x6400;
	s4 =	simm.s32 $0x2380;
	[smem:$0x7DE] =	sst s23  }
0x63: {  	s9 =	simm.s32 $0x7400;
	[smem:$0x7E2] =	sst s4;
	s12 =	simm.s32 $0x2700  }
0x64: {  	s10 =	simm.s32 $0x8400;
	s13 =	simm.s32 $0x2780;
	[smem:$0x7E9] =	sst s12  }
0x65: {  	s1 =	smax.u32 s1, $0x1;
	s14 =	simm.s32 $0x2800;
	[smem:$0x7EA] =	sst s13  }
0x66: {  	s11 =	simm.s32 $0x9400;
	s15 =	simm.s32 $0x2880;
	[smem:$0x7EB] =	sst s14  }
0x67: {  	p1 =	sne.s32 s1, $0x1;
	s16 =	simm.s32 $0x2900;
	[smem:$0x7EC] =	sst s15  }
0x68: {  	s1 =	sadd.s32 $0xFFFFFFFF, s1;
	s17 =	simm.s32 $0x2980;
	[smem:$0x7ED] =	sst s16  }
0x69: {  	s24 =	simm.s32 $0x3200;
	s18 =	simm.s32 $0x2A00;
	[smem:$0x7EE] =	sst s17  }
0x6a: {  	s25 =	simm.s32 $0x3280;
	s19 =	simm.s32 $0x2A80;
	[smem:$0x7EF] =	sst s18  }
0x6b: {  	s26 =	simm.s32 $0x3300;
	s20 =	simm.s32 $0x2B00;
	[smem:$0x7F0] =	sst s19  }
0x6c: {  	s5 =	simm.s32 $0x80;
	s21 =	simm.s32 $0x2B80;
	[smem:$0x7F1] =	sst s20  }
0x6d: {  	s4 =	simm.s32 $0x3400;
	s23 =	simm.s32 $0x2C00;
	[smem:$0x7F2] =	sst s21  }
0x6e: {  	s13 =	simm.s32 $0xA400;
	[smem:$0x7F3] =	sst s23;
	s12 =	simm.s32 $0xB400  }
0x6f: {  	s17 =	simm.s32 $0xC400;
	s18 =	simm.s32 $0xD400;
	s14 =	simm.s32 $0x2E00  }
.Ltmp0:
0x70: {  	s15 =	simm.s32 $0x2E80;
	[smem:$0x7F7] =	sst s14;
	(pc) =	sbr.rel @!p1 .LBB2_1-.Ltmp0, $4  }
0x71: {  	s19 =	simm.s32 $0xE400;
	s16 =	simm.s32 $0x2F00;
	[smem:$0x7F8] =	sst s15  }
0x72: {  	s20 =	simm.s32 $0xF400;
	s23 =	simm.s32 $0x2F80;
	[smem:$0x7F9] =	sst s16  }
0x73: {  	s21 =	simm.s32 $0x10400;
	[smem:$0x7FA] =	sst s23;
	s15 =	simm.s32 $0x1  }
0x74: {  	s14 =	simm.s32 $0x3;
	s16 =	simm.s32 $0x2;
	s23 =	simm.s32 $0x3380  }
0x75: {  	[tilespmem:s2], [sflag:$0x4] =	stream.linear.gather [hbm4b:s0+s2], $0x3400, $0x38;
	[tilespmem:$0x13400] =	vst v63  }
0x76: {  	_ =	swait.ge [sflag:s31], $0x3400  }
0x77: {  	[sflag:s31] =	ssyncset.done $0x0  }
0x78: {  	[sflag:s31] =	ssyncadd.s32 $0xFFFFCC00  }
0x79: {  	[tilespmem:s4], [sflag:$0x1] =	stream.indirect.gather [hbm4b:s3+s5], $0x20, s2, s5, $0xb8;
	[tilespmem:$0x13400] =	vst v63  }
0x7a: {  	_ = 	snop  }
0x7b: {  	[tilespmem:s6], [sflag:$0x1] =	stream.indirect.gather [hbm4b:s3+s5], $0x20, s5, s5, $0xb8;
	[tilespmem:$0x13400] =	vst v63  }
0x7c: {  	s0 =	rddreg [dreg:$0x10]  }
0x7d: {  	[tilespmem:s7], [sflag:$0x1] =	stream.indirect.gather [hbm4b:s3+s5], $0x20, s0, s5, $0xb8;
	[tilespmem:$0x13400] =	vst v63  }
0x7e: {  	s22 =	smov.u32 s1;
	s1 =	rddreg [dreg:$0x11]  }
0x7f: {  	[tilespmem:s8], [sflag:$0x1] =	stream.indirect.gather [hbm4b:s3+s5], $0x20, s1, s5, $0xb8;
	[tilespmem:$0x13400] =	vst v63  }
0x80: {  	s0 =	rddreg [dreg:$0x12]  }
0x81: {  	[tilespmem:s9], [sflag:$0x1] =	stream.indirect.gather [hbm4b:s3+s5], $0x20, s0, s5, $0xb8;
	[tilespmem:$0x13400] =	vst v63  }
0x82: {  	s1 =	rddreg [dreg:$0x13]  }
0x83: {  	[tilespmem:s10], [sflag:$0x1] =	stream.indirect.gather [hbm4b:s3+s5], $0x20, s1, s5, $0xb8;
	[tilespmem:$0x13400] =	vst v63  }
0x84: {  	s0 =	rddreg [dreg:$0x14]  }
0x85: {  	[tilespmem:s11], [sflag:$0x1] =	stream.indirect.gather [hbm4b:s3+s5], $0x20, s0, s5, $0xb8;
	[tilespmem:$0x13400] =	vst v63  }
0x86: {  	s1 =	rddreg [dreg:$0x15]  }
0x87: {  	[tilespmem:s13], [sflag:$0x1] =	stream.indirect.gather [hbm4b:s3+s5], $0x20, s1, s5, $0xb8;
	[tilespmem:$0x13400] =	vst v63  }
0x88: {  	s0 =	rddreg [dreg:$0x16]  }
0x89: {  	[tilespmem:s12], [sflag:$0x2] =	stream.indirect.gather [hbm4b:s3+s5], $0x20, s0, s5, $0xb8;
	[tilespmem:$0x13400] =	vst v63  }
0x8a: {  	s1 =	rddreg [dreg:$0x17]  }
0x8b: {  	[tilespmem:s17], [sflag:$0x2] =	stream.indirect.gather [hbm4b:s3+s5], $0x20, s1, s5, $0xb8;
	[tilespmem:$0x13400] =	vst v63  }
0x8c: {  	s0 =	rddreg [dreg:$0x18]  }
0x8d: {  	[tilespmem:s18], [sflag:$0x2] =	stream.indirect.gather [hbm4b:s3+s5], $0x20, s0, s5, $0xb8;
	[tilespmem:$0x13400] =	vst v63  }
0x8e: {  	s1 =	rddreg [dreg:$0x19]  }
0x8f: {  	[tilespmem:s19], [sflag:$0x2] =	stream.indirect.gather [hbm4b:s3+s5], $0x20, s1, s5, $0xb8;
	[tilespmem:$0x13400] =	vst v63  }
0x90: {  	s0 =	rddreg [dreg:$0x1a]  }
0x91: {  	[tilespmem:s20], [sflag:$0x2] =	stream.indirect.gather [hbm4b:s3+s5], $0x20, s0, s5, $0xb8;
	[tilespmem:$0x13400] =	vst v63  }
0x92: {  	s1 =	rddreg [dreg:$0x1b]  }
0x93: {  	[tilespmem:s21], [sflag:$0x2] =	stream.indirect.gather [hbm4b:s3+s5], $0x20, s1, s5, $0xb8;
	[tilespmem:$0x13400] =	vst v63  }
0x94: {  	s0 =	rddreg [dreg:$0x1c]  }
0x95: {  	[tilespmem:s29], [sflag:$0x2] =	stream.indirect.gather [hbm4b:s3+s5], $0x20, s0, s5, $0xb8;
	[tilespmem:$0x13400] =	vst v63  }
0x96: {  	s1 =	rddreg [dreg:$0x1d]  }
0x97: {  	[tilespmem:s30], [sflag:$0x2] =	stream.indirect.gather [hbm4b:s3+s5], $0x20, s1, s5, $0xb8;
	[tilespmem:$0x13400] =	vst v63  }
0x98: {  	_ =	swait.ge [sflag:s15], $0x8000  }
0x99: {  	[sflag:s15] =	ssyncset.done $0x0  }
0x9a: {  	[sflag:s15] =	ssyncadd.s32 $0xFFFF8000  }
0x9b: {  	[hbm4b:s28+s2] =	stream.linear.scatter [tilespmem:s4], [sflag:$0x3], $0x8000, $0x38;
	[tilespmem:$0x13400] =	vst v63  }
0x9c: {  	_ =	swait.ge [sflag:s14], $0x8000  }
0x9d: {  	s0 =	rddreg [dreg:$0x1e];
	[sflag:s14] =	ssyncset.done $0x0  }
0x9e: {  	s1 =	rddreg [dreg:$0x1f];
	[sflag:s14] =	ssyncadd.s32 $0xFFFF8000  }
0x9f: {  	[tilespmem:s4], [sflag:$0x1] =	stream.indirect.gather [hbm4b:s3+s5], $0x20, s0, s5, $0xb8;
	[tilespmem:$0x13400] =	vst v63  }
0xa0: {  	s0 =	sld [smem:$0x7AD]  }
0xa1: {  	[tilespmem:s6], [sflag:$0x1] =	stream.indirect.gather [hbm4b:s3+s5], $0x20, s1, s5, $0xb8;
	[tilespmem:$0x13400] =	vst v63  }
0xa2: {  	s1 =	sld [smem:$0x7AE]  }
0xa3: {  	[tilespmem:s7], [sflag:$0x1] =	stream.indirect.gather [hbm4b:s3+s5], $0x20, s0, s5, $0xb8;
	[tilespmem:$0x13400] =	vst v63  }
0xa4: {  	s0 =	sld [smem:$0x7AF]  }
0xa5: {  	[tilespmem:s8], [sflag:$0x1] =	stream.indirect.gather [hbm4b:s3+s5], $0x20, s1, s5, $0xb8;
	[tilespmem:$0x13400] =	vst v63  }
0xa6: {  	s1 =	sld [smem:$0x7B0]  }
0xa7: {  	[tilespmem:s9], [sflag:$0x1] =	stream.indirect.gather [hbm4b:s3+s5], $0x20, s0, s5, $0xb8;
	[tilespmem:$0x13400] =	vst v63  }
0xa8: {  	s0 =	sld [smem:$0x7B1]  }
0xa9: {  	[tilespmem:s10], [sflag:$0x1] =	stream.indirect.gather [hbm4b:s3+s5], $0x20, s1, s5, $0xb8;
	[tilespmem:$0x13400] =	vst v63  }
0xaa: {  	s1 =	sld [smem:$0x7B2]  }
0xab: {  	[tilespmem:s11], [sflag:$0x1] =	stream.indirect.gather [hbm4b:s3+s5], $0x20, s0, s5, $0xb8;
	[tilespmem:$0x13400] =	vst v63  }
0xac: {  	_ = 	snop  }
0xad: {  	[tilespmem:s13], [sflag:$0x1] =	stream.indirect.gather [hbm4b:s3+s5], $0x20, s1, s5, $0xb8;
	[tilespmem:$0x13400] =	vst v63  }
0xae: {  	_ =	swait.ge [sflag:s16], $0x8000  }
0xaf: {  	[sflag:s16] =	ssyncset.done $0x0  }
0xb0: {  	s1 =	rddreg [dreg:$0x4];
	[sflag:s16] =	ssyncadd.s32 $0xFFFF8000  }
0xb1: {  	[hbm4b:s1+s2] =	stream.linear.scatter [tilespmem:s12], [sflag:$0x3], $0x8000, $0x38;
	[tilespmem:$0x13400] =	vst v63  }
0xb2: {  	_ =	swait.ge [sflag:s14], $0x8000  }
0xb3: {  	s0 =	sld [smem:$0x7B3]  }
0xb4: {  	[sflag:s14] =	ssyncset.done $0x0  }
0xb5: {  	s1 =	sld [smem:$0x7B4];
	[sflag:s14] =	ssyncadd.s32 $0xFFFF8000  }
0xb6: {  	[tilespmem:s12], [sflag:$0x2] =	stream.indirect.gather [hbm4b:s3+s5], $0x20, s0, s5, $0xb8;
	[tilespmem:$0x13400] =	vst v63  }
0xb7: {  	s0 =	sld [smem:$0x7B5]  }
0xb8: {  	[tilespmem:s17], [sflag:$0x2] =	stream.indirect.gather [hbm4b:s3+s5], $0x20, s1, s5, $0xb8;
	[tilespmem:$0x13400] =	vst v63  }
0xb9: {  	s1 =	sld [smem:$0x7B6]  }
0xba: {  	[tilespmem:s18], [sflag:$0x2] =	stream.indirect.gather [hbm4b:s3+s5], $0x20, s0, s5, $0xb8;
	[tilespmem:$0x13400] =	vst v63  }
0xbb: {  	s0 =	sld [smem:$0x7B7]  }
0xbc: {  	[tilespmem:s19], [sflag:$0x2] =	stream.indirect.gather [hbm4b:s3+s5], $0x20, s1, s5, $0xb8;
	[tilespmem:$0x13400] =	vst v63  }
0xbd: {  	s1 =	sld [smem:$0x7B8]  }
0xbe: {  	[tilespmem:s20], [sflag:$0x2] =	stream.indirect.gather [hbm4b:s3+s5], $0x20, s0, s5, $0xb8;
	[tilespmem:$0x13400] =	vst v63  }
0xbf: {  	s0 =	sld [smem:$0x7B9]  }
0xc0: {  	[tilespmem:s21], [sflag:$0x2] =	stream.indirect.gather [hbm4b:s3+s5], $0x20, s1, s5, $0xb8;
	[tilespmem:$0x13400] =	vst v63  }
0xc1: {  	s1 =	sld [smem:$0x7BA]  }
0xc2: {  	[tilespmem:s29], [sflag:$0x2] =	stream.indirect.gather [hbm4b:s3+s5], $0x20, s0, s5, $0xb8;
	[tilespmem:$0x13400] =	vst v63  }
0xc3: {  	_ = 	snop  }
0xc4: {  	[tilespmem:s30], [sflag:$0x2] =	stream.indirect.gather [hbm4b:s3+s5], $0x20, s1, s5, $0xb8;
	[tilespmem:$0x13400] =	vst v63  }
0xc5: {  	_ =	swait.ge [sflag:s15], $0x8000  }
0xc6: {  	[sflag:s15] =	ssyncset.done $0x0  }
0xc7: {  	s1 =	rddreg [dreg:$0x5];
	[sflag:s15] =	ssyncadd.s32 $0xFFFF8000  }
0xc8: {  	[hbm4b:s1+s2] =	stream.linear.scatter [tilespmem:s4], [sflag:$0x3], $0x8000, $0x38;
	[tilespmem:$0x13400] =	vst v63  }
0xc9: {  	_ =	swait.ge [sflag:s14], $0x8000  }
0xca: {  	s0 =	sld [smem:$0x7BB]  }
0xcb: {  	[sflag:s14] =	ssyncset.done $0x0  }
0xcc: {  	s1 =	sld [smem:$0x7BC];
	[sflag:s14] =	ssyncadd.s32 $0xFFFF8000  }
0xcd: {  	[tilespmem:s4], [sflag:$0x1] =	stream.indirect.gather [hbm4b:s3+s5], $0x20, s0, s5, $0xb8;
	[tilespmem:$0x13400] =	vst v63  }
0xce: {  	s0 =	sld [smem:$0x7BD]  }
0xcf: {  	[tilespmem:s6], [sflag:$0x1] =	stream.indirect.gather [hbm4b:s3+s5], $0x20, s1, s5, $0xb8;
	[tilespmem:$0x13400] =	vst v63  }
0xd0: {  	s1 =	sld [smem:$0x7BE]  }
0xd1: {  	[tilespmem:s7], [sflag:$0x1] =	stream.indirect.gather [hbm4b:s3+s5], $0x20, s0, s5, $0xb8;
	[tilespmem:$0x13400] =	vst v63  }
0xd2: {  	s0 =	sld [smem:$0x7BF]  }
0xd3: {  	[tilespmem:s8], [sflag:$0x1] =	stream.indirect.gather [hbm4b:s3+s5], $0x20, s1, s5, $0xb8;
	[tilespmem:$0x13400] =	vst v63  }
0xd4: {  	s1 =	sld [smem:$0x7C0]  }
0xd5: {  	[tilespmem:s9], [sflag:$0x1] =	stream.indirect.gather [hbm4b:s3+s5], $0x20, s0, s5, $0xb8;
	[tilespmem:$0x13400] =	vst v63  }
0xd6: {  	s0 =	sld [smem:$0x7C1]  }
0xd7: {  	[tilespmem:s10], [sflag:$0x1] =	stream.indirect.gather [hbm4b:s3+s5], $0x20, s1, s5, $0xb8;
	[tilespmem:$0x13400] =	vst v63  }
0xd8: {  	s1 =	sld [smem:$0x7C2]  }
0xd9: {  	[tilespmem:s11], [sflag:$0x1] =	stream.indirect.gather [hbm4b:s3+s5], $0x20, s0, s5, $0xb8;
	[tilespmem:$0x13400] =	vst v63  }
0xda: {  	_ = 	snop  }
0xdb: {  	[tilespmem:s13], [sflag:$0x1] =	stream.indirect.gather [hbm4b:s3+s5], $0x20, s1, s5, $0xb8;
	[tilespmem:$0x13400] =	vst v63  }
0xdc: {  	_ =	swait.ge [sflag:s16], $0x8000  }
0xdd: {  	[sflag:s16] =	ssyncset.done $0x0  }
0xde: {  	s1 =	rddreg [dreg:$0x6];
	[sflag:s16] =	ssyncadd.s32 $0xFFFF8000  }
0xdf: {  	[hbm4b:s1+s2] =	stream.linear.scatter [tilespmem:s12], [sflag:$0x3], $0x8000, $0x38;
	[tilespmem:$0x13400] =	vst v63  }
0xe0: {  	_ =	swait.ge [sflag:s14], $0x8000  }
0xe1: {  	s0 =	sld [smem:$0x7C3]  }
0xe2: {  	[sflag:s14] =	ssyncset.done $0x0  }
0xe3: {  	s1 =	sld [smem:$0x7C4];
	[sflag:s14] =	ssyncadd.s32 $0xFFFF8000  }
0xe4: {  	[tilespmem:s12], [sflag:$0x2] =	stream.indirect.gather [hbm4b:s3+s5], $0x20, s0, s5, $0xb8;
	[tilespmem:$0x13400] =	vst v63  }
0xe5: {  	s0 =	sld [smem:$0x7C5]  }
0xe6: {  	[tilespmem:s17], [sflag:$0x2] =	stream.indirect.gather [hbm4b:s3+s5], $0x20, s1, s5, $0xb8;
	[tilespmem:$0x13400] =	vst v63  }
0xe7: {  	s1 =	sld [smem:$0x7C6]  }
0xe8: {  	[tilespmem:s18], [sflag:$0x2] =	stream.indirect.gather [hbm4b:s3+s5], $0x20, s0, s5, $0xb8;
	[tilespmem:$0x13400] =	vst v63  }
0xe9: {  	s0 =	sld [smem:$0x7C7]  }
0xea: {  	[tilespmem:s19], [sflag:$0x2] =	stream.indirect.gather [hbm4b:s3+s5], $0x20, s1, s5, $0xb8;
	[tilespmem:$0x13400] =	vst v63  }
0xeb: {  	s1 =	sld [smem:$0x7C8]  }
0xec: {  	[tilespmem:s20], [sflag:$0x2] =	stream.indirect.gather [hbm4b:s3+s5], $0x20, s0, s5, $0xb8;
	[tilespmem:$0x13400] =	vst v63  }
0xed: {  	s0 =	sld [smem:$0x7C9]  }
0xee: {  	[tilespmem:s21], [sflag:$0x2] =	stream.indirect.gather [hbm4b:s3+s5], $0x20, s1, s5, $0xb8;
	[tilespmem:$0x13400] =	vst v63  }
0xef: {  	s1 =	sld [smem:$0x7CA]  }
0xf0: {  	[tilespmem:s29], [sflag:$0x2] =	stream.indirect.gather [hbm4b:s3+s5], $0x20, s0, s5, $0xb8;
	[tilespmem:$0x13400] =	vst v63  }
0xf1: {  	_ = 	snop  }
0xf2: {  	[tilespmem:s30], [sflag:$0x2] =	stream.indirect.gather [hbm4b:s3+s5], $0x20, s1, s5, $0xb8;
	[tilespmem:$0x13400] =	vst v63  }
0xf3: {  	_ =	swait.ge [sflag:s15], $0x8000  }
0xf4: {  	[sflag:s15] =	ssyncset.done $0x0  }
0xf5: {  	s1 =	rddreg [dreg:$0x7];
	[sflag:s15] =	ssyncadd.s32 $0xFFFF8000  }
0xf6: {  	[hbm4b:s1+s2] =	stream.linear.scatter [tilespmem:s4], [sflag:$0x3], $0x8000, $0x38;
	[tilespmem:$0x13400] =	vst v63  }
0xf7: {  	_ =	swait.ge [sflag:s14], $0x8000  }
0xf8: {  	s0 =	sld [smem:$0x7CB]  }
0xf9: {  	[sflag:s14] =	ssyncset.done $0x0  }
0xfa: {  	s1 =	sld [smem:$0x7CC];
	[sflag:s14] =	ssyncadd.s32 $0xFFFF8000  }
0xfb: {  	[tilespmem:s4], [sflag:$0x1] =	stream.indirect.gather [hbm4b:s3+s5], $0x20, s0, s5, $0xb8;
	[tilespmem:$0x13400] =	vst v63  }
0xfc: {  	s0 =	sld [smem:$0x7CD]  }
0xfd: {  	[tilespmem:s6], [sflag:$0x1] =	stream.indirect.gather [hbm4b:s3+s5], $0x20, s1, s5, $0xb8;
	[tilespmem:$0x13400] =	vst v63  }
0xfe: {  	s1 =	sld [smem:$0x7CE]  }
0xff: {  	[tilespmem:s7], [sflag:$0x1] =	stream.indirect.gather [hbm4b:s3+s5], $0x20, s0, s5, $0xb8;
	[tilespmem:$0x13400] =	vst v63  }
0x100: {  	s0 =	sld [smem:$0x7CF]  }
0x101: {  	[tilespmem:s8], [sflag:$0x1] =	stream.indirect.gather [hbm4b:s3+s5], $0x20, s1, s5, $0xb8;
	[tilespmem:$0x13400] =	vst v63  }
0x102: {  	s1 =	sld [smem:$0x7D0]  }
0x103: {  	[tilespmem:s9], [sflag:$0x1] =	stream.indirect.gather [hbm4b:s3+s5], $0x20, s0, s5, $0xb8;
	[tilespmem:$0x13400] =	vst v63  }
0x104: {  	s0 =	sld [smem:$0x7D1]  }
0x105: {  	[tilespmem:s10], [sflag:$0x1] =	stream.indirect.gather [hbm4b:s3+s5], $0x20, s1, s5, $0xb8;
	[tilespmem:$0x13400] =	vst v63  }
0x106: {  	s1 =	sld [smem:$0x7D2]  }
0x107: {  	[tilespmem:s11], [sflag:$0x1] =	stream.indirect.gather [hbm4b:s3+s5], $0x20, s0, s5, $0xb8;
	[tilespmem:$0x13400] =	vst v63  }
0x108: {  	_ = 	snop  }
0x109: {  	[tilespmem:s13], [sflag:$0x1] =	stream.indirect.gather [hbm4b:s3+s5], $0x20, s1, s5, $0xb8;
	[tilespmem:$0x13400] =	vst v63  }
0x10a: {  	_ =	swait.ge [sflag:s16], $0x8000  }
0x10b: {  	[sflag:s16] =	ssyncset.done $0x0  }
0x10c: {  	s1 =	rddreg [dreg:$0x8];
	[sflag:s16] =	ssyncadd.s32 $0xFFFF8000  }
0x10d: {  	[hbm4b:s1+s2] =	stream.linear.scatter [tilespmem:s12], [sflag:$0x3], $0x8000, $0x38;
	[tilespmem:$0x13400] =	vst v63  }
0x10e: {  	_ =	swait.ge [sflag:s14], $0x8000  }
0x10f: {  	s0 =	sld [smem:$0x7D3]  }
0x110: {  	[sflag:s14] =	ssyncset.done $0x0  }
0x111: {  	s1 =	sld [smem:$0x7D4];
	[sflag:s14] =	ssyncadd.s32 $0xFFFF8000  }
0x112: {  	[tilespmem:s12], [sflag:$0x2] =	stream.indirect.gather [hbm4b:s3+s5], $0x20, s0, s5, $0xb8;
	[tilespmem:$0x13400] =	vst v63  }
0x113: {  	s0 =	sld [smem:$0x7D5]  }
0x114: {  	[tilespmem:s17], [sflag:$0x2] =	stream.indirect.gather [hbm4b:s3+s5], $0x20, s1, s5, $0xb8;
	[tilespmem:$0x13400] =	vst v63  }
0x115: {  	s1 =	sld [smem:$0x7D6]  }
0x116: {  	[tilespmem:s18], [sflag:$0x2] =	stream.indirect.gather [hbm4b:s3+s5], $0x20, s0, s5, $0xb8;
	[tilespmem:$0x13400] =	vst v63  }
0x117: {  	s0 =	sld [smem:$0x7D7]  }
0x118: {  	[tilespmem:s19], [sflag:$0x2] =	stream.indirect.gather [hbm4b:s3+s5], $0x20, s1, s5, $0xb8;
	[tilespmem:$0x13400] =	vst v63  }
0x119: {  	s1 =	sld [smem:$0x7D8]  }
0x11a: {  	[tilespmem:s20], [sflag:$0x2] =	stream.indirect.gather [hbm4b:s3+s5], $0x20, s0, s5, $0xb8;
	[tilespmem:$0x13400] =	vst v63  }
0x11b: {  	s0 =	sld [smem:$0x7D9]  }
0x11c: {  	[tilespmem:s21], [sflag:$0x2] =	stream.indirect.gather [hbm4b:s3+s5], $0x20, s1, s5, $0xb8;
	[tilespmem:$0x13400] =	vst v63  }
0x11d: {  	s1 =	sld [smem:$0x7DA]  }
0x11e: {  	[tilespmem:s29], [sflag:$0x2] =	stream.indirect.gather [hbm4b:s3+s5], $0x20, s0, s5, $0xb8;
	[tilespmem:$0x13400] =	vst v63  }
0x11f: {  	_ = 	snop  }
0x120: {  	[tilespmem:s30], [sflag:$0x2] =	stream.indirect.gather [hbm4b:s3+s5], $0x20, s1, s5, $0xb8;
	[tilespmem:$0x13400] =	vst v63  }
0x121: {  	_ =	swait.ge [sflag:s15], $0x8000  }
0x122: {  	[sflag:s15] =	ssyncset.done $0x0  }
0x123: {  	s1 =	rddreg [dreg:$0x9];
	[sflag:s15] =	ssyncadd.s32 $0xFFFF8000  }
0x124: {  	[hbm4b:s1+s2] =	stream.linear.scatter [tilespmem:s4], [sflag:$0x3], $0x8000, $0x38;
	[tilespmem:$0x13400] =	vst v63  }
0x125: {  	_ =	swait.ge [sflag:s14], $0x8000  }
0x126: {  	s0 =	sld [smem:$0x7DB]  }
0x127: {  	[sflag:s14] =	ssyncset.done $0x0  }
0x128: {  	s1 =	sld [smem:$0x7DC];
	[sflag:s14] =	ssyncadd.s32 $0xFFFF8000  }
0x129: {  	[tilespmem:s4], [sflag:$0x1] =	stream.indirect.gather [hbm4b:s3+s5], $0x20, s0, s5, $0xb8;
	[tilespmem:$0x13400] =	vst v63  }
0x12a: {  	s0 =	sld [smem:$0x7DD]  }
0x12b: {  	[tilespmem:s6], [sflag:$0x1] =	stream.indirect.gather [hbm4b:s3+s5], $0x20, s1, s5, $0xb8;
	[tilespmem:$0x13400] =	vst v63  }
0x12c: {  	s1 =	sld [smem:$0x7DE]  }
0x12d: {  	[tilespmem:s7], [sflag:$0x1] =	stream.indirect.gather [hbm4b:s3+s5], $0x20, s0, s5, $0xb8;
	[tilespmem:$0x13400] =	vst v63  }
0x12e: {  	s0 =	sld [smem:$0x7DF]  }
0x12f: {  	[tilespmem:s8], [sflag:$0x1] =	stream.indirect.gather [hbm4b:s3+s5], $0x20, s1, s5, $0xb8;
	[tilespmem:$0x13400] =	vst v63  }
0x130: {  	s1 =	sld [smem:$0x7E0]  }
0x131: {  	[tilespmem:s9], [sflag:$0x1] =	stream.indirect.gather [hbm4b:s3+s5], $0x20, s0, s5, $0xb8;
	[tilespmem:$0x13400] =	vst v63  }
0x132: {  	s0 =	sld [smem:$0x7E1]  }
0x133: {  	[tilespmem:s10], [sflag:$0x1] =	stream.indirect.gather [hbm4b:s3+s5], $0x20, s1, s5, $0xb8;
	[tilespmem:$0x13400] =	vst v63  }
0x134: {  	s1 =	sld [smem:$0x7E2]  }
0x135: {  	[tilespmem:s11], [sflag:$0x1] =	stream.indirect.gather [hbm4b:s3+s5], $0x20, s0, s5, $0xb8;
	[tilespmem:$0x13400] =	vst v63  }
0x136: {  	_ = 	snop  }
0x137: {  	[tilespmem:s13], [sflag:$0x1] =	stream.indirect.gather [hbm4b:s3+s5], $0x20, s1, s5, $0xb8;
	[tilespmem:$0x13400] =	vst v63  }
0x138: {  	_ =	swait.ge [sflag:s16], $0x8000  }
0x139: {  	[sflag:s16] =	ssyncset.done $0x0  }
0x13a: {  	s1 =	rddreg [dreg:$0xa];
	[sflag:s16] =	ssyncadd.s32 $0xFFFF8000  }
0x13b: {  	[hbm4b:s1+s2] =	stream.linear.scatter [tilespmem:s12], [sflag:$0x3], $0x8000, $0x38;
	[tilespmem:$0x13400] =	vst v63  }
0x13c: {  	_ =	swait.ge [sflag:s14], $0x8000  }
0x13d: {  	s0 =	sld [smem:$0x7E3]  }
0x13e: {  	[sflag:s14] =	ssyncset.done $0x0  }
0x13f: {  	s1 =	sld [smem:$0x7E4];
	[sflag:s14] =	ssyncadd.s32 $0xFFFF8000  }
0x140: {  	[tilespmem:s12], [sflag:$0x2] =	stream.indirect.gather [hbm4b:s3+s5], $0x20, s0, s5, $0xb8;
	[tilespmem:$0x13400] =	vst v63  }
0x141: {  	s0 =	sld [smem:$0x7E5]  }
0x142: {  	[tilespmem:s17], [sflag:$0x2] =	stream.indirect.gather [hbm4b:s3+s5], $0x20, s1, s5, $0xb8;
	[tilespmem:$0x13400] =	vst v63  }
0x143: {  	s1 =	sld [smem:$0x7E6]  }
0x144: {  	[tilespmem:s18], [sflag:$0x2] =	stream.indirect.gather [hbm4b:s3+s5], $0x20, s0, s5, $0xb8;
	[tilespmem:$0x13400] =	vst v63  }
0x145: {  	s0 =	sld [smem:$0x7E7]  }
0x146: {  	[tilespmem:s19], [sflag:$0x2] =	stream.indirect.gather [hbm4b:s3+s5], $0x20, s1, s5, $0xb8;
	[tilespmem:$0x13400] =	vst v63  }
0x147: {  	s1 =	sld [smem:$0x7E8]  }
0x148: {  	[tilespmem:s20], [sflag:$0x2] =	stream.indirect.gather [hbm4b:s3+s5], $0x20, s0, s5, $0xb8;
	[tilespmem:$0x13400] =	vst v63  }
0x149: {  	s0 =	sld [smem:$0x7E9]  }
0x14a: {  	[tilespmem:s21], [sflag:$0x2] =	stream.indirect.gather [hbm4b:s3+s5], $0x20, s1, s5, $0xb8;
	[tilespmem:$0x13400] =	vst v63  }
0x14b: {  	s1 =	sld [smem:$0x7EA]  }
0x14c: {  	[tilespmem:s29], [sflag:$0x2] =	stream.indirect.gather [hbm4b:s3+s5], $0x20, s0, s5, $0xb8;
	[tilespmem:$0x13400] =	vst v63  }
0x14d: {  	_ = 	snop  }
0x14e: {  	[tilespmem:s30], [sflag:$0x2] =	stream.indirect.gather [hbm4b:s3+s5], $0x20, s1, s5, $0xb8;
	[tilespmem:$0x13400] =	vst v63  }
0x14f: {  	_ =	swait.ge [sflag:s15], $0x8000  }
0x150: {  	[sflag:s15] =	ssyncset.done $0x0  }
0x151: {  	s1 =	rddreg [dreg:$0xb];
	[sflag:s15] =	ssyncadd.s32 $0xFFFF8000  }
0x152: {  	[hbm4b:s1+s2] =	stream.linear.scatter [tilespmem:s4], [sflag:$0x3], $0x8000, $0x38;
	[tilespmem:$0x13400] =	vst v63  }
0x153: {  	_ =	swait.ge [sflag:s14], $0x8000  }
0x154: {  	s0 =	sld [smem:$0x7EB]  }
0x155: {  	[sflag:s14] =	ssyncset.done $0x0  }
0x156: {  	s1 =	sld [smem:$0x7EC];
	[sflag:s14] =	ssyncadd.s32 $0xFFFF8000  }
0x157: {  	[tilespmem:s4], [sflag:$0x1] =	stream.indirect.gather [hbm4b:s3+s5], $0x20, s0, s5, $0xb8;
	[tilespmem:$0x13400] =	vst v63  }
0x158: {  	s0 =	sld [smem:$0x7ED]  }
0x159: {  	[tilespmem:s6], [sflag:$0x1] =	stream.indirect.gather [hbm4b:s3+s5], $0x20, s1, s5, $0xb8;
	[tilespmem:$0x13400] =	vst v63  }
0x15a: {  	s1 =	sld [smem:$0x7EE]  }
0x15b: {  	[tilespmem:s7], [sflag:$0x1] =	stream.indirect.gather [hbm4b:s3+s5], $0x20, s0, s5, $0xb8;
	[tilespmem:$0x13400] =	vst v63  }
0x15c: {  	s0 =	sld [smem:$0x7EF]  }
0x15d: {  	[tilespmem:s8], [sflag:$0x1] =	stream.indirect.gather [hbm4b:s3+s5], $0x20, s1, s5, $0xb8;
	[tilespmem:$0x13400] =	vst v63  }
0x15e: {  	s1 =	sld [smem:$0x7F0]  }
0x15f: {  	[tilespmem:s9], [sflag:$0x1] =	stream.indirect.gather [hbm4b:s3+s5], $0x20, s0, s5, $0xb8;
	[tilespmem:$0x13400] =	vst v63  }
0x160: {  	s0 =	sld [smem:$0x7F1]  }
0x161: {  	[tilespmem:s10], [sflag:$0x1] =	stream.indirect.gather [hbm4b:s3+s5], $0x20, s1, s5, $0xb8;
	[tilespmem:$0x13400] =	vst v63  }
0x162: {  	s1 =	sld [smem:$0x7F2]  }
0x163: {  	[tilespmem:s11], [sflag:$0x1] =	stream.indirect.gather [hbm4b:s3+s5], $0x20, s0, s5, $0xb8;
	[tilespmem:$0x13400] =	vst v63  }
0x164: {  	_ = 	snop  }
0x165: {  	[tilespmem:s13], [sflag:$0x1] =	stream.indirect.gather [hbm4b:s3+s5], $0x20, s1, s5, $0xb8;
	[tilespmem:$0x13400] =	vst v63  }
0x166: {  	_ =	swait.ge [sflag:s16], $0x8000  }
0x167: {  	[sflag:s16] =	ssyncset.done $0x0  }
0x168: {  	s1 =	rddreg [dreg:$0xc];
	[sflag:s16] =	ssyncadd.s32 $0xFFFF8000  }
0x169: {  	[hbm4b:s1+s2] =	stream.linear.scatter [tilespmem:s12], [sflag:$0x3], $0x8000, $0x38;
	[tilespmem:$0x13400] =	vst v63  }
0x16a: {  	_ =	swait.ge [sflag:s14], $0x8000  }
0x16b: {  	s0 =	sld [smem:$0x7F3]  }
0x16c: {  	[sflag:s14] =	ssyncset.done $0x0  }
0x16d: {  	s1 =	sld [smem:$0x7F4];
	[sflag:s14] =	ssyncadd.s32 $0xFFFF8000  }
0x16e: {  	[tilespmem:s12], [sflag:$0x2] =	stream.indirect.gather [hbm4b:s3+s5], $0x20, s0, s5, $0xb8;
	[tilespmem:$0x13400] =	vst v63  }
0x16f: {  	s0 =	sld [smem:$0x7F5]  }
0x170: {  	[tilespmem:s17], [sflag:$0x2] =	stream.indirect.gather [hbm4b:s3+s5], $0x20, s1, s5, $0xb8;
	[tilespmem:$0x13400] =	vst v63  }
0x171: {  	s1 =	sld [smem:$0x7F6]  }
0x172: {  	[tilespmem:s18], [sflag:$0x2] =	stream.indirect.gather [hbm4b:s3+s5], $0x20, s0, s5, $0xb8;
	[tilespmem:$0x13400] =	vst v63  }
0x173: {  	s0 =	sld [smem:$0x7F7]  }
0x174: {  	[tilespmem:s19], [sflag:$0x2] =	stream.indirect.gather [hbm4b:s3+s5], $0x20, s1, s5, $0xb8;
	[tilespmem:$0x13400] =	vst v63  }
0x175: {  	s1 =	sld [smem:$0x7F8]  }
0x176: {  	[tilespmem:s20], [sflag:$0x2] =	stream.indirect.gather [hbm4b:s3+s5], $0x20, s0, s5, $0xb8;
	[tilespmem:$0x13400] =	vst v63  }
0x177: {  	s0 =	sld [smem:$0x7F9]  }
0x178: {  	[tilespmem:s21], [sflag:$0x2] =	stream.indirect.gather [hbm4b:s3+s5], $0x20, s1, s5, $0xb8;
	[tilespmem:$0x13400] =	vst v63  }
0x179: {  	s1 =	sld [smem:$0x7FA]  }
0x17a: {  	[tilespmem:s29], [sflag:$0x2] =	stream.indirect.gather [hbm4b:s3+s5], $0x20, s0, s5, $0xb8;
	[tilespmem:$0x13400] =	vst v63  }
0x17b: {  	_ = 	snop  }
0x17c: {  	[tilespmem:s30], [sflag:$0x2] =	stream.indirect.gather [hbm4b:s3+s5], $0x20, s1, s5, $0xb8;
	[tilespmem:$0x13400] =	vst v63  }
0x17d: {  	_ =	swait.ge [sflag:s15], $0x8000  }
0x17e: {  	[sflag:s15] =	ssyncset.done $0x0  }
0x17f: {  	s1 =	rddreg [dreg:$0xd];
	[sflag:s15] =	ssyncadd.s32 $0xFFFF8000  }
0x180: {  	[hbm4b:s1+s2] =	stream.linear.scatter [tilespmem:s4], [sflag:$0x3], $0x8000, $0x38;
	[tilespmem:$0x13400] =	vst v63  }
0x181: {  	_ =	swait.ge [sflag:s14], $0x8000  }
0x182: {  	s0 =	sld [smem:$0x7FB]  }
0x183: {  	[sflag:s14] =	ssyncset.done $0x0  }
0x184: {  	s1 =	sld [smem:$0x7FC];
	[sflag:s14] =	ssyncadd.s32 $0xFFFF8000  }
0x185: {  	[tilespmem:s4], [sflag:$0x1] =	stream.indirect.gather [hbm4b:s3+s5], $0x20, s0, s5, $0xb8;
	[tilespmem:$0x13400] =	vst v63  }
0x186: {  	s0 =	sld [smem:$0x7FD]  }
0x187: {  	[tilespmem:s6], [sflag:$0x1] =	stream.indirect.gather [hbm4b:s3+s5], $0x20, s1, s5, $0xb8;
	[tilespmem:$0x13400] =	vst v63  }
0x188: {  	_ = 	snop  }
0x189: {  	[tilespmem:s7], [sflag:$0x1] =	stream.indirect.gather [hbm4b:s3+s5], $0x20, s0, s5, $0xb8;
	[tilespmem:$0x13400] =	vst v63  }
0x18a: {  	s1 =	simm.s32 $0x3180  }
0x18b: {  	[tilespmem:s8], [sflag:$0x1] =	stream.indirect.gather [hbm4b:s3+s5], $0x20, s1, s5, $0xb8;
	[tilespmem:$0x13400] =	vst v63  }
0x18c: {  	_ = 	snop  }
0x18d: {  	[tilespmem:s9], [sflag:$0x1] =	stream.indirect.gather [hbm4b:s3+s5], $0x20, s24, s5, $0xb8;
	[tilespmem:$0x13400] =	vst v63  }
0x18e: {  	_ = 	snop  }
0x18f: {  	[tilespmem:s10], [sflag:$0x1] =	stream.indirect.gather [hbm4b:s3+s5], $0x20, s25, s5, $0xb8;
	[tilespmem:$0x13400] =	vst v63  }
0x190: {  	_ = 	snop  }
0x191: {  	[tilespmem:s11], [sflag:$0x1] =	stream.indirect.gather [hbm4b:s3+s5], $0x20, s26, s5, $0xb8;
	[tilespmem:$0x13400] =	vst v63  }
0x192: {  	_ = 	snop  }
0x193: {  	[tilespmem:s13], [sflag:$0x1] =	stream.indirect.gather [hbm4b:s3+s5], $0x20, s23, s5, $0xb8;
	[tilespmem:$0x13400] =	vst v63  }
0x194: {  	_ =	swait.ge [sflag:s16], $0x8000  }
0x195: {  	[sflag:s16] =	ssyncset.done $0x0  }
0x196: {  	s1 =	rddreg [dreg:$0xe];
	[sflag:s16] =	ssyncadd.s32 $0xFFFF8000  }
0x197: {  	[hbm4b:s1+s2] =	stream.linear.scatter [tilespmem:s12], [sflag:$0x3], $0x8000, $0x38;
	[tilespmem:$0x13400] =	vst v63  }
0x198: {  	_ =	swait.ge [sflag:s15], $0x8000  }
0x199: {  	[sflag:s15] =	ssyncset.done $0x0  }
0x19a: {  	p1 =	sne.s32 s22, $0x1;
	s1 =	rddreg [dreg:$0xf];
	[sflag:s15] =	ssyncadd.s32 $0xFFFF8000  }
0x19b: {  	[hbm4b:s1+s2] =	stream.linear.scatter [tilespmem:s4], [sflag:$0x3], $0x8000, $0x38;
	[tilespmem:$0x13400] =	vst v63  }
.Ltmp1:
0x19c: {  	_ =	swait.ge [sflag:s14], $0x8000;
	(pc) =	sbr.rel @!p1 .LBB2_3-.Ltmp1, $4  }
0x19d: {  	[sflag:s14] =	ssyncset.done $0x0  }
0x19e: {  	[sflag:s14] =	ssyncadd.s32 $0xFFFF8000  }
0x19f: {  	p0 =	por $0x1, $0x1;
	_ =	swait.ge [sflag:s14], $0x8000  }
0x1a0: {  	s1 =	sadd.s32 $0xFFFFFFFF, s22;
	s0 =	rddreg [dreg:$0x3];
	[sflag:s14] =	ssyncset.done $0x0  }
.LBB2_4:
0x1a1: {  	[sflag:s14] =	ssyncadd.s32 $0xFFFF8000  }
0x1a2: {  	[tilespmem:s2], [sflag:$0x4] =	stream.linear.gather [hbm4b:s0+s2], $0x3400, $0x38;
	[tilespmem:$0x13400] =	vst v63  }
0x1a3: {  	_ =	swait.ge [sflag:s31], $0x3400  }
0x1a4: {  	[sflag:s31] =	ssyncset.done $0x0  }
0x1a5: {  	[sflag:s31] =	ssyncadd.s32 $0xFFFFCC00  }
0x1a6: {  	[tilespmem:s4], [sflag:$0x1] =	stream.indirect.gather [hbm4b:s3+s5], $0x20, s2, s5, $0xb8;
	[tilespmem:$0x13400] =	vst v63  }
0x1a7: {  	_ = 	snop  }
0x1a8: {  	[tilespmem:s6], [sflag:$0x1] =	stream.indirect.gather [hbm4b:s3+s5], $0x20, s5, s5, $0xb8;
	[tilespmem:$0x13400] =	vst v63  }
0x1a9: {  	s0 =	rddreg [dreg:$0x10]  }
0x1aa: {  	[tilespmem:s7], [sflag:$0x1] =	stream.indirect.gather [hbm4b:s3+s5], $0x20, s0, s5, $0xb8;
	[tilespmem:$0x13400] =	vst v63  }
0x1ab: {  	s22 =	rddreg [dreg:$0x11]  }
0x1ac: {  	[tilespmem:s8], [sflag:$0x1] =	stream.indirect.gather [hbm4b:s3+s5], $0x20, s22, s5, $0xb8;
	[tilespmem:$0x13400] =	vst v63  }
0x1ad: {  	s0 =	rddreg [dreg:$0x12]  }
0x1ae: {  	[tilespmem:s9], [sflag:$0x1] =	stream.indirect.gather [hbm4b:s3+s5], $0x20, s0, s5, $0xb8;
	[tilespmem:$0x13400] =	vst v63  }
0x1af: {  	s22 =	rddreg [dreg:$0x13]  }
0x1b0: {  	[tilespmem:s10], [sflag:$0x1] =	stream.indirect.gather [hbm4b:s3+s5], $0x20, s22, s5, $0xb8;
	[tilespmem:$0x13400] =	vst v63  }
0x1b1: {  	s0 =	rddreg [dreg:$0x14]  }
0x1b2: {  	[tilespmem:s11], [sflag:$0x1] =	stream.indirect.gather [hbm4b:s3+s5], $0x20, s0, s5, $0xb8;
	[tilespmem:$0x13400] =	vst v63  }
0x1b3: {  	s22 =	rddreg [dreg:$0x15]  }
0x1b4: {  	[tilespmem:s13], [sflag:$0x1] =	stream.indirect.gather [hbm4b:s3+s5], $0x20, s22, s5, $0xb8;
	[tilespmem:$0x13400] =	vst v63  }
0x1b5: {  	s0 =	rddreg [dreg:$0x16]  }
0x1b6: {  	[tilespmem:s12], [sflag:$0x2] =	stream.indirect.gather [hbm4b:s3+s5], $0x20, s0, s5, $0xb8;
	[tilespmem:$0x13400] =	vst v63  }
0x1b7: {  	s22 =	rddreg [dreg:$0x17]  }
0x1b8: {  	[tilespmem:s17], [sflag:$0x2] =	stream.indirect.gather [hbm4b:s3+s5], $0x20, s22, s5, $0xb8;
	[tilespmem:$0x13400] =	vst v63  }
0x1b9: {  	s0 =	rddreg [dreg:$0x18]  }
0x1ba: {  	[tilespmem:s18], [sflag:$0x2] =	stream.indirect.gather [hbm4b:s3+s5], $0x20, s0, s5, $0xb8;
	[tilespmem:$0x13400] =	vst v63  }
0x1bb: {  	s22 =	rddreg [dreg:$0x19]  }
0x1bc: {  	[tilespmem:s19], [sflag:$0x2] =	stream.indirect.gather [hbm4b:s3+s5], $0x20, s22, s5, $0xb8;
	[tilespmem:$0x13400] =	vst v63  }
0x1bd: {  	s0 =	rddreg [dreg:$0x1a]  }
0x1be: {  	[tilespmem:s20], [sflag:$0x2] =	stream.indirect.gather [hbm4b:s3+s5], $0x20, s0, s5, $0xb8;
	[tilespmem:$0x13400] =	vst v63  }
0x1bf: {  	s22 =	rddreg [dreg:$0x1b]  }
0x1c0: {  	[tilespmem:s21], [sflag:$0x2] =	stream.indirect.gather [hbm4b:s3+s5], $0x20, s22, s5, $0xb8;
	[tilespmem:$0x13400] =	vst v63  }
0x1c1: {  	s0 =	rddreg [dreg:$0x1c]  }
0x1c2: {  	[tilespmem:s29], [sflag:$0x2] =	stream.indirect.gather [hbm4b:s3+s5], $0x20, s0, s5, $0xb8;
	[tilespmem:$0x13400] =	vst v63  }
0x1c3: {  	s22 =	rddreg [dreg:$0x1d]  }
0x1c4: {  	[tilespmem:s30], [sflag:$0x2] =	stream.indirect.gather [hbm4b:s3+s5], $0x20, s22, s5, $0xb8;
	[tilespmem:$0x13400] =	vst v63  }
0x1c5: {  	_ =	swait.ge [sflag:s15], $0x8000  }
0x1c6: {  	[sflag:s15] =	ssyncset.done $0x0  }
0x1c7: {  	[sflag:s15] =	ssyncadd.s32 $0xFFFF8000  }
0x1c8: {  	[hbm4b:s28+s2] =	stream.linear.scatter [tilespmem:s4], [sflag:$0x3], $0x8000, $0x38;
	[tilespmem:$0x13400] =	vst v63  }
0x1c9: {  	_ =	swait.ge [sflag:s14], $0x8000  }
0x1ca: {  	s0 =	rddreg [dreg:$0x1e];
	[sflag:s14] =	ssyncset.done $0x0  }
0x1cb: {  	s22 =	rddreg [dreg:$0x1f];
	[sflag:s14] =	ssyncadd.s32 $0xFFFF8000  }
0x1cc: {  	[tilespmem:s4], [sflag:$0x1] =	stream.indirect.gather [hbm4b:s3+s5], $0x20, s0, s5, $0xb8;
	[tilespmem:$0x13400] =	vst v63  }
0x1cd: {  	s0 =	sld [smem:$0x7AD]  }
0x1ce: {  	[tilespmem:s6], [sflag:$0x1] =	stream.indirect.gather [hbm4b:s3+s5], $0x20, s22, s5, $0xb8;
	[tilespmem:$0x13400] =	vst v63  }
0x1cf: {  	s22 =	sld [smem:$0x7AE]  }
0x1d0: {  	[tilespmem:s7], [sflag:$0x1] =	stream.indirect.gather [hbm4b:s3+s5], $0x20, s0, s5, $0xb8;
	[tilespmem:$0x13400] =	vst v63  }
0x1d1: {  	s0 =	sld [smem:$0x7AF]  }
0x1d2: {  	[tilespmem:s8], [sflag:$0x1] =	stream.indirect.gather [hbm4b:s3+s5], $0x20, s22, s5, $0xb8;
	[tilespmem:$0x13400] =	vst v63  }
0x1d3: {  	s22 =	sld [smem:$0x7B0]  }
0x1d4: {  	[tilespmem:s9], [sflag:$0x1] =	stream.indirect.gather [hbm4b:s3+s5], $0x20, s0, s5, $0xb8;
	[tilespmem:$0x13400] =	vst v63  }
0x1d5: {  	s0 =	sld [smem:$0x7B1]  }
0x1d6: {  	[tilespmem:s10], [sflag:$0x1] =	stream.indirect.gather [hbm4b:s3+s5], $0x20, s22, s5, $0xb8;
	[tilespmem:$0x13400] =	vst v63  }
0x1d7: {  	s22 =	sld [smem:$0x7B2]  }
0x1d8: {  	[tilespmem:s11], [sflag:$0x1] =	stream.indirect.gather [hbm4b:s3+s5], $0x20, s0, s5, $0xb8;
	[tilespmem:$0x13400] =	vst v63  }
0x1d9: {  	_ = 	snop  }
0x1da: {  	[tilespmem:s13], [sflag:$0x1] =	stream.indirect.gather [hbm4b:s3+s5], $0x20, s22, s5, $0xb8;
	[tilespmem:$0x13400] =	vst v63  }
0x1db: {  	_ =	swait.ge [sflag:s16], $0x8000  }
0x1dc: {  	[sflag:s16] =	ssyncset.done $0x0  }
0x1dd: {  	s22 =	rddreg [dreg:$0x4];
	[sflag:s16] =	ssyncadd.s32 $0xFFFF8000  }
0x1de: {  	[hbm4b:s22+s2] =	stream.linear.scatter [tilespmem:s12], [sflag:$0x3], $0x8000, $0x38;
	[tilespmem:$0x13400] =	vst v63  }
0x1df: {  	_ =	swait.ge [sflag:s14], $0x8000  }
0x1e0: {  	s0 =	sld [smem:$0x7B3]  }
0x1e1: {  	[sflag:s14] =	ssyncset.done $0x0  }
0x1e2: {  	s22 =	sld [smem:$0x7B4];
	[sflag:s14] =	ssyncadd.s32 $0xFFFF8000  }
0x1e3: {  	[tilespmem:s12], [sflag:$0x2] =	stream.indirect.gather [hbm4b:s3+s5], $0x20, s0, s5, $0xb8;
	[tilespmem:$0x13400] =	vst v63  }
0x1e4: {  	s0 =	sld [smem:$0x7B5]  }
0x1e5: {  	[tilespmem:s17], [sflag:$0x2] =	stream.indirect.gather [hbm4b:s3+s5], $0x20, s22, s5, $0xb8;
	[tilespmem:$0x13400] =	vst v63  }
0x1e6: {  	s22 =	sld [smem:$0x7B6]  }
0x1e7: {  	[tilespmem:s18], [sflag:$0x2] =	stream.indirect.gather [hbm4b:s3+s5], $0x20, s0, s5, $0xb8;
	[tilespmem:$0x13400] =	vst v63  }
0x1e8: {  	s0 =	sld [smem:$0x7B7]  }
0x1e9: {  	[tilespmem:s19], [sflag:$0x2] =	stream.indirect.gather [hbm4b:s3+s5], $0x20, s22, s5, $0xb8;
	[tilespmem:$0x13400] =	vst v63  }
0x1ea: {  	s22 =	sld [smem:$0x7B8]  }
0x1eb: {  	[tilespmem:s20], [sflag:$0x2] =	stream.indirect.gather [hbm4b:s3+s5], $0x20, s0, s5, $0xb8;
	[tilespmem:$0x13400] =	vst v63  }
0x1ec: {  	s0 =	sld [smem:$0x7B9]  }
0x1ed: {  	[tilespmem:s21], [sflag:$0x2] =	stream.indirect.gather [hbm4b:s3+s5], $0x20, s22, s5, $0xb8;
	[tilespmem:$0x13400] =	vst v63  }
0x1ee: {  	s22 =	sld [smem:$0x7BA]  }
0x1ef: {  	[tilespmem:s29], [sflag:$0x2] =	stream.indirect.gather [hbm4b:s3+s5], $0x20, s0, s5, $0xb8;
	[tilespmem:$0x13400] =	vst v63  }
0x1f0: {  	_ = 	snop  }
0x1f1: {  	[tilespmem:s30], [sflag:$0x2] =	stream.indirect.gather [hbm4b:s3+s5], $0x20, s22, s5, $0xb8;
	[tilespmem:$0x13400] =	vst v63  }
0x1f2: {  	_ =	swait.ge [sflag:s15], $0x8000  }
0x1f3: {  	[sflag:s15] =	ssyncset.done $0x0  }
0x1f4: {  	s22 =	rddreg [dreg:$0x5];
	[sflag:s15] =	ssyncadd.s32 $0xFFFF8000  }
0x1f5: {  	[hbm4b:s22+s2] =	stream.linear.scatter [tilespmem:s4], [sflag:$0x3], $0x8000, $0x38;
	[tilespmem:$0x13400] =	vst v63  }
0x1f6: {  	_ =	swait.ge [sflag:s14], $0x8000  }
0x1f7: {  	s0 =	sld [smem:$0x7BB]  }
0x1f8: {  	[sflag:s14] =	ssyncset.done $0x0  }
0x1f9: {  	s22 =	sld [smem:$0x7BC];
	[sflag:s14] =	ssyncadd.s32 $0xFFFF8000  }
0x1fa: {  	[tilespmem:s4], [sflag:$0x1] =	stream.indirect.gather [hbm4b:s3+s5], $0x20, s0, s5, $0xb8;
	[tilespmem:$0x13400] =	vst v63  }
0x1fb: {  	s0 =	sld [smem:$0x7BD]  }
0x1fc: {  	[tilespmem:s6], [sflag:$0x1] =	stream.indirect.gather [hbm4b:s3+s5], $0x20, s22, s5, $0xb8;
	[tilespmem:$0x13400] =	vst v63  }
0x1fd: {  	s22 =	sld [smem:$0x7BE]  }
0x1fe: {  	[tilespmem:s7], [sflag:$0x1] =	stream.indirect.gather [hbm4b:s3+s5], $0x20, s0, s5, $0xb8;
	[tilespmem:$0x13400] =	vst v63  }
0x1ff: {  	s0 =	sld [smem:$0x7BF]  }
0x200: {  	[tilespmem:s8], [sflag:$0x1] =	stream.indirect.gather [hbm4b:s3+s5], $0x20, s22, s5, $0xb8;
	[tilespmem:$0x13400] =	vst v63  }
0x201: {  	s22 =	sld [smem:$0x7C0]  }
0x202: {  	[tilespmem:s9], [sflag:$0x1] =	stream.indirect.gather [hbm4b:s3+s5], $0x20, s0, s5, $0xb8;
	[tilespmem:$0x13400] =	vst v63  }
0x203: {  	s0 =	sld [smem:$0x7C1]  }
0x204: {  	[tilespmem:s10], [sflag:$0x1] =	stream.indirect.gather [hbm4b:s3+s5], $0x20, s22, s5, $0xb8;
	[tilespmem:$0x13400] =	vst v63  }
0x205: {  	s22 =	sld [smem:$0x7C2]  }
0x206: {  	[tilespmem:s11], [sflag:$0x1] =	stream.indirect.gather [hbm4b:s3+s5], $0x20, s0, s5, $0xb8;
	[tilespmem:$0x13400] =	vst v63  }
0x207: {  	_ = 	snop  }
0x208: {  	[tilespmem:s13], [sflag:$0x1] =	stream.indirect.gather [hbm4b:s3+s5], $0x20, s22, s5, $0xb8;
	[tilespmem:$0x13400] =	vst v63  }
0x209: {  	_ =	swait.ge [sflag:s16], $0x8000  }
0x20a: {  	[sflag:s16] =	ssyncset.done $0x0  }
0x20b: {  	s22 =	rddreg [dreg:$0x6];
	[sflag:s16] =	ssyncadd.s32 $0xFFFF8000  }
0x20c: {  	[hbm4b:s22+s2] =	stream.linear.scatter [tilespmem:s12], [sflag:$0x3], $0x8000, $0x38;
	[tilespmem:$0x13400] =	vst v63  }
0x20d: {  	_ =	swait.ge [sflag:s14], $0x8000  }
0x20e: {  	s0 =	sld [smem:$0x7C3]  }
0x20f: {  	[sflag:s14] =	ssyncset.done $0x0  }
0x210: {  	s22 =	sld [smem:$0x7C4];
	[sflag:s14] =	ssyncadd.s32 $0xFFFF8000  }
0x211: {  	[tilespmem:s12], [sflag:$0x2] =	stream.indirect.gather [hbm4b:s3+s5], $0x20, s0, s5, $0xb8;
	[tilespmem:$0x13400] =	vst v63  }
0x212: {  	s0 =	sld [smem:$0x7C5]  }
0x213: {  	[tilespmem:s17], [sflag:$0x2] =	stream.indirect.gather [hbm4b:s3+s5], $0x20, s22, s5, $0xb8;
	[tilespmem:$0x13400] =	vst v63  }
0x214: {  	s22 =	sld [smem:$0x7C6]  }
0x215: {  	[tilespmem:s18], [sflag:$0x2] =	stream.indirect.gather [hbm4b:s3+s5], $0x20, s0, s5, $0xb8;
	[tilespmem:$0x13400] =	vst v63  }
0x216: {  	s0 =	sld [smem:$0x7C7]  }
0x217: {  	[tilespmem:s19], [sflag:$0x2] =	stream.indirect.gather [hbm4b:s3+s5], $0x20, s22, s5, $0xb8;
	[tilespmem:$0x13400] =	vst v63  }
0x218: {  	s22 =	sld [smem:$0x7C8]  }
0x219: {  	[tilespmem:s20], [sflag:$0x2] =	stream.indirect.gather [hbm4b:s3+s5], $0x20, s0, s5, $0xb8;
	[tilespmem:$0x13400] =	vst v63  }
0x21a: {  	s0 =	sld [smem:$0x7C9]  }
0x21b: {  	[tilespmem:s21], [sflag:$0x2] =	stream.indirect.gather [hbm4b:s3+s5], $0x20, s22, s5, $0xb8;
	[tilespmem:$0x13400] =	vst v63  }
0x21c: {  	s22 =	sld [smem:$0x7CA]  }
0x21d: {  	[tilespmem:s29], [sflag:$0x2] =	stream.indirect.gather [hbm4b:s3+s5], $0x20, s0, s5, $0xb8;
	[tilespmem:$0x13400] =	vst v63  }
0x21e: {  	_ = 	snop  }
0x21f: {  	[tilespmem:s30], [sflag:$0x2] =	stream.indirect.gather [hbm4b:s3+s5], $0x20, s22, s5, $0xb8;
	[tilespmem:$0x13400] =	vst v63  }
0x220: {  	_ =	swait.ge [sflag:s15], $0x8000  }
0x221: {  	[sflag:s15] =	ssyncset.done $0x0  }
0x222: {  	s22 =	rddreg [dreg:$0x7];
	[sflag:s15] =	ssyncadd.s32 $0xFFFF8000  }
0x223: {  	[hbm4b:s22+s2] =	stream.linear.scatter [tilespmem:s4], [sflag:$0x3], $0x8000, $0x38;
	[tilespmem:$0x13400] =	vst v63  }
0x224: {  	_ =	swait.ge [sflag:s14], $0x8000  }
0x225: {  	s0 =	sld [smem:$0x7CB]  }
0x226: {  	[sflag:s14] =	ssyncset.done $0x0  }
0x227: {  	s22 =	sld [smem:$0x7CC];
	[sflag:s14] =	ssyncadd.s32 $0xFFFF8000  }
0x228: {  	[tilespmem:s4], [sflag:$0x1] =	stream.indirect.gather [hbm4b:s3+s5], $0x20, s0, s5, $0xb8;
	[tilespmem:$0x13400] =	vst v63  }
0x229: {  	s0 =	sld [smem:$0x7CD]  }
0x22a: {  	[tilespmem:s6], [sflag:$0x1] =	stream.indirect.gather [hbm4b:s3+s5], $0x20, s22, s5, $0xb8;
	[tilespmem:$0x13400] =	vst v63  }
0x22b: {  	s22 =	sld [smem:$0x7CE]  }
0x22c: {  	[tilespmem:s7], [sflag:$0x1] =	stream.indirect.gather [hbm4b:s3+s5], $0x20, s0, s5, $0xb8;
	[tilespmem:$0x13400] =	vst v63  }
0x22d: {  	s0 =	sld [smem:$0x7CF]  }
0x22e: {  	[tilespmem:s8], [sflag:$0x1] =	stream.indirect.gather [hbm4b:s3+s5], $0x20, s22, s5, $0xb8;
	[tilespmem:$0x13400] =	vst v63  }
0x22f: {  	s22 =	sld [smem:$0x7D0]  }
0x230: {  	[tilespmem:s9], [sflag:$0x1] =	stream.indirect.gather [hbm4b:s3+s5], $0x20, s0, s5, $0xb8;
	[tilespmem:$0x13400] =	vst v63  }
0x231: {  	s0 =	sld [smem:$0x7D1]  }
0x232: {  	[tilespmem:s10], [sflag:$0x1] =	stream.indirect.gather [hbm4b:s3+s5], $0x20, s22, s5, $0xb8;
	[tilespmem:$0x13400] =	vst v63  }
0x233: {  	s22 =	sld [smem:$0x7D2]  }
0x234: {  	[tilespmem:s11], [sflag:$0x1] =	stream.indirect.gather [hbm4b:s3+s5], $0x20, s0, s5, $0xb8;
	[tilespmem:$0x13400] =	vst v63  }
0x235: {  	_ = 	snop  }
0x236: {  	[tilespmem:s13], [sflag:$0x1] =	stream.indirect.gather [hbm4b:s3+s5], $0x20, s22, s5, $0xb8;
	[tilespmem:$0x13400] =	vst v63  }
0x237: {  	_ =	swait.ge [sflag:s16], $0x8000  }
0x238: {  	[sflag:s16] =	ssyncset.done $0x0  }
0x239: {  	s22 =	rddreg [dreg:$0x8];
	[sflag:s16] =	ssyncadd.s32 $0xFFFF8000  }
0x23a: {  	[hbm4b:s22+s2] =	stream.linear.scatter [tilespmem:s12], [sflag:$0x3], $0x8000, $0x38;
	[tilespmem:$0x13400] =	vst v63  }
0x23b: {  	_ =	swait.ge [sflag:s14], $0x8000  }
0x23c: {  	s0 =	sld [smem:$0x7D3]  }
0x23d: {  	[sflag:s14] =	ssyncset.done $0x0  }
0x23e: {  	s22 =	sld [smem:$0x7D4];
	[sflag:s14] =	ssyncadd.s32 $0xFFFF8000  }
0x23f: {  	[tilespmem:s12], [sflag:$0x2] =	stream.indirect.gather [hbm4b:s3+s5], $0x20, s0, s5, $0xb8;
	[tilespmem:$0x13400] =	vst v63  }
0x240: {  	s0 =	sld [smem:$0x7D5]  }
0x241: {  	[tilespmem:s17], [sflag:$0x2] =	stream.indirect.gather [hbm4b:s3+s5], $0x20, s22, s5, $0xb8;
	[tilespmem:$0x13400] =	vst v63  }
0x242: {  	s22 =	sld [smem:$0x7D6]  }
0x243: {  	[tilespmem:s18], [sflag:$0x2] =	stream.indirect.gather [hbm4b:s3+s5], $0x20, s0, s5, $0xb8;
	[tilespmem:$0x13400] =	vst v63  }
0x244: {  	s0 =	sld [smem:$0x7D7]  }
0x245: {  	[tilespmem:s19], [sflag:$0x2] =	stream.indirect.gather [hbm4b:s3+s5], $0x20, s22, s5, $0xb8;
	[tilespmem:$0x13400] =	vst v63  }
0x246: {  	s22 =	sld [smem:$0x7D8]  }
0x247: {  	[tilespmem:s20], [sflag:$0x2] =	stream.indirect.gather [hbm4b:s3+s5], $0x20, s0, s5, $0xb8;
	[tilespmem:$0x13400] =	vst v63  }
0x248: {  	s0 =	sld [smem:$0x7D9]  }
0x249: {  	[tilespmem:s21], [sflag:$0x2] =	stream.indirect.gather [hbm4b:s3+s5], $0x20, s22, s5, $0xb8;
	[tilespmem:$0x13400] =	vst v63  }
0x24a: {  	s22 =	sld [smem:$0x7DA]  }
0x24b: {  	[tilespmem:s29], [sflag:$0x2] =	stream.indirect.gather [hbm4b:s3+s5], $0x20, s0, s5, $0xb8;
	[tilespmem:$0x13400] =	vst v63  }
0x24c: {  	_ = 	snop  }
0x24d: {  	[tilespmem:s30], [sflag:$0x2] =	stream.indirect.gather [hbm4b:s3+s5], $0x20, s22, s5, $0xb8;
	[tilespmem:$0x13400] =	vst v63  }
0x24e: {  	_ =	swait.ge [sflag:s15], $0x8000  }
0x24f: {  	[sflag:s15] =	ssyncset.done $0x0  }
0x250: {  	s22 =	rddreg [dreg:$0x9];
	[sflag:s15] =	ssyncadd.s32 $0xFFFF8000  }
0x251: {  	[hbm4b:s22+s2] =	stream.linear.scatter [tilespmem:s4], [sflag:$0x3], $0x8000, $0x38;
	[tilespmem:$0x13400] =	vst v63  }
0x252: {  	_ =	swait.ge [sflag:s14], $0x8000  }
0x253: {  	s0 =	sld [smem:$0x7DB]  }
0x254: {  	[sflag:s14] =	ssyncset.done $0x0  }
0x255: {  	s22 =	sld [smem:$0x7DC];
	[sflag:s14] =	ssyncadd.s32 $0xFFFF8000  }
0x256: {  	[tilespmem:s4], [sflag:$0x1] =	stream.indirect.gather [hbm4b:s3+s5], $0x20, s0, s5, $0xb8;
	[tilespmem:$0x13400] =	vst v63  }
0x257: {  	s0 =	sld [smem:$0x7DD]  }
0x258: {  	[tilespmem:s6], [sflag:$0x1] =	stream.indirect.gather [hbm4b:s3+s5], $0x20, s22, s5, $0xb8;
	[tilespmem:$0x13400] =	vst v63  }
0x259: {  	s22 =	sld [smem:$0x7DE]  }
0x25a: {  	[tilespmem:s7], [sflag:$0x1] =	stream.indirect.gather [hbm4b:s3+s5], $0x20, s0, s5, $0xb8;
	[tilespmem:$0x13400] =	vst v63  }
0x25b: {  	s0 =	sld [smem:$0x7DF]  }
0x25c: {  	[tilespmem:s8], [sflag:$0x1] =	stream.indirect.gather [hbm4b:s3+s5], $0x20, s22, s5, $0xb8;
	[tilespmem:$0x13400] =	vst v63  }
0x25d: {  	s22 =	sld [smem:$0x7E0]  }
0x25e: {  	[tilespmem:s9], [sflag:$0x1] =	stream.indirect.gather [hbm4b:s3+s5], $0x20, s0, s5, $0xb8;
	[tilespmem:$0x13400] =	vst v63  }
0x25f: {  	s0 =	sld [smem:$0x7E1]  }
0x260: {  	[tilespmem:s10], [sflag:$0x1] =	stream.indirect.gather [hbm4b:s3+s5], $0x20, s22, s5, $0xb8;
	[tilespmem:$0x13400] =	vst v63  }
0x261: {  	s22 =	sld [smem:$0x7E2]  }
0x262: {  	[tilespmem:s11], [sflag:$0x1] =	stream.indirect.gather [hbm4b:s3+s5], $0x20, s0, s5, $0xb8;
	[tilespmem:$0x13400] =	vst v63  }
0x263: {  	_ = 	snop  }
0x264: {  	[tilespmem:s13], [sflag:$0x1] =	stream.indirect.gather [hbm4b:s3+s5], $0x20, s22, s5, $0xb8;
	[tilespmem:$0x13400] =	vst v63  }
0x265: {  	_ =	swait.ge [sflag:s16], $0x8000  }
0x266: {  	[sflag:s16] =	ssyncset.done $0x0  }
0x267: {  	s22 =	rddreg [dreg:$0xa];
	[sflag:s16] =	ssyncadd.s32 $0xFFFF8000  }
0x268: {  	[hbm4b:s22+s2] =	stream.linear.scatter [tilespmem:s12], [sflag:$0x3], $0x8000, $0x38;
	[tilespmem:$0x13400] =	vst v63  }
0x269: {  	_ =	swait.ge [sflag:s14], $0x8000  }
0x26a: {  	s0 =	sld [smem:$0x7E3]  }
0x26b: {  	[sflag:s14] =	ssyncset.done $0x0  }
0x26c: {  	s22 =	sld [smem:$0x7E4];
	[sflag:s14] =	ssyncadd.s32 $0xFFFF8000  }
0x26d: {  	[tilespmem:s12], [sflag:$0x2] =	stream.indirect.gather [hbm4b:s3+s5], $0x20, s0, s5, $0xb8;
	[tilespmem:$0x13400] =	vst v63  }
0x26e: {  	s0 =	sld [smem:$0x7E5]  }
0x26f: {  	[tilespmem:s17], [sflag:$0x2] =	stream.indirect.gather [hbm4b:s3+s5], $0x20, s22, s5, $0xb8;
	[tilespmem:$0x13400] =	vst v63  }
0x270: {  	s22 =	sld [smem:$0x7E6]  }
0x271: {  	[tilespmem:s18], [sflag:$0x2] =	stream.indirect.gather [hbm4b:s3+s5], $0x20, s0, s5, $0xb8;
	[tilespmem:$0x13400] =	vst v63  }
0x272: {  	s0 =	sld [smem:$0x7E7]  }
0x273: {  	[tilespmem:s19], [sflag:$0x2] =	stream.indirect.gather [hbm4b:s3+s5], $0x20, s22, s5, $0xb8;
	[tilespmem:$0x13400] =	vst v63  }
0x274: {  	s22 =	sld [smem:$0x7E8]  }
0x275: {  	[tilespmem:s20], [sflag:$0x2] =	stream.indirect.gather [hbm4b:s3+s5], $0x20, s0, s5, $0xb8;
	[tilespmem:$0x13400] =	vst v63  }
0x276: {  	s0 =	sld [smem:$0x7E9]  }
0x277: {  	[tilespmem:s21], [sflag:$0x2] =	stream.indirect.gather [hbm4b:s3+s5], $0x20, s22, s5, $0xb8;
	[tilespmem:$0x13400] =	vst v63  }
0x278: {  	s22 =	sld [smem:$0x7EA]  }
0x279: {  	[tilespmem:s29], [sflag:$0x2] =	stream.indirect.gather [hbm4b:s3+s5], $0x20, s0, s5, $0xb8;
	[tilespmem:$0x13400] =	vst v63  }
0x27a: {  	_ = 	snop  }
0x27b: {  	[tilespmem:s30], [sflag:$0x2] =	stream.indirect.gather [hbm4b:s3+s5], $0x20, s22, s5, $0xb8;
	[tilespmem:$0x13400] =	vst v63  }
0x27c: {  	_ =	swait.ge [sflag:s15], $0x8000  }
0x27d: {  	[sflag:s15] =	ssyncset.done $0x0  }
0x27e: {  	s22 =	rddreg [dreg:$0xb];
	[sflag:s15] =	ssyncadd.s32 $0xFFFF8000  }
0x27f: {  	[hbm4b:s22+s2] =	stream.linear.scatter [tilespmem:s4], [sflag:$0x3], $0x8000, $0x38;
	[tilespmem:$0x13400] =	vst v63  }
0x280: {  	_ =	swait.ge [sflag:s14], $0x8000  }
0x281: {  	s0 =	sld [smem:$0x7EB]  }
0x282: {  	[sflag:s14] =	ssyncset.done $0x0  }
0x283: {  	s22 =	sld [smem:$0x7EC];
	[sflag:s14] =	ssyncadd.s32 $0xFFFF8000  }
0x284: {  	[tilespmem:s4], [sflag:$0x1] =	stream.indirect.gather [hbm4b:s3+s5], $0x20, s0, s5, $0xb8;
	[tilespmem:$0x13400] =	vst v63  }
0x285: {  	s0 =	sld [smem:$0x7ED]  }
0x286: {  	[tilespmem:s6], [sflag:$0x1] =	stream.indirect.gather [hbm4b:s3+s5], $0x20, s22, s5, $0xb8;
	[tilespmem:$0x13400] =	vst v63  }
0x287: {  	s22 =	sld [smem:$0x7EE]  }
0x288: {  	[tilespmem:s7], [sflag:$0x1] =	stream.indirect.gather [hbm4b:s3+s5], $0x20, s0, s5, $0xb8;
	[tilespmem:$0x13400] =	vst v63  }
0x289: {  	s0 =	sld [smem:$0x7EF]  }
0x28a: {  	[tilespmem:s8], [sflag:$0x1] =	stream.indirect.gather [hbm4b:s3+s5], $0x20, s22, s5, $0xb8;
	[tilespmem:$0x13400] =	vst v63  }
0x28b: {  	s22 =	sld [smem:$0x7F0]  }
0x28c: {  	[tilespmem:s9], [sflag:$0x1] =	stream.indirect.gather [hbm4b:s3+s5], $0x20, s0, s5, $0xb8;
	[tilespmem:$0x13400] =	vst v63  }
0x28d: {  	s0 =	sld [smem:$0x7F1]  }
0x28e: {  	[tilespmem:s10], [sflag:$0x1] =	stream.indirect.gather [hbm4b:s3+s5], $0x20, s22, s5, $0xb8;
	[tilespmem:$0x13400] =	vst v63  }
0x28f: {  	s22 =	sld [smem:$0x7F2]  }
0x290: {  	[tilespmem:s11], [sflag:$0x1] =	stream.indirect.gather [hbm4b:s3+s5], $0x20, s0, s5, $0xb8;
	[tilespmem:$0x13400] =	vst v63  }
0x291: {  	_ = 	snop  }
0x292: {  	[tilespmem:s13], [sflag:$0x1] =	stream.indirect.gather [hbm4b:s3+s5], $0x20, s22, s5, $0xb8;
	[tilespmem:$0x13400] =	vst v63  }
0x293: {  	_ =	swait.ge [sflag:s16], $0x8000  }
0x294: {  	[sflag:s16] =	ssyncset.done $0x0  }
0x295: {  	s22 =	rddreg [dreg:$0xc];
	[sflag:s16] =	ssyncadd.s32 $0xFFFF8000  }
0x296: {  	[hbm4b:s22+s2] =	stream.linear.scatter [tilespmem:s12], [sflag:$0x3], $0x8000, $0x38;
	[tilespmem:$0x13400] =	vst v63  }
0x297: {  	_ =	swait.ge [sflag:s14], $0x8000  }
0x298: {  	s0 =	sld [smem:$0x7F3]  }
0x299: {  	[sflag:s14] =	ssyncset.done $0x0  }
0x29a: {  	s22 =	sld [smem:$0x7F4];
	[sflag:s14] =	ssyncadd.s32 $0xFFFF8000  }
0x29b: {  	[tilespmem:s12], [sflag:$0x2] =	stream.indirect.gather [hbm4b:s3+s5], $0x20, s0, s5, $0xb8;
	[tilespmem:$0x13400] =	vst v63  }
0x29c: {  	s0 =	sld [smem:$0x7F5]  }
0x29d: {  	[tilespmem:s17], [sflag:$0x2] =	stream.indirect.gather [hbm4b:s3+s5], $0x20, s22, s5, $0xb8;
	[tilespmem:$0x13400] =	vst v63  }
0x29e: {  	s22 =	sld [smem:$0x7F6]  }
0x29f: {  	[tilespmem:s18], [sflag:$0x2] =	stream.indirect.gather [hbm4b:s3+s5], $0x20, s0, s5, $0xb8;
	[tilespmem:$0x13400] =	vst v63  }
0x2a0: {  	s0 =	sld [smem:$0x7F7]  }
0x2a1: {  	[tilespmem:s19], [sflag:$0x2] =	stream.indirect.gather [hbm4b:s3+s5], $0x20, s22, s5, $0xb8;
	[tilespmem:$0x13400] =	vst v63  }
0x2a2: {  	s22 =	sld [smem:$0x7F8]  }
0x2a3: {  	[tilespmem:s20], [sflag:$0x2] =	stream.indirect.gather [hbm4b:s3+s5], $0x20, s0, s5, $0xb8;
	[tilespmem:$0x13400] =	vst v63  }
0x2a4: {  	s0 =	sld [smem:$0x7F9]  }
0x2a5: {  	[tilespmem:s21], [sflag:$0x2] =	stream.indirect.gather [hbm4b:s3+s5], $0x20, s22, s5, $0xb8;
	[tilespmem:$0x13400] =	vst v63  }
0x2a6: {  	s22 =	sld [smem:$0x7FA]  }
0x2a7: {  	[tilespmem:s29], [sflag:$0x2] =	stream.indirect.gather [hbm4b:s3+s5], $0x20, s0, s5, $0xb8;
	[tilespmem:$0x13400] =	vst v63  }
0x2a8: {  	_ = 	snop  }
0x2a9: {  	[tilespmem:s30], [sflag:$0x2] =	stream.indirect.gather [hbm4b:s3+s5], $0x20, s22, s5, $0xb8;
	[tilespmem:$0x13400] =	vst v63  }
0x2aa: {  	_ =	swait.ge [sflag:s15], $0x8000  }
0x2ab: {  	[sflag:s15] =	ssyncset.done $0x0  }
0x2ac: {  	s22 =	rddreg [dreg:$0xd];
	[sflag:s15] =	ssyncadd.s32 $0xFFFF8000  }
0x2ad: {  	[hbm4b:s22+s2] =	stream.linear.scatter [tilespmem:s4], [sflag:$0x3], $0x8000, $0x38;
	[tilespmem:$0x13400] =	vst v63  }
0x2ae: {  	_ =	swait.ge [sflag:s14], $0x8000  }
0x2af: {  	s0 =	sld [smem:$0x7FB]  }
0x2b0: {  	[sflag:s14] =	ssyncset.done $0x0  }
0x2b1: {  	s22 =	sld [smem:$0x7FC];
	[sflag:s14] =	ssyncadd.s32 $0xFFFF8000  }
0x2b2: {  	[tilespmem:s4], [sflag:$0x1] =	stream.indirect.gather [hbm4b:s3+s5], $0x20, s0, s5, $0xb8;
	[tilespmem:$0x13400] =	vst v63  }
0x2b3: {  	s0 =	sld [smem:$0x7FD]  }
0x2b4: {  	[tilespmem:s6], [sflag:$0x1] =	stream.indirect.gather [hbm4b:s3+s5], $0x20, s22, s5, $0xb8;
	[tilespmem:$0x13400] =	vst v63  }
0x2b5: {  	_ = 	snop  }
0x2b6: {  	[tilespmem:s7], [sflag:$0x1] =	stream.indirect.gather [hbm4b:s3+s5], $0x20, s0, s5, $0xb8;
	[tilespmem:$0x13400] =	vst v63  }
0x2b7: {  	s22 =	simm.s32 $0x3180  }
0x2b8: {  	[tilespmem:s8], [sflag:$0x1] =	stream.indirect.gather [hbm4b:s3+s5], $0x20, s22, s5, $0xb8;
	[tilespmem:$0x13400] =	vst v63  }
0x2b9: {  	_ = 	snop  }
0x2ba: {  	[tilespmem:s9], [sflag:$0x1] =	stream.indirect.gather [hbm4b:s3+s5], $0x20, s24, s5, $0xb8;
	[tilespmem:$0x13400] =	vst v63  }
0x2bb: {  	_ = 	snop  }
0x2bc: {  	[tilespmem:s10], [sflag:$0x1] =	stream.indirect.gather [hbm4b:s3+s5], $0x20, s25, s5, $0xb8;
	[tilespmem:$0x13400] =	vst v63  }
0x2bd: {  	_ = 	snop  }
0x2be: {  	[tilespmem:s11], [sflag:$0x1] =	stream.indirect.gather [hbm4b:s3+s5], $0x20, s26, s5, $0xb8;
	[tilespmem:$0x13400] =	vst v63  }
0x2bf: {  	_ = 	snop  }
0x2c0: {  	[tilespmem:s13], [sflag:$0x1] =	stream.indirect.gather [hbm4b:s3+s5], $0x20, s23, s5, $0xb8;
	[tilespmem:$0x13400] =	vst v63  }
0x2c1: {  	_ =	swait.ge [sflag:s16], $0x8000  }
0x2c2: {  	[sflag:s16] =	ssyncset.done $0x0  }
0x2c3: {  	s22 =	rddreg [dreg:$0xe];
	[sflag:s16] =	ssyncadd.s32 $0xFFFF8000  }
0x2c4: {  	[hbm4b:s22+s2] =	stream.linear.scatter [tilespmem:s12], [sflag:$0x3], $0x8000, $0x38;
	[tilespmem:$0x13400] =	vst v63  }
0x2c5: {  	_ =	swait.ge [sflag:s15], $0x8000  }
0x2c6: {  	[sflag:s15] =	ssyncset.done $0x0  }
0x2c7: {  	p1 =	sne.s32 s1, $0x1;
	s22 =	rddreg [dreg:$0xf];
	[sflag:s15] =	ssyncadd.s32 $0xFFFF8000  }
0x2c8: {  	[hbm4b:s22+s2] =	stream.linear.scatter [tilespmem:s4], [sflag:$0x3], $0x8000, $0x38;
	[tilespmem:$0x13400] =	vst v63  }
.Ltmp2:
0x2c9: {  	_ =	swait.ge [sflag:s14], $0x8000;
	(pc) =	sbr.rel @p1 .LBB2_4-.Ltmp2, $4  }
0x2ca: {  	[sflag:s14] =	ssyncset.done $0x0  }
0x2cb: {  	[sflag:s14] =	ssyncadd.s32 $0xFFFF8000  }
0x2cc: {  	_ =	swait.ge [sflag:s14], $0x8000  }
0x2cd: {  	s1 =	sadd.s32 $0xFFFFFFFF, s1;
	s0 =	rddreg [dreg:$0x3];
	[sflag:s14] =	ssyncset.done $0x0  }
0x2ce: {  	s26 =	simm.s32 $0x3300;
	s25 =	simm.s32 $0x3280  }
0x2cf: {  	s24 =	simm.s32 $0x3200;
	s23 =	simm.s32 $0x3180;
	s22 =	stileid.u32  }
.LBB2_6:
0x2d0: {  	[sflag:s14] =	ssyncadd.s32 @p0 $0xFFFF8000  }
0x2d1: {  	[tilespmem:s2], [sflag:$0x4] =	stream.linear.gather [hbm4b:s0+s2], $0x3400, $0x38;
	[tilespmem:$0x13400] =	vst v63  }
0x2d2: {  	_ =	swait.ge [sflag:s31], $0x3400  }
0x2d3: {  	[sflag:s31] =	ssyncset.done $0x0  }
0x2d4: {  	[sflag:s31] =	ssyncadd.s32 $0xFFFFCC00  }
0x2d5: {  	[tilespmem:s4], [sflag:$0x1] =	stream.indirect.gather [hbm4b:s3+s5], $0x20, s2, s5, $0xb8;
	[tilespmem:$0x13400] =	vst v63  }
0x2d6: {  	_ = 	snop  }
0x2d7: {  	[tilespmem:s6], [sflag:$0x1] =	stream.indirect.gather [hbm4b:s3+s5], $0x20, s5, s5, $0xb8;
	[tilespmem:$0x13400] =	vst v63  }
0x2d8: {  	s31 =	rddreg [dreg:$0x10]  }
0x2d9: {  	[tilespmem:s7], [sflag:$0x1] =	stream.indirect.gather [hbm4b:s3+s5], $0x20, s31, s5, $0xb8;
	[tilespmem:$0x13400] =	vst v63  }
0x2da: {  	s1 =	rddreg [dreg:$0x11]  }
0x2db: {  	[tilespmem:s8], [sflag:$0x1] =	stream.indirect.gather [hbm4b:s3+s5], $0x20, s1, s5, $0xb8;
	[tilespmem:$0x13400] =	vst v63  }
0x2dc: {  	s0 =	rddreg [dreg:$0x12]  }
0x2dd: {  	[tilespmem:s9], [sflag:$0x1] =	stream.indirect.gather [hbm4b:s3+s5], $0x20, s0, s5, $0xb8;
	[tilespmem:$0x13400] =	vst v63  }
0x2de: {  	s31 =	rddreg [dreg:$0x13]  }
0x2df: {  	[tilespmem:s10], [sflag:$0x1] =	stream.indirect.gather [hbm4b:s3+s5], $0x20, s31, s5, $0xb8;
	[tilespmem:$0x13400] =	vst v63  }
0x2e0: {  	s0 =	rddreg [dreg:$0x14]  }
0x2e1: {  	[tilespmem:s11], [sflag:$0x1] =	stream.indirect.gather [hbm4b:s3+s5], $0x20, s0, s5, $0xb8;
	[tilespmem:$0x13400] =	vst v63  }
0x2e2: {  	s31 =	rddreg [dreg:$0x15]  }
0x2e3: {  	[tilespmem:s13], [sflag:$0x1] =	stream.indirect.gather [hbm4b:s3+s5], $0x20, s31, s5, $0xb8;
	[tilespmem:$0x13400] =	vst v63  }
0x2e4: {  	s0 =	rddreg [dreg:$0x16]  }
0x2e5: {  	[tilespmem:s12], [sflag:$0x2] =	stream.indirect.gather [hbm4b:s3+s5], $0x20, s0, s5, $0xb8;
	[tilespmem:$0x13400] =	vst v63  }
0x2e6: {  	s31 =	rddreg [dreg:$0x17]  }
0x2e7: {  	[tilespmem:s17], [sflag:$0x2] =	stream.indirect.gather [hbm4b:s3+s5], $0x20, s31, s5, $0xb8;
	[tilespmem:$0x13400] =	vst v63  }
0x2e8: {  	s0 =	rddreg [dreg:$0x18]  }
0x2e9: {  	[tilespmem:s18], [sflag:$0x2] =	stream.indirect.gather [hbm4b:s3+s5], $0x20, s0, s5, $0xb8;
	[tilespmem:$0x13400] =	vst v63  }
0x2ea: {  	s31 =	rddreg [dreg:$0x19]  }
0x2eb: {  	[tilespmem:s19], [sflag:$0x2] =	stream.indirect.gather [hbm4b:s3+s5], $0x20, s31, s5, $0xb8;
	[tilespmem:$0x13400] =	vst v63  }
0x2ec: {  	s0 =	rddreg [dreg:$0x1a]  }
0x2ed: {  	[tilespmem:s20], [sflag:$0x2] =	stream.indirect.gather [hbm4b:s3+s5], $0x20, s0, s5, $0xb8;
	[tilespmem:$0x13400] =	vst v63  }
0x2ee: {  	s31 =	rddreg [dreg:$0x1b]  }
0x2ef: {  	[tilespmem:s21], [sflag:$0x2] =	stream.indirect.gather [hbm4b:s3+s5], $0x20, s31, s5, $0xb8;
	[tilespmem:$0x13400] =	vst v63  }
0x2f0: {  	s0 =	rddreg [dreg:$0x1c]  }
0x2f1: {  	[tilespmem:s29], [sflag:$0x2] =	stream.indirect.gather [hbm4b:s3+s5], $0x20, s0, s5, $0xb8;
	[tilespmem:$0x13400] =	vst v63  }
0x2f2: {  	s31 =	rddreg [dreg:$0x1d]  }
0x2f3: {  	[tilespmem:s30], [sflag:$0x2] =	stream.indirect.gather [hbm4b:s3+s5], $0x20, s31, s5, $0xb8;
	[tilespmem:$0x13400] =	vst v63  }
0x2f4: {  	_ =	swait.ge [sflag:s15], $0x8000  }
0x2f5: {  	[sflag:s15] =	ssyncset.done $0x0  }
0x2f6: {  	[sflag:s15] =	ssyncadd.s32 $0xFFFF8000  }
0x2f7: {  	[hbm4b:s28+s2] =	stream.linear.scatter [tilespmem:s4], [sflag:$0x3], $0x8000, $0x38;
	[tilespmem:$0x13400] =	vst v63  }
0x2f8: {  	_ =	swait.ge [sflag:s14], $0x8000  }
0x2f9: {  	s1 =	rddreg [dreg:$0x1e];
	[sflag:s14] =	ssyncset.done $0x0  }
0x2fa: {  	s28 =	rddreg [dreg:$0x1f];
	[sflag:s14] =	ssyncadd.s32 $0xFFFF8000  }
0x2fb: {  	[tilespmem:s4], [sflag:$0x1] =	stream.indirect.gather [hbm4b:s3+s5], $0x20, s1, s5, $0xb8;
	[tilespmem:$0x13400] =	vst v63  }
0x2fc: {  	s31 =	sld [smem:$0x7AD]  }
0x2fd: {  	[tilespmem:s6], [sflag:$0x1] =	stream.indirect.gather [hbm4b:s3+s5], $0x20, s28, s5, $0xb8;
	[tilespmem:$0x13400] =	vst v63  }
0x2fe: {  	s28 =	sld [smem:$0x7AE]  }
0x2ff: {  	[tilespmem:s7], [sflag:$0x1] =	stream.indirect.gather [hbm4b:s3+s5], $0x20, s31, s5, $0xb8;
	[tilespmem:$0x13400] =	vst v63  }
0x300: {  	s31 =	sld [smem:$0x7AF]  }
0x301: {  	[tilespmem:s8], [sflag:$0x1] =	stream.indirect.gather [hbm4b:s3+s5], $0x20, s28, s5, $0xb8;
	[tilespmem:$0x13400] =	vst v63  }
0x302: {  	s28 =	sld [smem:$0x7B0]  }
0x303: {  	[tilespmem:s9], [sflag:$0x1] =	stream.indirect.gather [hbm4b:s3+s5], $0x20, s31, s5, $0xb8;
	[tilespmem:$0x13400] =	vst v63  }
0x304: {  	s31 =	sld [smem:$0x7B1]  }
0x305: {  	[tilespmem:s10], [sflag:$0x1] =	stream.indirect.gather [hbm4b:s3+s5], $0x20, s28, s5, $0xb8;
	[tilespmem:$0x13400] =	vst v63  }
0x306: {  	s28 =	sld [smem:$0x7B2]  }
0x307: {  	[tilespmem:s11], [sflag:$0x1] =	stream.indirect.gather [hbm4b:s3+s5], $0x20, s31, s5, $0xb8;
	[tilespmem:$0x13400] =	vst v63  }
0x308: {  	_ = 	snop  }
0x309: {  	[tilespmem:s13], [sflag:$0x1] =	stream.indirect.gather [hbm4b:s3+s5], $0x20, s28, s5, $0xb8;
	[tilespmem:$0x13400] =	vst v63  }
0x30a: {  	_ =	swait.ge [sflag:s16], $0x8000  }
0x30b: {  	[sflag:s16] =	ssyncset.done $0x0  }
0x30c: {  	s31 =	rddreg [dreg:$0x4];
	[sflag:s16] =	ssyncadd.s32 $0xFFFF8000  }
0x30d: {  	[hbm4b:s31+s2] =	stream.linear.scatter [tilespmem:s12], [sflag:$0x3], $0x8000, $0x38;
	[tilespmem:$0x13400] =	vst v63  }
0x30e: {  	_ =	swait.ge [sflag:s14], $0x8000  }
0x30f: {  	s1 =	sld [smem:$0x7B3]  }
0x310: {  	[sflag:s14] =	ssyncset.done $0x0  }
0x311: {  	s28 =	sld [smem:$0x7B4];
	[sflag:s14] =	ssyncadd.s32 $0xFFFF8000  }
0x312: {  	[tilespmem:s12], [sflag:$0x2] =	stream.indirect.gather [hbm4b:s3+s5], $0x20, s1, s5, $0xb8;
	[tilespmem:$0x13400] =	vst v63  }
0x313: {  	s31 =	sld [smem:$0x7B5]  }
0x314: {  	[tilespmem:s17], [sflag:$0x2] =	stream.indirect.gather [hbm4b:s3+s5], $0x20, s28, s5, $0xb8;
	[tilespmem:$0x13400] =	vst v63  }
0x315: {  	s28 =	sld [smem:$0x7B6]  }
0x316: {  	[tilespmem:s18], [sflag:$0x2] =	stream.indirect.gather [hbm4b:s3+s5], $0x20, s31, s5, $0xb8;
	[tilespmem:$0x13400] =	vst v63  }
0x317: {  	s31 =	sld [smem:$0x7B7]  }
0x318: {  	[tilespmem:s19], [sflag:$0x2] =	stream.indirect.gather [hbm4b:s3+s5], $0x20, s28, s5, $0xb8;
	[tilespmem:$0x13400] =	vst v63  }
0x319: {  	s28 =	sld [smem:$0x7B8]  }
0x31a: {  	[tilespmem:s20], [sflag:$0x2] =	stream.indirect.gather [hbm4b:s3+s5], $0x20, s31, s5, $0xb8;
	[tilespmem:$0x13400] =	vst v63  }
0x31b: {  	s31 =	sld [smem:$0x7B9]  }
0x31c: {  	[tilespmem:s21], [sflag:$0x2] =	stream.indirect.gather [hbm4b:s3+s5], $0x20, s28, s5, $0xb8;
	[tilespmem:$0x13400] =	vst v63  }
0x31d: {  	s28 =	sld [smem:$0x7BA]  }
0x31e: {  	[tilespmem:s29], [sflag:$0x2] =	stream.indirect.gather [hbm4b:s3+s5], $0x20, s31, s5, $0xb8;
	[tilespmem:$0x13400] =	vst v63  }
0x31f: {  	_ = 	snop  }
0x320: {  	[tilespmem:s30], [sflag:$0x2] =	stream.indirect.gather [hbm4b:s3+s5], $0x20, s28, s5, $0xb8;
	[tilespmem:$0x13400] =	vst v63  }
0x321: {  	_ =	swait.ge [sflag:s15], $0x8000  }
0x322: {  	[sflag:s15] =	ssyncset.done $0x0  }
0x323: {  	s31 =	rddreg [dreg:$0x5];
	[sflag:s15] =	ssyncadd.s32 $0xFFFF8000  }
0x324: {  	[hbm4b:s31+s2] =	stream.linear.scatter [tilespmem:s4], [sflag:$0x3], $0x8000, $0x38;
	[tilespmem:$0x13400] =	vst v63  }
0x325: {  	_ =	swait.ge [sflag:s14], $0x8000  }
0x326: {  	s1 =	sld [smem:$0x7BB]  }
0x327: {  	[sflag:s14] =	ssyncset.done $0x0  }
0x328: {  	s28 =	sld [smem:$0x7BC];
	[sflag:s14] =	ssyncadd.s32 $0xFFFF8000  }
0x329: {  	[tilespmem:s4], [sflag:$0x1] =	stream.indirect.gather [hbm4b:s3+s5], $0x20, s1, s5, $0xb8;
	[tilespmem:$0x13400] =	vst v63  }
0x32a: {  	s31 =	sld [smem:$0x7BD]  }
0x32b: {  	[tilespmem:s6], [sflag:$0x1] =	stream.indirect.gather [hbm4b:s3+s5], $0x20, s28, s5, $0xb8;
	[tilespmem:$0x13400] =	vst v63  }
0x32c: {  	s28 =	sld [smem:$0x7BE]  }
0x32d: {  	[tilespmem:s7], [sflag:$0x1] =	stream.indirect.gather [hbm4b:s3+s5], $0x20, s31, s5, $0xb8;
	[tilespmem:$0x13400] =	vst v63  }
0x32e: {  	s31 =	sld [smem:$0x7BF]  }
0x32f: {  	[tilespmem:s8], [sflag:$0x1] =	stream.indirect.gather [hbm4b:s3+s5], $0x20, s28, s5, $0xb8;
	[tilespmem:$0x13400] =	vst v63  }
0x330: {  	s28 =	sld [smem:$0x7C0]  }
0x331: {  	[tilespmem:s9], [sflag:$0x1] =	stream.indirect.gather [hbm4b:s3+s5], $0x20, s31, s5, $0xb8;
	[tilespmem:$0x13400] =	vst v63  }
0x332: {  	s31 =	sld [smem:$0x7C1]  }
0x333: {  	[tilespmem:s10], [sflag:$0x1] =	stream.indirect.gather [hbm4b:s3+s5], $0x20, s28, s5, $0xb8;
	[tilespmem:$0x13400] =	vst v63  }
0x334: {  	s28 =	sld [smem:$0x7C2]  }
0x335: {  	[tilespmem:s11], [sflag:$0x1] =	stream.indirect.gather [hbm4b:s3+s5], $0x20, s31, s5, $0xb8;
	[tilespmem:$0x13400] =	vst v63  }
0x336: {  	_ = 	snop  }
0x337: {  	[tilespmem:s13], [sflag:$0x1] =	stream.indirect.gather [hbm4b:s3+s5], $0x20, s28, s5, $0xb8;
	[tilespmem:$0x13400] =	vst v63  }
0x338: {  	_ =	swait.ge [sflag:s16], $0x8000  }
0x339: {  	[sflag:s16] =	ssyncset.done $0x0  }
0x33a: {  	s31 =	rddreg [dreg:$0x6];
	[sflag:s16] =	ssyncadd.s32 $0xFFFF8000  }
0x33b: {  	[hbm4b:s31+s2] =	stream.linear.scatter [tilespmem:s12], [sflag:$0x3], $0x8000, $0x38;
	[tilespmem:$0x13400] =	vst v63  }
0x33c: {  	_ =	swait.ge [sflag:s14], $0x8000  }
0x33d: {  	s1 =	sld [smem:$0x7C3]  }
0x33e: {  	[sflag:s14] =	ssyncset.done $0x0  }
0x33f: {  	s28 =	sld [smem:$0x7C4];
	[sflag:s14] =	ssyncadd.s32 $0xFFFF8000  }
0x340: {  	[tilespmem:s12], [sflag:$0x2] =	stream.indirect.gather [hbm4b:s3+s5], $0x20, s1, s5, $0xb8;
	[tilespmem:$0x13400] =	vst v63  }
0x341: {  	s31 =	sld [smem:$0x7C5]  }
0x342: {  	[tilespmem:s17], [sflag:$0x2] =	stream.indirect.gather [hbm4b:s3+s5], $0x20, s28, s5, $0xb8;
	[tilespmem:$0x13400] =	vst v63  }
0x343: {  	s28 =	sld [smem:$0x7C6]  }
0x344: {  	[tilespmem:s18], [sflag:$0x2] =	stream.indirect.gather [hbm4b:s3+s5], $0x20, s31, s5, $0xb8;
	[tilespmem:$0x13400] =	vst v63  }
0x345: {  	s31 =	sld [smem:$0x7C7]  }
0x346: {  	[tilespmem:s19], [sflag:$0x2] =	stream.indirect.gather [hbm4b:s3+s5], $0x20, s28, s5, $0xb8;
	[tilespmem:$0x13400] =	vst v63  }
0x347: {  	s28 =	sld [smem:$0x7C8]  }
0x348: {  	[tilespmem:s20], [sflag:$0x2] =	stream.indirect.gather [hbm4b:s3+s5], $0x20, s31, s5, $0xb8;
	[tilespmem:$0x13400] =	vst v63  }
0x349: {  	s31 =	sld [smem:$0x7C9]  }
0x34a: {  	[tilespmem:s21], [sflag:$0x2] =	stream.indirect.gather [hbm4b:s3+s5], $0x20, s28, s5, $0xb8;
	[tilespmem:$0x13400] =	vst v63  }
0x34b: {  	s28 =	sld [smem:$0x7CA]  }
0x34c: {  	[tilespmem:s29], [sflag:$0x2] =	stream.indirect.gather [hbm4b:s3+s5], $0x20, s31, s5, $0xb8;
	[tilespmem:$0x13400] =	vst v63  }
0x34d: {  	_ = 	snop  }
0x34e: {  	[tilespmem:s30], [sflag:$0x2] =	stream.indirect.gather [hbm4b:s3+s5], $0x20, s28, s5, $0xb8;
	[tilespmem:$0x13400] =	vst v63  }
0x34f: {  	_ =	swait.ge [sflag:s15], $0x8000  }
0x350: {  	[sflag:s15] =	ssyncset.done $0x0  }
0x351: {  	s31 =	rddreg [dreg:$0x7];
	[sflag:s15] =	ssyncadd.s32 $0xFFFF8000  }
0x352: {  	[hbm4b:s31+s2] =	stream.linear.scatter [tilespmem:s4], [sflag:$0x3], $0x8000, $0x38;
	[tilespmem:$0x13400] =	vst v63  }
0x353: {  	_ =	swait.ge [sflag:s14], $0x8000  }
0x354: {  	s1 =	sld [smem:$0x7CB]  }
0x355: {  	[sflag:s14] =	ssyncset.done $0x0  }
0x356: {  	s28 =	sld [smem:$0x7CC];
	[sflag:s14] =	ssyncadd.s32 $0xFFFF8000  }
0x357: {  	[tilespmem:s4], [sflag:$0x1] =	stream.indirect.gather [hbm4b:s3+s5], $0x20, s1, s5, $0xb8;
	[tilespmem:$0x13400] =	vst v63  }
0x358: {  	s31 =	sld [smem:$0x7CD]  }
0x359: {  	[tilespmem:s6], [sflag:$0x1] =	stream.indirect.gather [hbm4b:s3+s5], $0x20, s28, s5, $0xb8;
	[tilespmem:$0x13400] =	vst v63  }
0x35a: {  	s28 =	sld [smem:$0x7CE]  }
0x35b: {  	[tilespmem:s7], [sflag:$0x1] =	stream.indirect.gather [hbm4b:s3+s5], $0x20, s31, s5, $0xb8;
	[tilespmem:$0x13400] =	vst v63  }
0x35c: {  	s31 =	sld [smem:$0x7CF]  }
0x35d: {  	[tilespmem:s8], [sflag:$0x1] =	stream.indirect.gather [hbm4b:s3+s5], $0x20, s28, s5, $0xb8;
	[tilespmem:$0x13400] =	vst v63  }
0x35e: {  	s28 =	sld [smem:$0x7D0]  }
0x35f: {  	[tilespmem:s9], [sflag:$0x1] =	stream.indirect.gather [hbm4b:s3+s5], $0x20, s31, s5, $0xb8;
	[tilespmem:$0x13400] =	vst v63  }
0x360: {  	s31 =	sld [smem:$0x7D1]  }
0x361: {  	[tilespmem:s10], [sflag:$0x1] =	stream.indirect.gather [hbm4b:s3+s5], $0x20, s28, s5, $0xb8;
	[tilespmem:$0x13400] =	vst v63  }
0x362: {  	s28 =	sld [smem:$0x7D2]  }
0x363: {  	[tilespmem:s11], [sflag:$0x1] =	stream.indirect.gather [hbm4b:s3+s5], $0x20, s31, s5, $0xb8;
	[tilespmem:$0x13400] =	vst v63  }
0x364: {  	_ = 	snop  }
0x365: {  	[tilespmem:s13], [sflag:$0x1] =	stream.indirect.gather [hbm4b:s3+s5], $0x20, s28, s5, $0xb8;
	[tilespmem:$0x13400] =	vst v63  }
0x366: {  	_ =	swait.ge [sflag:s16], $0x8000  }
0x367: {  	[sflag:s16] =	ssyncset.done $0x0  }
0x368: {  	s31 =	rddreg [dreg:$0x8];
	[sflag:s16] =	ssyncadd.s32 $0xFFFF8000  }
0x369: {  	[hbm4b:s31+s2] =	stream.linear.scatter [tilespmem:s12], [sflag:$0x3], $0x8000, $0x38;
	[tilespmem:$0x13400] =	vst v63  }
0x36a: {  	_ =	swait.ge [sflag:s14], $0x8000  }
0x36b: {  	s1 =	sld [smem:$0x7D3]  }
0x36c: {  	[sflag:s14] =	ssyncset.done $0x0  }
0x36d: {  	s28 =	sld [smem:$0x7D4];
	[sflag:s14] =	ssyncadd.s32 $0xFFFF8000  }
0x36e: {  	[tilespmem:s12], [sflag:$0x2] =	stream.indirect.gather [hbm4b:s3+s5], $0x20, s1, s5, $0xb8;
	[tilespmem:$0x13400] =	vst v63  }
0x36f: {  	s31 =	sld [smem:$0x7D5]  }
0x370: {  	[tilespmem:s17], [sflag:$0x2] =	stream.indirect.gather [hbm4b:s3+s5], $0x20, s28, s5, $0xb8;
	[tilespmem:$0x13400] =	vst v63  }
0x371: {  	s28 =	sld [smem:$0x7D6]  }
0x372: {  	[tilespmem:s18], [sflag:$0x2] =	stream.indirect.gather [hbm4b:s3+s5], $0x20, s31, s5, $0xb8;
	[tilespmem:$0x13400] =	vst v63  }
0x373: {  	s31 =	sld [smem:$0x7D7]  }
0x374: {  	[tilespmem:s19], [sflag:$0x2] =	stream.indirect.gather [hbm4b:s3+s5], $0x20, s28, s5, $0xb8;
	[tilespmem:$0x13400] =	vst v63  }
0x375: {  	s28 =	sld [smem:$0x7D8]  }
0x376: {  	[tilespmem:s20], [sflag:$0x2] =	stream.indirect.gather [hbm4b:s3+s5], $0x20, s31, s5, $0xb8;
	[tilespmem:$0x13400] =	vst v63  }
0x377: {  	s31 =	sld [smem:$0x7D9]  }
0x378: {  	[tilespmem:s21], [sflag:$0x2] =	stream.indirect.gather [hbm4b:s3+s5], $0x20, s28, s5, $0xb8;
	[tilespmem:$0x13400] =	vst v63  }
0x379: {  	s28 =	sld [smem:$0x7DA]  }
0x37a: {  	[tilespmem:s29], [sflag:$0x2] =	stream.indirect.gather [hbm4b:s3+s5], $0x20, s31, s5, $0xb8;
	[tilespmem:$0x13400] =	vst v63  }
0x37b: {  	_ = 	snop  }
0x37c: {  	[tilespmem:s30], [sflag:$0x2] =	stream.indirect.gather [hbm4b:s3+s5], $0x20, s28, s5, $0xb8;
	[tilespmem:$0x13400] =	vst v63  }
0x37d: {  	_ =	swait.ge [sflag:s15], $0x8000  }
0x37e: {  	[sflag:s15] =	ssyncset.done $0x0  }
0x37f: {  	s31 =	rddreg [dreg:$0x9];
	[sflag:s15] =	ssyncadd.s32 $0xFFFF8000  }
0x380: {  	[hbm4b:s31+s2] =	stream.linear.scatter [tilespmem:s4], [sflag:$0x3], $0x8000, $0x38;
	[tilespmem:$0x13400] =	vst v63  }
0x381: {  	_ =	swait.ge [sflag:s14], $0x8000  }
0x382: {  	s1 =	sld [smem:$0x7DB]  }
0x383: {  	[sflag:s14] =	ssyncset.done $0x0  }
0x384: {  	s28 =	sld [smem:$0x7DC];
	[sflag:s14] =	ssyncadd.s32 $0xFFFF8000  }
0x385: {  	[tilespmem:s4], [sflag:$0x1] =	stream.indirect.gather [hbm4b:s3+s5], $0x20, s1, s5, $0xb8;
	[tilespmem:$0x13400] =	vst v63  }
0x386: {  	s31 =	sld [smem:$0x7DD]  }
0x387: {  	[tilespmem:s6], [sflag:$0x1] =	stream.indirect.gather [hbm4b:s3+s5], $0x20, s28, s5, $0xb8;
	[tilespmem:$0x13400] =	vst v63  }
0x388: {  	s28 =	sld [smem:$0x7DE]  }
0x389: {  	[tilespmem:s7], [sflag:$0x1] =	stream.indirect.gather [hbm4b:s3+s5], $0x20, s31, s5, $0xb8;
	[tilespmem:$0x13400] =	vst v63  }
0x38a: {  	s31 =	sld [smem:$0x7DF]  }
0x38b: {  	[tilespmem:s8], [sflag:$0x1] =	stream.indirect.gather [hbm4b:s3+s5], $0x20, s28, s5, $0xb8;
	[tilespmem:$0x13400] =	vst v63  }
0x38c: {  	s28 =	sld [smem:$0x7E0]  }
0x38d: {  	[tilespmem:s9], [sflag:$0x1] =	stream.indirect.gather [hbm4b:s3+s5], $0x20, s31, s5, $0xb8;
	[tilespmem:$0x13400] =	vst v63  }
0x38e: {  	s31 =	sld [smem:$0x7E1]  }
0x38f: {  	[tilespmem:s10], [sflag:$0x1] =	stream.indirect.gather [hbm4b:s3+s5], $0x20, s28, s5, $0xb8;
	[tilespmem:$0x13400] =	vst v63  }
0x390: {  	s28 =	sld [smem:$0x7E2]  }
0x391: {  	[tilespmem:s11], [sflag:$0x1] =	stream.indirect.gather [hbm4b:s3+s5], $0x20, s31, s5, $0xb8;
	[tilespmem:$0x13400] =	vst v63  }
0x392: {  	_ = 	snop  }
0x393: {  	[tilespmem:s13], [sflag:$0x1] =	stream.indirect.gather [hbm4b:s3+s5], $0x20, s28, s5, $0xb8;
	[tilespmem:$0x13400] =	vst v63  }
0x394: {  	_ =	swait.ge [sflag:s16], $0x8000  }
0x395: {  	[sflag:s16] =	ssyncset.done $0x0  }
0x396: {  	s31 =	rddreg [dreg:$0xa];
	[sflag:s16] =	ssyncadd.s32 $0xFFFF8000  }
0x397: {  	[hbm4b:s31+s2] =	stream.linear.scatter [tilespmem:s12], [sflag:$0x3], $0x8000, $0x38;
	[tilespmem:$0x13400] =	vst v63  }
0x398: {  	_ =	swait.ge [sflag:s14], $0x8000  }
0x399: {  	s1 =	sld [smem:$0x7E3]  }
0x39a: {  	[sflag:s14] =	ssyncset.done $0x0  }
0x39b: {  	s28 =	sld [smem:$0x7E4];
	[sflag:s14] =	ssyncadd.s32 $0xFFFF8000  }
0x39c: {  	[tilespmem:s12], [sflag:$0x2] =	stream.indirect.gather [hbm4b:s3+s5], $0x20, s1, s5, $0xb8;
	[tilespmem:$0x13400] =	vst v63  }
0x39d: {  	s31 =	sld [smem:$0x7E5]  }
0x39e: {  	[tilespmem:s17], [sflag:$0x2] =	stream.indirect.gather [hbm4b:s3+s5], $0x20, s28, s5, $0xb8;
	[tilespmem:$0x13400] =	vst v63  }
0x39f: {  	s28 =	sld [smem:$0x7E6]  }
0x3a0: {  	[tilespmem:s18], [sflag:$0x2] =	stream.indirect.gather [hbm4b:s3+s5], $0x20, s31, s5, $0xb8;
	[tilespmem:$0x13400] =	vst v63  }
0x3a1: {  	s31 =	sld [smem:$0x7E7]  }
0x3a2: {  	[tilespmem:s19], [sflag:$0x2] =	stream.indirect.gather [hbm4b:s3+s5], $0x20, s28, s5, $0xb8;
	[tilespmem:$0x13400] =	vst v63  }
0x3a3: {  	s28 =	sld [smem:$0x7E8]  }
0x3a4: {  	[tilespmem:s20], [sflag:$0x2] =	stream.indirect.gather [hbm4b:s3+s5], $0x20, s31, s5, $0xb8;
	[tilespmem:$0x13400] =	vst v63  }
0x3a5: {  	s31 =	sld [smem:$0x7E9]  }
0x3a6: {  	[tilespmem:s21], [sflag:$0x2] =	stream.indirect.gather [hbm4b:s3+s5], $0x20, s28, s5, $0xb8;
	[tilespmem:$0x13400] =	vst v63  }
0x3a7: {  	s28 =	sld [smem:$0x7EA]  }
0x3a8: {  	[tilespmem:s29], [sflag:$0x2] =	stream.indirect.gather [hbm4b:s3+s5], $0x20, s31, s5, $0xb8;
	[tilespmem:$0x13400] =	vst v63  }
0x3a9: {  	_ = 	snop  }
0x3aa: {  	[tilespmem:s30], [sflag:$0x2] =	stream.indirect.gather [hbm4b:s3+s5], $0x20, s28, s5, $0xb8;
	[tilespmem:$0x13400] =	vst v63  }
0x3ab: {  	_ =	swait.ge [sflag:s15], $0x8000  }
0x3ac: {  	[sflag:s15] =	ssyncset.done $0x0  }
0x3ad: {  	s31 =	rddreg [dreg:$0xb];
	[sflag:s15] =	ssyncadd.s32 $0xFFFF8000  }
0x3ae: {  	[hbm4b:s31+s2] =	stream.linear.scatter [tilespmem:s4], [sflag:$0x3], $0x8000, $0x38;
	[tilespmem:$0x13400] =	vst v63  }
0x3af: {  	_ =	swait.ge [sflag:s14], $0x8000  }
0x3b0: {  	s1 =	sld [smem:$0x7EB]  }
0x3b1: {  	[sflag:s14] =	ssyncset.done $0x0  }
0x3b2: {  	s28 =	sld [smem:$0x7EC];
	[sflag:s14] =	ssyncadd.s32 $0xFFFF8000  }
0x3b3: {  	[tilespmem:s4], [sflag:$0x1] =	stream.indirect.gather [hbm4b:s3+s5], $0x20, s1, s5, $0xb8;
	[tilespmem:$0x13400] =	vst v63  }
0x3b4: {  	s31 =	sld [smem:$0x7ED]  }
0x3b5: {  	[tilespmem:s6], [sflag:$0x1] =	stream.indirect.gather [hbm4b:s3+s5], $0x20, s28, s5, $0xb8;
	[tilespmem:$0x13400] =	vst v63  }
0x3b6: {  	s28 =	sld [smem:$0x7EE]  }
0x3b7: {  	[tilespmem:s7], [sflag:$0x1] =	stream.indirect.gather [hbm4b:s3+s5], $0x20, s31, s5, $0xb8;
	[tilespmem:$0x13400] =	vst v63  }
0x3b8: {  	s31 =	sld [smem:$0x7EF]  }
0x3b9: {  	[tilespmem:s8], [sflag:$0x1] =	stream.indirect.gather [hbm4b:s3+s5], $0x20, s28, s5, $0xb8;
	[tilespmem:$0x13400] =	vst v63  }
0x3ba: {  	s28 =	sld [smem:$0x7F0]  }
0x3bb: {  	[tilespmem:s9], [sflag:$0x1] =	stream.indirect.gather [hbm4b:s3+s5], $0x20, s31, s5, $0xb8;
	[tilespmem:$0x13400] =	vst v63  }
0x3bc: {  	s31 =	sld [smem:$0x7F1]  }
0x3bd: {  	[tilespmem:s10], [sflag:$0x1] =	stream.indirect.gather [hbm4b:s3+s5], $0x20, s28, s5, $0xb8;
	[tilespmem:$0x13400] =	vst v63  }
0x3be: {  	s28 =	sld [smem:$0x7F2]  }
0x3bf: {  	[tilespmem:s11], [sflag:$0x1] =	stream.indirect.gather [hbm4b:s3+s5], $0x20, s31, s5, $0xb8;
	[tilespmem:$0x13400] =	vst v63  }
0x3c0: {  	_ = 	snop  }
0x3c1: {  	[tilespmem:s13], [sflag:$0x1] =	stream.indirect.gather [hbm4b:s3+s5], $0x20, s28, s5, $0xb8;
	[tilespmem:$0x13400] =	vst v63  }
0x3c2: {  	_ =	swait.ge [sflag:s16], $0x8000  }
0x3c3: {  	[sflag:s16] =	ssyncset.done $0x0  }
0x3c4: {  	s31 =	rddreg [dreg:$0xc];
	[sflag:s16] =	ssyncadd.s32 $0xFFFF8000  }
0x3c5: {  	[hbm4b:s31+s2] =	stream.linear.scatter [tilespmem:s12], [sflag:$0x3], $0x8000, $0x38;
	[tilespmem:$0x13400] =	vst v63  }
0x3c6: {  	_ =	swait.ge [sflag:s14], $0x8000  }
0x3c7: {  	s1 =	sld [smem:$0x7F3]  }
0x3c8: {  	[sflag:s14] =	ssyncset.done $0x0  }
0x3c9: {  	s28 =	sld [smem:$0x7F4];
	[sflag:s14] =	ssyncadd.s32 $0xFFFF8000  }
0x3ca: {  	[tilespmem:s12], [sflag:$0x2] =	stream.indirect.gather [hbm4b:s3+s5], $0x20, s1, s5, $0xb8;
	[tilespmem:$0x13400] =	vst v63  }
0x3cb: {  	s31 =	sld [smem:$0x7F5]  }
0x3cc: {  	[tilespmem:s17], [sflag:$0x2] =	stream.indirect.gather [hbm4b:s3+s5], $0x20, s28, s5, $0xb8;
	[tilespmem:$0x13400] =	vst v63  }
0x3cd: {  	s17 =	sld [smem:$0x7F6]  }
0x3ce: {  	[tilespmem:s18], [sflag:$0x2] =	stream.indirect.gather [hbm4b:s3+s5], $0x20, s31, s5, $0xb8;
	[tilespmem:$0x13400] =	vst v63  }
0x3cf: {  	s28 =	sld [smem:$0x7F7]  }
0x3d0: {  	[tilespmem:s19], [sflag:$0x2] =	stream.indirect.gather [hbm4b:s3+s5], $0x20, s17, s5, $0xb8;
	[tilespmem:$0x13400] =	vst v63  }
0x3d1: {  	s31 =	sld [smem:$0x7F8]  }
0x3d2: {  	[tilespmem:s20], [sflag:$0x2] =	stream.indirect.gather [hbm4b:s3+s5], $0x20, s28, s5, $0xb8;
	[tilespmem:$0x13400] =	vst v63  }
0x3d3: {  	s17 =	sld [smem:$0x7F9]  }
0x3d4: {  	[tilespmem:s21], [sflag:$0x2] =	stream.indirect.gather [hbm4b:s3+s5], $0x20, s31, s5, $0xb8;
	[tilespmem:$0x13400] =	vst v63  }
0x3d5: {  	s18 =	sld [smem:$0x7FA]  }
0x3d6: {  	[tilespmem:s29], [sflag:$0x2] =	stream.indirect.gather [hbm4b:s3+s5], $0x20, s17, s5, $0xb8;
	[tilespmem:$0x13400] =	vst v63  }
0x3d7: {  	_ = 	snop  }
0x3d8: {  	[tilespmem:s30], [sflag:$0x2] =	stream.indirect.gather [hbm4b:s3+s5], $0x20, s18, s5, $0xb8;
	[tilespmem:$0x13400] =	vst v63  }
0x3d9: {  	_ =	swait.ge [sflag:s15], $0x8000  }
0x3da: {  	[sflag:s15] =	ssyncset.done $0x0  }
0x3db: {  	s19 =	rddreg [dreg:$0xd];
	[sflag:s15] =	ssyncadd.s32 $0xFFFF8000  }
0x3dc: {  	[hbm4b:s19+s2] =	stream.linear.scatter [tilespmem:s4], [sflag:$0x3], $0x8000, $0x38;
	[tilespmem:$0x13400] =	vst v63  }
0x3dd: {  	_ =	swait.ge [sflag:s14], $0x8000  }
0x3de: {  	s20 =	sld [smem:$0x7FB]  }
0x3df: {  	[sflag:s14] =	ssyncset.done $0x0  }
0x3e0: {  	s21 =	sld [smem:$0x7FC];
	[sflag:s14] =	ssyncadd.s32 $0xFFFF8000  }
0x3e1: {  	[tilespmem:s4], [sflag:$0x1] =	stream.indirect.gather [hbm4b:s3+s5], $0x20, s20, s5, $0xb8;
	[tilespmem:$0x13400] =	vst v63  }
0x3e2: {  	s28 =	sld [smem:$0x7FD]  }
0x3e3: {  	[tilespmem:s6], [sflag:$0x1] =	stream.indirect.gather [hbm4b:s3+s5], $0x20, s21, s5, $0xb8;
	[tilespmem:$0x13400] =	vst v63  }
0x3e4: {  	_ = 	snop  }
0x3e5: {  	[tilespmem:s7], [sflag:$0x1] =	stream.indirect.gather [hbm4b:s3+s5], $0x20, s28, s5, $0xb8;
	[tilespmem:$0x13400] =	vst v63  }
0x3e6: {  	_ = 	snop  }
0x3e7: {  	[tilespmem:s8], [sflag:$0x1] =	stream.indirect.gather [hbm4b:s3+s5], $0x20, s23, s5, $0xb8;
	[tilespmem:$0x13400] =	vst v63  }
0x3e8: {  	_ = 	snop  }
0x3e9: {  	[tilespmem:s9], [sflag:$0x1] =	stream.indirect.gather [hbm4b:s3+s5], $0x20, s24, s5, $0xb8;
	[tilespmem:$0x13400] =	vst v63  }
0x3ea: {  	_ = 	snop  }
0x3eb: {  	[tilespmem:s10], [sflag:$0x1] =	stream.indirect.gather [hbm4b:s3+s5], $0x20, s25, s5, $0xb8;
	[tilespmem:$0x13400] =	vst v63  }
0x3ec: {  	_ = 	snop  }
0x3ed: {  	[tilespmem:s11], [sflag:$0x1] =	stream.indirect.gather [hbm4b:s3+s5], $0x20, s26, s5, $0xb8;
	[tilespmem:$0x13400] =	vst v63  }
0x3ee: {  	s29 =	simm.s32 $0x3380  }
0x3ef: {  	[tilespmem:s13], [sflag:$0x1] =	stream.indirect.gather [hbm4b:s3+s5], $0x20, s29, s5, $0xb8;
	[tilespmem:$0x13400] =	vst v63  }
0x3f0: {  	_ =	swait.ge [sflag:s16], $0x8000  }
0x3f1: {  	[sflag:s16] =	ssyncset.done $0x0  }
0x3f2: {  	s30 =	rddreg [dreg:$0xe];
	[sflag:s16] =	ssyncadd.s32 $0xFFFF8000  }
0x3f3: {  	[hbm4b:s30+s2] =	stream.linear.scatter [tilespmem:s12], [sflag:$0x3], $0x8000, $0x38;
	[tilespmem:$0x13400] =	vst v63  }
0x3f4: {  	_ =	swait.ge [sflag:s15], $0x8000  }
0x3f5: {  	[sflag:s15] =	ssyncset.done $0x0  }
0x3f6: {  	s31 =	rddreg [dreg:$0xf];
	[sflag:s15] =	ssyncadd.s32 $0xFFFF8000  }
0x3f7: {  	[hbm4b:s31+s2] =	stream.linear.scatter [tilespmem:s4], [sflag:$0x3], $0x8000, $0x38;
	[tilespmem:$0x13400] =	vst v63  }
0x3f8: {  	_ =	swait.ge [sflag:s14], $0x8000  }
0x3f9: {  	[sflag:s14] =	ssyncset.done $0x0  }
0x3fa: {  	[sflag:s14] =	ssyncadd.s32 $0xFFFF8000  }
0x3fb: {  	_ =	swait.ge [sflag:s14], $0x8000  }
0x3fc: {  	[sflag:s14] =	ssyncset.done $0x0  }
0x3fd: {  	[sflag:s14] =	ssyncadd.s32 $0xFFFF8000  }
0x3fe: {  	_ =	sfence.sel $0x180000  }
0x3ff: {  	[bflag:$0x0] =	sbarrier.arrive $0xFFFF  }
0x400: {  	_ =	strace $0x90000047  }
0x401: {  	[bflag:$0x2] =	sbarrier.arrive $0xFFFF  }
0x402: {  	p0 =	sne.s32 s22, $0x0;
	s0 =	rddreg [dreg:$0x2]  }
0x403: {  	s0 =	sadd.s32 @!p0 $0x100000, s0  }
0x404: {  	[sflag:s0] =	ssyncadd.tile.s32 @!p0 $0x1;
	_ =	shalt  }
.LBB2_1:
.Ltmp3:
0x405: {  	(pc) =	sbr.rel .LBB2_6-.Ltmp3, $3  }
0x406: {  	_ =	sdelay $0x1  }
0x407: {  	s26 =	simm.s32 $0x3300  }
0x408: {  	s25 =	simm.s32 $0x3280;
	s24 =	simm.s32 $0x3200;
	s23 =	simm.s32 $0x3180  }
.LBB2_3:
.Ltmp4:
0x409: {  	(pc) =	sbr.rel .LBB2_6-.Ltmp4, $3  }
0x40a: {  	_ =	sdelay $0x1  }
0x40b: {  	s26 =	simm.s32 $0x3300;
	s25 =	simm.s32 $0x3280  }
0x40c: {  	s24 =	simm.s32 $0x3200;
	s23 =	simm.s32 $0x3180;
	s22 =	stileid.u32  }
.Lfunc_end2:
_tile_overlayer_lowered:
.L_overlay_start_2:
0x40d: {  	(tag) =	ssettag $0x2  }
0x40e: {  	s0 =	rddreg [dreg:$0x0];
	s2 =	stileid.u32  }
0x40f: {  	s1 =	rddreg [dreg:$0x1];
	p0 =	sne.s32 s2, $0x0  }
0x410: {  	s3 =	rddreg [dreg:$0x2];
	[bflag:$0x3] =	sbarrier.arrive $0xFFFF;
	s2 =	simm.s32 @!p0 $0x1C04  }
0x411: {  	[timem:s3], [sflag:s2] =	dma.local @!p0 [hbm:s0], s1  }
0x412: {  	s0 =	simm.s32 @!p0 $0x4  }
0x413: {  	_ =	swait.ge @!p0 [sflag:s0], s1  }
0x414: {  	s1 =	ssub.s32 @!p0 $0x0, s1;
	[sflag:s0] =	ssyncset.done @!p0 $0x0  }
0x415: {  	[sflag:s0] =	ssyncadd.s32 @!p0 s1  }
0x416: {  	[bflag:$0x3] =	sbarrier.arrive $0xFFFF  }
0x417: {  	_ =	shalt  }

// kernel: sparse-core-data-format-call.cloned.1.call-start
scs
called_computation_lowered:
.L_overlay_start_0:
0x0: {  	s2 =	sld [smem:$0x3FD9]  }
0x1: {  	s3 =	sld [smem:$0x3FFE];
	_ =	sdelay $0x1  }
0x2: {  	s1 =	srdreg.scid  }
0x3: {  	s0 =	sand.u32 $0x1, s1  }
0x4: {  	s18 =	sshll.u32 s0, $0xA;
	s2 =	sadd.s32 s3, s2  }
0x5: {  	s2 =	sadd.s32 s2, s18  }
0x6: {  	[smem:$0x3FC6] =	sst s2  }
0x7: {  	_ = 	snop  }
0x8: {  	s2 =	sld [smem:$0x3FD0];
	(tm) =	ssettm $0x1  }
0x9: {  	s19 =	sld [smem:$0x3FFB];
	_ =	sdelay $0x3  }
0xa: {  	_ =	strace s19  }
0xb: {  	s3 =	sld [smem:$0x3FFC];
	_ =	sdelay $0x3  }
0xc: {  	_ =	strace s3  }
0xd: {  	s3 =	sld [smem:$0x3FFD];
	_ =	sdelay $0x3  }
0xe: {  	_ =	strace s3  }
0xf: {  	_ =	strace $0x8FFFFFFF  }
0x10: {  	s20 =	sld [smem:$0x3FDB];
	_ =	sdelay $0x1  }
0x11: {  	s4 =	simm.s32 $_scs_section_size  }
0x12: {  	s5 =	simm.s32 $_size__tile_overlayer_lowered;
	s6 =	simm.s32 $_tile_overlayer_lowered  }
0x13: {  	s23 =	simm.s32 $0x1BFF;
	s22 =	sshll.u32 s6, $0x1;
	s3 =	sadd.s32 s4, s20  }
0x14: {  	s7 =	simm.s32 $0x0;
	s21 =	sshll.u32 s5, $0x1;
	s5 =	sadd.s32 s22, s3  }
0x15: {  	[timem:s7], [sflag:s23] =	dma.local [hbm:s5], s21  }
0x16: {  	_ =	swait.ge [sflag:s23], s21  }
0x17: {  	s4 =	ssub.s32 $0x0, s21;
	[sflag:s23] =	ssyncset.done $0x0  }
0x18: {  	[sflag:s23] =	ssyncadd.s32 s4;
	_ =	sdelay $0x1  }
0x19: {  	s24 =	simm.s32 $0x1B8B  }
0x1a: {  	_ =	swait.ge [sflag:s24], $0x1  }
0x1b: {  	[sflag:s24] =	ssyncset.done $0x0  }
0x1c: {  	s26 =	simm.s32 $0x1B8E;
	s25 =	sld [smem:$0x3FFE];
	[sflag:s24] =	ssyncadd.s32 $0xFFFFFFFF  }
0x1d: {  	s27 =	simm.s32 $execute0_lowered;
	[smem:$0x3FD2] =	sst s26  }
0x1e: {  	s5 =	sshll.u32 s27, $0x1;
	_ =	strace $0x80000049;
	[dreg:$0x1] =	wrdreg $0xFFFFFFFF  }
0x1f: {  	s28 =	simm.s32 $_size_execute0_lowered;
	s3 =	sadd.s32 s3, s5;
	[dreg:$0x0] =	wrdreg $0x0  }
0x20: {  	s5 =	sshll.u32 s28, $0x1;
	[dreg:$0x2] =	wrdreg s3  }
0x21: {  	[dreg:$0x3] =	wrdreg s5  }
0x22: {  	[dreg:$0x4] =	wrdreg $0xC0  }
0x23: {  	_ =	task [dreg:s7], $0x5FFFF  }
0x24: {  	[dreg:$0x1] =	wrdreg $0xFFFFFFFF  }
0x25: {  	[dreg:$0x0] =	wrdreg $0x60  }
0x26: {  	[dreg:$0x2] =	wrdreg s25  }
0x27: {  	[dreg:$0x3] =	wrdreg s2  }
0x28: {  	[dreg:$0x4] =	wrdreg $0x9  }
0x29: {  	_ =	task.clear_ibuf [dreg:s7], $0x5FFFF;
	_ =	strace $0x90000049  }
0x2a: {  	s29 =	simm.s32 $0x9;
	_ =	strace $0x8000004B  }
0x2b: {  	_ =	swait.ge [sflag:s29], $0x1  }
0x2c: {  	[sflag:s29] =	ssyncadd.s32 $0xFFFFFFFF  }
0x2d: {  	_ =	strace $0x9000004B  }
0x2e: {  	_ =	sfence  }
0x2f: {  	s30 =	sld [smem:$0x0];
	_ =	sdelay $0x2  }
0x30: {  	s31 =	sshll.u32 s1, $0xD;
	s1 =	sshrl.u32 s1, $0x2  }
0x31: {  	s3 =	sand.u32 $0x4000, s31;
	s1 =	sadd.s32 s1, s30  }
0x32: {  	s0 =	sor.u32 s3, s0;
	s1 =	sshll.u32 s1, $0x11  }
0x33: {  	s0 =	sor.u32 s1, s0  }
0x34: {  	s0 =	sadd.s32 $0x8F2B, s0  }
0x35: {  	[sflag:s0] =	ssyncadd.remote.s32 $0x1  }
0x36: {  	_ =	sfence.sel $0xFFFF  }
0x37: {  	[dreg:$0x0] =	wrdreg $0xFFFFFFFF;
	(pc) =	sbr.abs _section_cstart, $3  }
0x38: {  	[dreg:$0x1] =	wrdreg $0xFFFFFFFF  }
0x39: {  	_ =	task.clear_ibuf [dreg:s7], $0x2FFFF;
	_ =	strace $0x9FFFFFFF  }
0x3a: {  	(tm) =	ssettm $0x7FFFFFFF  }
0x3b: {  	_ =	shalt  }
tec
execute0_lowered:
.L_overlay_start_1:
0x0: {  	(tag) =	ssettag $0x1  }
0x1: {  	s0 =	srdreg.scid  }
0x2: {  	s1 =	sshll.u32 s0, $0x4  }
0x3: {  	s0 =	stileid.u32;
	s1 =	sand.u32 $0x10, s1  }
0x4: {  	s1 =	sor.u32 s0, s1  }
0x5: {  	s6 =	rddreg [dreg:$0x0];
	s4 =	simm.s32 $0x1;
	s2 =	sshll.u32 s1, $0x7  }
0x6: {  	s7 =	simm.s32 $0x2;
	s12 =	simm.s32 $0x0;
	s1 =	ssub.s32 $0x4000, s2  }
0x7: {  	s8 =	simm.s32 $0x20000;
	s13 =	simm.s32 $0x0;
	s3 =	sand.u32 $0xF80, s1  }
0x8: {  	s9 =	simm.s32 $0x0;
	s5 =	sshrl.u32 s1, $0xC;
	p0 =	sne.s32 s3, $0x0  }
.Ltmp0:
0x9: {  	s1 =	rddreg [dreg:$0x2];
	s4 =	simm.s32 @!p0 $0x0;
	(pc) =	sbr.rel .LBB1_1-.Ltmp0, $4  }
0xa: {  	s11 =	simm.s32 $0x0;
	s3 =	rddreg [dreg:$0x1];
	s5 =	sadd.s32 s4, s5  }
0xb: {  	_ =	strace $0x8000004A;
	s4 =	simm.s32 $0x1;
	s5 =	smul.u32 $0x1A, s5  }
0xc: {  	s6 =	sadd.s32 $0xA00, s6;
	s10 =	smov.u32 s2;
	[sflag:s4] =	ssyncpa.u1 $0x0  }
0xd: {  	p0 =	por $0x0, $0x0;
	[sflag:s7] =	ssyncpa.u1 $0x0;
	s7 =	sor.u32 $0x1, s5  }
.LBB1_4:
0xe: {  	s16 =	sshll.u32 s13, $0x3;
	s17 =	sand.u32 $0x78, s13  }
0xf: {  	s30 =	sand.u32 $0xF800, s13;
	s12 =	sshll.u32 s12, $0x10;
	s16 =	sand.u32 $0x3C00, s16  }
0x10: {  	s31 =	sand.u32 $0x7, s13;
	s16 =	sor.u32 s17, s16;
	s17 =	sadd.s32 s3, s30  }
0x11: {  	s13 =	sshll.u32 s31, $0x12;
	s16 =	sshrl.u32 s16, $0x3;
	s12 =	sadd.s32 s12, s17  }
0x12: {  	[tilespmem:s15+$0x0 ss:$0x81] =	vst.msk $0xffff, v0;
	s13 =	sor.u32 $0x400, s13;
	s12 =	sadd.s32 s16, s12  }
0x13: {  	[hbm4b:s12+s13] =	stream.strided.scatter [tilespmem:s14], [sflag:$0x2], $0x1000, s8, s13, $0x20;
	[tilespmem:$0x4040] =	vst v63  }
.LBB1_5:
0x14: {  	s14 =	sadd.s32 $0x1, s9  }
0x15: {  	s12 =	sadd.s32 $0x1000, s10;
	s16 =	smov.u32 s10;
	p2 =	sgt.s32 s14, $0x19  }
0x16: {  	s16 =	smov.u32 @p2 s12  }
0x17: {  	s14 =	simm.s32 @p2 $0x0;
	p2 =	sgt.s32 s16, $0x3FFF  }
0x18: {  	s16 =	smov.u32 @p2 s2;
	p2 =	sne.s32 s11, s7  }
.Ltmp1:
0x19: {  	p1 =	slt.u32 s11, $0x2;
	(pc) =	sbr.rel @!p2 .LBB1_6-.Ltmp1, $4  }
0x1a: {  	s15 =	simm.s32 @!p1 $0x2  }
0x1b: {  	s13 =	smov.u32 s10;
	p0 =	por !p0, !p0;
	_ =	swait.ge @!p1 [sflag:s15], $0x1000  }
0x1c: {  	s12 =	smov.u32 s9;
	[sflag:s15] =	ssyncset.done @!p1 $0x0;
	s9 =	smov.u32 s14  }
0x1d: {  	s11 =	sadd.s32 $0x1, s11;
	[sflag:s15] =	ssyncadd.s32 @!p1 $0xFFFFF000;
	s10 =	smov.u32 s16  }
.LBB1_1:
0x1e: {  	p1 =	sge.u32 s11, s5  }
0x1f: {  	s31 =	sadd.s32 $0xFFFFFFFF, s11;
	s14 =	sxor.u32 @!p1 $0xFFFFFFFF, s11  }
0x20: {  	s15 =	sshll.u32 @!p1 s10, $0x9;
	s16 =	sshll.u32 @!p1 s9, $0x4;
	s17 =	simm.s32 @!p1 $0x1000  }
0x21: {  	s14 =	sshll.u32 @!p1 s14, $0xC;
	s16 =	sand.u32 @!p1 $0x1F0, s16;
	s15 =	sadd.s32 @!p1 s6, s15  }
0x22: {  	s14 =	sand.u32 @!p1 $0x1000, s14;
	s15 =	sadd.s32 @!p1 s16, s15;
	s16 =	simm.s32 @!p1 $0x20  }
0x23: {  	[tilespmem:s14], [sflag:$0x1] =	stream.strided.gather @!p1 [hbm4b:s15+s16], $0x1000, s17, s16, $0x38;
	[tilespmem:$0x4040] =	vst v63  }
0x24: {  	p1 =	sge.u32 s31, s5  }
.Ltmp2:
0x25: {  	_ = 	snop;
	(pc) =	sbr.rel @p1 .LBB1_5-.Ltmp2, $1  }
0x26: {  	_ =	sdelay $0x3  }
0x27: {  	s14 =	simm.s32 $0x1  }
0x28: {  	_ =	swait.ge [sflag:s4], $0x1000;
	s14 =	simm.s32 @!p0 $0x0  }
0x29: {  	[sflag:s4] =	ssyncset.done $0x0;
	s15 =	sshll.u32 s14, $0xC  }
0x2a: {  	[sflag:s4] =	ssyncadd.s32 $0xFFFFF000;
	s18 =	sor.u32 $0x10, s15  }
0x2b: {  	s14 =	smul.u32 $0x4080, s14;
	v1 =	vld [tilespmem:s18+$0x0]  }
0x2c: {  	s30 =	sand.u32 $0x1, s11;
	v0 =	vld [tilespmem:s18+$0xFFFFFFF0]  }
0x2d: {  	s15 =	smul.u32 $0x4080, s30;
	s14 =	sshrl.u32 s14, $0x2  }
0x2e: {  	s16 =	sor.u32 $0x2000, s14  }
0x2f: {  	s31 =	sshrl.u32 s15, $0x2;
	s15 =	sadd.s32 $0x0, s16  }
0x30: {  	s17 =	simm.s32 $0x4;
	s18 =	sadd.s32 $0x20, s18;
	s14 =	sor.u32 $0x2000, s31;
	[tilespmem:s15+$0x810 ss:$0x81] =	vst.msk $0xffff, v1  }
.LBB1_3:
0x31: {  	v1 =	vld [tilespmem:s18+$0x0];
	p1 =	sne.s32 s17, $0x1FC;
	[tilespmem:s15+$0x0 ss:$0x81] =	vst.msk $0xffff, v0;
	s15 =	smov.u32 s17;
	s17 =	sadd.s32 $0x4, s17  }
.Ltmp3:
0x32: {  	v0 =	vld [tilespmem:s18+$0xFFFFFFF0];
	(pc) =	sbr.rel @p1 .LBB1_3-.Ltmp3, $4  }
0x33: {  	_ = 	snop  }
0x34: {  	s15 =	sshra.s32 s15, $0x2  }
0x35: {  	s15 =	sadd.s32 s15, s16  }
0x36: {  	s18 =	sadd.s32 $0x20, s18;
	[tilespmem:s15+$0x810 ss:$0x81] =	vst.msk $0xffff, v1  }
.Ltmp4:
0x37: {  	_ = 	snop;
	(pc) =	sbr.rel .LBB1_4-.Ltmp4, $1  }
0x38: {  	_ =	sdelay $0x3  }
.LBB1_6:
0x39: {  	_ =	sfence.sel $0x180000  }
0x3a: {  	s2 =	simm.s32 $0x1;
	[bflag:$0x0] =	sbarrier.arrive $0xFFFF  }
0x3b: {  	s31 =	simm.s32 $0x2;
	[sflag:s2] =	ssyncpa.u1 $0x1  }
0x3c: {  	[sflag:s31] =	ssyncpa.u1 $0x1  }
0x3d: {  	p0 =	sne.s32 s0, $0x0;
	_ =	strace $0x9000004A  }
0x3e: {  	s0 =	sadd.s32 @!p0 $0x100000, s1;
	[bflag:$0x2] =	sbarrier.arrive $0xFFFF  }
0x3f: {  	[sflag:s0] =	ssyncadd.tile.s32 @!p0 $0x1;
	_ =	shalt  }
.Lfunc_end1:
_tile_overlayer_lowered:
.L_overlay_start_2:
0x40: {  	(tag) =	ssettag $0x2  }
0x41: {  	s0 =	rddreg [dreg:$0x0];
	s2 =	stileid.u32  }
0x42: {  	s1 =	rddreg [dreg:$0x1];
	p0 =	sne.s32 s2, $0x0  }
0x43: {  	s3 =	rddreg [dreg:$0x2];
	[bflag:$0x3] =	sbarrier.arrive $0xFFFF;
	s2 =	simm.s32 @!p0 $0x1C01  }
0x44: {  	[timem:s3], [sflag:s2] =	dma.local @!p0 [hbm:s0], s1  }
0x45: {  	s0 =	simm.s32 @!p0 $0x1  }
0x46: {  	_ =	swait.ge @!p0 [sflag:s0], s1  }
0x47: {  	s1 =	ssub.s32 @!p0 $0x0, s1;
	[sflag:s0] =	ssyncset.done @!p0 $0x0  }
0x48: {  	[sflag:s0] =	ssyncadd.s32 @!p0 s1  }
0x49: {  	[bflag:$0x3] =	sbarrier.arrive $0xFFFF  }
0x4a: {  	_ =	shalt  }

</sc_bundles>
